<compile_context>
chip_gen: v7x
topology: tpu7x:2x2x1
jax: 0.10.2.dev20260603
libtpu: 0.0.44.dev20260713+nightly
codegen_flags: <defaults>
</compile_context>

<pallas_src>
import functools

import jax
import jax.numpy as jnp
from jax import lax
from jax.experimental import pallas as pl
from jax.experimental.pallas import tpu as pltpu
from jax.experimental.pallas import tpu_sc as plsc

_N = 50000
_E = 800000
_B = 30
_T = 5
_H = 100
_NT = 16
_EB = 1024
_EEB = 7168
_EPT = 7
_EP = _NT * _EPT * _EEB
_NP = 51200
_NBN = _NP // _EB
_GW = 160
_TRASH = 158
_NCH = 8
_CR = _NP // _NCH
_CW = _CR * _GW
_CPAD = _CW + 1024
_BP = 32


def _rsqrt16(d):
    i = lax.bitcast_convert_type(d, jnp.int32)
    i = jnp.int32(0x5F3759DF) - lax.shift_right_logical(i, 1)
    y = lax.bitcast_convert_type(i, jnp.float32)
    for _ in range(3):
        y = y * (1.5 - 0.5 * d * y * y)
    return y


def _sc_body(x_h, src_h, dst_h, batch_h, a1_o, cnt_o, c_o, w_o, ge_o,
             deg_s, s1_s, dis_s, col_s, cnt_s, cc_s,
             zbuf, obuf, onb, ia, ib, ic, fa,
             na, nb, nc, nd, nia, nib, i4, f4):
    c = lax.axis_index("c")
    s = lax.axis_index("s")
    nblk_node = (_NBN + _NT - 1) // _NT

    def fill(i, _):
        zbuf[pl.ds(i * 16, 16)] = jnp.zeros((16,), jnp.float32)
        obuf[pl.ds(i * 16, 16)] = jnp.ones((16,), jnp.float32)
        return 0
    lax.fori_loop(0, _EEB // 16, fill, 0)
    def fill2(i, _):
        onb[pl.ds(i * 16, 16)] = jnp.ones((16,), jnp.float32)
        return 0
    lax.fori_loop(0, _EB // 16, fill2, 0)

    def p0_blk(b, _):
        blk = s + _NT * b
        @pl.when(blk < _NBN)
        def _():
            off = pl.multiple_of(blk * _EB, _EB)
            pltpu.sync_copy(zbuf.at[pl.ds(0, _EB)], deg_s.at[pl.ds(off, _EB)])
            pltpu.sync_copy(zbuf.at[pl.ds(0, _EB)], s1_s.at[pl.ds(off, _EB)])
            pltpu.sync_copy(batch_h.at[pl.ds(off, _EB)], nia)
            pltpu.sync_copy(nia, col_s.at[pl.ds(off, _EB)])
        return 0
    lax.fori_loop(0, nblk_node, p0_blk, 0)
    @pl.when(s == 0)
    def _():
        pltpu.sync_copy(zbuf.at[pl.ds(0, 256)], cnt_s)
    plsc.subcore_barrier()

    def deg_blk(b, _):
        eoff = pl.multiple_of((s * _EPT + b) * _EEB, _EEB)
        pltpu.sync_copy(dst_h.at[pl.ds(eoff, _EEB)], ib)
        pltpu.sync_copy(obuf, deg_s.at[ib], add=True)
        return 0
    with jax.named_scope("P1_deg"):
        lax.fori_loop(0, _EPT, deg_blk, 0)
    plsc.subcore_barrier()

    def ew1_blk(b, _):
        blk = s + _NT * b
        @pl.when(blk < _NBN)
        def _():
            off = pl.multiple_of(blk * _EB, _EB)
            pltpu.sync_copy(deg_s.at[pl.ds(off, _EB)], na)
            pltpu.sync_copy(x_h.at[pl.ds(off, _EB)], nb)
            def inner(j, _):
                sl = pl.ds(j * 16, 16)
                r = _rsqrt16(na[sl] + 1.0)
                nc[sl] = r
                nd[sl] = r * nb[sl]
                return 0
            lax.fori_loop(0, _EB // 16, inner, 0)
            pltpu.sync_copy(nc, dis_s.at[pl.ds(off, _EB)])
            pltpu.sync_copy(nd, deg_s.at[pl.ds(off, _EB)])
        return 0
    with jax.named_scope("P2_dis"):
        lax.fori_loop(0, nblk_node, ew1_blk, 0)
    plsc.subcore_barrier()

    def p3_blk(b, _):
        eoff = pl.multiple_of((s * _EPT + b) * _EEB, _EEB)
        pltpu.sync_copy(src_h.at[pl.ds(eoff, _EEB)], ia)
        pltpu.sync_copy(dst_h.at[pl.ds(eoff, _EEB)], ib)
        pltpu.sync_copy(deg_s.at[ia], fa)
        pltpu.sync_copy(fa, s1_s.at[ib], add=True)
        pltpu.sync_copy(dis_s.at[ia], fa)
        pltpu.sync_copy(dis_s.at[ib], obuf)
        pltpu.sync_copy(col_s.at[ib], ic)
        def inner(j, _):
            sl = pl.ds(j * 16, 16)
            obuf[sl] = fa[sl] * obuf[sl]
            g = ic[sl]
            q = lax.div(g, jnp.int32(5))
            r = g - q * 5
            ic[sl] = jnp.where(g < 150, r * _BP + q, jnp.int32(_TRASH))
            return 0
        lax.fori_loop(0, _EEB // 16, inner, 0)
        pltpu.sync_copy(obuf, w_o.at[pl.ds(eoff, _EEB)])
        pltpu.sync_copy(ic, ge_o.at[pl.ds(eoff, _EEB)])
        return 0
    with jax.named_scope("P3_s1_w"):
        lax.fori_loop(0, _EPT, p3_blk, 0)
    plsc.subcore_barrier()

    def p4_blk(b, _):
        blk = s + _NT * b
        @pl.when(blk < _NBN)
        def _():
            off = pl.multiple_of(blk * _EB, _EB)
            pltpu.sync_copy(dis_s.at[pl.ds(off, _EB)], na)
            pltpu.sync_copy(s1_s.at[pl.ds(off, _EB)], nb)
            pltpu.sync_copy(deg_s.at[pl.ds(off, _EB)], nc)
            pltpu.sync_copy(col_s.at[pl.ds(off, _EB)], nia)
            def inner(j, _):
                sl = pl.ds(j * 16, 16)
                nd[sl] = na[sl] * (nb[sl] + nc[sl])
                g = nia[sl]
                q = lax.div(g, jnp.int32(5))
                r = g - q * 5
                nib[sl] = jnp.where(g < 150, r * _BP + q, jnp.int32(_TRASH))
                return 0
            lax.fori_loop(0, _EB // 16, inner, 0)
            pltpu.sync_copy(nib, col_s.at[pl.ds(off, _EB)])
            @pl.when(c == 0)
            def _():
                pltpu.sync_copy(nd, a1_o.at[pl.ds(off, _EB)])
                pltpu.sync_copy(onb, cnt_s.at[nib], add=True)
        return 0
    with jax.named_scope("P4_a1"):
        lax.fori_loop(0, nblk_node, p4_blk, 0)
    plsc.subcore_barrier()
    @pl.when(jnp.logical_and(c == 0, s == 0))
    def _():
        pltpu.sync_copy(cnt_s, cnt_o)

    nzf = _CW // _EEB
    nzr = _CW - nzf * _EEB
    for k in range(_NCH // 2):
        cid = c * (_NCH // 2) + k
        base = cid * _CR
        if True:
            def z_blk(b, _):
                blk = s + _NT * b
                @pl.when(blk < nzf)
                def _():
                    pltpu.sync_copy(zbuf, cc_s.at[pl.ds(blk * _EEB, _EEB)])
                return 0
            with jax.named_scope("P5_zero"):
                lax.fori_loop(0, (nzf + _NT - 1) // _NT, z_blk, 0)
                @pl.when(s == 0)
                def _():
                    pltpu.sync_copy(zbuf.at[pl.ds(0, nzr)],
                                    cc_s.at[pl.ds(nzf * _EEB, nzr)])
            plsc.subcore_barrier()
            def ce_blk(b, _):
                eoff = pl.multiple_of((s * _EPT + b) * _EEB, _EEB)
                pltpu.sync_copy(src_h.at[pl.ds(eoff, _EEB)], ia)
                pltpu.sync_copy(w_o.at[pl.ds(eoff, _EEB)], fa)
                pltpu.sync_copy(ge_o.at[pl.ds(eoff, _EEB)], ic)
                def inner(j, _):
                    sl = pl.ds(j * 16, 16)
                    sv = ia[sl]
                    loc = sv - base
                    ok = jnp.logical_and(sv >= base, loc < _CR)
                    trash = (_CW + (j * 16) % 1024) + lax.iota(jnp.int32, 16)
                    ib[sl] = jnp.where(ok, loc * _GW + ic[sl], trash)
                    return 0
                lax.fori_loop(0, _EEB // 16, inner, 0)
                pltpu.sync_copy(fa, cc_s.at[ib], add=True)
                return 0
            with jax.named_scope("P5_scatter"):
                lax.fori_loop(0, _EPT, ce_blk, 0)
            npt = _CR // _NT
            soff = pl.multiple_of(base + s * npt, 8)
            pltpu.sync_copy(dis_s.at[pl.ds(soff, npt)], f4)
            pltpu.sync_copy(col_s.at[pl.ds(soff, npt)], i4)
            def self_blk(j, _):
                sl = pl.ds(j * 16, 16)
                f4[sl] = f4[sl] * f4[sl]
                loc = s * npt + j * 16 + lax.iota(jnp.int32, 16)
                i4[sl] = loc * _GW + i4[sl]
                return 0
            lax.fori_loop(0, npt // 16, self_blk, 0)
            pltpu.sync_copy(f4, cc_s.at[i4], add=True)
            plsc.subcore_barrier()
            with jax.named_scope("P5_flush"):
                tw = _CW // _NT
                pltpu.sync_copy(cc_s.at[pl.ds(s * tw, tw)],
                                c_o.at[pl.ds(cid * _CW + s * tw, tw)])
            plsc.subcore_barrier()


def _make_sc_kernel():
    return functools.partial(
        pl.kernel,
        out_type=[
            jax.ShapeDtypeStruct((_NP,), jnp.float32),
            jax.ShapeDtypeStruct((256,), jnp.float32),
            jax.ShapeDtypeStruct((_NCH * _CW,), jnp.float32),
            jax.ShapeDtypeStruct((_EP,), jnp.float32),
            jax.ShapeDtypeStruct((_EP,), jnp.int32),
        ],
        mesh=plsc.VectorSubcoreMesh(core_axis_name="c", subcore_axis_name="s"),
        scratch_types=[
            pltpu.VMEM_SHARED((_NP,), jnp.float32),
            pltpu.VMEM_SHARED((_NP,), jnp.float32),
            pltpu.VMEM_SHARED((_NP,), jnp.float32),
            pltpu.VMEM_SHARED((_NP,), jnp.int32),
            pltpu.VMEM_SHARED((256,), jnp.float32),
            pltpu.VMEM_SHARED((_CPAD,), jnp.float32),
            pltpu.VMEM((_EEB,), jnp.float32),
            pltpu.VMEM((_EEB,), jnp.float32),
            pltpu.VMEM((_EB,), jnp.float32),
            pltpu.VMEM((_EEB,), jnp.int32),
            pltpu.VMEM((_EEB,), jnp.int32),
            pltpu.VMEM((_EEB,), jnp.int32),
            pltpu.VMEM((_EEB,), jnp.float32),
            pltpu.VMEM((_EB,), jnp.float32),
            pltpu.VMEM((_EB,), jnp.float32),
            pltpu.VMEM((_EB,), jnp.float32),
            pltpu.VMEM((_EB,), jnp.float32),
            pltpu.VMEM((_EB,), jnp.int32),
            pltpu.VMEM((_EB,), jnp.int32),
            pltpu.VMEM((_CR // _NT,), jnp.int32),
            pltpu.VMEM((_CR // _NT,), jnp.float32),
        ],
    )(_sc_body)


def _tc_body(a1_ref, c_ref, cnt_ref, W1_ref, W2_ref, b1_ref, b2_ref,
             Wih_ref, Whh_ref, bih_ref, bhh_ref, Wout_ref, bout_ref,
             out_ref, acc_ref):
    i = pl.program_id(0)
    @pl.when(i == 0)
    def _():
        acc_ref[...] = jnp.zeros((_GW, _H), jnp.float32)
    bf = jnp.bfloat16
    f32 = jnp.float32
    hi = lax.Precision.HIGHEST
    out1 = a1_ref[...] * W1_ref[...] + b1_ref[...]
    h2 = lax.dot_general(out1.astype(bf), W2_ref[...].astype(bf),
                         (((1,), (0,)), ((), ())), preferred_element_type=f32)
    acc_ref[...] += lax.dot_general(c_ref[...], h2, (((0,), (0,)), ((), ())),
                                    precision=hi, preferred_element_type=f32)
    @pl.when(i == pl.num_programs(0) - 1)
    def _():
        cnt = jnp.maximum(cnt_ref[...][0, :_GW], 1.0)
        pooled = acc_ref[...] / cnt[:, None] + b2_ref[...]
        Wih = Wih_ref[...].astype(bf)
        Whh = Whh_ref[...].astype(bf)
        bias = bih_ref[...] + bhh_ref[...]
        dn = (((1,), (1,)), ((), ()))
        h = jnp.zeros((_BP, _H), f32)
        cc = jnp.zeros((_BP, _H), f32)
        for t in range(_T):
            xt = pooled[t * _BP:(t + 1) * _BP]
            gates = (lax.dot_general(xt.astype(bf), Wih, dn,
                                     preferred_element_type=f32)
                     + lax.dot_general(h.astype(bf), Whh, dn,
                                       preferred_element_type=f32) + bias)
            ig = jax.nn.sigmoid(gates[:, :_H])
            fg = jax.nn.sigmoid(gates[:, _H:2 * _H])
            gg = jnp.tanh(gates[:, 2 * _H:3 * _H])
            og = jax.nn.sigmoid(gates[:, 3 * _H:])
            cc = fg * cc + ig * gg
            h = og * jnp.tanh(cc)
        out_ref[...] = (lax.dot_general(h.astype(bf), Wout_ref[...].astype(bf),
                                        (((1,), (0,)), ((), ())),
                                        preferred_element_type=f32)
                        + bout_ref[...])


@jax.jit
def kernel(x, edge_index, batch, W1, b1, W2, b2, W_ih, W_hh, b_ih, b_hh,
           W_out, b_out):
    xp = jnp.pad(x[:, 0], (0, _NP - _N))
    pad_idx = (_N + jnp.arange(_EP - _E, dtype=jnp.int32) % 1024)
    srcp = jnp.concatenate([edge_index[0], pad_idx])
    dstp = jnp.concatenate([edge_index[1], pad_idx])
    batchp = jnp.pad(batch, (0, _NP - _N), constant_values=200)

    a1, cnt, cflat, _, _ = _make_sc_kernel()(xp, srcp, dstp, batchp)
    C = cflat.reshape(_NP, _GW)

    nblk = 8
    blk = _NP // nblk
    pred = pl.pallas_call(
        _tc_body,
        grid=(nblk,),
        in_specs=[
            pl.BlockSpec((blk, 1), lambda i: (i, 0)),
            pl.BlockSpec((blk, _GW), lambda i: (i, 0)),
            pl.BlockSpec((1, 256), lambda i: (0, 0)),
            pl.BlockSpec((1, _H), lambda i: (0, 0)),
            pl.BlockSpec((_H, _H), lambda i: (0, 0)),
            pl.BlockSpec((1, _H), lambda i: (0, 0)),
            pl.BlockSpec((1, _H), lambda i: (0, 0)),
            pl.BlockSpec((4 * _H, _H), lambda i: (0, 0)),
            pl.BlockSpec((4 * _H, _H), lambda i: (0, 0)),
            pl.BlockSpec((1, 4 * _H), lambda i: (0, 0)),
            pl.BlockSpec((1, 4 * _H), lambda i: (0, 0)),
            pl.BlockSpec((_H, 1), lambda i: (0, 0)),
            pl.BlockSpec((1, 1), lambda i: (0, 0)),
        ],
        out_specs=pl.BlockSpec((_BP, 1), lambda i: (0, 0)),
        out_shape=jax.ShapeDtypeStruct((_BP, 1), jnp.float32),
        scratch_shapes=[pltpu.VMEM((_GW, _H), jnp.float32)],
    )(a1.reshape(_NP, 1), C, cnt.reshape(1, 256), W1, W2,
      b1.reshape(1, _H), b2.reshape(1, _H), W_ih, W_hh,
      b_ih.reshape(1, 4 * _H), b_hh.reshape(1, 4 * _H),
      W_out, b_out.reshape(1, 1))
    return pred[:_B]

# --- scband reference (transcript-rebuilt; emitter-appended) ---
"""Pipeline reference for scband-spatial-temporal-gnn-1580547975260 (READ-ONLY COPY).

The authoritative reference and input builder live on the scoring server;
editing this copy changes nothing except your own understanding.
"""

import jax, jax.numpy as jnp
import numpy as np

N_NODES = 50000
N_EDGES = 800000
N_GRAPHS = 150
BATCH = 30
SEQ = 5
D_IN = 1
H = 100


def setup_inputs(seed: int = 0) -> dict:
    key = jax.random.key(seed)
    ks = jax.random.split(key, 16)
    x = jax.random.normal(ks[0], (N_NODES, D_IN), dtype=jnp.float32)
    edge_index = jax.random.randint(ks[1], (2, N_EDGES), 0, N_NODES, dtype=jnp.int32)
    batch = jnp.sort(jax.random.randint(ks[2], (N_NODES,), 0, N_GRAPHS, dtype=jnp.int32))
    s = 0.1
    W1 = jax.random.normal(ks[3], (D_IN, H), dtype=jnp.float32) * s
    b1 = jnp.zeros((H,), dtype=jnp.float32)
    W2 = jax.random.normal(ks[4], (H, H), dtype=jnp.float32) * s
    b2 = jnp.zeros((H,), dtype=jnp.float32)
    W_ih = jax.random.normal(ks[5], (4 * H, H), dtype=jnp.float32) * s
    W_hh = jax.random.normal(ks[6], (4 * H, H), dtype=jnp.float32) * s
    b_ih = jnp.zeros((4 * H,), dtype=jnp.float32)
    b_hh = jnp.zeros((4 * H,), dtype=jnp.float32)
    W_out = jax.random.normal(ks[7], (H, 1), dtype=jnp.float32) * s
    b_out = jnp.zeros((1,), dtype=jnp.float32)
    return {"x": x, "edge_index": edge_index, "batch": batch, "W1": W1, "b1": b1, "W2": W2, "b2": b2, "W_ih": W_ih, "W_hh": W_hh, "b_ih": b_ih, "b_hh": b_hh, "W_out": W_out, "b_out": b_out}


def gcn_conv(x, src, dst, W, b, num_nodes):
    # GCNConv: h = D^{-1/2} (A + I) D^{-1/2} X W + b
    h = x @ W
    loops = jnp.arange(num_nodes, dtype=src.dtype)
    src2 = jnp.concatenate([src, loops])
    dst2 = jnp.concatenate([dst, loops])
    deg = jnp.zeros((num_nodes,), dtype=h.dtype).at[dst2].add(1.0)
    dis = jax.lax.rsqrt(jnp.maximum(deg, 1e-12))
    norm = dis[src2] * dis[dst2]
    msg = h[src2] * norm[:, None]
    out = jnp.zeros((num_nodes, h.shape[1]), dtype=h.dtype).at[dst2].add(msg)
    return out + b


def global_mean_pool(x, batch, num_graphs):
    s = jax.ops.segment_sum(x, batch, num_segments=num_graphs)
    cnt = jax.ops.segment_sum(jnp.ones((x.shape[0],), dtype=x.dtype), batch, num_segments=num_graphs)
    return s / jnp.maximum(cnt, 1.0)[:, None]


def lstm_forward(x_seq, W_ih, W_hh, b_ih, b_hh):
    B, T, D = x_seq.shape
    Hs = W_hh.shape[1]

    def step(carry, xt):
        h, c = carry
        gates = xt @ W_ih.T + h @ W_hh.T + b_ih + b_hh
        i, f, g, o = jnp.split(gates, 4, axis=-1)
        i = jax.nn.sigmoid(i)
        f = jax.nn.sigmoid(f)
        g = jnp.tanh(g)
        o = jax.nn.sigmoid(o)
        c = f * c + i * g
        h = o * jnp.tanh(c)
        return (h, c), h

    h0 = jnp.zeros((B, Hs), dtype=x_seq.dtype)
    c0 = jnp.zeros((B, Hs), dtype=x_seq.dtype)
    (_, _), hs = jax.lax.scan(step, (h0, c0), jnp.swapaxes(x_seq, 0, 1))
    return jnp.swapaxes(hs, 0, 1)


def reference(x, edge_index, batch, W1, b1, W2, b2, W_ih, W_hh, b_ih, b_hh, W_out, b_out):
    src = edge_index[0]
    dst = edge_index[1]
    h = gcn_conv(x, src, dst, W1, b1, N_NODES)
    h = gcn_conv(h, src, dst, W2, b2, N_NODES)
    pooled = global_mean_pool(h, batch, N_GRAPHS)
    seq = pooled.reshape(BATCH, SEQ, -1)
    lstm_out = lstm_forward(seq, W_ih, W_hh, b_ih, b_hh)
    prediction = lstm_out[:, -1, :] @ W_out + b_out
    return prediction

if __name__ == "__main__":
    import jax
    _d = setup_inputs()
    print(jax.jit(kernel)(*tuple(_d.values())))

</pallas_src>

<mosaic_0001>
#map = affine_map<(d0, d1) -> (0)>
module attributes {stable_mosaic.version = 14 : i64} {
  func.func @_sc_body(%arg0: i32, %arg1: i32, %arg2: memref<51200xf32, #tpu.memory_space<hbm>>, %arg3: memref<802816xi32, #tpu.memory_space<hbm>>, %arg4: memref<802816xi32, #tpu.memory_space<hbm>>, %arg5: memref<51200xi32, #tpu.memory_space<hbm>>, %arg6: memref<51200xf32, #tpu.memory_space<hbm>>, %arg7: memref<256xf32, #tpu.memory_space<hbm>>, %arg8: memref<8192000xf32, #tpu.memory_space<hbm>>, %arg9: memref<802816xf32, #tpu.memory_space<hbm>>, %arg10: memref<802816xi32, #tpu.memory_space<hbm>>, %arg11: memref<51200xf32, #tpu.memory_space<vmem_shared>>, %arg12: memref<51200xf32, #tpu.memory_space<vmem_shared>>, %arg13: memref<51200xf32, #tpu.memory_space<vmem_shared>>, %arg14: memref<51200xi32, #tpu.memory_space<vmem_shared>>, %arg15: memref<256xf32, #tpu.memory_space<vmem_shared>>, %arg16: memref<1025024xf32, #tpu.memory_space<vmem_shared>>, %arg17: memref<7168xf32, #tpu.memory_space<vmem>>, %arg18: memref<7168xf32, #tpu.memory_space<vmem>>, %arg19: memref<1024xf32, #tpu.memory_space<vmem>>, %arg20: memref<7168xi32, #tpu.memory_space<vmem>>, %arg21: memref<7168xi32, #tpu.memory_space<vmem>>, %arg22: memref<7168xi32, #tpu.memory_space<vmem>>, %arg23: memref<7168xf32, #tpu.memory_space<vmem>>, %arg24: memref<1024xf32, #tpu.memory_space<vmem>>, %arg25: memref<1024xf32, #tpu.memory_space<vmem>>, %arg26: memref<1024xf32, #tpu.memory_space<vmem>>, %arg27: memref<1024xf32, #tpu.memory_space<vmem>>, %arg28: memref<1024xi32, #tpu.memory_space<vmem>>, %arg29: memref<1024xi32, #tpu.memory_space<vmem>>, %arg30: memref<400xi32, #tpu.memory_space<vmem>>, %arg31: memref<400xf32, #tpu.memory_space<vmem>>) attributes {dimension_semantics = [#tpu.dimension_semantics<core_parallel>, #tpu.dimension_semantics<subcore_parallel>], iteration_bounds = array<i64: 2, 16>, scalar_prefetch = 0 : i64, scratch_operands = 21 : i64, tpu.core_type = #tpu.core_type<sc_vector_subcore>, window_params = [{transform_indices = #map}, {transform_indices = #map}, {transform_indices = #map}, {transform_indices = #map}, {transform_indices = #map}, {transform_indices = #map}, {transform_indices = #map}, {transform_indices = #map}, {transform_indices = #map}]} {
    %scan3A = arith.constant 0 : i32
    %scan3A_0 = arith.constant 0 : i32
    %scan3A_1 = arith.constant 448 : i32
    %scan3A_2 = arith.addi %scan3A_0, %scan3A_1 : i32
    %scan3A_3 = arith.constant 1 : i32
    %scan3A_4 = scf.for %scan3A_242 = %scan3A_0 to %scan3A_2 step %scan3A_3 iter_args(%scan3A_243 = %scan3A) -> (i32)  : i32 {
      %broadcast_in_dim3A = arith.constant 0.000000e+00 : f32
      %broadcast_in_dim3A_244 = vector.broadcast %broadcast_in_dim3A : f32 to vector<16xf32>
      %mul3A_245 = arith.constant 16 : i32
      %mul3A_246 = arith.muli %scan3A_242, %mul3A_245 : i32
      %swap3A = arith.index_cast %mul3A_246 : i32 to index
      %swap3A_247 = tpu.vector_load %arg17[%swap3A] {strides = array<i32>} : memref<7168xf32, #tpu.memory_space<vmem>>, vector<16xf32>,
      %swap3A_248 = vector.shape_cast %swap3A_247 : vector<16xf32> to vector<16xf32>
      %swap3A_249 = vector.shape_cast %broadcast_in_dim3A_244 : vector<16xf32> to vector<16xf32>
      tpu.vector_store %arg17[%swap3A], %swap3A_249 {strides = array<i32>} : memref<7168xf32, #tpu.memory_space<vmem>>, vector<16xf32>,
      %broadcast_in_dim3A_250 = arith.constant 1.000000e+00 : f32
      %broadcast_in_dim3A_251 = vector.broadcast %broadcast_in_dim3A_250 : f32 to vector<16xf32>
      %mul3A_252 = arith.constant 16 : i32
      %mul3A_253 = arith.muli %scan3A_242, %mul3A_252 : i32
      %swap3A_254 = arith.index_cast %mul3A_253 : i32 to index
      %swap3A_255 = tpu.vector_load %arg18[%swap3A_254] {strides = array<i32>} : memref<7168xf32, #tpu.memory_space<vmem>>, vector<16xf32>,
      %swap3A_256 = vector.shape_cast %swap3A_255 : vector<16xf32> to vector<16xf32>
      %swap3A_257 = vector.shape_cast %broadcast_in_dim3A_251 : vector<16xf32> to vector<16xf32>
      tpu.vector_store %arg18[%swap3A_254], %swap3A_257 {strides = array<i32>} : memref<7168xf32, #tpu.memory_space<vmem>>, vector<16xf32>,
      %scan3A_258 = arith.constant 0 : i32
      scf.yield %scan3A_258 : i32
    }
    %scan3A_5 = arith.constant 448 : i32
    %scan3A_6 = arith.constant 0 : i32
    %scan3A_7 = arith.constant 0 : i32
    %scan3A_8 = arith.constant 64 : i32
    %scan3A_9 = arith.addi %scan3A_7, %scan3A_8 : i32
    %scan3A_10 = arith.constant 1 : i32
    %scan3A_11 = scf.for %scan3A_242 = %scan3A_7 to %scan3A_9 step %scan3A_10 iter_args(%scan3A_243 = %scan3A_6) -> (i32)  : i32 {
      %broadcast_in_dim3A = arith.constant 1.000000e+00 : f32
      %broadcast_in_dim3A_244 = vector.broadcast %broadcast_in_dim3A : f32 to vector<16xf32>
      %mul3A_245 = arith.constant 16 : i32
      %mul3A_246 = arith.muli %scan3A_242, %mul3A_245 : i32
      %swap3A = arith.index_cast %mul3A_246 : i32 to index
      %swap3A_247 = tpu.vector_load %arg19[%swap3A] {strides = array<i32>} : memref<1024xf32, #tpu.memory_space<vmem>>, vector<16xf32>,
      %swap3A_248 = vector.shape_cast %swap3A_247 : vector<16xf32> to vector<16xf32>
      %swap3A_249 = vector.shape_cast %broadcast_in_dim3A_244 : vector<16xf32> to vector<16xf32>
      tpu.vector_store %arg19[%swap3A], %swap3A_249 {strides = array<i32>} : memref<1024xf32, #tpu.memory_space<vmem>>, vector<16xf32>,
      %scan3A_250 = arith.constant 0 : i32
      scf.yield %scan3A_250 : i32
    }
    %scan3A_12 = arith.constant 64 : i32
    %scan3A_13 = arith.constant 0 : i32
    %scan3A_14 = arith.constant 0 : i32
    %scan3A_15 = arith.constant 4 : i32
    %scan3A_16 = arith.addi %scan3A_14, %scan3A_15 : i32
    %scan3A_17 = arith.constant 1 : i32
    %scan3A_18 = scf.for %scan3A_242 = %scan3A_14 to %scan3A_16 step %scan3A_17 iter_args(%scan3A_243 = %scan3A_13) -> (i32)  : i32 {
      %mul3A_244 = arith.constant 16 : i32
      %mul3A_245 = arith.muli %mul3A_244, %scan3A_242 : i32
      %add3A_246 = arith.addi %arg1, %mul3A_245 : i32
      %lt3A = arith.constant 50 : i32
      %lt3A_247 = arith.cmpi slt, %add3A_246, %lt3A : i32
      %convert_element_type3A_248 = arith.extui %lt3A_247 : i1 to i32
      %cond3A_249 = arith.constant 0 : i32
      %cond3A_250 = arith.cmpi ne, %convert_element_type3A_248, %cond3A_249 : i32
      scf.if %cond3A_250 {
        %mul3A_252 = arith.constant 1024 : i32
        %mul3A_253 = arith.muli %add3A_246, %mul3A_252 : i32
        %multiple_of3A_254 = tpu.assume_multiple %mul3A_253, 1024 : i32
        "tpu.region"() ({
          %run_scoped3A = tpu.sem_alloc : memref<!tpu.dma_semaphore, #tpu.memory_space<semaphore_mem>>
          %dma_start3A = arith.constant 0 : i32
          %dma_start3A_255 = tpu.memref_slice %arg17[%dma_start3A] : memref<7168xf32, #tpu.memory_space<vmem>> -> memref<1024xf32, #tpu.memory_space<vmem>>
          %dma_start3A_256 = tpu.memref_slice %arg11[%multiple_of3A_254] : memref<51200xf32, #tpu.memory_space<vmem_shared>> -> memref<1024xf32, #tpu.memory_space<vmem_shared>>
          %dma_start3A_257 = tpu.memref_slice %arg11[%multiple_of3A_254] : memref<51200xf32, #tpu.memory_space<vmem_shared>> -> memref<1024xf32, #tpu.memory_space<vmem_shared>>
          %dma_start3A_258 = arith.constant 0 : i32
          %dma_start3A_259 = tpu.memref_slice %arg17[%dma_start3A_258] : memref<7168xf32, #tpu.memory_space<vmem>> -> memref<1024xf32, #tpu.memory_space<vmem>>
          tpu.enqueue_dma source(%dma_start3A_259 : memref<1024xf32, #tpu.memory_space<vmem>>) target(%dma_start3A_257 : memref<1024xf32, #tpu.memory_space<vmem_shared>>) target_semaphore(%run_scoped3A : memref<!tpu.dma_semaphore, #tpu.memory_space<semaphore_mem>>)
          %dma_wait3A = arith.constant 0 : i32
          %dma_wait3A_260 = tpu.memref_slice %arg17[%dma_wait3A] : memref<7168xf32, #tpu.memory_space<vmem>> -> memref<1024xf32, #tpu.memory_space<vmem>>
          %dma_wait3A_261 = tpu.memref_slice %arg11[%multiple_of3A_254] : memref<51200xf32, #tpu.memory_space<vmem_shared>> -> memref<1024xf32, #tpu.memory_space<vmem_shared>>
          %dma_wait3A_262 = tpu.memref_slice %arg11[%multiple_of3A_254] : memref<51200xf32, #tpu.memory_space<vmem_shared>> -> memref<1024xf32, #tpu.memory_space<vmem_shared>>
          %dma_wait3A_263 = arith.constant 0 : i32
          %dma_wait3A_264 = tpu.memref_slice %arg17[%dma_wait3A_263] : memref<7168xf32, #tpu.memory_space<vmem>> -> memref<1024xf32, #tpu.memory_space<vmem>>
          tpu.wait_dma2 semaphore(%run_scoped3A : memref<!tpu.dma_semaphore, #tpu.memory_space<semaphore_mem>>) src(%dma_wait3A_264 : memref<1024xf32, #tpu.memory_space<vmem>>) dst(%dma_wait3A_262 : memref<1024xf32, #tpu.memory_space<vmem_shared>>)
          tpu.yield
        }) : () -> ()
        "tpu.region"() ({
          %run_scoped3A = tpu.sem_alloc : memref<!tpu.dma_semaphore, #tpu.memory_space<semaphore_mem>>
          %dma_start3A = arith.constant 0 : i32
          %dma_start3A_255 = tpu.memref_slice %arg17[%dma_start3A] : memref<7168xf32, #tpu.memory_space<vmem>> -> memref<1024xf32, #tpu.memory_space<vmem>>
          %dma_start3A_256 = tpu.memref_slice %arg12[%multiple_of3A_254] : memref<51200xf32, #tpu.memory_space<vmem_shared>> -> memref<1024xf32, #tpu.memory_space<vmem_shared>>
          %dma_start3A_257 = tpu.memref_slice %arg12[%multiple_of3A_254] : memref<51200xf32, #tpu.memory_space<vmem_shared>> -> memref<1024xf32, #tpu.memory_space<vmem_shared>>
          %dma_start3A_258 = arith.constant 0 : i32
          %dma_start3A_259 = tpu.memref_slice %arg17[%dma_start3A_258] : memref<7168xf32, #tpu.memory_space<vmem>> -> memref<1024xf32, #tpu.memory_space<vmem>>
          tpu.enqueue_dma source(%dma_start3A_259 : memref<1024xf32, #tpu.memory_space<vmem>>) target(%dma_start3A_257 : memref<1024xf32, #tpu.memory_space<vmem_shared>>) target_semaphore(%run_scoped3A : memref<!tpu.dma_semaphore, #tpu.memory_space<semaphore_mem>>)
          %dma_wait3A = arith.constant 0 : i32
          %dma_wait3A_260 = tpu.memref_slice %arg17[%dma_wait3A] : memref<7168xf32, #tpu.memory_space<vmem>> -> memref<1024xf32, #tpu.memory_space<vmem>>
          %dma_wait3A_261 = tpu.memref_slice %arg12[%multiple_of3A_254] : memref<51200xf32, #tpu.memory_space<vmem_shared>> -> memref<1024xf32, #tpu.memory_space<vmem_shared>>
          %dma_wait3A_262 = tpu.memref_slice %arg12[%multiple_of3A_254] : memref<51200xf32, #tpu.memory_space<vmem_shared>> -> memref<1024xf32, #tpu.memory_space<vmem_shared>>
          %dma_wait3A_263 = arith.constant 0 : i32
          %dma_wait3A_264 = tpu.memref_slice %arg17[%dma_wait3A_263] : memref<7168xf32, #tpu.memory_space<vmem>> -> memref<1024xf32, #tpu.memory_space<vmem>>
          tpu.wait_dma2 semaphore(%run_scoped3A : memref<!tpu.dma_semaphore, #tpu.memory_space<semaphore_mem>>) src(%dma_wait3A_264 : memref<1024xf32, #tpu.memory_space<vmem>>) dst(%dma_wait3A_262 : memref<1024xf32, #tpu.memory_space<vmem_shared>>)
          tpu.yield
        }) : () -> ()
        "tpu.region"() ({
          %run_scoped3A = tpu.sem_alloc : memref<!tpu.dma_semaphore, #tpu.memory_space<semaphore_mem>>
          %dma_start3A = tpu.memref_slice %arg5[%multiple_of3A_254] : memref<51200xi32, #tpu.memory_space<hbm>> -> memref<1024xi32, #tpu.memory_space<hbm>>
          %dma_start3A_255 = tpu.memref_slice %arg5[%multiple_of3A_254] : memref<51200xi32, #tpu.memory_space<hbm>> -> memref<1024xi32, #tpu.memory_space<hbm>>
          tpu.enqueue_dma source(%dma_start3A_255 : memref<1024xi32, #tpu.memory_space<hbm>>) target(%arg28 : memref<1024xi32, #tpu.memory_space<vmem>>) target_semaphore(%run_scoped3A : memref<!tpu.dma_semaphore, #tpu.memory_space<semaphore_mem>>)
          %dma_wait3A = tpu.memref_slice %arg5[%multiple_of3A_254] : memref<51200xi32, #tpu.memory_space<hbm>> -> memref<1024xi32, #tpu.memory_space<hbm>>
          %dma_wait3A_256 = tpu.memref_slice %arg5[%multiple_of3A_254] : memref<51200xi32, #tpu.memory_space<hbm>> -> memref<1024xi32, #tpu.memory_space<hbm>>
          tpu.wait_dma2 semaphore(%run_scoped3A : memref<!tpu.dma_semaphore, #tpu.memory_space<semaphore_mem>>) src(%dma_wait3A_256 : memref<1024xi32, #tpu.memory_space<hbm>>) dst(%arg28 : memref<1024xi32, #tpu.memory_space<vmem>>)
          tpu.yield
        }) : () -> ()
        "tpu.region"() ({
          %run_scoped3A = tpu.sem_alloc : memref<!tpu.dma_semaphore, #tpu.memory_space<semaphore_mem>>
          %dma_start3A = tpu.memref_slice %arg14[%multiple_of3A_254] : memref<51200xi32, #tpu.memory_space<vmem_shared>> -> memref<1024xi32, #tpu.memory_space<vmem_shared>>
          %dma_start3A_255 = tpu.memref_slice %arg14[%multiple_of3A_254] : memref<51200xi32, #tpu.memory_space<vmem_shared>> -> memref<1024xi32, #tpu.memory_space<vmem_shared>>
          tpu.enqueue_dma source(%arg28 : memref<1024xi32, #tpu.memory_space<vmem>>) target(%dma_start3A_255 : memref<1024xi32, #tpu.memory_space<vmem_shared>>) target_semaphore(%run_scoped3A : memref<!tpu.dma_semaphore, #tpu.memory_space<semaphore_mem>>)
          %dma_wait3A = tpu.memref_slice %arg14[%multiple_of3A_254] : memref<51200xi32, #tpu.memory_space<vmem_shared>> -> memref<1024xi32, #tpu.memory_space<vmem_shared>>
          %dma_wait3A_256 = tpu.memref_slice %arg14[%multiple_of3A_254] : memref<51200xi32, #tpu.memory_space<vmem_shared>> -> memref<1024xi32, #tpu.memory_space<vmem_shared>>
          tpu.wait_dma2 semaphore(%run_scoped3A : memref<!tpu.dma_semaphore, #tpu.memory_space<semaphore_mem>>) src(%arg28 : memref<1024xi32, #tpu.memory_space<vmem>>) dst(%dma_wait3A_256 : memref<1024xi32, #tpu.memory_space<vmem_shared>>)
          tpu.yield
        }) : () -> ()
      } else {
      }
      %scan3A_251 = arith.constant 0 : i32
      scf.yield %scan3A_251 : i32
    }
    %scan3A_19 = arith.constant 4 : i32
    %eq3A = arith.constant 0 : i32
    %eq3A_20 = arith.cmpi eq, %arg1, %eq3A : i32
    %convert_element_type3A = arith.extui %eq3A_20 : i1 to i32
    %cond3A = arith.constant 0 : i32
    %cond3A_21 = arith.cmpi ne, %convert_element_type3A, %cond3A : i32
    scf.if %cond3A_21 {
      "tpu.region"() ({
        %run_scoped3A = tpu.sem_alloc : memref<!tpu.dma_semaphore, #tpu.memory_space<semaphore_mem>>
        %dma_start3A = arith.constant 0 : i32
        %dma_start3A_242 = tpu.memref_slice %arg17[%dma_start3A] : memref<7168xf32, #tpu.memory_space<vmem>> -> memref<256xf32, #tpu.memory_space<vmem>>
        %dma_start3A_243 = arith.constant 0 : i32
        %dma_start3A_244 = tpu.memref_slice %arg17[%dma_start3A_243] : memref<7168xf32, #tpu.memory_space<vmem>> -> memref<256xf32, #tpu.memory_space<vmem>>
        tpu.enqueue_dma source(%dma_start3A_244 : memref<256xf32, #tpu.memory_space<vmem>>) target(%arg15 : memref<256xf32, #tpu.memory_space<vmem_shared>>) target_semaphore(%run_scoped3A : memref<!tpu.dma_semaphore, #tpu.memory_space<semaphore_mem>>)
        %dma_wait3A = arith.constant 0 : i32
        %dma_wait3A_245 = tpu.memref_slice %arg17[%dma_wait3A] : memref<7168xf32, #tpu.memory_space<vmem>> -> memref<256xf32, #tpu.memory_space<vmem>>
        %dma_wait3A_246 = arith.constant 0 : i32
        %dma_wait3A_247 = tpu.memref_slice %arg17[%dma_wait3A_246] : memref<7168xf32, #tpu.memory_space<vmem>> -> memref<256xf32, #tpu.memory_space<vmem>>
        tpu.wait_dma2 semaphore(%run_scoped3A : memref<!tpu.dma_semaphore, #tpu.memory_space<semaphore_mem>>) src(%dma_wait3A_247 : memref<256xf32, #tpu.memory_space<vmem>>) dst(%arg15 : memref<256xf32, #tpu.memory_space<vmem_shared>>)
        tpu.yield
      }) : () -> ()
    } else {
    }
    %barrier3A = arith.constant 0 : index
    tpu.barrier barrier_id(%barrier3A)
    "tpu.trace_start"() <{level = 10 : i32, message = "P1_deg"}> : () -> ()
    %scan3A_22 = arith.constant 0 : i32
    %scan3A_23 = arith.constant 0 : i32
    %scan3A_24 = arith.constant 7 : i32
    %scan3A_25 = arith.addi %scan3A_23, %scan3A_24 : i32
    %scan3A_26 = arith.constant 1 : i32
    %scan3A_27 = scf.for %scan3A_242 = %scan3A_23 to %scan3A_25 step %scan3A_26 iter_args(%scan3A_243 = %scan3A_22) -> (i32)  : i32 {
      %mul3A_244 = arith.constant 7 : i32
      %mul3A_245 = arith.muli %arg1, %mul3A_244 : i32
      %add3A_246 = arith.addi %mul3A_245, %scan3A_242 : i32
      %mul3A_247 = arith.constant 7168 : i32
      %mul3A_248 = arith.muli %add3A_246, %mul3A_247 : i32
      %multiple_of3A_249 = tpu.assume_multiple %mul3A_248, 7168 : i32
      "tpu.region"() ({
        %run_scoped3A = tpu.sem_alloc : memref<!tpu.dma_semaphore, #tpu.memory_space<semaphore_mem>>
        %dma_start3A = tpu.memref_slice %arg4[%multiple_of3A_249] : memref<802816xi32, #tpu.memory_space<hbm>> -> memref<7168xi32, #tpu.memory_space<hbm>>
        %dma_start3A_251 = tpu.memref_slice %arg4[%multiple_of3A_249] : memref<802816xi32, #tpu.memory_space<hbm>> -> memref<7168xi32, #tpu.memory_space<hbm>>
        tpu.enqueue_dma source(%dma_start3A_251 : memref<7168xi32, #tpu.memory_space<hbm>>) target(%arg21 : memref<7168xi32, #tpu.memory_space<vmem>>) target_semaphore(%run_scoped3A : memref<!tpu.dma_semaphore, #tpu.memory_space<semaphore_mem>>)
        %dma_wait3A = tpu.memref_slice %arg4[%multiple_of3A_249] : memref<802816xi32, #tpu.memory_space<hbm>> -> memref<7168xi32, #tpu.memory_space<hbm>>
        %dma_wait3A_252 = tpu.memref_slice %arg4[%multiple_of3A_249] : memref<802816xi32, #tpu.memory_space<hbm>> -> memref<7168xi32, #tpu.memory_space<hbm>>
        tpu.wait_dma2 semaphore(%run_scoped3A : memref<!tpu.dma_semaphore, #tpu.memory_space<semaphore_mem>>) src(%dma_wait3A_252 : memref<7168xi32, #tpu.memory_space<hbm>>) dst(%arg21 : memref<7168xi32, #tpu.memory_space<vmem>>)
        tpu.yield
      }) : () -> ()
      "tpu.region"() ({
        %run_scoped3A = tpu.sem_alloc : memref<!tpu.dma_semaphore, #tpu.memory_space<semaphore_mem>>
        %dma_start3A = arith.constant 0 : i32
        %dma_start3A_251 = tpu.memref_slice %arg11[%dma_start3A] : memref<51200xf32, #tpu.memory_space<vmem_shared>> -> memref<51200xf32, #tpu.memory_space<vmem_shared>>
        tpu.enqueue_indirect_dma source(%arg18 : memref<7168xf32, #tpu.memory_space<vmem>>) target(%dma_start3A_251 : memref<51200xf32, #tpu.memory_space<vmem_shared>>) offsets(%arg21 : memref<7168xi32, #tpu.memory_space<vmem>>) semaphore(%run_scoped3A : memref<!tpu.dma_semaphore, #tpu.memory_space<semaphore_mem>>) {add = true}
        %dma_wait3A = arith.constant 0 : i32
        %dma_wait3A_252 = tpu.memref_slice %arg11[%dma_wait3A] : memref<51200xf32, #tpu.memory_space<vmem_shared>> -> memref<51200xf32, #tpu.memory_space<vmem_shared>>
        tpu.wait_indirect_dma semaphore(%run_scoped3A : memref<!tpu.dma_semaphore, #tpu.memory_space<semaphore_mem>>) src(%arg18 : memref<7168xf32, #tpu.memory_space<vmem>>) dst(%dma_wait3A_252 : memref<51200xf32, #tpu.memory_space<vmem_shared>>)
        tpu.yield
      }) : () -> ()
      %scan3A_250 = arith.constant 0 : i32
      scf.yield %scan3A_250 : i32
    }
    %scan3A_28 = arith.constant 7 : i32
    "tpu.trace_stop"() : () -> ()
    %barrier3A_29 = arith.constant 0 : index
    tpu.barrier barrier_id(%barrier3A_29)
    "tpu.trace_start"() <{level = 10 : i32, message = "P2_dis"}> : () -> ()
    %scan3A_30 = arith.constant 0 : i32
    %scan3A_31 = arith.constant 0 : i32
    %scan3A_32 = arith.constant 4 : i32
    %scan3A_33 = arith.addi %scan3A_31, %scan3A_32 : i32
    %scan3A_34 = arith.constant 1 : i32
    %scan3A_35 = scf.for %scan3A_242 = %scan3A_31 to %scan3A_33 step %scan3A_34 iter_args(%scan3A_243 = %scan3A_30) -> (i32)  : i32 {
      %mul3A_244 = arith.constant 16 : i32
      %mul3A_245 = arith.muli %mul3A_244, %scan3A_242 : i32
      %add3A_246 = arith.addi %arg1, %mul3A_245 : i32
      %lt3A = arith.constant 50 : i32
      %lt3A_247 = arith.cmpi slt, %add3A_246, %lt3A : i32
      %convert_element_type3A_248 = arith.extui %lt3A_247 : i1 to i32
      %cond3A_249 = arith.constant 0 : i32
      %cond3A_250 = arith.cmpi ne, %convert_element_type3A_248, %cond3A_249 : i32
      scf.if %cond3A_250 {
        %mul3A_252 = arith.constant 1024 : i32
        %mul3A_253 = arith.muli %add3A_246, %mul3A_252 : i32
        %multiple_of3A_254 = tpu.assume_multiple %mul3A_253, 1024 : i32
        "tpu.region"() ({
          %run_scoped3A = tpu.sem_alloc : memref<!tpu.dma_semaphore, #tpu.memory_space<semaphore_mem>>
          %dma_start3A = tpu.memref_slice %arg11[%multiple_of3A_254] : memref<51200xf32, #tpu.memory_space<vmem_shared>> -> memref<1024xf32, #tpu.memory_space<vmem_shared>>
          %dma_start3A_262 = tpu.memref_slice %arg11[%multiple_of3A_254] : memref<51200xf32, #tpu.memory_space<vmem_shared>> -> memref<1024xf32, #tpu.memory_space<vmem_shared>>
          tpu.enqueue_dma source(%dma_start3A_262 : memref<1024xf32, #tpu.memory_space<vmem_shared>>) target(%arg24 : memref<1024xf32, #tpu.memory_space<vmem>>) target_semaphore(%run_scoped3A : memref<!tpu.dma_semaphore, #tpu.memory_space<semaphore_mem>>)
          %dma_wait3A = tpu.memref_slice %arg11[%multiple_of3A_254] : memref<51200xf32, #tpu.memory_space<vmem_shared>> -> memref<1024xf32, #tpu.memory_space<vmem_shared>>
          %dma_wait3A_263 = tpu.memref_slice %arg11[%multiple_of3A_254] : memref<51200xf32, #tpu.memory_space<vmem_shared>> -> memref<1024xf32, #tpu.memory_space<vmem_shared>>
          tpu.wait_dma2 semaphore(%run_scoped3A : memref<!tpu.dma_semaphore, #tpu.memory_space<semaphore_mem>>) src(%dma_wait3A_263 : memref<1024xf32, #tpu.memory_space<vmem_shared>>) dst(%arg24 : memref<1024xf32, #tpu.memory_space<vmem>>)
          tpu.yield
        }) : () -> ()
        "tpu.region"() ({
          %run_scoped3A = tpu.sem_alloc : memref<!tpu.dma_semaphore, #tpu.memory_space<semaphore_mem>>
          %dma_start3A = tpu.memref_slice %arg2[%multiple_of3A_254] : memref<51200xf32, #tpu.memory_space<hbm>> -> memref<1024xf32, #tpu.memory_space<hbm>>
          %dma_start3A_262 = tpu.memref_slice %arg2[%multiple_of3A_254] : memref<51200xf32, #tpu.memory_space<hbm>> -> memref<1024xf32, #tpu.memory_space<hbm>>
          tpu.enqueue_dma source(%dma_start3A_262 : memref<1024xf32, #tpu.memory_space<hbm>>) target(%arg25 : memref<1024xf32, #tpu.memory_space<vmem>>) target_semaphore(%run_scoped3A : memref<!tpu.dma_semaphore, #tpu.memory_space<semaphore_mem>>)
          %dma_wait3A = tpu.memref_slice %arg2[%multiple_of3A_254] : memref<51200xf32, #tpu.memory_space<hbm>> -> memref<1024xf32, #tpu.memory_space<hbm>>
          %dma_wait3A_263 = tpu.memref_slice %arg2[%multiple_of3A_254] : memref<51200xf32, #tpu.memory_space<hbm>> -> memref<1024xf32, #tpu.memory_space<hbm>>
          tpu.wait_dma2 semaphore(%run_scoped3A : memref<!tpu.dma_semaphore, #tpu.memory_space<semaphore_mem>>) src(%dma_wait3A_263 : memref<1024xf32, #tpu.memory_space<hbm>>) dst(%arg25 : memref<1024xf32, #tpu.memory_space<vmem>>)
          tpu.yield
        }) : () -> ()
        %scan3A_255 = arith.constant 0 : i32
        %scan3A_256 = arith.constant 0 : i32
        %scan3A_257 = arith.constant 64 : i32
        %scan3A_258 = arith.addi %scan3A_256, %scan3A_257 : i32
        %scan3A_259 = arith.constant 1 : i32
        %scan3A_260 = scf.for %scan3A_262 = %scan3A_256 to %scan3A_258 step %scan3A_259 iter_args(%scan3A_263 = %scan3A_255) -> (i32)  : i32 {
          %mul3A_264 = arith.constant 16 : i32
          %mul3A_265 = arith.muli %scan3A_262, %mul3A_264 : i32
          %get3A = arith.index_cast %mul3A_265 : i32 to index
          %get3A_266 = tpu.vector_load %arg24[%get3A] {strides = array<i32>} : memref<1024xf32, #tpu.memory_space<vmem>>, vector<16xf32>,
          %get3A_267 = vector.shape_cast %get3A_266 : vector<16xf32> to vector<16xf32>
          %add3A_268 = arith.constant 1.000000e+00 : f32
          %add3A_269 = vector.broadcast %add3A_268 : f32 to vector<16xf32>
          %add3A_270 = arith.addf %get3A_267, %add3A_269 : vector<16xf32>
          %bitcast_convert_type3A = tpu.bitcast %add3A_270 : vector<16xf32> -> vector<16xi32>
          %shift_right_logical3A = arith.constant 1 : i32
          %shift_right_logical3A_271 = vector.broadcast %shift_right_logical3A : i32 to vector<16xi32>
          %shift_right_logical3A_272 = arith.shrui %bitcast_convert_type3A, %shift_right_logical3A_271 : vector<16xi32>
          %sub3A = arith.constant 1597463007 : i32
          %sub3A_273 = vector.broadcast %sub3A : i32 to vector<16xi32>
          %sub3A_274 = arith.subi %sub3A_273, %shift_right_logical3A_272 : vector<16xi32>
          %bitcast_convert_type3A_275 = tpu.bitcast %sub3A_274 : vector<16xi32> -> vector<16xf32>
          %mul3A_276 = arith.constant 5.000000e-01 : f32
          %mul3A_277 = vector.broadcast %mul3A_276 : f32 to vector<16xf32>
          %mul3A_278 = arith.mulf %mul3A_277, %add3A_270 : vector<16xf32>
          %mul3A_279 = arith.mulf %mul3A_278, %bitcast_convert_type3A_275 : vector<16xf32>
          %mul3A_280 = arith.mulf %mul3A_279, %bitcast_convert_type3A_275 : vector<16xf32>
          %sub3A_281 = arith.constant 1.500000e+00 : f32
          %sub3A_282 = vector.broadcast %sub3A_281 : f32 to vector<16xf32>
          %sub3A_283 = arith.subf %sub3A_282, %mul3A_280 : vector<16xf32>
          %mul3A_284 = arith.mulf %bitcast_convert_type3A_275, %sub3A_283 : vector<16xf32>
          %mul3A_285 = arith.constant 5.000000e-01 : f32
          %mul3A_286 = vector.broadcast %mul3A_285 : f32 to vector<16xf32>
          %mul3A_287 = arith.mulf %mul3A_286, %add3A_270 : vector<16xf32>
          %mul3A_288 = arith.mulf %mul3A_287, %mul3A_284 : vector<16xf32>
          %mul3A_289 = arith.mulf %mul3A_288, %mul3A_284 : vector<16xf32>
          %sub3A_290 = arith.constant 1.500000e+00 : f32
          %sub3A_291 = vector.broadcast %sub3A_290 : f32 to vector<16xf32>
          %sub3A_292 = arith.subf %sub3A_291, %mul3A_289 : vector<16xf32>
          %mul3A_293 = arith.mulf %mul3A_284, %sub3A_292 : vector<16xf32>
          %mul3A_294 = arith.constant 5.000000e-01 : f32
          %mul3A_295 = vector.broadcast %mul3A_294 : f32 to vector<16xf32>
          %mul3A_296 = arith.mulf %mul3A_295, %add3A_270 : vector<16xf32>
          %mul3A_297 = arith.mulf %mul3A_296, %mul3A_293 : vector<16xf32>
          %mul3A_298 = arith.mulf %mul3A_297, %mul3A_293 : vector<16xf32>
          %sub3A_299 = arith.constant 1.500000e+00 : f32
          %sub3A_300 = vector.broadcast %sub3A_299 : f32 to vector<16xf32>
          %sub3A_301 = arith.subf %sub3A_300, %mul3A_298 : vector<16xf32>
          %mul3A_302 = arith.mulf %mul3A_293, %sub3A_301 : vector<16xf32>
          %swap3A = arith.index_cast %mul3A_265 : i32 to index
          %swap3A_303 = tpu.vector_load %arg26[%swap3A] {strides = array<i32>} : memref<1024xf32, #tpu.memory_space<vmem>>, vector<16xf32>,
          %swap3A_304 = vector.shape_cast %swap3A_303 : vector<16xf32> to vector<16xf32>
          %swap3A_305 = vector.shape_cast %mul3A_302 : vector<16xf32> to vector<16xf32>
          tpu.vector_store %arg26[%swap3A], %swap3A_305 {strides = array<i32>} : memref<1024xf32, #tpu.memory_space<vmem>>, vector<16xf32>,
          %get3A_306 = arith.index_cast %mul3A_265 : i32 to index
          %get3A_307 = tpu.vector_load %arg25[%get3A_306] {strides = array<i32>} : memref<1024xf32, #tpu.memory_space<vmem>>, vector<16xf32>,
          %get3A_308 = vector.shape_cast %get3A_307 : vector<16xf32> to vector<16xf32>
          %mul3A_309 = arith.mulf %mul3A_302, %get3A_308 : vector<16xf32>
          %swap3A_310 = arith.index_cast %mul3A_265 : i32 to index
          %swap3A_311 = tpu.vector_load %arg27[%swap3A_310] {strides = array<i32>} : memref<1024xf32, #tpu.memory_space<vmem>>, vector<16xf32>,
          %swap3A_312 = vector.shape_cast %swap3A_311 : vector<16xf32> to vector<16xf32>
          %swap3A_313 = vector.shape_cast %mul3A_309 : vector<16xf32> to vector<16xf32>
          tpu.vector_store %arg27[%swap3A_310], %swap3A_313 {strides = array<i32>} : memref<1024xf32, #tpu.memory_space<vmem>>, vector<16xf32>,
          %scan3A_314 = arith.constant 0 : i32
          scf.yield %scan3A_314 : i32
        }
        %scan3A_261 = arith.constant 64 : i32
        "tpu.region"() ({
          %run_scoped3A = tpu.sem_alloc : memref<!tpu.dma_semaphore, #tpu.memory_space<semaphore_mem>>
          %dma_start3A = tpu.memref_slice %arg13[%multiple_of3A_254] : memref<51200xf32, #tpu.memory_space<vmem_shared>> -> memref<1024xf32, #tpu.memory_space<vmem_shared>>
          %dma_start3A_262 = tpu.memref_slice %arg13[%multiple_of3A_254] : memref<51200xf32, #tpu.memory_space<vmem_shared>> -> memref<1024xf32, #tpu.memory_space<vmem_shared>>
          tpu.enqueue_dma source(%arg26 : memref<1024xf32, #tpu.memory_space<vmem>>) target(%dma_start3A_262 : memref<1024xf32, #tpu.memory_space<vmem_shared>>) target_semaphore(%run_scoped3A : memref<!tpu.dma_semaphore, #tpu.memory_space<semaphore_mem>>)
          %dma_wait3A = tpu.memref_slice %arg13[%multiple_of3A_254] : memref<51200xf32, #tpu.memory_space<vmem_shared>> -> memref<1024xf32, #tpu.memory_space<vmem_shared>>
          %dma_wait3A_263 = tpu.memref_slice %arg13[%multiple_of3A_254] : memref<51200xf32, #tpu.memory_space<vmem_shared>> -> memref<1024xf32, #tpu.memory_space<vmem_shared>>
          tpu.wait_dma2 semaphore(%run_scoped3A : memref<!tpu.dma_semaphore, #tpu.memory_space<semaphore_mem>>) src(%arg26 : memref<1024xf32, #tpu.memory_space<vmem>>) dst(%dma_wait3A_263 : memref<1024xf32, #tpu.memory_space<vmem_shared>>)
          tpu.yield
        }) : () -> ()
        "tpu.region"() ({
          %run_scoped3A = tpu.sem_alloc : memref<!tpu.dma_semaphore, #tpu.memory_space<semaphore_mem>>
          %dma_start3A = tpu.memref_slice %arg11[%multiple_of3A_254] : memref<51200xf32, #tpu.memory_space<vmem_shared>> -> memref<1024xf32, #tpu.memory_space<vmem_shared>>
          %dma_start3A_262 = tpu.memref_slice %arg11[%multiple_of3A_254] : memref<51200xf32, #tpu.memory_space<vmem_shared>> -> memref<1024xf32, #tpu.memory_space<vmem_shared>>
          tpu.enqueue_dma source(%arg27 : memref<1024xf32, #tpu.memory_space<vmem>>) target(%dma_start3A_262 : memref<1024xf32, #tpu.memory_space<vmem_shared>>) target_semaphore(%run_scoped3A : memref<!tpu.dma_semaphore, #tpu.memory_space<semaphore_mem>>)
          %dma_wait3A = tpu.memref_slice %arg11[%multiple_of3A_254] : memref<51200xf32, #tpu.memory_space<vmem_shared>> -> memref<1024xf32, #tpu.memory_space<vmem_shared>>
          %dma_wait3A_263 = tpu.memref_slice %arg11[%multiple_of3A_254] : memref<51200xf32, #tpu.memory_space<vmem_shared>> -> memref<1024xf32, #tpu.memory_space<vmem_shared>>
          tpu.wait_dma2 semaphore(%run_scoped3A : memref<!tpu.dma_semaphore, #tpu.memory_space<semaphore_mem>>) src(%arg27 : memref<1024xf32, #tpu.memory_space<vmem>>) dst(%dma_wait3A_263 : memref<1024xf32, #tpu.memory_space<vmem_shared>>)
          tpu.yield
        }) : () -> ()
      } else {
      }
      %scan3A_251 = arith.constant 0 : i32
      scf.yield %scan3A_251 : i32
    }
    %scan3A_36 = arith.constant 4 : i32
    "tpu.trace_stop"() : () -> ()
    %barrier3A_37 = arith.constant 0 : index
    tpu.barrier barrier_id(%barrier3A_37)
    "tpu.trace_start"() <{level = 10 : i32, message = "P3_s1_w"}> : () -> ()
    %scan3A_38 = arith.constant 0 : i32
    %scan3A_39 = arith.constant 0 : i32
    %scan3A_40 = arith.constant 7 : i32
    %scan3A_41 = arith.addi %scan3A_39, %scan3A_40 : i32
    %scan3A_42 = arith.constant 1 : i32
    %scan3A_43 = scf.for %scan3A_242 = %scan3A_39 to %scan3A_41 step %scan3A_42 iter_args(%scan3A_243 = %scan3A_38) -> (i32)  : i32 {
      %mul3A_244 = arith.constant 7 : i32
      %mul3A_245 = arith.muli %arg1, %mul3A_244 : i32
      %add3A_246 = arith.addi %mul3A_245, %scan3A_242 : i32
      %mul3A_247 = arith.constant 7168 : i32
      %mul3A_248 = arith.muli %add3A_246, %mul3A_247 : i32
      %multiple_of3A_249 = tpu.assume_multiple %mul3A_248, 7168 : i32
      "tpu.region"() ({
        %run_scoped3A = tpu.sem_alloc : memref<!tpu.dma_semaphore, #tpu.memory_space<semaphore_mem>>
        %dma_start3A = tpu.memref_slice %arg3[%multiple_of3A_249] : memref<802816xi32, #tpu.memory_space<hbm>> -> memref<7168xi32, #tpu.memory_space<hbm>>
        %dma_start3A_258 = tpu.memref_slice %arg3[%multiple_of3A_249] : memref<802816xi32, #tpu.memory_space<hbm>> -> memref<7168xi32, #tpu.memory_space<hbm>>
        tpu.enqueue_dma source(%dma_start3A_258 : memref<7168xi32, #tpu.memory_space<hbm>>) target(%arg20 : memref<7168xi32, #tpu.memory_space<vmem>>) target_semaphore(%run_scoped3A : memref<!tpu.dma_semaphore, #tpu.memory_space<semaphore_mem>>)
        %dma_wait3A = tpu.memref_slice %arg3[%multiple_of3A_249] : memref<802816xi32, #tpu.memory_space<hbm>> -> memref<7168xi32, #tpu.memory_space<hbm>>
        %dma_wait3A_259 = tpu.memref_slice %arg3[%multiple_of3A_249] : memref<802816xi32, #tpu.memory_space<hbm>> -> memref<7168xi32, #tpu.memory_space<hbm>>
        tpu.wait_dma2 semaphore(%run_scoped3A : memref<!tpu.dma_semaphore, #tpu.memory_space<semaphore_mem>>) src(%dma_wait3A_259 : memref<7168xi32, #tpu.memory_space<hbm>>) dst(%arg20 : memref<7168xi32, #tpu.memory_space<vmem>>)
        tpu.yield
      }) : () -> ()
      "tpu.region"() ({
        %run_scoped3A = tpu.sem_alloc : memref<!tpu.dma_semaphore, #tpu.memory_space<semaphore_mem>>
        %dma_start3A = tpu.memref_slice %arg4[%multiple_of3A_249] : memref<802816xi32, #tpu.memory_space<hbm>> -> memref<7168xi32, #tpu.memory_space<hbm>>
        %dma_start3A_258 = tpu.memref_slice %arg4[%multiple_of3A_249] : memref<802816xi32, #tpu.memory_space<hbm>> -> memref<7168xi32, #tpu.memory_space<hbm>>
        tpu.enqueue_dma source(%dma_start3A_258 : memref<7168xi32, #tpu.memory_space<hbm>>) target(%arg21 : memref<7168xi32, #tpu.memory_space<vmem>>) target_semaphore(%run_scoped3A : memref<!tpu.dma_semaphore, #tpu.memory_space<semaphore_mem>>)
        %dma_wait3A = tpu.memref_slice %arg4[%multiple_of3A_249] : memref<802816xi32, #tpu.memory_space<hbm>> -> memref<7168xi32, #tpu.memory_space<hbm>>
        %dma_wait3A_259 = tpu.memref_slice %arg4[%multiple_of3A_249] : memref<802816xi32, #tpu.memory_space<hbm>> -> memref<7168xi32, #tpu.memory_space<hbm>>
        tpu.wait_dma2 semaphore(%run_scoped3A : memref<!tpu.dma_semaphore, #tpu.memory_space<semaphore_mem>>) src(%dma_wait3A_259 : memref<7168xi32, #tpu.memory_space<hbm>>) dst(%arg21 : memref<7168xi32, #tpu.memory_space<vmem>>)
        tpu.yield
      }) : () -> ()
      "tpu.region"() ({
        %run_scoped3A = tpu.sem_alloc : memref<!tpu.dma_semaphore, #tpu.memory_space<semaphore_mem>>
        %dma_start3A = arith.constant 0 : i32
        %dma_start3A_258 = tpu.memref_slice %arg11[%dma_start3A] : memref<51200xf32, #tpu.memory_space<vmem_shared>> -> memref<51200xf32, #tpu.memory_space<vmem_shared>>
        tpu.enqueue_indirect_dma source(%dma_start3A_258 : memref<51200xf32, #tpu.memory_space<vmem_shared>>) target(%arg23 : memref<7168xf32, #tpu.memory_space<vmem>>) offsets(%arg20 : memref<7168xi32, #tpu.memory_space<vmem>>) semaphore(%run_scoped3A : memref<!tpu.dma_semaphore, #tpu.memory_space<semaphore_mem>>)
        %dma_wait3A = arith.constant 0 : i32
        %dma_wait3A_259 = tpu.memref_slice %arg11[%dma_wait3A] : memref<51200xf32, #tpu.memory_space<vmem_shared>> -> memref<51200xf32, #tpu.memory_space<vmem_shared>>
        tpu.wait_indirect_dma semaphore(%run_scoped3A : memref<!tpu.dma_semaphore, #tpu.memory_space<semaphore_mem>>) src(%dma_wait3A_259 : memref<51200xf32, #tpu.memory_space<vmem_shared>>) dst(%arg23 : memref<7168xf32, #tpu.memory_space<vmem>>)
        tpu.yield
      }) : () -> ()
      "tpu.region"() ({
        %run_scoped3A = tpu.sem_alloc : memref<!tpu.dma_semaphore, #tpu.memory_space<semaphore_mem>>
        %dma_start3A = arith.constant 0 : i32
        %dma_start3A_258 = tpu.memref_slice %arg12[%dma_start3A] : memref<51200xf32, #tpu.memory_space<vmem_shared>> -> memref<51200xf32, #tpu.memory_space<vmem_shared>>
        tpu.enqueue_indirect_dma source(%arg23 : memref<7168xf32, #tpu.memory_space<vmem>>) target(%dma_start3A_258 : memref<51200xf32, #tpu.memory_space<vmem_shared>>) offsets(%arg21 : memref<7168xi32, #tpu.memory_space<vmem>>) semaphore(%run_scoped3A : memref<!tpu.dma_semaphore, #tpu.memory_space<semaphore_mem>>) {add = true}
        %dma_wait3A = arith.constant 0 : i32
        %dma_wait3A_259 = tpu.memref_slice %arg12[%dma_wait3A] : memref<51200xf32, #tpu.memory_space<vmem_shared>> -> memref<51200xf32, #tpu.memory_space<vmem_shared>>
        tpu.wait_indirect_dma semaphore(%run_scoped3A : memref<!tpu.dma_semaphore, #tpu.memory_space<semaphore_mem>>) src(%arg23 : memref<7168xf32, #tpu.memory_space<vmem>>) dst(%dma_wait3A_259 : memref<51200xf32, #tpu.memory_space<vmem_shared>>)
        tpu.yield
      }) : () -> ()
      "tpu.region"() ({
        %run_scoped3A = tpu.sem_alloc : memref<!tpu.dma_semaphore, #tpu.memory_space<semaphore_mem>>
        %dma_start3A = arith.constant 0 : i32
        %dma_start3A_258 = tpu.memref_slice %arg13[%dma_start3A] : memref<51200xf32, #tpu.memory_space<vmem_shared>> -> memref<51200xf32, #tpu.memory_space<vmem_shared>>
        tpu.enqueue_indirect_dma source(%dma_start3A_258 : memref<51200xf32, #tpu.memory_space<vmem_shared>>) target(%arg23 : memref<7168xf32, #tpu.memory_space<vmem>>) offsets(%arg20 : memref<7168xi32, #tpu.memory_space<vmem>>) semaphore(%run_scoped3A : memref<!tpu.dma_semaphore, #tpu.memory_space<semaphore_mem>>)
        %dma_wait3A = arith.constant 0 : i32
        %dma_wait3A_259 = tpu.memref_slice %arg13[%dma_wait3A] : memref<51200xf32, #tpu.memory_space<vmem_shared>> -> memref<51200xf32, #tpu.memory_space<vmem_shared>>
        tpu.wait_indirect_dma semaphore(%run_scoped3A : memref<!tpu.dma_semaphore, #tpu.memory_space<semaphore_mem>>) src(%dma_wait3A_259 : memref<51200xf32, #tpu.memory_space<vmem_shared>>) dst(%arg23 : memref<7168xf32, #tpu.memory_space<vmem>>)
        tpu.yield
      }) : () -> ()
      "tpu.region"() ({
        %run_scoped3A = tpu.sem_alloc : memref<!tpu.dma_semaphore, #tpu.memory_space<semaphore_mem>>
        %dma_start3A = arith.constant 0 : i32
        %dma_start3A_258 = tpu.memref_slice %arg13[%dma_start3A] : memref<51200xf32, #tpu.memory_space<vmem_shared>> -> memref<51200xf32, #tpu.memory_space<vmem_shared>>
        tpu.enqueue_indirect_dma source(%dma_start3A_258 : memref<51200xf32, #tpu.memory_space<vmem_shared>>) target(%arg18 : memref<7168xf32, #tpu.memory_space<vmem>>) offsets(%arg21 : memref<7168xi32, #tpu.memory_space<vmem>>) semaphore(%run_scoped3A : memref<!tpu.dma_semaphore, #tpu.memory_space<semaphore_mem>>)
        %dma_wait3A = arith.constant 0 : i32
        %dma_wait3A_259 = tpu.memref_slice %arg13[%dma_wait3A] : memref<51200xf32, #tpu.memory_space<vmem_shared>> -> memref<51200xf32, #tpu.memory_space<vmem_shared>>
        tpu.wait_indirect_dma semaphore(%run_scoped3A : memref<!tpu.dma_semaphore, #tpu.memory_space<semaphore_mem>>) src(%dma_wait3A_259 : memref<51200xf32, #tpu.memory_space<vmem_shared>>) dst(%arg18 : memref<7168xf32, #tpu.memory_space<vmem>>)
        tpu.yield
      }) : () -> ()
      "tpu.region"() ({
        %run_scoped3A = tpu.sem_alloc : memref<!tpu.dma_semaphore, #tpu.memory_space<semaphore_mem>>
        %dma_start3A = arith.constant 0 : i32
        %dma_start3A_258 = tpu.memref_slice %arg14[%dma_start3A] : memref<51200xi32, #tpu.memory_space<vmem_shared>> -> memref<51200xi32, #tpu.memory_space<vmem_shared>>
        tpu.enqueue_indirect_dma source(%dma_start3A_258 : memref<51200xi32, #tpu.memory_space<vmem_shared>>) target(%arg22 : memref<7168xi32, #tpu.memory_space<vmem>>) offsets(%arg21 : memref<7168xi32, #tpu.memory_space<vmem>>) semaphore(%run_scoped3A : memref<!tpu.dma_semaphore, #tpu.memory_space<semaphore_mem>>)
        %dma_wait3A = arith.constant 0 : i32
        %dma_wait3A_259 = tpu.memref_slice %arg14[%dma_wait3A] : memref<51200xi32, #tpu.memory_space<vmem_shared>> -> memref<51200xi32, #tpu.memory_space<vmem_shared>>
        tpu.wait_indirect_dma semaphore(%run_scoped3A : memref<!tpu.dma_semaphore, #tpu.memory_space<semaphore_mem>>) src(%dma_wait3A_259 : memref<51200xi32, #tpu.memory_space<vmem_shared>>) dst(%arg22 : memref<7168xi32, #tpu.memory_space<vmem>>)
        tpu.yield
      }) : () -> ()
      %scan3A_250 = arith.constant 0 : i32
      %scan3A_251 = arith.constant 0 : i32
      %scan3A_252 = arith.constant 448 : i32
      %scan3A_253 = arith.addi %scan3A_251, %scan3A_252 : i32
      %scan3A_254 = arith.constant 1 : i32
      %scan3A_255 = scf.for %scan3A_258 = %scan3A_251 to %scan3A_253 step %scan3A_254 iter_args(%scan3A_259 = %scan3A_250) -> (i32)  : i32 {
        %mul3A_260 = arith.constant 16 : i32
        %mul3A_261 = arith.muli %scan3A_258, %mul3A_260 : i32
        %get3A = arith.index_cast %mul3A_261 : i32 to index
        %get3A_262 = tpu.vector_load %arg23[%get3A] {strides = array<i32>} : memref<7168xf32, #tpu.memory_space<vmem>>, vector<16xf32>,
        %get3A_263 = vector.shape_cast %get3A_262 : vector<16xf32> to vector<16xf32>
        %get3A_264 = arith.index_cast %mul3A_261 : i32 to index
        %get3A_265 = tpu.vector_load %arg18[%get3A_264] {strides = array<i32>} : memref<7168xf32, #tpu.memory_space<vmem>>, vector<16xf32>,
        %get3A_266 = vector.shape_cast %get3A_265 : vector<16xf32> to vector<16xf32>
        %mul3A_267 = arith.mulf %get3A_263, %get3A_266 : vector<16xf32>
        %swap3A = arith.index_cast %mul3A_261 : i32 to index
        %swap3A_268 = tpu.vector_load %arg18[%swap3A] {strides = array<i32>} : memref<7168xf32, #tpu.memory_space<vmem>>, vector<16xf32>,
        %swap3A_269 = vector.shape_cast %swap3A_268 : vector<16xf32> to vector<16xf32>
        %swap3A_270 = vector.shape_cast %mul3A_267 : vector<16xf32> to vector<16xf32>
        tpu.vector_store %arg18[%swap3A], %swap3A_270 {strides = array<i32>} : memref<7168xf32, #tpu.memory_space<vmem>>, vector<16xf32>,
        %get3A_271 = arith.index_cast %mul3A_261 : i32 to index
        %get3A_272 = tpu.vector_load %arg22[%get3A_271] {strides = array<i32>} : memref<7168xi32, #tpu.memory_space<vmem>>, vector<16xi32>,
        %get3A_273 = vector.shape_cast %get3A_272 : vector<16xi32> to vector<16xi32>
        %div3A = arith.constant 5 : i32
        %div3A_274 = vector.broadcast %div3A : i32 to vector<16xi32>
        %div3A_275 = arith.divsi %get3A_273, %div3A_274 : vector<16xi32>
        %mul3A_276 = arith.constant 5 : i32
        %mul3A_277 = vector.broadcast %mul3A_276 : i32 to vector<16xi32>
        %mul3A_278 = arith.muli %div3A_275, %mul3A_277 : vector<16xi32>
        %sub3A = arith.subi %get3A_273, %mul3A_278 : vector<16xi32>
        %lt3A = arith.constant 150 : i32
        %lt3A_279 = vector.broadcast %lt3A : i32 to vector<16xi32>
        %lt3A_280 = arith.cmpi slt, %get3A_273, %lt3A_279 : vector<16xi32>
        %mul3A_281 = arith.constant 32 : i32
        %mul3A_282 = vector.broadcast %mul3A_281 : i32 to vector<16xi32>
        %mul3A_283 = arith.muli %sub3A, %mul3A_282 : vector<16xi32>
        %add3A_284 = arith.addi %mul3A_283, %div3A_275 : vector<16xi32>
        %jit3A = arith.constant 158 : i32
        %broadcast_in_dim3A = vector.broadcast %jit3A : i32 to vector<16xi32>
        %select_n3A = arith.select %lt3A_280, %add3A_284, %broadcast_in_dim3A : vector<16xi1>, vector<16xi32>
        %swap3A_285 = arith.index_cast %mul3A_261 : i32 to index
        %swap3A_286 = tpu.vector_load %arg22[%swap3A_285] {strides = array<i32>} : memref<7168xi32, #tpu.memory_space<vmem>>, vector<16xi32>,
        %swap3A_287 = vector.shape_cast %swap3A_286 : vector<16xi32> to vector<16xi32>
        %swap3A_288 = vector.shape_cast %select_n3A : vector<16xi32> to vector<16xi32>
        tpu.vector_store %arg22[%swap3A_285], %swap3A_288 {strides = array<i32>} : memref<7168xi32, #tpu.memory_space<vmem>>, vector<16xi32>,
        %scan3A_289 = arith.constant 0 : i32
        scf.yield %scan3A_289 : i32
      }
      %scan3A_256 = arith.constant 448 : i32
      "tpu.region"() ({
        %run_scoped3A = tpu.sem_alloc : memref<!tpu.dma_semaphore, #tpu.memory_space<semaphore_mem>>
        %dma_start3A = tpu.memref_slice %arg9[%multiple_of3A_249] : memref<802816xf32, #tpu.memory_space<hbm>> -> memref<7168xf32, #tpu.memory_space<hbm>>
        %dma_start3A_258 = tpu.memref_slice %arg9[%multiple_of3A_249] : memref<802816xf32, #tpu.memory_space<hbm>> -> memref<7168xf32, #tpu.memory_space<hbm>>
        tpu.enqueue_dma source(%arg18 : memref<7168xf32, #tpu.memory_space<vmem>>) target(%dma_start3A_258 : memref<7168xf32, #tpu.memory_space<hbm>>) target_semaphore(%run_scoped3A : memref<!tpu.dma_semaphore, #tpu.memory_space<semaphore_mem>>)
        %dma_wait3A = tpu.memref_slice %arg9[%multiple_of3A_249] : memref<802816xf32, #tpu.memory_space<hbm>> -> memref<7168xf32, #tpu.memory_space<hbm>>
        %dma_wait3A_259 = tpu.memref_slice %arg9[%multiple_of3A_249] : memref<802816xf32, #tpu.memory_space<hbm>> -> memref<7168xf32, #tpu.memory_space<hbm>>
        tpu.wait_dma2 semaphore(%run_scoped3A : memref<!tpu.dma_semaphore, #tpu.memory_space<semaphore_mem>>) src(%arg18 : memref<7168xf32, #tpu.memory_space<vmem>>) dst(%dma_wait3A_259 : memref<7168xf32, #tpu.memory_space<hbm>>)
        tpu.yield
      }) : () -> ()
      "tpu.region"() ({
        %run_scoped3A = tpu.sem_alloc : memref<!tpu.dma_semaphore, #tpu.memory_space<semaphore_mem>>
        %dma_start3A = tpu.memref_slice %arg10[%multiple_of3A_249] : memref<802816xi32, #tpu.memory_space<hbm>> -> memref<7168xi32, #tpu.memory_space<hbm>>
        %dma_start3A_258 = tpu.memref_slice %arg10[%multiple_of3A_249] : memref<802816xi32, #tpu.memory_space<hbm>> -> memref<7168xi32, #tpu.memory_space<hbm>>
        tpu.enqueue_dma source(%arg22 : memref<7168xi32, #tpu.memory_space<vmem>>) target(%dma_start3A_258 : memref<7168xi32, #tpu.memory_space<hbm>>) target_semaphore(%run_scoped3A : memref<!tpu.dma_semaphore, #tpu.memory_space<semaphore_mem>>)
        %dma_wait3A = tpu.memref_slice %arg10[%multiple_of3A_249] : memref<802816xi32, #tpu.memory_space<hbm>> -> memref<7168xi32, #tpu.memory_space<hbm>>
        %dma_wait3A_259 = tpu.memref_slice %arg10[%multiple_of3A_249] : memref<802816xi32, #tpu.memory_space<hbm>> -> memref<7168xi32, #tpu.memory_space<hbm>>
        tpu.wait_dma2 semaphore(%run_scoped3A : memref<!tpu.dma_semaphore, #tpu.memory_space<semaphore_mem>>) src(%arg22 : memref<7168xi32, #tpu.memory_space<vmem>>) dst(%dma_wait3A_259 : memref<7168xi32, #tpu.memory_space<hbm>>)
        tpu.yield
      }) : () -> ()
      %scan3A_257 = arith.constant 0 : i32
      scf.yield %scan3A_257 : i32
    }
    %scan3A_44 = arith.constant 7 : i32
    "tpu.trace_stop"() : () -> ()
    %barrier3A_45 = arith.constant 0 : index
    tpu.barrier barrier_id(%barrier3A_45)
    "tpu.trace_start"() <{level = 10 : i32, message = "P4_a1"}> : () -> ()
    %scan3A_46 = arith.constant 0 : i32
    %scan3A_47 = arith.constant 0 : i32
    %scan3A_48 = arith.constant 4 : i32
    %scan3A_49 = arith.addi %scan3A_47, %scan3A_48 : i32
    %scan3A_50 = arith.constant 1 : i32
    %scan3A_51 = scf.for %scan3A_242 = %scan3A_47 to %scan3A_49 step %scan3A_50 iter_args(%scan3A_243 = %scan3A_46) -> (i32)  : i32 {
      %mul3A_244 = arith.constant 16 : i32
      %mul3A_245 = arith.muli %mul3A_244, %scan3A_242 : i32
      %add3A_246 = arith.addi %arg1, %mul3A_245 : i32
      %lt3A = arith.constant 50 : i32
      %lt3A_247 = arith.cmpi slt, %add3A_246, %lt3A : i32
      %convert_element_type3A_248 = arith.extui %lt3A_247 : i1 to i32
      %cond3A_249 = arith.constant 0 : i32
      %cond3A_250 = arith.cmpi ne, %convert_element_type3A_248, %cond3A_249 : i32
      scf.if %cond3A_250 {
        %mul3A_252 = arith.constant 1024 : i32
        %mul3A_253 = arith.muli %add3A_246, %mul3A_252 : i32
        %multiple_of3A_254 = tpu.assume_multiple %mul3A_253, 1024 : i32
        "tpu.region"() ({
          %run_scoped3A = tpu.sem_alloc : memref<!tpu.dma_semaphore, #tpu.memory_space<semaphore_mem>>
          %dma_start3A = tpu.memref_slice %arg13[%multiple_of3A_254] : memref<51200xf32, #tpu.memory_space<vmem_shared>> -> memref<1024xf32, #tpu.memory_space<vmem_shared>>
          %dma_start3A_267 = tpu.memref_slice %arg13[%multiple_of3A_254] : memref<51200xf32, #tpu.memory_space<vmem_shared>> -> memref<1024xf32, #tpu.memory_space<vmem_shared>>
          tpu.enqueue_dma source(%dma_start3A_267 : memref<1024xf32, #tpu.memory_space<vmem_shared>>) target(%arg24 : memref<1024xf32, #tpu.memory_space<vmem>>) target_semaphore(%run_scoped3A : memref<!tpu.dma_semaphore, #tpu.memory_space<semaphore_mem>>)
          %dma_wait3A = tpu.memref_slice %arg13[%multiple_of3A_254] : memref<51200xf32, #tpu.memory_space<vmem_shared>> -> memref<1024xf32, #tpu.memory_space<vmem_shared>>
          %dma_wait3A_268 = tpu.memref_slice %arg13[%multiple_of3A_254] : memref<51200xf32, #tpu.memory_space<vmem_shared>> -> memref<1024xf32, #tpu.memory_space<vmem_shared>>
          tpu.wait_dma2 semaphore(%run_scoped3A : memref<!tpu.dma_semaphore, #tpu.memory_space<semaphore_mem>>) src(%dma_wait3A_268 : memref<1024xf32, #tpu.memory_space<vmem_shared>>) dst(%arg24 : memref<1024xf32, #tpu.memory_space<vmem>>)
          tpu.yield
        }) : () -> ()
        "tpu.region"() ({
          %run_scoped3A = tpu.sem_alloc : memref<!tpu.dma_semaphore, #tpu.memory_space<semaphore_mem>>
          %dma_start3A = tpu.memref_slice %arg12[%multiple_of3A_254] : memref<51200xf32, #tpu.memory_space<vmem_shared>> -> memref<1024xf32, #tpu.memory_space<vmem_shared>>
          %dma_start3A_267 = tpu.memref_slice %arg12[%multiple_of3A_254] : memref<51200xf32, #tpu.memory_space<vmem_shared>> -> memref<1024xf32, #tpu.memory_space<vmem_shared>>
          tpu.enqueue_dma source(%dma_start3A_267 : memref<1024xf32, #tpu.memory_space<vmem_shared>>) target(%arg25 : memref<1024xf32, #tpu.memory_space<vmem>>) target_semaphore(%run_scoped3A : memref<!tpu.dma_semaphore, #tpu.memory_space<semaphore_mem>>)
          %dma_wait3A = tpu.memref_slice %arg12[%multiple_of3A_254] : memref<51200xf32, #tpu.memory_space<vmem_shared>> -> memref<1024xf32, #tpu.memory_space<vmem_shared>>
          %dma_wait3A_268 = tpu.memref_slice %arg12[%multiple_of3A_254] : memref<51200xf32, #tpu.memory_space<vmem_shared>> -> memref<1024xf32, #tpu.memory_space<vmem_shared>>
          tpu.wait_dma2 semaphore(%run_scoped3A : memref<!tpu.dma_semaphore, #tpu.memory_space<semaphore_mem>>) src(%dma_wait3A_268 : memref<1024xf32, #tpu.memory_space<vmem_shared>>) dst(%arg25 : memref<1024xf32, #tpu.memory_space<vmem>>)
          tpu.yield
        }) : () -> ()
        "tpu.region"() ({
          %run_scoped3A = tpu.sem_alloc : memref<!tpu.dma_semaphore, #tpu.memory_space<semaphore_mem>>
          %dma_start3A = tpu.memref_slice %arg11[%multiple_of3A_254] : memref<51200xf32, #tpu.memory_space<vmem_shared>> -> memref<1024xf32, #tpu.memory_space<vmem_shared>>
          %dma_start3A_267 = tpu.memref_slice %arg11[%multiple_of3A_254] : memref<51200xf32, #tpu.memory_space<vmem_shared>> -> memref<1024xf32, #tpu.memory_space<vmem_shared>>
          tpu.enqueue_dma source(%dma_start3A_267 : memref<1024xf32, #tpu.memory_space<vmem_shared>>) target(%arg26 : memref<1024xf32, #tpu.memory_space<vmem>>) target_semaphore(%run_scoped3A : memref<!tpu.dma_semaphore, #tpu.memory_space<semaphore_mem>>)
          %dma_wait3A = tpu.memref_slice %arg11[%multiple_of3A_254] : memref<51200xf32, #tpu.memory_space<vmem_shared>> -> memref<1024xf32, #tpu.memory_space<vmem_shared>>
          %dma_wait3A_268 = tpu.memref_slice %arg11[%multiple_of3A_254] : memref<51200xf32, #tpu.memory_space<vmem_shared>> -> memref<1024xf32, #tpu.memory_space<vmem_shared>>
          tpu.wait_dma2 semaphore(%run_scoped3A : memref<!tpu.dma_semaphore, #tpu.memory_space<semaphore_mem>>) src(%dma_wait3A_268 : memref<1024xf32, #tpu.memory_space<vmem_shared>>) dst(%arg26 : memref<1024xf32, #tpu.memory_space<vmem>>)
          tpu.yield
        }) : () -> ()
        "tpu.region"() ({
          %run_scoped3A = tpu.sem_alloc : memref<!tpu.dma_semaphore, #tpu.memory_space<semaphore_mem>>
          %dma_start3A = tpu.memref_slice %arg14[%multiple_of3A_254] : memref<51200xi32, #tpu.memory_space<vmem_shared>> -> memref<1024xi32, #tpu.memory_space<vmem_shared>>
          %dma_start3A_267 = tpu.memref_slice %arg14[%multiple_of3A_254] : memref<51200xi32, #tpu.memory_space<vmem_shared>> -> memref<1024xi32, #tpu.memory_space<vmem_shared>>
          tpu.enqueue_dma source(%dma_start3A_267 : memref<1024xi32, #tpu.memory_space<vmem_shared>>) target(%arg28 : memref<1024xi32, #tpu.memory_space<vmem>>) target_semaphore(%run_scoped3A : memref<!tpu.dma_semaphore, #tpu.memory_space<semaphore_mem>>)
          %dma_wait3A = tpu.memref_slice %arg14[%multiple_of3A_254] : memref<51200xi32, #tpu.memory_space<vmem_shared>> -> memref<1024xi32, #tpu.memory_space<vmem_shared>>
          %dma_wait3A_268 = tpu.memref_slice %arg14[%multiple_of3A_254] : memref<51200xi32, #tpu.memory_space<vmem_shared>> -> memref<1024xi32, #tpu.memory_space<vmem_shared>>
          tpu.wait_dma2 semaphore(%run_scoped3A : memref<!tpu.dma_semaphore, #tpu.memory_space<semaphore_mem>>) src(%dma_wait3A_268 : memref<1024xi32, #tpu.memory_space<vmem_shared>>) dst(%arg28 : memref<1024xi32, #tpu.memory_space<vmem>>)
          tpu.yield
        }) : () -> ()
        %scan3A_255 = arith.constant 0 : i32
        %scan3A_256 = arith.constant 0 : i32
        %scan3A_257 = arith.constant 64 : i32
        %scan3A_258 = arith.addi %scan3A_256, %scan3A_257 : i32
        %scan3A_259 = arith.constant 1 : i32
        %scan3A_260 = scf.for %scan3A_267 = %scan3A_256 to %scan3A_258 step %scan3A_259 iter_args(%scan3A_268 = %scan3A_255) -> (i32)  : i32 {
          %mul3A_269 = arith.constant 16 : i32
          %mul3A_270 = arith.muli %scan3A_267, %mul3A_269 : i32
          %get3A = arith.index_cast %mul3A_270 : i32 to index
          %get3A_271 = tpu.vector_load %arg24[%get3A] {strides = array<i32>} : memref<1024xf32, #tpu.memory_space<vmem>>, vector<16xf32>,
          %get3A_272 = vector.shape_cast %get3A_271 : vector<16xf32> to vector<16xf32>
          %get3A_273 = arith.index_cast %mul3A_270 : i32 to index
          %get3A_274 = tpu.vector_load %arg25[%get3A_273] {strides = array<i32>} : memref<1024xf32, #tpu.memory_space<vmem>>, vector<16xf32>,
          %get3A_275 = vector.shape_cast %get3A_274 : vector<16xf32> to vector<16xf32>
          %get3A_276 = arith.index_cast %mul3A_270 : i32 to index
          %get3A_277 = tpu.vector_load %arg26[%get3A_276] {strides = array<i32>} : memref<1024xf32, #tpu.memory_space<vmem>>, vector<16xf32>,
          %get3A_278 = vector.shape_cast %get3A_277 : vector<16xf32> to vector<16xf32>
          %add3A_279 = arith.addf %get3A_275, %get3A_278 : vector<16xf32>
          %mul3A_280 = arith.mulf %get3A_272, %add3A_279 : vector<16xf32>
          %swap3A = arith.index_cast %mul3A_270 : i32 to index
          %swap3A_281 = tpu.vector_load %arg27[%swap3A] {strides = array<i32>} : memref<1024xf32, #tpu.memory_space<vmem>>, vector<16xf32>,
          %swap3A_282 = vector.shape_cast %swap3A_281 : vector<16xf32> to vector<16xf32>
          %swap3A_283 = vector.shape_cast %mul3A_280 : vector<16xf32> to vector<16xf32>
          tpu.vector_store %arg27[%swap3A], %swap3A_283 {strides = array<i32>} : memref<1024xf32, #tpu.memory_space<vmem>>, vector<16xf32>,
          %get3A_284 = arith.index_cast %mul3A_270 : i32 to index
          %get3A_285 = tpu.vector_load %arg28[%get3A_284] {strides = array<i32>} : memref<1024xi32, #tpu.memory_space<vmem>>, vector<16xi32>,
          %get3A_286 = vector.shape_cast %get3A_285 : vector<16xi32> to vector<16xi32>
          %div3A = arith.constant 5 : i32
          %div3A_287 = vector.broadcast %div3A : i32 to vector<16xi32>
          %div3A_288 = arith.divsi %get3A_286, %div3A_287 : vector<16xi32>
          %mul3A_289 = arith.constant 5 : i32
          %mul3A_290 = vector.broadcast %mul3A_289 : i32 to vector<16xi32>
          %mul3A_291 = arith.muli %div3A_288, %mul3A_290 : vector<16xi32>
          %sub3A = arith.subi %get3A_286, %mul3A_291 : vector<16xi32>
          %lt3A_292 = arith.constant 150 : i32
          %lt3A_293 = vector.broadcast %lt3A_292 : i32 to vector<16xi32>
          %lt3A_294 = arith.cmpi slt, %get3A_286, %lt3A_293 : vector<16xi32>
          %mul3A_295 = arith.constant 32 : i32
          %mul3A_296 = vector.broadcast %mul3A_295 : i32 to vector<16xi32>
          %mul3A_297 = arith.muli %sub3A, %mul3A_296 : vector<16xi32>
          %add3A_298 = arith.addi %mul3A_297, %div3A_288 : vector<16xi32>
          %jit3A = arith.constant 158 : i32
          %broadcast_in_dim3A = vector.broadcast %jit3A : i32 to vector<16xi32>
          %select_n3A = arith.select %lt3A_294, %add3A_298, %broadcast_in_dim3A : vector<16xi1>, vector<16xi32>
          %swap3A_299 = arith.index_cast %mul3A_270 : i32 to index
          %swap3A_300 = tpu.vector_load %arg29[%swap3A_299] {strides = array<i32>} : memref<1024xi32, #tpu.memory_space<vmem>>, vector<16xi32>,
          %swap3A_301 = vector.shape_cast %swap3A_300 : vector<16xi32> to vector<16xi32>
          %swap3A_302 = vector.shape_cast %select_n3A : vector<16xi32> to vector<16xi32>
          tpu.vector_store %arg29[%swap3A_299], %swap3A_302 {strides = array<i32>} : memref<1024xi32, #tpu.memory_space<vmem>>, vector<16xi32>,
          %scan3A_303 = arith.constant 0 : i32
          scf.yield %scan3A_303 : i32
        }
        %scan3A_261 = arith.constant 64 : i32
        "tpu.region"() ({
          %run_scoped3A = tpu.sem_alloc : memref<!tpu.dma_semaphore, #tpu.memory_space<semaphore_mem>>
          %dma_start3A = tpu.memref_slice %arg14[%multiple_of3A_254] : memref<51200xi32, #tpu.memory_space<vmem_shared>> -> memref<1024xi32, #tpu.memory_space<vmem_shared>>
          %dma_start3A_267 = tpu.memref_slice %arg14[%multiple_of3A_254] : memref<51200xi32, #tpu.memory_space<vmem_shared>> -> memref<1024xi32, #tpu.memory_space<vmem_shared>>
          tpu.enqueue_dma source(%arg29 : memref<1024xi32, #tpu.memory_space<vmem>>) target(%dma_start3A_267 : memref<1024xi32, #tpu.memory_space<vmem_shared>>) target_semaphore(%run_scoped3A : memref<!tpu.dma_semaphore, #tpu.memory_space<semaphore_mem>>)
          %dma_wait3A = tpu.memref_slice %arg14[%multiple_of3A_254] : memref<51200xi32, #tpu.memory_space<vmem_shared>> -> memref<1024xi32, #tpu.memory_space<vmem_shared>>
          %dma_wait3A_268 = tpu.memref_slice %arg14[%multiple_of3A_254] : memref<51200xi32, #tpu.memory_space<vmem_shared>> -> memref<1024xi32, #tpu.memory_space<vmem_shared>>
          tpu.wait_dma2 semaphore(%run_scoped3A : memref<!tpu.dma_semaphore, #tpu.memory_space<semaphore_mem>>) src(%arg29 : memref<1024xi32, #tpu.memory_space<vmem>>) dst(%dma_wait3A_268 : memref<1024xi32, #tpu.memory_space<vmem_shared>>)
          tpu.yield
        }) : () -> ()
        %eq3A_262 = arith.constant 0 : i32
        %eq3A_263 = arith.cmpi eq, %arg0, %eq3A_262 : i32
        %convert_element_type3A_264 = arith.extui %eq3A_263 : i1 to i32
        %cond3A_265 = arith.constant 0 : i32
        %cond3A_266 = arith.cmpi ne, %convert_element_type3A_264, %cond3A_265 : i32
        scf.if %cond3A_266 {
          "tpu.region"() ({
            %run_scoped3A = tpu.sem_alloc : memref<!tpu.dma_semaphore, #tpu.memory_space<semaphore_mem>>
            %dma_start3A = tpu.memref_slice %arg6[%multiple_of3A_254] : memref<51200xf32, #tpu.memory_space<hbm>> -> memref<1024xf32, #tpu.memory_space<hbm>>
            %dma_start3A_267 = tpu.memref_slice %arg6[%multiple_of3A_254] : memref<51200xf32, #tpu.memory_space<hbm>> -> memref<1024xf32, #tpu.memory_space<hbm>>
            tpu.enqueue_dma source(%arg27 : memref<1024xf32, #tpu.memory_space<vmem>>) target(%dma_start3A_267 : memref<1024xf32, #tpu.memory_space<hbm>>) target_semaphore(%run_scoped3A : memref<!tpu.dma_semaphore, #tpu.memory_space<semaphore_mem>>)
            %dma_wait3A = tpu.memref_slice %arg6[%multiple_of3A_254] : memref<51200xf32, #tpu.memory_space<hbm>> -> memref<1024xf32, #tpu.memory_space<hbm>>
            %dma_wait3A_268 = tpu.memref_slice %arg6[%multiple_of3A_254] : memref<51200xf32, #tpu.memory_space<hbm>> -> memref<1024xf32, #tpu.memory_space<hbm>>
            tpu.wait_dma2 semaphore(%run_scoped3A : memref<!tpu.dma_semaphore, #tpu.memory_space<semaphore_mem>>) src(%arg27 : memref<1024xf32, #tpu.memory_space<vmem>>) dst(%dma_wait3A_268 : memref<1024xf32, #tpu.memory_space<hbm>>)
            tpu.yield
          }) : () -> ()
          "tpu.region"() ({
            %run_scoped3A = tpu.sem_alloc : memref<!tpu.dma_semaphore, #tpu.memory_space<semaphore_mem>>
            %dma_start3A = arith.constant 0 : i32
            %dma_start3A_267 = tpu.memref_slice %arg15[%dma_start3A] : memref<256xf32, #tpu.memory_space<vmem_shared>> -> memref<256xf32, #tpu.memory_space<vmem_shared>>
            tpu.enqueue_indirect_dma source(%arg19 : memref<1024xf32, #tpu.memory_space<vmem>>) target(%dma_start3A_267 : memref<256xf32, #tpu.memory_space<vmem_shared>>) offsets(%arg29 : memref<1024xi32, #tpu.memory_space<vmem>>) semaphore(%run_scoped3A : memref<!tpu.dma_semaphore, #tpu.memory_space<semaphore_mem>>) {add = true}
            %dma_wait3A = arith.constant 0 : i32
            %dma_wait3A_268 = tpu.memref_slice %arg15[%dma_wait3A] : memref<256xf32, #tpu.memory_space<vmem_shared>> -> memref<256xf32, #tpu.memory_space<vmem_shared>>
            tpu.wait_indirect_dma semaphore(%run_scoped3A : memref<!tpu.dma_semaphore, #tpu.memory_space<semaphore_mem>>) src(%arg19 : memref<1024xf32, #tpu.memory_space<vmem>>) dst(%dma_wait3A_268 : memref<256xf32, #tpu.memory_space<vmem_shared>>)
            tpu.yield
          }) : () -> ()
        } else {
        }
      } else {
      }
      %scan3A_251 = arith.constant 0 : i32
      scf.yield %scan3A_251 : i32
    }
    %scan3A_52 = arith.constant 4 : i32
    "tpu.trace_stop"() : () -> ()
    %barrier3A_53 = arith.constant 0 : index
    tpu.barrier barrier_id(%barrier3A_53)
    %eq3A_54 = arith.constant 0 : i32
    %eq3A_55 = arith.cmpi eq, %arg0, %eq3A_54 : i32
    %eq3A_56 = arith.constant 0 : i32
    %eq3A_57 = arith.cmpi eq, %arg1, %eq3A_56 : i32
    %and3A = arith.andi %eq3A_55, %eq3A_57 : i1
    %convert_element_type3A_58 = arith.extui %and3A : i1 to i32
    %cond3A_59 = arith.constant 0 : i32
    %cond3A_60 = arith.cmpi ne, %convert_element_type3A_58, %cond3A_59 : i32
    scf.if %cond3A_60 {
      "tpu.region"() ({
        %run_scoped3A = tpu.sem_alloc : memref<!tpu.dma_semaphore, #tpu.memory_space<semaphore_mem>>
        tpu.enqueue_dma source(%arg15 : memref<256xf32, #tpu.memory_space<vmem_shared>>) target(%arg7 : memref<256xf32, #tpu.memory_space<hbm>>) target_semaphore(%run_scoped3A : memref<!tpu.dma_semaphore, #tpu.memory_space<semaphore_mem>>)
        tpu.wait_dma2 semaphore(%run_scoped3A : memref<!tpu.dma_semaphore, #tpu.memory_space<semaphore_mem>>) src(%arg15 : memref<256xf32, #tpu.memory_space<vmem_shared>>) dst(%arg7 : memref<256xf32, #tpu.memory_space<hbm>>)
        tpu.yield
      }) : () -> ()
    } else {
    }
    %mul3A = arith.constant 4 : i32
    %mul3A_61 = arith.muli %arg0, %mul3A : i32
    %add3A = arith.constant 0 : i32
    %add3A_62 = arith.addi %mul3A_61, %add3A : i32
    %mul3A_63 = arith.constant 6400 : i32
    %mul3A_64 = arith.muli %add3A_62, %mul3A_63 : i32
    "tpu.trace_start"() <{level = 10 : i32, message = "P5_zero"}> : () -> ()
    %scan3A_65 = arith.constant 0 : i32
    %scan3A_66 = arith.constant 0 : i32
    %scan3A_67 = arith.constant 9 : i32
    %scan3A_68 = arith.addi %scan3A_66, %scan3A_67 : i32
    %scan3A_69 = arith.constant 1 : i32
    %scan3A_70 = scf.for %scan3A_242 = %scan3A_66 to %scan3A_68 step %scan3A_69 iter_args(%scan3A_243 = %scan3A_65) -> (i32)  : i32 {
      %mul3A_244 = arith.constant 16 : i32
      %mul3A_245 = arith.muli %mul3A_244, %scan3A_242 : i32
      %add3A_246 = arith.addi %arg1, %mul3A_245 : i32
      %lt3A = arith.constant 142 : i32
      %lt3A_247 = arith.cmpi slt, %add3A_246, %lt3A : i32
      %convert_element_type3A_248 = arith.extui %lt3A_247 : i1 to i32
      %cond3A_249 = arith.constant 0 : i32
      %cond3A_250 = arith.cmpi ne, %convert_element_type3A_248, %cond3A_249 : i32
      scf.if %cond3A_250 {
        %mul3A_252 = arith.constant 7168 : i32
        %mul3A_253 = arith.muli %add3A_246, %mul3A_252 : i32
        "tpu.region"() ({
          %run_scoped3A = tpu.sem_alloc : memref<!tpu.dma_semaphore, #tpu.memory_space<semaphore_mem>>
          %dma_start3A = tpu.memref_slice %arg16[%mul3A_253] : memref<1025024xf32, #tpu.memory_space<vmem_shared>> -> memref<7168xf32, #tpu.memory_space<vmem_shared>>
          %dma_start3A_254 = tpu.memref_slice %arg16[%mul3A_253] : memref<1025024xf32, #tpu.memory_space<vmem_shared>> -> memref<7168xf32, #tpu.memory_space<vmem_shared>>
          tpu.enqueue_dma source(%arg17 : memref<7168xf32, #tpu.memory_space<vmem>>) target(%dma_start3A_254 : memref<7168xf32, #tpu.memory_space<vmem_shared>>) target_semaphore(%run_scoped3A : memref<!tpu.dma_semaphore, #tpu.memory_space<semaphore_mem>>)
          %dma_wait3A = tpu.memref_slice %arg16[%mul3A_253] : memref<1025024xf32, #tpu.memory_space<vmem_shared>> -> memref<7168xf32, #tpu.memory_space<vmem_shared>>
          %dma_wait3A_255 = tpu.memref_slice %arg16[%mul3A_253] : memref<1025024xf32, #tpu.memory_space<vmem_shared>> -> memref<7168xf32, #tpu.memory_space<vmem_shared>>
          tpu.wait_dma2 semaphore(%run_scoped3A : memref<!tpu.dma_semaphore, #tpu.memory_space<semaphore_mem>>) src(%arg17 : memref<7168xf32, #tpu.memory_space<vmem>>) dst(%dma_wait3A_255 : memref<7168xf32, #tpu.memory_space<vmem_shared>>)
          tpu.yield
        }) : () -> ()
      } else {
      }
      %scan3A_251 = arith.constant 0 : i32
      scf.yield %scan3A_251 : i32
    }
    %scan3A_71 = arith.constant 9 : i32
    %eq3A_72 = arith.constant 0 : i32
    %eq3A_73 = arith.cmpi eq, %arg1, %eq3A_72 : i32
    %convert_element_type3A_74 = arith.extui %eq3A_73 : i1 to i32
    %cond3A_75 = arith.constant 0 : i32
    %cond3A_76 = arith.cmpi ne, %convert_element_type3A_74, %cond3A_75 : i32
    scf.if %cond3A_76 {
      "tpu.region"() ({
        %run_scoped3A = tpu.sem_alloc : memref<!tpu.dma_semaphore, #tpu.memory_space<semaphore_mem>>
        %dma_start3A = arith.constant 0 : i32
        %dma_start3A_242 = tpu.memref_slice %arg17[%dma_start3A] : memref<7168xf32, #tpu.memory_space<vmem>> -> memref<6144xf32, #tpu.memory_space<vmem>>
        %dma_start3A_243 = arith.constant 1017856 : i32
        %dma_start3A_244 = tpu.memref_slice %arg16[%dma_start3A_243] : memref<1025024xf32, #tpu.memory_space<vmem_shared>> -> memref<6144xf32, #tpu.memory_space<vmem_shared>>
        %dma_start3A_245 = arith.constant 1017856 : i32
        %dma_start3A_246 = tpu.memref_slice %arg16[%dma_start3A_245] : memref<1025024xf32, #tpu.memory_space<vmem_shared>> -> memref<6144xf32, #tpu.memory_space<vmem_shared>>
        %dma_start3A_247 = arith.constant 0 : i32
        %dma_start3A_248 = tpu.memref_slice %arg17[%dma_start3A_247] : memref<7168xf32, #tpu.memory_space<vmem>> -> memref<6144xf32, #tpu.memory_space<vmem>>
        tpu.enqueue_dma source(%dma_start3A_248 : memref<6144xf32, #tpu.memory_space<vmem>>) target(%dma_start3A_246 : memref<6144xf32, #tpu.memory_space<vmem_shared>>) target_semaphore(%run_scoped3A : memref<!tpu.dma_semaphore, #tpu.memory_space<semaphore_mem>>)
        %dma_wait3A = arith.constant 0 : i32
        %dma_wait3A_249 = tpu.memref_slice %arg17[%dma_wait3A] : memref<7168xf32, #tpu.memory_space<vmem>> -> memref<6144xf32, #tpu.memory_space<vmem>>
        %dma_wait3A_250 = arith.constant 1017856 : i32
        %dma_wait3A_251 = tpu.memref_slice %arg16[%dma_wait3A_250] : memref<1025024xf32, #tpu.memory_space<vmem_shared>> -> memref<6144xf32, #tpu.memory_space<vmem_shared>>
        %dma_wait3A_252 = arith.constant 1017856 : i32
        %dma_wait3A_253 = tpu.memref_slice %arg16[%dma_wait3A_252] : memref<1025024xf32, #tpu.memory_space<vmem_shared>> -> memref<6144xf32, #tpu.memory_space<vmem_shared>>
        %dma_wait3A_254 = arith.constant 0 : i32
        %dma_wait3A_255 = tpu.memref_slice %arg17[%dma_wait3A_254] : memref<7168xf32, #tpu.memory_space<vmem>> -> memref<6144xf32, #tpu.memory_space<vmem>>
        tpu.wait_dma2 semaphore(%run_scoped3A : memref<!tpu.dma_semaphore, #tpu.memory_space<semaphore_mem>>) src(%dma_wait3A_255 : memref<6144xf32, #tpu.memory_space<vmem>>) dst(%dma_wait3A_253 : memref<6144xf32, #tpu.memory_space<vmem_shared>>)
        tpu.yield
      }) : () -> ()
    } else {
    }
    "tpu.trace_stop"() : () -> ()
    %barrier3A_77 = arith.constant 0 : index
    tpu.barrier barrier_id(%barrier3A_77)
    "tpu.trace_start"() <{level = 10 : i32, message = "P5_scatter"}> : () -> ()
    %scan3A_78 = arith.constant 0 : i32
    %scan3A_79 = arith.constant 0 : i32
    %scan3A_80 = arith.constant 7 : i32
    %scan3A_81 = arith.addi %scan3A_79, %scan3A_80 : i32
    %scan3A_82 = arith.constant 1 : i32
    %scan3A_83 = scf.for %scan3A_242 = %scan3A_79 to %scan3A_81 step %scan3A_82 iter_args(%scan3A_243 = %scan3A_78) -> (i32)  : i32 {
      %mul3A_244 = arith.constant 7 : i32
      %mul3A_245 = arith.muli %arg1, %mul3A_244 : i32
      %add3A_246 = arith.addi %mul3A_245, %scan3A_242 : i32
      %mul3A_247 = arith.constant 7168 : i32
      %mul3A_248 = arith.muli %add3A_246, %mul3A_247 : i32
      %multiple_of3A_249 = tpu.assume_multiple %mul3A_248, 7168 : i32
      "tpu.region"() ({
        %run_scoped3A = tpu.sem_alloc : memref<!tpu.dma_semaphore, #tpu.memory_space<semaphore_mem>>
        %dma_start3A = tpu.memref_slice %arg3[%multiple_of3A_249] : memref<802816xi32, #tpu.memory_space<hbm>> -> memref<7168xi32, #tpu.memory_space<hbm>>
        %dma_start3A_258 = tpu.memref_slice %arg3[%multiple_of3A_249] : memref<802816xi32, #tpu.memory_space<hbm>> -> memref<7168xi32, #tpu.memory_space<hbm>>
        tpu.enqueue_dma source(%dma_start3A_258 : memref<7168xi32, #tpu.memory_space<hbm>>) target(%arg20 : memref<7168xi32, #tpu.memory_space<vmem>>) target_semaphore(%run_scoped3A : memref<!tpu.dma_semaphore, #tpu.memory_space<semaphore_mem>>)
        %dma_wait3A = tpu.memref_slice %arg3[%multiple_of3A_249] : memref<802816xi32, #tpu.memory_space<hbm>> -> memref<7168xi32, #tpu.memory_space<hbm>>
        %dma_wait3A_259 = tpu.memref_slice %arg3[%multiple_of3A_249] : memref<802816xi32, #tpu.memory_space<hbm>> -> memref<7168xi32, #tpu.memory_space<hbm>>
        tpu.wait_dma2 semaphore(%run_scoped3A : memref<!tpu.dma_semaphore, #tpu.memory_space<semaphore_mem>>) src(%dma_wait3A_259 : memref<7168xi32, #tpu.memory_space<hbm>>) dst(%arg20 : memref<7168xi32, #tpu.memory_space<vmem>>)
        tpu.yield
      }) : () -> ()
      "tpu.region"() ({
        %run_scoped3A = tpu.sem_alloc : memref<!tpu.dma_semaphore, #tpu.memory_space<semaphore_mem>>
        %dma_start3A = tpu.memref_slice %arg9[%multiple_of3A_249] : memref<802816xf32, #tpu.memory_space<hbm>> -> memref<7168xf32, #tpu.memory_space<hbm>>
        %dma_start3A_258 = tpu.memref_slice %arg9[%multiple_of3A_249] : memref<802816xf32, #tpu.memory_space<hbm>> -> memref<7168xf32, #tpu.memory_space<hbm>>
        tpu.enqueue_dma source(%dma_start3A_258 : memref<7168xf32, #tpu.memory_space<hbm>>) target(%arg23 : memref<7168xf32, #tpu.memory_space<vmem>>) target_semaphore(%run_scoped3A : memref<!tpu.dma_semaphore, #tpu.memory_space<semaphore_mem>>)
        %dma_wait3A = tpu.memref_slice %arg9[%multiple_of3A_249] : memref<802816xf32, #tpu.memory_space<hbm>> -> memref<7168xf32, #tpu.memory_space<hbm>>
        %dma_wait3A_259 = tpu.memref_slice %arg9[%multiple_of3A_249] : memref<802816xf32, #tpu.memory_space<hbm>> -> memref<7168xf32, #tpu.memory_space<hbm>>
        tpu.wait_dma2 semaphore(%run_scoped3A : memref<!tpu.dma_semaphore, #tpu.memory_space<semaphore_mem>>) src(%dma_wait3A_259 : memref<7168xf32, #tpu.memory_space<hbm>>) dst(%arg23 : memref<7168xf32, #tpu.memory_space<vmem>>)
        tpu.yield
      }) : () -> ()
      "tpu.region"() ({
        %run_scoped3A = tpu.sem_alloc : memref<!tpu.dma_semaphore, #tpu.memory_space<semaphore_mem>>
        %dma_start3A = tpu.memref_slice %arg10[%multiple_of3A_249] : memref<802816xi32, #tpu.memory_space<hbm>> -> memref<7168xi32, #tpu.memory_space<hbm>>
        %dma_start3A_258 = tpu.memref_slice %arg10[%multiple_of3A_249] : memref<802816xi32, #tpu.memory_space<hbm>> -> memref<7168xi32, #tpu.memory_space<hbm>>
        tpu.enqueue_dma source(%dma_start3A_258 : memref<7168xi32, #tpu.memory_space<hbm>>) target(%arg22 : memref<7168xi32, #tpu.memory_space<vmem>>) target_semaphore(%run_scoped3A : memref<!tpu.dma_semaphore, #tpu.memory_space<semaphore_mem>>)
        %dma_wait3A = tpu.memref_slice %arg10[%multiple_of3A_249] : memref<802816xi32, #tpu.memory_space<hbm>> -> memref<7168xi32, #tpu.memory_space<hbm>>
        %dma_wait3A_259 = tpu.memref_slice %arg10[%multiple_of3A_249] : memref<802816xi32, #tpu.memory_space<hbm>> -> memref<7168xi32, #tpu.memory_space<hbm>>
        tpu.wait_dma2 semaphore(%run_scoped3A : memref<!tpu.dma_semaphore, #tpu.memory_space<semaphore_mem>>) src(%dma_wait3A_259 : memref<7168xi32, #tpu.memory_space<hbm>>) dst(%arg22 : memref<7168xi32, #tpu.memory_space<vmem>>)
        tpu.yield
      }) : () -> ()
      %scan3A_250 = arith.constant 0 : i32
      %scan3A_251 = arith.constant 0 : i32
      %scan3A_252 = arith.constant 448 : i32
      %scan3A_253 = arith.addi %scan3A_251, %scan3A_252 : i32
      %scan3A_254 = arith.constant 1 : i32
      %scan3A_255 = scf.for %scan3A_258 = %scan3A_251 to %scan3A_253 step %scan3A_254 iter_args(%scan3A_259 = %scan3A_250) -> (i32)  : i32 {
        %mul3A_260 = arith.constant 16 : i32
        %mul3A_261 = arith.muli %scan3A_258, %mul3A_260 : i32
        %get3A = arith.index_cast %mul3A_261 : i32 to index
        %get3A_262 = tpu.vector_load %arg20[%get3A] {strides = array<i32>} : memref<7168xi32, #tpu.memory_space<vmem>>, vector<16xi32>,
        %get3A_263 = vector.shape_cast %get3A_262 : vector<16xi32> to vector<16xi32>
        %sub3A = vector.broadcast %mul3A_64 : i32 to vector<16xi32>
        %sub3A_264 = arith.subi %get3A_263, %sub3A : vector<16xi32>
        %ge3A = vector.broadcast %mul3A_64 : i32 to vector<16xi32>
        %ge3A_265 = arith.cmpi sge, %get3A_263, %ge3A : vector<16xi32>
        %lt3A = arith.constant 6400 : i32
        %lt3A_266 = vector.broadcast %lt3A : i32 to vector<16xi32>
        %lt3A_267 = arith.cmpi slt, %sub3A_264, %lt3A_266 : vector<16xi32>
        %and3A_268 = arith.andi %ge3A_265, %lt3A_267 : vector<16xi1>
        %mul3A_269 = arith.constant 16 : i32
        %mul3A_270 = arith.muli %scan3A_258, %mul3A_269 : i32
        %jit3A = arith.constant 1024 : i32
        %eq3A_271 = arith.constant 0 : i32
        %eq3A_272 = arith.cmpi eq, %jit3A, %eq3A_271 : i32
        %jit3A_273 = arith.constant 1 : i32
        %select_n3A = arith.select %eq3A_272, %jit3A_273, %jit3A : i32
        %rem3A = arith.remsi %mul3A_270, %select_n3A : i32
        %ne3A = arith.constant 0 : i32
        %ne3A_274 = arith.cmpi ne, %rem3A, %ne3A : i32
        %lt3A_275 = arith.constant 0 : i32
        %lt3A_276 = arith.cmpi slt, %rem3A, %lt3A_275 : i32
        %lt3A_277 = arith.constant 0 : i32
        %lt3A_278 = arith.cmpi slt, %select_n3A, %lt3A_277 : i32
        %ne3A_279 = arith.xori %lt3A_276, %lt3A_278 : i1
        %and3A_280 = arith.andi %ne3A_279, %ne3A_274 : i1
        %add3A_281 = arith.addi %rem3A, %select_n3A : i32
        %select_n3A_282 = arith.select %and3A_280, %add3A_281, %rem3A : i32
        %add3A_283 = arith.constant 1024000 : i32
        %add3A_284 = arith.addi %add3A_283, %select_n3A_282 : i32
        %iota3A = tpu.iota {dimensions = array<i32: 0>} : vector<16xi32>
        %add3A_285 = vector.broadcast %add3A_284 : i32 to vector<16xi32>
        %add3A_286 = arith.addi %add3A_285, %iota3A : vector<16xi32>
        %mul3A_287 = arith.constant 160 : i32
        %mul3A_288 = vector.broadcast %mul3A_287 : i32 to vector<16xi32>
        %mul3A_289 = arith.muli %sub3A_264, %mul3A_288 : vector<16xi32>
        %get3A_290 = arith.index_cast %mul3A_261 : i32 to index
        %get3A_291 = tpu.vector_load %arg22[%get3A_290] {strides = array<i32>} : memref<7168xi32, #tpu.memory_space<vmem>>, vector<16xi32>,
        %get3A_292 = vector.shape_cast %get3A_291 : vector<16xi32> to vector<16xi32>
        %add3A_293 = arith.addi %mul3A_289, %get3A_292 : vector<16xi32>
        %select_n3A_294 = arith.select %and3A_268, %add3A_293, %add3A_286 : vector<16xi1>, vector<16xi32>
        %swap3A = arith.index_cast %mul3A_261 : i32 to index
        %swap3A_295 = tpu.vector_load %arg21[%swap3A] {strides = array<i32>} : memref<7168xi32, #tpu.memory_space<vmem>>, vector<16xi32>,
        %swap3A_296 = vector.shape_cast %swap3A_295 : vector<16xi32> to vector<16xi32>
        %swap3A_297 = vector.shape_cast %select_n3A_294 : vector<16xi32> to vector<16xi32>
        tpu.vector_store %arg21[%swap3A], %swap3A_297 {strides = array<i32>} : memref<7168xi32, #tpu.memory_space<vmem>>, vector<16xi32>,
        %scan3A_298 = arith.constant 0 : i32
        scf.yield %scan3A_298 : i32
      }
      %scan3A_256 = arith.constant 448 : i32
      "tpu.region"() ({
        %run_scoped3A = tpu.sem_alloc : memref<!tpu.dma_semaphore, #tpu.memory_space<semaphore_mem>>
        %dma_start3A = arith.constant 0 : i32
        %dma_start3A_258 = tpu.memref_slice %arg16[%dma_start3A] : memref<1025024xf32, #tpu.memory_space<vmem_shared>> -> memref<1025024xf32, #tpu.memory_space<vmem_shared>>
        tpu.enqueue_indirect_dma source(%arg23 : memref<7168xf32, #tpu.memory_space<vmem>>) target(%dma_start3A_258 : memref<1025024xf32, #tpu.memory_space<vmem_shared>>) offsets(%arg21 : memref<7168xi32, #tpu.memory_space<vmem>>) semaphore(%run_scoped3A : memref<!tpu.dma_semaphore, #tpu.memory_space<semaphore_mem>>) {add = true}
        %dma_wait3A = arith.constant 0 : i32
        %dma_wait3A_259 = tpu.memref_slice %arg16[%dma_wait3A] : memref<1025024xf32, #tpu.memory_space<vmem_shared>> -> memref<1025024xf32, #tpu.memory_space<vmem_shared>>
        tpu.wait_indirect_dma semaphore(%run_scoped3A : memref<!tpu.dma_semaphore, #tpu.memory_space<semaphore_mem>>) src(%arg23 : memref<7168xf32, #tpu.memory_space<vmem>>) dst(%dma_wait3A_259 : memref<1025024xf32, #tpu.memory_space<vmem_shared>>)
        tpu.yield
      }) : () -> ()
      %scan3A_257 = arith.constant 0 : i32
      scf.yield %scan3A_257 : i32
    }
    %scan3A_84 = arith.constant 7 : i32
    "tpu.trace_stop"() : () -> ()
    %mul3A_85 = arith.constant 400 : i32
    %mul3A_86 = arith.muli %arg1, %mul3A_85 : i32
    %add3A_87 = arith.addi %mul3A_64, %mul3A_86 : i32
    %multiple_of3A = tpu.assume_multiple %add3A_87, 8 : i32
    "tpu.region"() ({
      %run_scoped3A = tpu.sem_alloc : memref<!tpu.dma_semaphore, #tpu.memory_space<semaphore_mem>>
      %dma_start3A = tpu.memref_slice %arg13[%multiple_of3A] : memref<51200xf32, #tpu.memory_space<vmem_shared>> -> memref<400xf32, #tpu.memory_space<vmem_shared>>
      %dma_start3A_242 = tpu.memref_slice %arg13[%multiple_of3A] : memref<51200xf32, #tpu.memory_space<vmem_shared>> -> memref<400xf32, #tpu.memory_space<vmem_shared>>
      tpu.enqueue_dma source(%dma_start3A_242 : memref<400xf32, #tpu.memory_space<vmem_shared>>) target(%arg31 : memref<400xf32, #tpu.memory_space<vmem>>) target_semaphore(%run_scoped3A : memref<!tpu.dma_semaphore, #tpu.memory_space<semaphore_mem>>)
      %dma_wait3A = tpu.memref_slice %arg13[%multiple_of3A] : memref<51200xf32, #tpu.memory_space<vmem_shared>> -> memref<400xf32, #tpu.memory_space<vmem_shared>>
      %dma_wait3A_243 = tpu.memref_slice %arg13[%multiple_of3A] : memref<51200xf32, #tpu.memory_space<vmem_shared>> -> memref<400xf32, #tpu.memory_space<vmem_shared>>
      tpu.wait_dma2 semaphore(%run_scoped3A : memref<!tpu.dma_semaphore, #tpu.memory_space<semaphore_mem>>) src(%dma_wait3A_243 : memref<400xf32, #tpu.memory_space<vmem_shared>>) dst(%arg31 : memref<400xf32, #tpu.memory_space<vmem>>)
      tpu.yield
    }) : () -> ()
    "tpu.region"() ({
      %run_scoped3A = tpu.sem_alloc : memref<!tpu.dma_semaphore, #tpu.memory_space<semaphore_mem>>
      %dma_start3A = tpu.memref_slice %arg14[%multiple_of3A] : memref<51200xi32, #tpu.memory_space<vmem_shared>> -> memref<400xi32, #tpu.memory_space<vmem_shared>>
      %dma_start3A_242 = tpu.memref_slice %arg14[%multiple_of3A] : memref<51200xi32, #tpu.memory_space<vmem_shared>> -> memref<400xi32, #tpu.memory_space<vmem_shared>>
      tpu.enqueue_dma source(%dma_start3A_242 : memref<400xi32, #tpu.memory_space<vmem_shared>>) target(%arg30 : memref<400xi32, #tpu.memory_space<vmem>>) target_semaphore(%run_scoped3A : memref<!tpu.dma_semaphore, #tpu.memory_space<semaphore_mem>>)
      %dma_wait3A = tpu.memref_slice %arg14[%multiple_of3A] : memref<51200xi32, #tpu.memory_space<vmem_shared>> -> memref<400xi32, #tpu.memory_space<vmem_shared>>
      %dma_wait3A_243 = tpu.memref_slice %arg14[%multiple_of3A] : memref<51200xi32, #tpu.memory_space<vmem_shared>> -> memref<400xi32, #tpu.memory_space<vmem_shared>>
      tpu.wait_dma2 semaphore(%run_scoped3A : memref<!tpu.dma_semaphore, #tpu.memory_space<semaphore_mem>>) src(%dma_wait3A_243 : memref<400xi32, #tpu.memory_space<vmem_shared>>) dst(%arg30 : memref<400xi32, #tpu.memory_space<vmem>>)
      tpu.yield
    }) : () -> ()
    %scan3A_88 = arith.constant 0 : i32
    %scan3A_89 = arith.constant 0 : i32
    %scan3A_90 = arith.constant 25 : i32
    %scan3A_91 = arith.addi %scan3A_89, %scan3A_90 : i32
    %scan3A_92 = arith.constant 1 : i32
    %scan3A_93 = scf.for %scan3A_242 = %scan3A_89 to %scan3A_91 step %scan3A_92 iter_args(%scan3A_243 = %scan3A_88) -> (i32)  : i32 {
      %mul3A_244 = arith.constant 16 : i32
      %mul3A_245 = arith.muli %scan3A_242, %mul3A_244 : i32
      %get3A = arith.index_cast %mul3A_245 : i32 to index
      %get3A_246 = tpu.vector_load %arg31[%get3A] {strides = array<i32>} : memref<400xf32, #tpu.memory_space<vmem>>, vector<16xf32>,
      %get3A_247 = vector.shape_cast %get3A_246 : vector<16xf32> to vector<16xf32>
      %get3A_248 = arith.index_cast %mul3A_245 : i32 to index
      %get3A_249 = tpu.vector_load %arg31[%get3A_248] {strides = array<i32>} : memref<400xf32, #tpu.memory_space<vmem>>, vector<16xf32>,
      %get3A_250 = vector.shape_cast %get3A_249 : vector<16xf32> to vector<16xf32>
      %mul3A_251 = arith.mulf %get3A_247, %get3A_250 : vector<16xf32>
      %swap3A = arith.index_cast %mul3A_245 : i32 to index
      %swap3A_252 = tpu.vector_load %arg31[%swap3A] {strides = array<i32>} : memref<400xf32, #tpu.memory_space<vmem>>, vector<16xf32>,
      %swap3A_253 = vector.shape_cast %swap3A_252 : vector<16xf32> to vector<16xf32>
      %swap3A_254 = vector.shape_cast %mul3A_251 : vector<16xf32> to vector<16xf32>
      tpu.vector_store %arg31[%swap3A], %swap3A_254 {strides = array<i32>} : memref<400xf32, #tpu.memory_space<vmem>>, vector<16xf32>,
      %mul3A_255 = arith.constant 400 : i32
      %mul3A_256 = arith.muli %arg1, %mul3A_255 : i32
      %mul3A_257 = arith.constant 16 : i32
      %mul3A_258 = arith.muli %scan3A_242, %mul3A_257 : i32
      %add3A_259 = arith.addi %mul3A_256, %mul3A_258 : i32
      %iota3A = tpu.iota {dimensions = array<i32: 0>} : vector<16xi32>
      %add3A_260 = vector.broadcast %add3A_259 : i32 to vector<16xi32>
      %add3A_261 = arith.addi %add3A_260, %iota3A : vector<16xi32>
      %mul3A_262 = arith.constant 160 : i32
      %mul3A_263 = vector.broadcast %mul3A_262 : i32 to vector<16xi32>
      %mul3A_264 = arith.muli %add3A_261, %mul3A_263 : vector<16xi32>
      %get3A_265 = arith.index_cast %mul3A_245 : i32 to index
      %get3A_266 = tpu.vector_load %arg30[%get3A_265] {strides = array<i32>} : memref<400xi32, #tpu.memory_space<vmem>>, vector<16xi32>,
      %get3A_267 = vector.shape_cast %get3A_266 : vector<16xi32> to vector<16xi32>
      %add3A_268 = arith.addi %mul3A_264, %get3A_267 : vector<16xi32>
      %swap3A_269 = arith.index_cast %mul3A_245 : i32 to index
      %swap3A_270 = tpu.vector_load %arg30[%swap3A_269] {strides = array<i32>} : memref<400xi32, #tpu.memory_space<vmem>>, vector<16xi32>,
      %swap3A_271 = vector.shape_cast %swap3A_270 : vector<16xi32> to vector<16xi32>
      %swap3A_272 = vector.shape_cast %add3A_268 : vector<16xi32> to vector<16xi32>
      tpu.vector_store %arg30[%swap3A_269], %swap3A_272 {strides = array<i32>} : memref<400xi32, #tpu.memory_space<vmem>>, vector<16xi32>,
      %scan3A_273 = arith.constant 0 : i32
      scf.yield %scan3A_273 : i32
    }
    %scan3A_94 = arith.constant 25 : i32
    "tpu.region"() ({
      %run_scoped3A = tpu.sem_alloc : memref<!tpu.dma_semaphore, #tpu.memory_space<semaphore_mem>>
      %dma_start3A = arith.constant 0 : i32
      %dma_start3A_242 = tpu.memref_slice %arg16[%dma_start3A] : memref<1025024xf32, #tpu.memory_space<vmem_shared>> -> memref<1025024xf32, #tpu.memory_space<vmem_shared>>
      tpu.enqueue_indirect_dma source(%arg31 : memref<400xf32, #tpu.memory_space<vmem>>) target(%dma_start3A_242 : memref<1025024xf32, #tpu.memory_space<vmem_shared>>) offsets(%arg30 : memref<400xi32, #tpu.memory_space<vmem>>) semaphore(%run_scoped3A : memref<!tpu.dma_semaphore, #tpu.memory_space<semaphore_mem>>) {add = true}
      %dma_wait3A = arith.constant 0 : i32
      %dma_wait3A_243 = tpu.memref_slice %arg16[%dma_wait3A] : memref<1025024xf32, #tpu.memory_space<vmem_shared>> -> memref<1025024xf32, #tpu.memory_space<vmem_shared>>
      tpu.wait_indirect_dma semaphore(%run_scoped3A : memref<!tpu.dma_semaphore, #tpu.memory_space<semaphore_mem>>) src(%arg31 : memref<400xf32, #tpu.memory_space<vmem>>) dst(%dma_wait3A_243 : memref<1025024xf32, #tpu.memory_space<vmem_shared>>)
      tpu.yield
    }) : () -> ()
    %barrier3A_95 = arith.constant 0 : index
    tpu.barrier barrier_id(%barrier3A_95)
    "tpu.trace_start"() <{level = 10 : i32, message = "P5_flush"}> : () -> ()
    %mul3A_96 = arith.constant 64000 : i32
    %mul3A_97 = arith.muli %arg1, %mul3A_96 : i32
    %mul3A_98 = arith.constant 1024000 : i32
    %mul3A_99 = arith.muli %add3A_62, %mul3A_98 : i32
    %mul3A_100 = arith.constant 64000 : i32
    %mul3A_101 = arith.muli %arg1, %mul3A_100 : i32
    %add3A_102 = arith.addi %mul3A_99, %mul3A_101 : i32
    "tpu.region"() ({
      %run_scoped3A = tpu.sem_alloc : memref<!tpu.dma_semaphore, #tpu.memory_space<semaphore_mem>>
      %dma_start3A = tpu.memref_slice %arg8[%add3A_102] : memref<8192000xf32, #tpu.memory_space<hbm>> -> memref<64000xf32, #tpu.memory_space<hbm>>
      %dma_start3A_242 = tpu.memref_slice %arg16[%mul3A_97] : memref<1025024xf32, #tpu.memory_space<vmem_shared>> -> memref<64000xf32, #tpu.memory_space<vmem_shared>>
      tpu.enqueue_dma source(%dma_start3A_242 : memref<64000xf32, #tpu.memory_space<vmem_shared>>) target(%dma_start3A : memref<64000xf32, #tpu.memory_space<hbm>>) target_semaphore(%run_scoped3A : memref<!tpu.dma_semaphore, #tpu.memory_space<semaphore_mem>>)
      %dma_wait3A = tpu.memref_slice %arg8[%add3A_102] : memref<8192000xf32, #tpu.memory_space<hbm>> -> memref<64000xf32, #tpu.memory_space<hbm>>
      %dma_wait3A_243 = tpu.memref_slice %arg16[%mul3A_97] : memref<1025024xf32, #tpu.memory_space<vmem_shared>> -> memref<64000xf32, #tpu.memory_space<vmem_shared>>
      tpu.wait_dma2 semaphore(%run_scoped3A : memref<!tpu.dma_semaphore, #tpu.memory_space<semaphore_mem>>) src(%dma_wait3A_243 : memref<64000xf32, #tpu.memory_space<vmem_shared>>) dst(%dma_wait3A : memref<64000xf32, #tpu.memory_space<hbm>>)
      tpu.yield
    }) : () -> ()
    "tpu.trace_stop"() : () -> ()
    %barrier3A_103 = arith.constant 0 : index
    tpu.barrier barrier_id(%barrier3A_103)
    %mul3A_104 = arith.constant 4 : i32
    %mul3A_105 = arith.muli %arg0, %mul3A_104 : i32
    %add3A_106 = arith.constant 1 : i32
    %add3A_107 = arith.addi %mul3A_105, %add3A_106 : i32
    %mul3A_108 = arith.constant 6400 : i32
    %mul3A_109 = arith.muli %add3A_107, %mul3A_108 : i32
    "tpu.trace_start"() <{level = 10 : i32, message = "P5_zero"}> : () -> ()
    %scan3A_110 = arith.constant 0 : i32
    %scan3A_111 = arith.constant 0 : i32
    %scan3A_112 = arith.constant 9 : i32
    %scan3A_113 = arith.addi %scan3A_111, %scan3A_112 : i32
    %scan3A_114 = arith.constant 1 : i32
    %scan3A_115 = scf.for %scan3A_242 = %scan3A_111 to %scan3A_113 step %scan3A_114 iter_args(%scan3A_243 = %scan3A_110) -> (i32)  : i32 {
      %mul3A_244 = arith.constant 16 : i32
      %mul3A_245 = arith.muli %mul3A_244, %scan3A_242 : i32
      %add3A_246 = arith.addi %arg1, %mul3A_245 : i32
      %lt3A = arith.constant 142 : i32
      %lt3A_247 = arith.cmpi slt, %add3A_246, %lt3A : i32
      %convert_element_type3A_248 = arith.extui %lt3A_247 : i1 to i32
      %cond3A_249 = arith.constant 0 : i32
      %cond3A_250 = arith.cmpi ne, %convert_element_type3A_248, %cond3A_249 : i32
      scf.if %cond3A_250 {
        %mul3A_252 = arith.constant 7168 : i32
        %mul3A_253 = arith.muli %add3A_246, %mul3A_252 : i32
        "tpu.region"() ({
          %run_scoped3A = tpu.sem_alloc : memref<!tpu.dma_semaphore, #tpu.memory_space<semaphore_mem>>
          %dma_start3A = tpu.memref_slice %arg16[%mul3A_253] : memref<1025024xf32, #tpu.memory_space<vmem_shared>> -> memref<7168xf32, #tpu.memory_space<vmem_shared>>
          %dma_start3A_254 = tpu.memref_slice %arg16[%mul3A_253] : memref<1025024xf32, #tpu.memory_space<vmem_shared>> -> memref<7168xf32, #tpu.memory_space<vmem_shared>>
          tpu.enqueue_dma source(%arg17 : memref<7168xf32, #tpu.memory_space<vmem>>) target(%dma_start3A_254 : memref<7168xf32, #tpu.memory_space<vmem_shared>>) target_semaphore(%run_scoped3A : memref<!tpu.dma_semaphore, #tpu.memory_space<semaphore_mem>>)
          %dma_wait3A = tpu.memref_slice %arg16[%mul3A_253] : memref<1025024xf32, #tpu.memory_space<vmem_shared>> -> memref<7168xf32, #tpu.memory_space<vmem_shared>>
          %dma_wait3A_255 = tpu.memref_slice %arg16[%mul3A_253] : memref<1025024xf32, #tpu.memory_space<vmem_shared>> -> memref<7168xf32, #tpu.memory_space<vmem_shared>>
          tpu.wait_dma2 semaphore(%run_scoped3A : memref<!tpu.dma_semaphore, #tpu.memory_space<semaphore_mem>>) src(%arg17 : memref<7168xf32, #tpu.memory_space<vmem>>) dst(%dma_wait3A_255 : memref<7168xf32, #tpu.memory_space<vmem_shared>>)
          tpu.yield
        }) : () -> ()
      } else {
      }
      %scan3A_251 = arith.constant 0 : i32
      scf.yield %scan3A_251 : i32
    }
    %scan3A_116 = arith.constant 9 : i32
    %eq3A_117 = arith.constant 0 : i32
    %eq3A_118 = arith.cmpi eq, %arg1, %eq3A_117 : i32
    %convert_element_type3A_119 = arith.extui %eq3A_118 : i1 to i32
    %cond3A_120 = arith.constant 0 : i32
    %cond3A_121 = arith.cmpi ne, %convert_element_type3A_119, %cond3A_120 : i32
    scf.if %cond3A_121 {
      "tpu.region"() ({
        %run_scoped3A = tpu.sem_alloc : memref<!tpu.dma_semaphore, #tpu.memory_space<semaphore_mem>>
        %dma_start3A = arith.constant 0 : i32
        %dma_start3A_242 = tpu.memref_slice %arg17[%dma_start3A] : memref<7168xf32, #tpu.memory_space<vmem>> -> memref<6144xf32, #tpu.memory_space<vmem>>
        %dma_start3A_243 = arith.constant 1017856 : i32
        %dma_start3A_244 = tpu.memref_slice %arg16[%dma_start3A_243] : memref<1025024xf32, #tpu.memory_space<vmem_shared>> -> memref<6144xf32, #tpu.memory_space<vmem_shared>>
        %dma_start3A_245 = arith.constant 1017856 : i32
        %dma_start3A_246 = tpu.memref_slice %arg16[%dma_start3A_245] : memref<1025024xf32, #tpu.memory_space<vmem_shared>> -> memref<6144xf32, #tpu.memory_space<vmem_shared>>
        %dma_start3A_247 = arith.constant 0 : i32
        %dma_start3A_248 = tpu.memref_slice %arg17[%dma_start3A_247] : memref<7168xf32, #tpu.memory_space<vmem>> -> memref<6144xf32, #tpu.memory_space<vmem>>
        tpu.enqueue_dma source(%dma_start3A_248 : memref<6144xf32, #tpu.memory_space<vmem>>) target(%dma_start3A_246 : memref<6144xf32, #tpu.memory_space<vmem_shared>>) target_semaphore(%run_scoped3A : memref<!tpu.dma_semaphore, #tpu.memory_space<semaphore_mem>>)
        %dma_wait3A = arith.constant 0 : i32
        %dma_wait3A_249 = tpu.memref_slice %arg17[%dma_wait3A] : memref<7168xf32, #tpu.memory_space<vmem>> -> memref<6144xf32, #tpu.memory_space<vmem>>
        %dma_wait3A_250 = arith.constant 1017856 : i32
        %dma_wait3A_251 = tpu.memref_slice %arg16[%dma_wait3A_250] : memref<1025024xf32, #tpu.memory_space<vmem_shared>> -> memref<6144xf32, #tpu.memory_space<vmem_shared>>
        %dma_wait3A_252 = arith.constant 1017856 : i32
        %dma_wait3A_253 = tpu.memref_slice %arg16[%dma_wait3A_252] : memref<1025024xf32, #tpu.memory_space<vmem_shared>> -> memref<6144xf32, #tpu.memory_space<vmem_shared>>
        %dma_wait3A_254 = arith.constant 0 : i32
        %dma_wait3A_255 = tpu.memref_slice %arg17[%dma_wait3A_254] : memref<7168xf32, #tpu.memory_space<vmem>> -> memref<6144xf32, #tpu.memory_space<vmem>>
        tpu.wait_dma2 semaphore(%run_scoped3A : memref<!tpu.dma_semaphore, #tpu.memory_space<semaphore_mem>>) src(%dma_wait3A_255 : memref<6144xf32, #tpu.memory_space<vmem>>) dst(%dma_wait3A_253 : memref<6144xf32, #tpu.memory_space<vmem_shared>>)
        tpu.yield
      }) : () -> ()
    } else {
    }
    "tpu.trace_stop"() : () -> ()
    %barrier3A_122 = arith.constant 0 : index
    tpu.barrier barrier_id(%barrier3A_122)
    "tpu.trace_start"() <{level = 10 : i32, message = "P5_scatter"}> : () -> ()
    %scan3A_123 = arith.constant 0 : i32
    %scan3A_124 = arith.constant 0 : i32
    %scan3A_125 = arith.constant 7 : i32
    %scan3A_126 = arith.addi %scan3A_124, %scan3A_125 : i32
    %scan3A_127 = arith.constant 1 : i32
    %scan3A_128 = scf.for %scan3A_242 = %scan3A_124 to %scan3A_126 step %scan3A_127 iter_args(%scan3A_243 = %scan3A_123) -> (i32)  : i32 {
      %mul3A_244 = arith.constant 7 : i32
      %mul3A_245 = arith.muli %arg1, %mul3A_244 : i32
      %add3A_246 = arith.addi %mul3A_245, %scan3A_242 : i32
      %mul3A_247 = arith.constant 7168 : i32
      %mul3A_248 = arith.muli %add3A_246, %mul3A_247 : i32
      %multiple_of3A_249 = tpu.assume_multiple %mul3A_248, 7168 : i32
      "tpu.region"() ({
        %run_scoped3A = tpu.sem_alloc : memref<!tpu.dma_semaphore, #tpu.memory_space<semaphore_mem>>
        %dma_start3A = tpu.memref_slice %arg3[%multiple_of3A_249] : memref<802816xi32, #tpu.memory_space<hbm>> -> memref<7168xi32, #tpu.memory_space<hbm>>
        %dma_start3A_258 = tpu.memref_slice %arg3[%multiple_of3A_249] : memref<802816xi32, #tpu.memory_space<hbm>> -> memref<7168xi32, #tpu.memory_space<hbm>>
        tpu.enqueue_dma source(%dma_start3A_258 : memref<7168xi32, #tpu.memory_space<hbm>>) target(%arg20 : memref<7168xi32, #tpu.memory_space<vmem>>) target_semaphore(%run_scoped3A : memref<!tpu.dma_semaphore, #tpu.memory_space<semaphore_mem>>)
        %dma_wait3A = tpu.memref_slice %arg3[%multiple_of3A_249] : memref<802816xi32, #tpu.memory_space<hbm>> -> memref<7168xi32, #tpu.memory_space<hbm>>
        %dma_wait3A_259 = tpu.memref_slice %arg3[%multiple_of3A_249] : memref<802816xi32, #tpu.memory_space<hbm>> -> memref<7168xi32, #tpu.memory_space<hbm>>
        tpu.wait_dma2 semaphore(%run_scoped3A : memref<!tpu.dma_semaphore, #tpu.memory_space<semaphore_mem>>) src(%dma_wait3A_259 : memref<7168xi32, #tpu.memory_space<hbm>>) dst(%arg20 : memref<7168xi32, #tpu.memory_space<vmem>>)
        tpu.yield
      }) : () -> ()
      "tpu.region"() ({
        %run_scoped3A = tpu.sem_alloc : memref<!tpu.dma_semaphore, #tpu.memory_space<semaphore_mem>>
        %dma_start3A = tpu.memref_slice %arg9[%multiple_of3A_249] : memref<802816xf32, #tpu.memory_space<hbm>> -> memref<7168xf32, #tpu.memory_space<hbm>>
        %dma_start3A_258 = tpu.memref_slice %arg9[%multiple_of3A_249] : memref<802816xf32, #tpu.memory_space<hbm>> -> memref<7168xf32, #tpu.memory_space<hbm>>
        tpu.enqueue_dma source(%dma_start3A_258 : memref<7168xf32, #tpu.memory_space<hbm>>) target(%arg23 : memref<7168xf32, #tpu.memory_space<vmem>>) target_semaphore(%run_scoped3A : memref<!tpu.dma_semaphore, #tpu.memory_space<semaphore_mem>>)
        %dma_wait3A = tpu.memref_slice %arg9[%multiple_of3A_249] : memref<802816xf32, #tpu.memory_space<hbm>> -> memref<7168xf32, #tpu.memory_space<hbm>>
        %dma_wait3A_259 = tpu.memref_slice %arg9[%multiple_of3A_249] : memref<802816xf32, #tpu.memory_space<hbm>> -> memref<7168xf32, #tpu.memory_space<hbm>>
        tpu.wait_dma2 semaphore(%run_scoped3A : memref<!tpu.dma_semaphore, #tpu.memory_space<semaphore_mem>>) src(%dma_wait3A_259 : memref<7168xf32, #tpu.memory_space<hbm>>) dst(%arg23 : memref<7168xf32, #tpu.memory_space<vmem>>)
        tpu.yield
      }) : () -> ()
      "tpu.region"() ({
        %run_scoped3A = tpu.sem_alloc : memref<!tpu.dma_semaphore, #tpu.memory_space<semaphore_mem>>
        %dma_start3A = tpu.memref_slice %arg10[%multiple_of3A_249] : memref<802816xi32, #tpu.memory_space<hbm>> -> memref<7168xi32, #tpu.memory_space<hbm>>
        %dma_start3A_258 = tpu.memref_slice %arg10[%multiple_of3A_249] : memref<802816xi32, #tpu.memory_space<hbm>> -> memref<7168xi32, #tpu.memory_space<hbm>>
        tpu.enqueue_dma source(%dma_start3A_258 : memref<7168xi32, #tpu.memory_space<hbm>>) target(%arg22 : memref<7168xi32, #tpu.memory_space<vmem>>) target_semaphore(%run_scoped3A : memref<!tpu.dma_semaphore, #tpu.memory_space<semaphore_mem>>)
        %dma_wait3A = tpu.memref_slice %arg10[%multiple_of3A_249] : memref<802816xi32, #tpu.memory_space<hbm>> -> memref<7168xi32, #tpu.memory_space<hbm>>
        %dma_wait3A_259 = tpu.memref_slice %arg10[%multiple_of3A_249] : memref<802816xi32, #tpu.memory_space<hbm>> -> memref<7168xi32, #tpu.memory_space<hbm>>
        tpu.wait_dma2 semaphore(%run_scoped3A : memref<!tpu.dma_semaphore, #tpu.memory_space<semaphore_mem>>) src(%dma_wait3A_259 : memref<7168xi32, #tpu.memory_space<hbm>>) dst(%arg22 : memref<7168xi32, #tpu.memory_space<vmem>>)
        tpu.yield
      }) : () -> ()
      %scan3A_250 = arith.constant 0 : i32
      %scan3A_251 = arith.constant 0 : i32
      %scan3A_252 = arith.constant 448 : i32
      %scan3A_253 = arith.addi %scan3A_251, %scan3A_252 : i32
      %scan3A_254 = arith.constant 1 : i32
      %scan3A_255 = scf.for %scan3A_258 = %scan3A_251 to %scan3A_253 step %scan3A_254 iter_args(%scan3A_259 = %scan3A_250) -> (i32)  : i32 {
        %mul3A_260 = arith.constant 16 : i32
        %mul3A_261 = arith.muli %scan3A_258, %mul3A_260 : i32
        %get3A = arith.index_cast %mul3A_261 : i32 to index
        %get3A_262 = tpu.vector_load %arg20[%get3A] {strides = array<i32>} : memref<7168xi32, #tpu.memory_space<vmem>>, vector<16xi32>,
        %get3A_263 = vector.shape_cast %get3A_262 : vector<16xi32> to vector<16xi32>
        %sub3A = vector.broadcast %mul3A_109 : i32 to vector<16xi32>
        %sub3A_264 = arith.subi %get3A_263, %sub3A : vector<16xi32>
        %ge3A = vector.broadcast %mul3A_109 : i32 to vector<16xi32>
        %ge3A_265 = arith.cmpi sge, %get3A_263, %ge3A : vector<16xi32>
        %lt3A = arith.constant 6400 : i32
        %lt3A_266 = vector.broadcast %lt3A : i32 to vector<16xi32>
        %lt3A_267 = arith.cmpi slt, %sub3A_264, %lt3A_266 : vector<16xi32>
        %and3A_268 = arith.andi %ge3A_265, %lt3A_267 : vector<16xi1>
        %mul3A_269 = arith.constant 16 : i32
        %mul3A_270 = arith.muli %scan3A_258, %mul3A_269 : i32
        %jit3A = arith.constant 1024 : i32
        %eq3A_271 = arith.constant 0 : i32
        %eq3A_272 = arith.cmpi eq, %jit3A, %eq3A_271 : i32
        %jit3A_273 = arith.constant 1 : i32
        %select_n3A = arith.select %eq3A_272, %jit3A_273, %jit3A : i32
        %rem3A = arith.remsi %mul3A_270, %select_n3A : i32
        %ne3A = arith.constant 0 : i32
        %ne3A_274 = arith.cmpi ne, %rem3A, %ne3A : i32
        %lt3A_275 = arith.constant 0 : i32
        %lt3A_276 = arith.cmpi slt, %rem3A, %lt3A_275 : i32
        %lt3A_277 = arith.constant 0 : i32
        %lt3A_278 = arith.cmpi slt, %select_n3A, %lt3A_277 : i32
        %ne3A_279 = arith.xori %lt3A_276, %lt3A_278 : i1
        %and3A_280 = arith.andi %ne3A_279, %ne3A_274 : i1
        %add3A_281 = arith.addi %rem3A, %select_n3A : i32
        %select_n3A_282 = arith.select %and3A_280, %add3A_281, %rem3A : i32
        %add3A_283 = arith.constant 1024000 : i32
        %add3A_284 = arith.addi %add3A_283, %select_n3A_282 : i32
        %iota3A = tpu.iota {dimensions = array<i32: 0>} : vector<16xi32>
        %add3A_285 = vector.broadcast %add3A_284 : i32 to vector<16xi32>
        %add3A_286 = arith.addi %add3A_285, %iota3A : vector<16xi32>
        %mul3A_287 = arith.constant 160 : i32
        %mul3A_288 = vector.broadcast %mul3A_287 : i32 to vector<16xi32>
        %mul3A_289 = arith.muli %sub3A_264, %mul3A_288 : vector<16xi32>
        %get3A_290 = arith.index_cast %mul3A_261 : i32 to index
        %get3A_291 = tpu.vector_load %arg22[%get3A_290] {strides = array<i32>} : memref<7168xi32, #tpu.memory_space<vmem>>, vector<16xi32>,
        %get3A_292 = vector.shape_cast %get3A_291 : vector<16xi32> to vector<16xi32>
        %add3A_293 = arith.addi %mul3A_289, %get3A_292 : vector<16xi32>
        %select_n3A_294 = arith.select %and3A_268, %add3A_293, %add3A_286 : vector<16xi1>, vector<16xi32>
        %swap3A = arith.index_cast %mul3A_261 : i32 to index
        %swap3A_295 = tpu.vector_load %arg21[%swap3A] {strides = array<i32>} : memref<7168xi32, #tpu.memory_space<vmem>>, vector<16xi32>,
        %swap3A_296 = vector.shape_cast %swap3A_295 : vector<16xi32> to vector<16xi32>
        %swap3A_297 = vector.shape_cast %select_n3A_294 : vector<16xi32> to vector<16xi32>
        tpu.vector_store %arg21[%swap3A], %swap3A_297 {strides = array<i32>} : memref<7168xi32, #tpu.memory_space<vmem>>, vector<16xi32>,
        %scan3A_298 = arith.constant 0 : i32
        scf.yield %scan3A_298 : i32
      }
      %scan3A_256 = arith.constant 448 : i32
      "tpu.region"() ({
        %run_scoped3A = tpu.sem_alloc : memref<!tpu.dma_semaphore, #tpu.memory_space<semaphore_mem>>
        %dma_start3A = arith.constant 0 : i32
        %dma_start3A_258 = tpu.memref_slice %arg16[%dma_start3A] : memref<1025024xf32, #tpu.memory_space<vmem_shared>> -> memref<1025024xf32, #tpu.memory_space<vmem_shared>>
        tpu.enqueue_indirect_dma source(%arg23 : memref<7168xf32, #tpu.memory_space<vmem>>) target(%dma_start3A_258 : memref<1025024xf32, #tpu.memory_space<vmem_shared>>) offsets(%arg21 : memref<7168xi32, #tpu.memory_space<vmem>>) semaphore(%run_scoped3A : memref<!tpu.dma_semaphore, #tpu.memory_space<semaphore_mem>>) {add = true}
        %dma_wait3A = arith.constant 0 : i32
        %dma_wait3A_259 = tpu.memref_slice %arg16[%dma_wait3A] : memref<1025024xf32, #tpu.memory_space<vmem_shared>> -> memref<1025024xf32, #tpu.memory_space<vmem_shared>>
        tpu.wait_indirect_dma semaphore(%run_scoped3A : memref<!tpu.dma_semaphore, #tpu.memory_space<semaphore_mem>>) src(%arg23 : memref<7168xf32, #tpu.memory_space<vmem>>) dst(%dma_wait3A_259 : memref<1025024xf32, #tpu.memory_space<vmem_shared>>)
        tpu.yield
      }) : () -> ()
      %scan3A_257 = arith.constant 0 : i32
      scf.yield %scan3A_257 : i32
    }
    %scan3A_129 = arith.constant 7 : i32
    "tpu.trace_stop"() : () -> ()
    %mul3A_130 = arith.constant 400 : i32
    %mul3A_131 = arith.muli %arg1, %mul3A_130 : i32
    %add3A_132 = arith.addi %mul3A_109, %mul3A_131 : i32
    %multiple_of3A_133 = tpu.assume_multiple %add3A_132, 8 : i32
    "tpu.region"() ({
      %run_scoped3A = tpu.sem_alloc : memref<!tpu.dma_semaphore, #tpu.memory_space<semaphore_mem>>
      %dma_start3A = tpu.memref_slice %arg13[%multiple_of3A_133] : memref<51200xf32, #tpu.memory_space<vmem_shared>> -> memref<400xf32, #tpu.memory_space<vmem_shared>>
      %dma_start3A_242 = tpu.memref_slice %arg13[%multiple_of3A_133] : memref<51200xf32, #tpu.memory_space<vmem_shared>> -> memref<400xf32, #tpu.memory_space<vmem_shared>>
      tpu.enqueue_dma source(%dma_start3A_242 : memref<400xf32, #tpu.memory_space<vmem_shared>>) target(%arg31 : memref<400xf32, #tpu.memory_space<vmem>>) target_semaphore(%run_scoped3A : memref<!tpu.dma_semaphore, #tpu.memory_space<semaphore_mem>>)
      %dma_wait3A = tpu.memref_slice %arg13[%multiple_of3A_133] : memref<51200xf32, #tpu.memory_space<vmem_shared>> -> memref<400xf32, #tpu.memory_space<vmem_shared>>
      %dma_wait3A_243 = tpu.memref_slice %arg13[%multiple_of3A_133] : memref<51200xf32, #tpu.memory_space<vmem_shared>> -> memref<400xf32, #tpu.memory_space<vmem_shared>>
      tpu.wait_dma2 semaphore(%run_scoped3A : memref<!tpu.dma_semaphore, #tpu.memory_space<semaphore_mem>>) src(%dma_wait3A_243 : memref<400xf32, #tpu.memory_space<vmem_shared>>) dst(%arg31 : memref<400xf32, #tpu.memory_space<vmem>>)
      tpu.yield
    }) : () -> ()
    "tpu.region"() ({
      %run_scoped3A = tpu.sem_alloc : memref<!tpu.dma_semaphore, #tpu.memory_space<semaphore_mem>>
      %dma_start3A = tpu.memref_slice %arg14[%multiple_of3A_133] : memref<51200xi32, #tpu.memory_space<vmem_shared>> -> memref<400xi32, #tpu.memory_space<vmem_shared>>
      %dma_start3A_242 = tpu.memref_slice %arg14[%multiple_of3A_133] : memref<51200xi32, #tpu.memory_space<vmem_shared>> -> memref<400xi32, #tpu.memory_space<vmem_shared>>
      tpu.enqueue_dma source(%dma_start3A_242 : memref<400xi32, #tpu.memory_space<vmem_shared>>) target(%arg30 : memref<400xi32, #tpu.memory_space<vmem>>) target_semaphore(%run_scoped3A : memref<!tpu.dma_semaphore, #tpu.memory_space<semaphore_mem>>)
      %dma_wait3A = tpu.memref_slice %arg14[%multiple_of3A_133] : memref<51200xi32, #tpu.memory_space<vmem_shared>> -> memref<400xi32, #tpu.memory_space<vmem_shared>>
      %dma_wait3A_243 = tpu.memref_slice %arg14[%multiple_of3A_133] : memref<51200xi32, #tpu.memory_space<vmem_shared>> -> memref<400xi32, #tpu.memory_space<vmem_shared>>
      tpu.wait_dma2 semaphore(%run_scoped3A : memref<!tpu.dma_semaphore, #tpu.memory_space<semaphore_mem>>) src(%dma_wait3A_243 : memref<400xi32, #tpu.memory_space<vmem_shared>>) dst(%arg30 : memref<400xi32, #tpu.memory_space<vmem>>)
      tpu.yield
    }) : () -> ()
    %scan3A_134 = arith.constant 0 : i32
    %scan3A_135 = arith.constant 0 : i32
    %scan3A_136 = arith.constant 25 : i32
    %scan3A_137 = arith.addi %scan3A_135, %scan3A_136 : i32
    %scan3A_138 = arith.constant 1 : i32
    %scan3A_139 = scf.for %scan3A_242 = %scan3A_135 to %scan3A_137 step %scan3A_138 iter_args(%scan3A_243 = %scan3A_134) -> (i32)  : i32 {
      %mul3A_244 = arith.constant 16 : i32
      %mul3A_245 = arith.muli %scan3A_242, %mul3A_244 : i32
      %get3A = arith.index_cast %mul3A_245 : i32 to index
      %get3A_246 = tpu.vector_load %arg31[%get3A] {strides = array<i32>} : memref<400xf32, #tpu.memory_space<vmem>>, vector<16xf32>,
      %get3A_247 = vector.shape_cast %get3A_246 : vector<16xf32> to vector<16xf32>
      %get3A_248 = arith.index_cast %mul3A_245 : i32 to index
      %get3A_249 = tpu.vector_load %arg31[%get3A_248] {strides = array<i32>} : memref<400xf32, #tpu.memory_space<vmem>>, vector<16xf32>,
      %get3A_250 = vector.shape_cast %get3A_249 : vector<16xf32> to vector<16xf32>
      %mul3A_251 = arith.mulf %get3A_247, %get3A_250 : vector<16xf32>
      %swap3A = arith.index_cast %mul3A_245 : i32 to index
      %swap3A_252 = tpu.vector_load %arg31[%swap3A] {strides = array<i32>} : memref<400xf32, #tpu.memory_space<vmem>>, vector<16xf32>,
      %swap3A_253 = vector.shape_cast %swap3A_252 : vector<16xf32> to vector<16xf32>
      %swap3A_254 = vector.shape_cast %mul3A_251 : vector<16xf32> to vector<16xf32>
      tpu.vector_store %arg31[%swap3A], %swap3A_254 {strides = array<i32>} : memref<400xf32, #tpu.memory_space<vmem>>, vector<16xf32>,
      %mul3A_255 = arith.constant 400 : i32
      %mul3A_256 = arith.muli %arg1, %mul3A_255 : i32
      %mul3A_257 = arith.constant 16 : i32
      %mul3A_258 = arith.muli %scan3A_242, %mul3A_257 : i32
      %add3A_259 = arith.addi %mul3A_256, %mul3A_258 : i32
      %iota3A = tpu.iota {dimensions = array<i32: 0>} : vector<16xi32>
      %add3A_260 = vector.broadcast %add3A_259 : i32 to vector<16xi32>
      %add3A_261 = arith.addi %add3A_260, %iota3A : vector<16xi32>
      %mul3A_262 = arith.constant 160 : i32
      %mul3A_263 = vector.broadcast %mul3A_262 : i32 to vector<16xi32>
      %mul3A_264 = arith.muli %add3A_261, %mul3A_263 : vector<16xi32>
      %get3A_265 = arith.index_cast %mul3A_245 : i32 to index
      %get3A_266 = tpu.vector_load %arg30[%get3A_265] {strides = array<i32>} : memref<400xi32, #tpu.memory_space<vmem>>, vector<16xi32>,
      %get3A_267 = vector.shape_cast %get3A_266 : vector<16xi32> to vector<16xi32>
      %add3A_268 = arith.addi %mul3A_264, %get3A_267 : vector<16xi32>
      %swap3A_269 = arith.index_cast %mul3A_245 : i32 to index
      %swap3A_270 = tpu.vector_load %arg30[%swap3A_269] {strides = array<i32>} : memref<400xi32, #tpu.memory_space<vmem>>, vector<16xi32>,
      %swap3A_271 = vector.shape_cast %swap3A_270 : vector<16xi32> to vector<16xi32>
      %swap3A_272 = vector.shape_cast %add3A_268 : vector<16xi32> to vector<16xi32>
      tpu.vector_store %arg30[%swap3A_269], %swap3A_272 {strides = array<i32>} : memref<400xi32, #tpu.memory_space<vmem>>, vector<16xi32>,
      %scan3A_273 = arith.constant 0 : i32
      scf.yield %scan3A_273 : i32
    }
    %scan3A_140 = arith.constant 25 : i32
    "tpu.region"() ({
      %run_scoped3A = tpu.sem_alloc : memref<!tpu.dma_semaphore, #tpu.memory_space<semaphore_mem>>
      %dma_start3A = arith.constant 0 : i32
      %dma_start3A_242 = tpu.memref_slice %arg16[%dma_start3A] : memref<1025024xf32, #tpu.memory_space<vmem_shared>> -> memref<1025024xf32, #tpu.memory_space<vmem_shared>>
      tpu.enqueue_indirect_dma source(%arg31 : memref<400xf32, #tpu.memory_space<vmem>>) target(%dma_start3A_242 : memref<1025024xf32, #tpu.memory_space<vmem_shared>>) offsets(%arg30 : memref<400xi32, #tpu.memory_space<vmem>>) semaphore(%run_scoped3A : memref<!tpu.dma_semaphore, #tpu.memory_space<semaphore_mem>>) {add = true}
      %dma_wait3A = arith.constant 0 : i32
      %dma_wait3A_243 = tpu.memref_slice %arg16[%dma_wait3A] : memref<1025024xf32, #tpu.memory_space<vmem_shared>> -> memref<1025024xf32, #tpu.memory_space<vmem_shared>>
      tpu.wait_indirect_dma semaphore(%run_scoped3A : memref<!tpu.dma_semaphore, #tpu.memory_space<semaphore_mem>>) src(%arg31 : memref<400xf32, #tpu.memory_space<vmem>>) dst(%dma_wait3A_243 : memref<1025024xf32, #tpu.memory_space<vmem_shared>>)
      tpu.yield
    }) : () -> ()
    %barrier3A_141 = arith.constant 0 : index
    tpu.barrier barrier_id(%barrier3A_141)
    "tpu.trace_start"() <{level = 10 : i32, message = "P5_flush"}> : () -> ()
    %mul3A_142 = arith.constant 64000 : i32
    %mul3A_143 = arith.muli %arg1, %mul3A_142 : i32
    %mul3A_144 = arith.constant 1024000 : i32
    %mul3A_145 = arith.muli %add3A_107, %mul3A_144 : i32
    %mul3A_146 = arith.constant 64000 : i32
    %mul3A_147 = arith.muli %arg1, %mul3A_146 : i32
    %add3A_148 = arith.addi %mul3A_145, %mul3A_147 : i32
    "tpu.region"() ({
      %run_scoped3A = tpu.sem_alloc : memref<!tpu.dma_semaphore, #tpu.memory_space<semaphore_mem>>
      %dma_start3A = tpu.memref_slice %arg8[%add3A_148] : memref<8192000xf32, #tpu.memory_space<hbm>> -> memref<64000xf32, #tpu.memory_space<hbm>>
      %dma_start3A_242 = tpu.memref_slice %arg16[%mul3A_143] : memref<1025024xf32, #tpu.memory_space<vmem_shared>> -> memref<64000xf32, #tpu.memory_space<vmem_shared>>
      tpu.enqueue_dma source(%dma_start3A_242 : memref<64000xf32, #tpu.memory_space<vmem_shared>>) target(%dma_start3A : memref<64000xf32, #tpu.memory_space<hbm>>) target_semaphore(%run_scoped3A : memref<!tpu.dma_semaphore, #tpu.memory_space<semaphore_mem>>)
      %dma_wait3A = tpu.memref_slice %arg8[%add3A_148] : memref<8192000xf32, #tpu.memory_space<hbm>> -> memref<64000xf32, #tpu.memory_space<hbm>>
      %dma_wait3A_243 = tpu.memref_slice %arg16[%mul3A_143] : memref<1025024xf32, #tpu.memory_space<vmem_shared>> -> memref<64000xf32, #tpu.memory_space<vmem_shared>>
      tpu.wait_dma2 semaphore(%run_scoped3A : memref<!tpu.dma_semaphore, #tpu.memory_space<semaphore_mem>>) src(%dma_wait3A_243 : memref<64000xf32, #tpu.memory_space<vmem_shared>>) dst(%dma_wait3A : memref<64000xf32, #tpu.memory_space<hbm>>)
      tpu.yield
    }) : () -> ()
    "tpu.trace_stop"() : () -> ()
    %barrier3A_149 = arith.constant 0 : index
    tpu.barrier barrier_id(%barrier3A_149)
    %mul3A_150 = arith.constant 4 : i32
    %mul3A_151 = arith.muli %arg0, %mul3A_150 : i32
    %add3A_152 = arith.constant 2 : i32
    %add3A_153 = arith.addi %mul3A_151, %add3A_152 : i32
    %mul3A_154 = arith.constant 6400 : i32
    %mul3A_155 = arith.muli %add3A_153, %mul3A_154 : i32
    "tpu.trace_start"() <{level = 10 : i32, message = "P5_zero"}> : () -> ()
    %scan3A_156 = arith.constant 0 : i32
    %scan3A_157 = arith.constant 0 : i32
    %scan3A_158 = arith.constant 9 : i32
    %scan3A_159 = arith.addi %scan3A_157, %scan3A_158 : i32
    %scan3A_160 = arith.constant 1 : i32
    %scan3A_161 = scf.for %scan3A_242 = %scan3A_157 to %scan3A_159 step %scan3A_160 iter_args(%scan3A_243 = %scan3A_156) -> (i32)  : i32 {
      %mul3A_244 = arith.constant 16 : i32
      %mul3A_245 = arith.muli %mul3A_244, %scan3A_242 : i32
      %add3A_246 = arith.addi %arg1, %mul3A_245 : i32
      %lt3A = arith.constant 142 : i32
      %lt3A_247 = arith.cmpi slt, %add3A_246, %lt3A : i32
      %convert_element_type3A_248 = arith.extui %lt3A_247 : i1 to i32
      %cond3A_249 = arith.constant 0 : i32
      %cond3A_250 = arith.cmpi ne, %convert_element_type3A_248, %cond3A_249 : i32
      scf.if %cond3A_250 {
        %mul3A_252 = arith.constant 7168 : i32
        %mul3A_253 = arith.muli %add3A_246, %mul3A_252 : i32
        "tpu.region"() ({
          %run_scoped3A = tpu.sem_alloc : memref<!tpu.dma_semaphore, #tpu.memory_space<semaphore_mem>>
          %dma_start3A = tpu.memref_slice %arg16[%mul3A_253] : memref<1025024xf32, #tpu.memory_space<vmem_shared>> -> memref<7168xf32, #tpu.memory_space<vmem_shared>>
          %dma_start3A_254 = tpu.memref_slice %arg16[%mul3A_253] : memref<1025024xf32, #tpu.memory_space<vmem_shared>> -> memref<7168xf32, #tpu.memory_space<vmem_shared>>
          tpu.enqueue_dma source(%arg17 : memref<7168xf32, #tpu.memory_space<vmem>>) target(%dma_start3A_254 : memref<7168xf32, #tpu.memory_space<vmem_shared>>) target_semaphore(%run_scoped3A : memref<!tpu.dma_semaphore, #tpu.memory_space<semaphore_mem>>)
          %dma_wait3A = tpu.memref_slice %arg16[%mul3A_253] : memref<1025024xf32, #tpu.memory_space<vmem_shared>> -> memref<7168xf32, #tpu.memory_space<vmem_shared>>
          %dma_wait3A_255 = tpu.memref_slice %arg16[%mul3A_253] : memref<1025024xf32, #tpu.memory_space<vmem_shared>> -> memref<7168xf32, #tpu.memory_space<vmem_shared>>
          tpu.wait_dma2 semaphore(%run_scoped3A : memref<!tpu.dma_semaphore, #tpu.memory_space<semaphore_mem>>) src(%arg17 : memref<7168xf32, #tpu.memory_space<vmem>>) dst(%dma_wait3A_255 : memref<7168xf32, #tpu.memory_space<vmem_shared>>)
          tpu.yield
        }) : () -> ()
      } else {
      }
      %scan3A_251 = arith.constant 0 : i32
      scf.yield %scan3A_251 : i32
    }
    %scan3A_162 = arith.constant 9 : i32
    %eq3A_163 = arith.constant 0 : i32
    %eq3A_164 = arith.cmpi eq, %arg1, %eq3A_163 : i32
    %convert_element_type3A_165 = arith.extui %eq3A_164 : i1 to i32
    %cond3A_166 = arith.constant 0 : i32
    %cond3A_167 = arith.cmpi ne, %convert_element_type3A_165, %cond3A_166 : i32
    scf.if %cond3A_167 {
      "tpu.region"() ({
        %run_scoped3A = tpu.sem_alloc : memref<!tpu.dma_semaphore, #tpu.memory_space<semaphore_mem>>
        %dma_start3A = arith.constant 0 : i32
        %dma_start3A_242 = tpu.memref_slice %arg17[%dma_start3A] : memref<7168xf32, #tpu.memory_space<vmem>> -> memref<6144xf32, #tpu.memory_space<vmem>>
        %dma_start3A_243 = arith.constant 1017856 : i32
        %dma_start3A_244 = tpu.memref_slice %arg16[%dma_start3A_243] : memref<1025024xf32, #tpu.memory_space<vmem_shared>> -> memref<6144xf32, #tpu.memory_space<vmem_shared>>
        %dma_start3A_245 = arith.constant 1017856 : i32
        %dma_start3A_246 = tpu.memref_slice %arg16[%dma_start3A_245] : memref<1025024xf32, #tpu.memory_space<vmem_shared>> -> memref<6144xf32, #tpu.memory_space<vmem_shared>>
        %dma_start3A_247 = arith.constant 0 : i32
        %dma_start3A_248 = tpu.memref_slice %arg17[%dma_start3A_247] : memref<7168xf32, #tpu.memory_space<vmem>> -> memref<6144xf32, #tpu.memory_space<vmem>>
        tpu.enqueue_dma source(%dma_start3A_248 : memref<6144xf32, #tpu.memory_space<vmem>>) target(%dma_start3A_246 : memref<6144xf32, #tpu.memory_space<vmem_shared>>) target_semaphore(%run_scoped3A : memref<!tpu.dma_semaphore, #tpu.memory_space<semaphore_mem>>)
        %dma_wait3A = arith.constant 0 : i32
        %dma_wait3A_249 = tpu.memref_slice %arg17[%dma_wait3A] : memref<7168xf32, #tpu.memory_space<vmem>> -> memref<6144xf32, #tpu.memory_space<vmem>>
        %dma_wait3A_250 = arith.constant 1017856 : i32
        %dma_wait3A_251 = tpu.memref_slice %arg16[%dma_wait3A_250] : memref<1025024xf32, #tpu.memory_space<vmem_shared>> -> memref<6144xf32, #tpu.memory_space<vmem_shared>>
        %dma_wait3A_252 = arith.constant 1017856 : i32
        %dma_wait3A_253 = tpu.memref_slice %arg16[%dma_wait3A_252] : memref<1025024xf32, #tpu.memory_space<vmem_shared>> -> memref<6144xf32, #tpu.memory_space<vmem_shared>>
        %dma_wait3A_254 = arith.constant 0 : i32
        %dma_wait3A_255 = tpu.memref_slice %arg17[%dma_wait3A_254] : memref<7168xf32, #tpu.memory_space<vmem>> -> memref<6144xf32, #tpu.memory_space<vmem>>
        tpu.wait_dma2 semaphore(%run_scoped3A : memref<!tpu.dma_semaphore, #tpu.memory_space<semaphore_mem>>) src(%dma_wait3A_255 : memref<6144xf32, #tpu.memory_space<vmem>>) dst(%dma_wait3A_253 : memref<6144xf32, #tpu.memory_space<vmem_shared>>)
        tpu.yield
      }) : () -> ()
    } else {
    }
    "tpu.trace_stop"() : () -> ()
    %barrier3A_168 = arith.constant 0 : index
    tpu.barrier barrier_id(%barrier3A_168)
    "tpu.trace_start"() <{level = 10 : i32, message = "P5_scatter"}> : () -> ()
    %scan3A_169 = arith.constant 0 : i32
    %scan3A_170 = arith.constant 0 : i32
    %scan3A_171 = arith.constant 7 : i32
    %scan3A_172 = arith.addi %scan3A_170, %scan3A_171 : i32
    %scan3A_173 = arith.constant 1 : i32
    %scan3A_174 = scf.for %scan3A_242 = %scan3A_170 to %scan3A_172 step %scan3A_173 iter_args(%scan3A_243 = %scan3A_169) -> (i32)  : i32 {
      %mul3A_244 = arith.constant 7 : i32
      %mul3A_245 = arith.muli %arg1, %mul3A_244 : i32
      %add3A_246 = arith.addi %mul3A_245, %scan3A_242 : i32
      %mul3A_247 = arith.constant 7168 : i32
      %mul3A_248 = arith.muli %add3A_246, %mul3A_247 : i32
      %multiple_of3A_249 = tpu.assume_multiple %mul3A_248, 7168 : i32
      "tpu.region"() ({
        %run_scoped3A = tpu.sem_alloc : memref<!tpu.dma_semaphore, #tpu.memory_space<semaphore_mem>>
        %dma_start3A = tpu.memref_slice %arg3[%multiple_of3A_249] : memref<802816xi32, #tpu.memory_space<hbm>> -> memref<7168xi32, #tpu.memory_space<hbm>>
        %dma_start3A_258 = tpu.memref_slice %arg3[%multiple_of3A_249] : memref<802816xi32, #tpu.memory_space<hbm>> -> memref<7168xi32, #tpu.memory_space<hbm>>
        tpu.enqueue_dma source(%dma_start3A_258 : memref<7168xi32, #tpu.memory_space<hbm>>) target(%arg20 : memref<7168xi32, #tpu.memory_space<vmem>>) target_semaphore(%run_scoped3A : memref<!tpu.dma_semaphore, #tpu.memory_space<semaphore_mem>>)
        %dma_wait3A = tpu.memref_slice %arg3[%multiple_of3A_249] : memref<802816xi32, #tpu.memory_space<hbm>> -> memref<7168xi32, #tpu.memory_space<hbm>>
        %dma_wait3A_259 = tpu.memref_slice %arg3[%multiple_of3A_249] : memref<802816xi32, #tpu.memory_space<hbm>> -> memref<7168xi32, #tpu.memory_space<hbm>>
        tpu.wait_dma2 semaphore(%run_scoped3A : memref<!tpu.dma_semaphore, #tpu.memory_space<semaphore_mem>>) src(%dma_wait3A_259 : memref<7168xi32, #tpu.memory_space<hbm>>) dst(%arg20 : memref<7168xi32, #tpu.memory_space<vmem>>)
        tpu.yield
      }) : () -> ()
      "tpu.region"() ({
        %run_scoped3A = tpu.sem_alloc : memref<!tpu.dma_semaphore, #tpu.memory_space<semaphore_mem>>
        %dma_start3A = tpu.memref_slice %arg9[%multiple_of3A_249] : memref<802816xf32, #tpu.memory_space<hbm>> -> memref<7168xf32, #tpu.memory_space<hbm>>
        %dma_start3A_258 = tpu.memref_slice %arg9[%multiple_of3A_249] : memref<802816xf32, #tpu.memory_space<hbm>> -> memref<7168xf32, #tpu.memory_space<hbm>>
        tpu.enqueue_dma source(%dma_start3A_258 : memref<7168xf32, #tpu.memory_space<hbm>>) target(%arg23 : memref<7168xf32, #tpu.memory_space<vmem>>) target_semaphore(%run_scoped3A : memref<!tpu.dma_semaphore, #tpu.memory_space<semaphore_mem>>)
        %dma_wait3A = tpu.memref_slice %arg9[%multiple_of3A_249] : memref<802816xf32, #tpu.memory_space<hbm>> -> memref<7168xf32, #tpu.memory_space<hbm>>
        %dma_wait3A_259 = tpu.memref_slice %arg9[%multiple_of3A_249] : memref<802816xf32, #tpu.memory_space<hbm>> -> memref<7168xf32, #tpu.memory_space<hbm>>
        tpu.wait_dma2 semaphore(%run_scoped3A : memref<!tpu.dma_semaphore, #tpu.memory_space<semaphore_mem>>) src(%dma_wait3A_259 : memref<7168xf32, #tpu.memory_space<hbm>>) dst(%arg23 : memref<7168xf32, #tpu.memory_space<vmem>>)
        tpu.yield
      }) : () -> ()
      "tpu.region"() ({
        %run_scoped3A = tpu.sem_alloc : memref<!tpu.dma_semaphore, #tpu.memory_space<semaphore_mem>>
        %dma_start3A = tpu.memref_slice %arg10[%multiple_of3A_249] : memref<802816xi32, #tpu.memory_space<hbm>> -> memref<7168xi32, #tpu.memory_space<hbm>>
        %dma_start3A_258 = tpu.memref_slice %arg10[%multiple_of3A_249] : memref<802816xi32, #tpu.memory_space<hbm>> -> memref<7168xi32, #tpu.memory_space<hbm>>
        tpu.enqueue_dma source(%dma_start3A_258 : memref<7168xi32, #tpu.memory_space<hbm>>) target(%arg22 : memref<7168xi32, #tpu.memory_space<vmem>>) target_semaphore(%run_scoped3A : memref<!tpu.dma_semaphore, #tpu.memory_space<semaphore_mem>>)
        %dma_wait3A = tpu.memref_slice %arg10[%multiple_of3A_249] : memref<802816xi32, #tpu.memory_space<hbm>> -> memref<7168xi32, #tpu.memory_space<hbm>>
        %dma_wait3A_259 = tpu.memref_slice %arg10[%multiple_of3A_249] : memref<802816xi32, #tpu.memory_space<hbm>> -> memref<7168xi32, #tpu.memory_space<hbm>>
        tpu.wait_dma2 semaphore(%run_scoped3A : memref<!tpu.dma_semaphore, #tpu.memory_space<semaphore_mem>>) src(%dma_wait3A_259 : memref<7168xi32, #tpu.memory_space<hbm>>) dst(%arg22 : memref<7168xi32, #tpu.memory_space<vmem>>)
        tpu.yield
      }) : () -> ()
      %scan3A_250 = arith.constant 0 : i32
      %scan3A_251 = arith.constant 0 : i32
      %scan3A_252 = arith.constant 448 : i32
      %scan3A_253 = arith.addi %scan3A_251, %scan3A_252 : i32
      %scan3A_254 = arith.constant 1 : i32
      %scan3A_255 = scf.for %scan3A_258 = %scan3A_251 to %scan3A_253 step %scan3A_254 iter_args(%scan3A_259 = %scan3A_250) -> (i32)  : i32 {
        %mul3A_260 = arith.constant 16 : i32
        %mul3A_261 = arith.muli %scan3A_258, %mul3A_260 : i32
        %get3A = arith.index_cast %mul3A_261 : i32 to index
        %get3A_262 = tpu.vector_load %arg20[%get3A] {strides = array<i32>} : memref<7168xi32, #tpu.memory_space<vmem>>, vector<16xi32>,
        %get3A_263 = vector.shape_cast %get3A_262 : vector<16xi32> to vector<16xi32>
        %sub3A = vector.broadcast %mul3A_155 : i32 to vector<16xi32>
        %sub3A_264 = arith.subi %get3A_263, %sub3A : vector<16xi32>
        %ge3A = vector.broadcast %mul3A_155 : i32 to vector<16xi32>
        %ge3A_265 = arith.cmpi sge, %get3A_263, %ge3A : vector<16xi32>
        %lt3A = arith.constant 6400 : i32
        %lt3A_266 = vector.broadcast %lt3A : i32 to vector<16xi32>
        %lt3A_267 = arith.cmpi slt, %sub3A_264, %lt3A_266 : vector<16xi32>
        %and3A_268 = arith.andi %ge3A_265, %lt3A_267 : vector<16xi1>
        %mul3A_269 = arith.constant 16 : i32
        %mul3A_270 = arith.muli %scan3A_258, %mul3A_269 : i32
        %jit3A = arith.constant 1024 : i32
        %eq3A_271 = arith.constant 0 : i32
        %eq3A_272 = arith.cmpi eq, %jit3A, %eq3A_271 : i32
        %jit3A_273 = arith.constant 1 : i32
        %select_n3A = arith.select %eq3A_272, %jit3A_273, %jit3A : i32
        %rem3A = arith.remsi %mul3A_270, %select_n3A : i32
        %ne3A = arith.constant 0 : i32
        %ne3A_274 = arith.cmpi ne, %rem3A, %ne3A : i32
        %lt3A_275 = arith.constant 0 : i32
        %lt3A_276 = arith.cmpi slt, %rem3A, %lt3A_275 : i32
        %lt3A_277 = arith.constant 0 : i32
        %lt3A_278 = arith.cmpi slt, %select_n3A, %lt3A_277 : i32
        %ne3A_279 = arith.xori %lt3A_276, %lt3A_278 : i1
        %and3A_280 = arith.andi %ne3A_279, %ne3A_274 : i1
        %add3A_281 = arith.addi %rem3A, %select_n3A : i32
        %select_n3A_282 = arith.select %and3A_280, %add3A_281, %rem3A : i32
        %add3A_283 = arith.constant 1024000 : i32
        %add3A_284 = arith.addi %add3A_283, %select_n3A_282 : i32
        %iota3A = tpu.iota {dimensions = array<i32: 0>} : vector<16xi32>
        %add3A_285 = vector.broadcast %add3A_284 : i32 to vector<16xi32>
        %add3A_286 = arith.addi %add3A_285, %iota3A : vector<16xi32>
        %mul3A_287 = arith.constant 160 : i32
        %mul3A_288 = vector.broadcast %mul3A_287 : i32 to vector<16xi32>
        %mul3A_289 = arith.muli %sub3A_264, %mul3A_288 : vector<16xi32>
        %get3A_290 = arith.index_cast %mul3A_261 : i32 to index
        %get3A_291 = tpu.vector_load %arg22[%get3A_290] {strides = array<i32>} : memref<7168xi32, #tpu.memory_space<vmem>>, vector<16xi32>,
        %get3A_292 = vector.shape_cast %get3A_291 : vector<16xi32> to vector<16xi32>
        %add3A_293 = arith.addi %mul3A_289, %get3A_292 : vector<16xi32>
        %select_n3A_294 = arith.select %and3A_268, %add3A_293, %add3A_286 : vector<16xi1>, vector<16xi32>
        %swap3A = arith.index_cast %mul3A_261 : i32 to index
        %swap3A_295 = tpu.vector_load %arg21[%swap3A] {strides = array<i32>} : memref<7168xi32, #tpu.memory_space<vmem>>, vector<16xi32>,
        %swap3A_296 = vector.shape_cast %swap3A_295 : vector<16xi32> to vector<16xi32>
        %swap3A_297 = vector.shape_cast %select_n3A_294 : vector<16xi32> to vector<16xi32>
        tpu.vector_store %arg21[%swap3A], %swap3A_297 {strides = array<i32>} : memref<7168xi32, #tpu.memory_space<vmem>>, vector<16xi32>,
        %scan3A_298 = arith.constant 0 : i32
        scf.yield %scan3A_298 : i32
      }
      %scan3A_256 = arith.constant 448 : i32
      "tpu.region"() ({
        %run_scoped3A = tpu.sem_alloc : memref<!tpu.dma_semaphore, #tpu.memory_space<semaphore_mem>>
        %dma_start3A = arith.constant 0 : i32
        %dma_start3A_258 = tpu.memref_slice %arg16[%dma_start3A] : memref<1025024xf32, #tpu.memory_space<vmem_shared>> -> memref<1025024xf32, #tpu.memory_space<vmem_shared>>
        tpu.enqueue_indirect_dma source(%arg23 : memref<7168xf32, #tpu.memory_space<vmem>>) target(%dma_start3A_258 : memref<1025024xf32, #tpu.memory_space<vmem_shared>>) offsets(%arg21 : memref<7168xi32, #tpu.memory_space<vmem>>) semaphore(%run_scoped3A : memref<!tpu.dma_semaphore, #tpu.memory_space<semaphore_mem>>) {add = true}
        %dma_wait3A = arith.constant 0 : i32
        %dma_wait3A_259 = tpu.memref_slice %arg16[%dma_wait3A] : memref<1025024xf32, #tpu.memory_space<vmem_shared>> -> memref<1025024xf32, #tpu.memory_space<vmem_shared>>
        tpu.wait_indirect_dma semaphore(%run_scoped3A : memref<!tpu.dma_semaphore, #tpu.memory_space<semaphore_mem>>) src(%arg23 : memref<7168xf32, #tpu.memory_space<vmem>>) dst(%dma_wait3A_259 : memref<1025024xf32, #tpu.memory_space<vmem_shared>>)
        tpu.yield
      }) : () -> ()
      %scan3A_257 = arith.constant 0 : i32
      scf.yield %scan3A_257 : i32
    }
    %scan3A_175 = arith.constant 7 : i32
    "tpu.trace_stop"() : () -> ()
    %mul3A_176 = arith.constant 400 : i32
    %mul3A_177 = arith.muli %arg1, %mul3A_176 : i32
    %add3A_178 = arith.addi %mul3A_155, %mul3A_177 : i32
    %multiple_of3A_179 = tpu.assume_multiple %add3A_178, 8 : i32
    "tpu.region"() ({
      %run_scoped3A = tpu.sem_alloc : memref<!tpu.dma_semaphore, #tpu.memory_space<semaphore_mem>>
      %dma_start3A = tpu.memref_slice %arg13[%multiple_of3A_179] : memref<51200xf32, #tpu.memory_space<vmem_shared>> -> memref<400xf32, #tpu.memory_space<vmem_shared>>
      %dma_start3A_242 = tpu.memref_slice %arg13[%multiple_of3A_179] : memref<51200xf32, #tpu.memory_space<vmem_shared>> -> memref<400xf32, #tpu.memory_space<vmem_shared>>
      tpu.enqueue_dma source(%dma_start3A_242 : memref<400xf32, #tpu.memory_space<vmem_shared>>) target(%arg31 : memref<400xf32, #tpu.memory_space<vmem>>) target_semaphore(%run_scoped3A : memref<!tpu.dma_semaphore, #tpu.memory_space<semaphore_mem>>)
      %dma_wait3A = tpu.memref_slice %arg13[%multiple_of3A_179] : memref<51200xf32, #tpu.memory_space<vmem_shared>> -> memref<400xf32, #tpu.memory_space<vmem_shared>>
      %dma_wait3A_243 = tpu.memref_slice %arg13[%multiple_of3A_179] : memref<51200xf32, #tpu.memory_space<vmem_shared>> -> memref<400xf32, #tpu.memory_space<vmem_shared>>
      tpu.wait_dma2 semaphore(%run_scoped3A : memref<!tpu.dma_semaphore, #tpu.memory_space<semaphore_mem>>) src(%dma_wait3A_243 : memref<400xf32, #tpu.memory_space<vmem_shared>>) dst(%arg31 : memref<400xf32, #tpu.memory_space<vmem>>)
      tpu.yield
    }) : () -> ()
    "tpu.region"() ({
      %run_scoped3A = tpu.sem_alloc : memref<!tpu.dma_semaphore, #tpu.memory_space<semaphore_mem>>
      %dma_start3A = tpu.memref_slice %arg14[%multiple_of3A_179] : memref<51200xi32, #tpu.memory_space<vmem_shared>> -> memref<400xi32, #tpu.memory_space<vmem_shared>>
      %dma_start3A_242 = tpu.memref_slice %arg14[%multiple_of3A_179] : memref<51200xi32, #tpu.memory_space<vmem_shared>> -> memref<400xi32, #tpu.memory_space<vmem_shared>>
      tpu.enqueue_dma source(%dma_start3A_242 : memref<400xi32, #tpu.memory_space<vmem_shared>>) target(%arg30 : memref<400xi32, #tpu.memory_space<vmem>>) target_semaphore(%run_scoped3A : memref<!tpu.dma_semaphore, #tpu.memory_space<semaphore_mem>>)
      %dma_wait3A = tpu.memref_slice %arg14[%multiple_of3A_179] : memref<51200xi32, #tpu.memory_space<vmem_shared>> -> memref<400xi32, #tpu.memory_space<vmem_shared>>
      %dma_wait3A_243 = tpu.memref_slice %arg14[%multiple_of3A_179] : memref<51200xi32, #tpu.memory_space<vmem_shared>> -> memref<400xi32, #tpu.memory_space<vmem_shared>>
      tpu.wait_dma2 semaphore(%run_scoped3A : memref<!tpu.dma_semaphore, #tpu.memory_space<semaphore_mem>>) src(%dma_wait3A_243 : memref<400xi32, #tpu.memory_space<vmem_shared>>) dst(%arg30 : memref<400xi32, #tpu.memory_space<vmem>>)
      tpu.yield
    }) : () -> ()
    %scan3A_180 = arith.constant 0 : i32
    %scan3A_181 = arith.constant 0 : i32
    %scan3A_182 = arith.constant 25 : i32
    %scan3A_183 = arith.addi %scan3A_181, %scan3A_182 : i32
    %scan3A_184 = arith.constant 1 : i32
    %scan3A_185 = scf.for %scan3A_242 = %scan3A_181 to %scan3A_183 step %scan3A_184 iter_args(%scan3A_243 = %scan3A_180) -> (i32)  : i32 {
      %mul3A_244 = arith.constant 16 : i32
      %mul3A_245 = arith.muli %scan3A_242, %mul3A_244 : i32
      %get3A = arith.index_cast %mul3A_245 : i32 to index
      %get3A_246 = tpu.vector_load %arg31[%get3A] {strides = array<i32>} : memref<400xf32, #tpu.memory_space<vmem>>, vector<16xf32>,
      %get3A_247 = vector.shape_cast %get3A_246 : vector<16xf32> to vector<16xf32>
      %get3A_248 = arith.index_cast %mul3A_245 : i32 to index
      %get3A_249 = tpu.vector_load %arg31[%get3A_248] {strides = array<i32>} : memref<400xf32, #tpu.memory_space<vmem>>, vector<16xf32>,
      %get3A_250 = vector.shape_cast %get3A_249 : vector<16xf32> to vector<16xf32>
      %mul3A_251 = arith.mulf %get3A_247, %get3A_250 : vector<16xf32>
      %swap3A = arith.index_cast %mul3A_245 : i32 to index
      %swap3A_252 = tpu.vector_load %arg31[%swap3A] {strides = array<i32>} : memref<400xf32, #tpu.memory_space<vmem>>, vector<16xf32>,
      %swap3A_253 = vector.shape_cast %swap3A_252 : vector<16xf32> to vector<16xf32>
      %swap3A_254 = vector.shape_cast %mul3A_251 : vector<16xf32> to vector<16xf32>
      tpu.vector_store %arg31[%swap3A], %swap3A_254 {strides = array<i32>} : memref<400xf32, #tpu.memory_space<vmem>>, vector<16xf32>,
      %mul3A_255 = arith.constant 400 : i32
      %mul3A_256 = arith.muli %arg1, %mul3A_255 : i32
      %mul3A_257 = arith.constant 16 : i32
      %mul3A_258 = arith.muli %scan3A_242, %mul3A_257 : i32
      %add3A_259 = arith.addi %mul3A_256, %mul3A_258 : i32
      %iota3A = tpu.iota {dimensions = array<i32: 0>} : vector<16xi32>
      %add3A_260 = vector.broadcast %add3A_259 : i32 to vector<16xi32>
      %add3A_261 = arith.addi %add3A_260, %iota3A : vector<16xi32>
      %mul3A_262 = arith.constant 160 : i32
      %mul3A_263 = vector.broadcast %mul3A_262 : i32 to vector<16xi32>
      %mul3A_264 = arith.muli %add3A_261, %mul3A_263 : vector<16xi32>
      %get3A_265 = arith.index_cast %mul3A_245 : i32 to index
      %get3A_266 = tpu.vector_load %arg30[%get3A_265] {strides = array<i32>} : memref<400xi32, #tpu.memory_space<vmem>>, vector<16xi32>,
      %get3A_267 = vector.shape_cast %get3A_266 : vector<16xi32> to vector<16xi32>
      %add3A_268 = arith.addi %mul3A_264, %get3A_267 : vector<16xi32>
      %swap3A_269 = arith.index_cast %mul3A_245 : i32 to index
      %swap3A_270 = tpu.vector_load %arg30[%swap3A_269] {strides = array<i32>} : memref<400xi32, #tpu.memory_space<vmem>>, vector<16xi32>,
      %swap3A_271 = vector.shape_cast %swap3A_270 : vector<16xi32> to vector<16xi32>
      %swap3A_272 = vector.shape_cast %add3A_268 : vector<16xi32> to vector<16xi32>
      tpu.vector_store %arg30[%swap3A_269], %swap3A_272 {strides = array<i32>} : memref<400xi32, #tpu.memory_space<vmem>>, vector<16xi32>,
      %scan3A_273 = arith.constant 0 : i32
      scf.yield %scan3A_273 : i32
    }
    %scan3A_186 = arith.constant 25 : i32
    "tpu.region"() ({
      %run_scoped3A = tpu.sem_alloc : memref<!tpu.dma_semaphore, #tpu.memory_space<semaphore_mem>>
      %dma_start3A = arith.constant 0 : i32
      %dma_start3A_242 = tpu.memref_slice %arg16[%dma_start3A] : memref<1025024xf32, #tpu.memory_space<vmem_shared>> -> memref<1025024xf32, #tpu.memory_space<vmem_shared>>
      tpu.enqueue_indirect_dma source(%arg31 : memref<400xf32, #tpu.memory_space<vmem>>) target(%dma_start3A_242 : memref<1025024xf32, #tpu.memory_space<vmem_shared>>) offsets(%arg30 : memref<400xi32, #tpu.memory_space<vmem>>) semaphore(%run_scoped3A : memref<!tpu.dma_semaphore, #tpu.memory_space<semaphore_mem>>) {add = true}
      %dma_wait3A = arith.constant 0 : i32
      %dma_wait3A_243 = tpu.memref_slice %arg16[%dma_wait3A] : memref<1025024xf32, #tpu.memory_space<vmem_shared>> -> memref<1025024xf32, #tpu.memory_space<vmem_shared>>
      tpu.wait_indirect_dma semaphore(%run_scoped3A : memref<!tpu.dma_semaphore, #tpu.memory_space<semaphore_mem>>) src(%arg31 : memref<400xf32, #tpu.memory_space<vmem>>) dst(%dma_wait3A_243 : memref<1025024xf32, #tpu.memory_space<vmem_shared>>)
      tpu.yield
    }) : () -> ()
    %barrier3A_187 = arith.constant 0 : index
    tpu.barrier barrier_id(%barrier3A_187)
    "tpu.trace_start"() <{level = 10 : i32, message = "P5_flush"}> : () -> ()
    %mul3A_188 = arith.constant 64000 : i32
    %mul3A_189 = arith.muli %arg1, %mul3A_188 : i32
    %mul3A_190 = arith.constant 1024000 : i32
    %mul3A_191 = arith.muli %add3A_153, %mul3A_190 : i32
    %mul3A_192 = arith.constant 64000 : i32
    %mul3A_193 = arith.muli %arg1, %mul3A_192 : i32
    %add3A_194 = arith.addi %mul3A_191, %mul3A_193 : i32
    "tpu.region"() ({
      %run_scoped3A = tpu.sem_alloc : memref<!tpu.dma_semaphore, #tpu.memory_space<semaphore_mem>>
      %dma_start3A = tpu.memref_slice %arg8[%add3A_194] : memref<8192000xf32, #tpu.memory_space<hbm>> -> memref<64000xf32, #tpu.memory_space<hbm>>
      %dma_start3A_242 = tpu.memref_slice %arg16[%mul3A_189] : memref<1025024xf32, #tpu.memory_space<vmem_shared>> -> memref<64000xf32, #tpu.memory_space<vmem_shared>>
      tpu.enqueue_dma source(%dma_start3A_242 : memref<64000xf32, #tpu.memory_space<vmem_shared>>) target(%dma_start3A : memref<64000xf32, #tpu.memory_space<hbm>>) target_semaphore(%run_scoped3A : memref<!tpu.dma_semaphore, #tpu.memory_space<semaphore_mem>>)
      %dma_wait3A = tpu.memref_slice %arg8[%add3A_194] : memref<8192000xf32, #tpu.memory_space<hbm>> -> memref<64000xf32, #tpu.memory_space<hbm>>
      %dma_wait3A_243 = tpu.memref_slice %arg16[%mul3A_189] : memref<1025024xf32, #tpu.memory_space<vmem_shared>> -> memref<64000xf32, #tpu.memory_space<vmem_shared>>
      tpu.wait_dma2 semaphore(%run_scoped3A : memref<!tpu.dma_semaphore, #tpu.memory_space<semaphore_mem>>) src(%dma_wait3A_243 : memref<64000xf32, #tpu.memory_space<vmem_shared>>) dst(%dma_wait3A : memref<64000xf32, #tpu.memory_space<hbm>>)
      tpu.yield
    }) : () -> ()
    "tpu.trace_stop"() : () -> ()
    %barrier3A_195 = arith.constant 0 : index
    tpu.barrier barrier_id(%barrier3A_195)
    %mul3A_196 = arith.constant 4 : i32
    %mul3A_197 = arith.muli %arg0, %mul3A_196 : i32
    %add3A_198 = arith.constant 3 : i32
    %add3A_199 = arith.addi %mul3A_197, %add3A_198 : i32
    %mul3A_200 = arith.constant 6400 : i32
    %mul3A_201 = arith.muli %add3A_199, %mul3A_200 : i32
    "tpu.trace_start"() <{level = 10 : i32, message = "P5_zero"}> : () -> ()
    %scan3A_202 = arith.constant 0 : i32
    %scan3A_203 = arith.constant 0 : i32
    %scan3A_204 = arith.constant 9 : i32
    %scan3A_205 = arith.addi %scan3A_203, %scan3A_204 : i32
    %scan3A_206 = arith.constant 1 : i32
    %scan3A_207 = scf.for %scan3A_242 = %scan3A_203 to %scan3A_205 step %scan3A_206 iter_args(%scan3A_243 = %scan3A_202) -> (i32)  : i32 {
      %mul3A_244 = arith.constant 16 : i32
      %mul3A_245 = arith.muli %mul3A_244, %scan3A_242 : i32
      %add3A_246 = arith.addi %arg1, %mul3A_245 : i32
      %lt3A = arith.constant 142 : i32
      %lt3A_247 = arith.cmpi slt, %add3A_246, %lt3A : i32
      %convert_element_type3A_248 = arith.extui %lt3A_247 : i1 to i32
      %cond3A_249 = arith.constant 0 : i32
      %cond3A_250 = arith.cmpi ne, %convert_element_type3A_248, %cond3A_249 : i32
      scf.if %cond3A_250 {
        %mul3A_252 = arith.constant 7168 : i32
        %mul3A_253 = arith.muli %add3A_246, %mul3A_252 : i32
        "tpu.region"() ({
          %run_scoped3A = tpu.sem_alloc : memref<!tpu.dma_semaphore, #tpu.memory_space<semaphore_mem>>
          %dma_start3A = tpu.memref_slice %arg16[%mul3A_253] : memref<1025024xf32, #tpu.memory_space<vmem_shared>> -> memref<7168xf32, #tpu.memory_space<vmem_shared>>
          %dma_start3A_254 = tpu.memref_slice %arg16[%mul3A_253] : memref<1025024xf32, #tpu.memory_space<vmem_shared>> -> memref<7168xf32, #tpu.memory_space<vmem_shared>>
          tpu.enqueue_dma source(%arg17 : memref<7168xf32, #tpu.memory_space<vmem>>) target(%dma_start3A_254 : memref<7168xf32, #tpu.memory_space<vmem_shared>>) target_semaphore(%run_scoped3A : memref<!tpu.dma_semaphore, #tpu.memory_space<semaphore_mem>>)
          %dma_wait3A = tpu.memref_slice %arg16[%mul3A_253] : memref<1025024xf32, #tpu.memory_space<vmem_shared>> -> memref<7168xf32, #tpu.memory_space<vmem_shared>>
          %dma_wait3A_255 = tpu.memref_slice %arg16[%mul3A_253] : memref<1025024xf32, #tpu.memory_space<vmem_shared>> -> memref<7168xf32, #tpu.memory_space<vmem_shared>>
          tpu.wait_dma2 semaphore(%run_scoped3A : memref<!tpu.dma_semaphore, #tpu.memory_space<semaphore_mem>>) src(%arg17 : memref<7168xf32, #tpu.memory_space<vmem>>) dst(%dma_wait3A_255 : memref<7168xf32, #tpu.memory_space<vmem_shared>>)
          tpu.yield
        }) : () -> ()
      } else {
      }
      %scan3A_251 = arith.constant 0 : i32
      scf.yield %scan3A_251 : i32
    }
    %scan3A_208 = arith.constant 9 : i32
    %eq3A_209 = arith.constant 0 : i32
    %eq3A_210 = arith.cmpi eq, %arg1, %eq3A_209 : i32
    %convert_element_type3A_211 = arith.extui %eq3A_210 : i1 to i32
    %cond3A_212 = arith.constant 0 : i32
    %cond3A_213 = arith.cmpi ne, %convert_element_type3A_211, %cond3A_212 : i32
    scf.if %cond3A_213 {
      "tpu.region"() ({
        %run_scoped3A = tpu.sem_alloc : memref<!tpu.dma_semaphore, #tpu.memory_space<semaphore_mem>>
        %dma_start3A = arith.constant 0 : i32
        %dma_start3A_242 = tpu.memref_slice %arg17[%dma_start3A] : memref<7168xf32, #tpu.memory_space<vmem>> -> memref<6144xf32, #tpu.memory_space<vmem>>
        %dma_start3A_243 = arith.constant 1017856 : i32
        %dma_start3A_244 = tpu.memref_slice %arg16[%dma_start3A_243] : memref<1025024xf32, #tpu.memory_space<vmem_shared>> -> memref<6144xf32, #tpu.memory_space<vmem_shared>>
        %dma_start3A_245 = arith.constant 1017856 : i32
        %dma_start3A_246 = tpu.memref_slice %arg16[%dma_start3A_245] : memref<1025024xf32, #tpu.memory_space<vmem_shared>> -> memref<6144xf32, #tpu.memory_space<vmem_shared>>
        %dma_start3A_247 = arith.constant 0 : i32
        %dma_start3A_248 = tpu.memref_slice %arg17[%dma_start3A_247] : memref<7168xf32, #tpu.memory_space<vmem>> -> memref<6144xf32, #tpu.memory_space<vmem>>
        tpu.enqueue_dma source(%dma_start3A_248 : memref<6144xf32, #tpu.memory_space<vmem>>) target(%dma_start3A_246 : memref<6144xf32, #tpu.memory_space<vmem_shared>>) target_semaphore(%run_scoped3A : memref<!tpu.dma_semaphore, #tpu.memory_space<semaphore_mem>>)
        %dma_wait3A = arith.constant 0 : i32
        %dma_wait3A_249 = tpu.memref_slice %arg17[%dma_wait3A] : memref<7168xf32, #tpu.memory_space<vmem>> -> memref<6144xf32, #tpu.memory_space<vmem>>
        %dma_wait3A_250 = arith.constant 1017856 : i32
        %dma_wait3A_251 = tpu.memref_slice %arg16[%dma_wait3A_250] : memref<1025024xf32, #tpu.memory_space<vmem_shared>> -> memref<6144xf32, #tpu.memory_space<vmem_shared>>
        %dma_wait3A_252 = arith.constant 1017856 : i32
        %dma_wait3A_253 = tpu.memref_slice %arg16[%dma_wait3A_252] : memref<1025024xf32, #tpu.memory_space<vmem_shared>> -> memref<6144xf32, #tpu.memory_space<vmem_shared>>
        %dma_wait3A_254 = arith.constant 0 : i32
        %dma_wait3A_255 = tpu.memref_slice %arg17[%dma_wait3A_254] : memref<7168xf32, #tpu.memory_space<vmem>> -> memref<6144xf32, #tpu.memory_space<vmem>>
        tpu.wait_dma2 semaphore(%run_scoped3A : memref<!tpu.dma_semaphore, #tpu.memory_space<semaphore_mem>>) src(%dma_wait3A_255 : memref<6144xf32, #tpu.memory_space<vmem>>) dst(%dma_wait3A_253 : memref<6144xf32, #tpu.memory_space<vmem_shared>>)
        tpu.yield
      }) : () -> ()
    } else {
    }
    "tpu.trace_stop"() : () -> ()
    %barrier3A_214 = arith.constant 0 : index
    tpu.barrier barrier_id(%barrier3A_214)
    "tpu.trace_start"() <{level = 10 : i32, message = "P5_scatter"}> : () -> ()
    %scan3A_215 = arith.constant 0 : i32
    %scan3A_216 = arith.constant 0 : i32
    %scan3A_217 = arith.constant 7 : i32
    %scan3A_218 = arith.addi %scan3A_216, %scan3A_217 : i32
    %scan3A_219 = arith.constant 1 : i32
    %scan3A_220 = scf.for %scan3A_242 = %scan3A_216 to %scan3A_218 step %scan3A_219 iter_args(%scan3A_243 = %scan3A_215) -> (i32)  : i32 {
      %mul3A_244 = arith.constant 7 : i32
      %mul3A_245 = arith.muli %arg1, %mul3A_244 : i32
      %add3A_246 = arith.addi %mul3A_245, %scan3A_242 : i32
      %mul3A_247 = arith.constant 7168 : i32
      %mul3A_248 = arith.muli %add3A_246, %mul3A_247 : i32
      %multiple_of3A_249 = tpu.assume_multiple %mul3A_248, 7168 : i32
      "tpu.region"() ({
        %run_scoped3A = tpu.sem_alloc : memref<!tpu.dma_semaphore, #tpu.memory_space<semaphore_mem>>
        %dma_start3A = tpu.memref_slice %arg3[%multiple_of3A_249] : memref<802816xi32, #tpu.memory_space<hbm>> -> memref<7168xi32, #tpu.memory_space<hbm>>
        %dma_start3A_258 = tpu.memref_slice %arg3[%multiple_of3A_249] : memref<802816xi32, #tpu.memory_space<hbm>> -> memref<7168xi32, #tpu.memory_space<hbm>>
        tpu.enqueue_dma source(%dma_start3A_258 : memref<7168xi32, #tpu.memory_space<hbm>>) target(%arg20 : memref<7168xi32, #tpu.memory_space<vmem>>) target_semaphore(%run_scoped3A : memref<!tpu.dma_semaphore, #tpu.memory_space<semaphore_mem>>)
        %dma_wait3A = tpu.memref_slice %arg3[%multiple_of3A_249] : memref<802816xi32, #tpu.memory_space<hbm>> -> memref<7168xi32, #tpu.memory_space<hbm>>
        %dma_wait3A_259 = tpu.memref_slice %arg3[%multiple_of3A_249] : memref<802816xi32, #tpu.memory_space<hbm>> -> memref<7168xi32, #tpu.memory_space<hbm>>
        tpu.wait_dma2 semaphore(%run_scoped3A : memref<!tpu.dma_semaphore, #tpu.memory_space<semaphore_mem>>) src(%dma_wait3A_259 : memref<7168xi32, #tpu.memory_space<hbm>>) dst(%arg20 : memref<7168xi32, #tpu.memory_space<vmem>>)
        tpu.yield
      }) : () -> ()
      "tpu.region"() ({
        %run_scoped3A = tpu.sem_alloc : memref<!tpu.dma_semaphore, #tpu.memory_space<semaphore_mem>>
        %dma_start3A = tpu.memref_slice %arg9[%multiple_of3A_249] : memref<802816xf32, #tpu.memory_space<hbm>> -> memref<7168xf32, #tpu.memory_space<hbm>>
        %dma_start3A_258 = tpu.memref_slice %arg9[%multiple_of3A_249] : memref<802816xf32, #tpu.memory_space<hbm>> -> memref<7168xf32, #tpu.memory_space<hbm>>
        tpu.enqueue_dma source(%dma_start3A_258 : memref<7168xf32, #tpu.memory_space<hbm>>) target(%arg23 : memref<7168xf32, #tpu.memory_space<vmem>>) target_semaphore(%run_scoped3A : memref<!tpu.dma_semaphore, #tpu.memory_space<semaphore_mem>>)
        %dma_wait3A = tpu.memref_slice %arg9[%multiple_of3A_249] : memref<802816xf32, #tpu.memory_space<hbm>> -> memref<7168xf32, #tpu.memory_space<hbm>>
        %dma_wait3A_259 = tpu.memref_slice %arg9[%multiple_of3A_249] : memref<802816xf32, #tpu.memory_space<hbm>> -> memref<7168xf32, #tpu.memory_space<hbm>>
        tpu.wait_dma2 semaphore(%run_scoped3A : memref<!tpu.dma_semaphore, #tpu.memory_space<semaphore_mem>>) src(%dma_wait3A_259 : memref<7168xf32, #tpu.memory_space<hbm>>) dst(%arg23 : memref<7168xf32, #tpu.memory_space<vmem>>)
        tpu.yield
      }) : () -> ()
      "tpu.region"() ({
        %run_scoped3A = tpu.sem_alloc : memref<!tpu.dma_semaphore, #tpu.memory_space<semaphore_mem>>
        %dma_start3A = tpu.memref_slice %arg10[%multiple_of3A_249] : memref<802816xi32, #tpu.memory_space<hbm>> -> memref<7168xi32, #tpu.memory_space<hbm>>
        %dma_start3A_258 = tpu.memref_slice %arg10[%multiple_of3A_249] : memref<802816xi32, #tpu.memory_space<hbm>> -> memref<7168xi32, #tpu.memory_space<hbm>>
        tpu.enqueue_dma source(%dma_start3A_258 : memref<7168xi32, #tpu.memory_space<hbm>>) target(%arg22 : memref<7168xi32, #tpu.memory_space<vmem>>) target_semaphore(%run_scoped3A : memref<!tpu.dma_semaphore, #tpu.memory_space<semaphore_mem>>)
        %dma_wait3A = tpu.memref_slice %arg10[%multiple_of3A_249] : memref<802816xi32, #tpu.memory_space<hbm>> -> memref<7168xi32, #tpu.memory_space<hbm>>
        %dma_wait3A_259 = tpu.memref_slice %arg10[%multiple_of3A_249] : memref<802816xi32, #tpu.memory_space<hbm>> -> memref<7168xi32, #tpu.memory_space<hbm>>
        tpu.wait_dma2 semaphore(%run_scoped3A : memref<!tpu.dma_semaphore, #tpu.memory_space<semaphore_mem>>) src(%dma_wait3A_259 : memref<7168xi32, #tpu.memory_space<hbm>>) dst(%arg22 : memref<7168xi32, #tpu.memory_space<vmem>>)
        tpu.yield
      }) : () -> ()
      %scan3A_250 = arith.constant 0 : i32
      %scan3A_251 = arith.constant 0 : i32
      %scan3A_252 = arith.constant 448 : i32
      %scan3A_253 = arith.addi %scan3A_251, %scan3A_252 : i32
      %scan3A_254 = arith.constant 1 : i32
      %scan3A_255 = scf.for %scan3A_258 = %scan3A_251 to %scan3A_253 step %scan3A_254 iter_args(%scan3A_259 = %scan3A_250) -> (i32)  : i32 {
        %mul3A_260 = arith.constant 16 : i32
        %mul3A_261 = arith.muli %scan3A_258, %mul3A_260 : i32
        %get3A = arith.index_cast %mul3A_261 : i32 to index
        %get3A_262 = tpu.vector_load %arg20[%get3A] {strides = array<i32>} : memref<7168xi32, #tpu.memory_space<vmem>>, vector<16xi32>,
        %get3A_263 = vector.shape_cast %get3A_262 : vector<16xi32> to vector<16xi32>
        %sub3A = vector.broadcast %mul3A_201 : i32 to vector<16xi32>
        %sub3A_264 = arith.subi %get3A_263, %sub3A : vector<16xi32>
        %ge3A = vector.broadcast %mul3A_201 : i32 to vector<16xi32>
        %ge3A_265 = arith.cmpi sge, %get3A_263, %ge3A : vector<16xi32>
        %lt3A = arith.constant 6400 : i32
        %lt3A_266 = vector.broadcast %lt3A : i32 to vector<16xi32>
        %lt3A_267 = arith.cmpi slt, %sub3A_264, %lt3A_266 : vector<16xi32>
        %and3A_268 = arith.andi %ge3A_265, %lt3A_267 : vector<16xi1>
        %mul3A_269 = arith.constant 16 : i32
        %mul3A_270 = arith.muli %scan3A_258, %mul3A_269 : i32
        %jit3A = arith.constant 1024 : i32
        %eq3A_271 = arith.constant 0 : i32
        %eq3A_272 = arith.cmpi eq, %jit3A, %eq3A_271 : i32
        %jit3A_273 = arith.constant 1 : i32
        %select_n3A = arith.select %eq3A_272, %jit3A_273, %jit3A : i32
        %rem3A = arith.remsi %mul3A_270, %select_n3A : i32
        %ne3A = arith.constant 0 : i32
        %ne3A_274 = arith.cmpi ne, %rem3A, %ne3A : i32
        %lt3A_275 = arith.constant 0 : i32
        %lt3A_276 = arith.cmpi slt, %rem3A, %lt3A_275 : i32
        %lt3A_277 = arith.constant 0 : i32
        %lt3A_278 = arith.cmpi slt, %select_n3A, %lt3A_277 : i32
        %ne3A_279 = arith.xori %lt3A_276, %lt3A_278 : i1
        %and3A_280 = arith.andi %ne3A_279, %ne3A_274 : i1
        %add3A_281 = arith.addi %rem3A, %select_n3A : i32
        %select_n3A_282 = arith.select %and3A_280, %add3A_281, %rem3A : i32
        %add3A_283 = arith.constant 1024000 : i32
        %add3A_284 = arith.addi %add3A_283, %select_n3A_282 : i32
        %iota3A = tpu.iota {dimensions = array<i32: 0>} : vector<16xi32>
        %add3A_285 = vector.broadcast %add3A_284 : i32 to vector<16xi32>
        %add3A_286 = arith.addi %add3A_285, %iota3A : vector<16xi32>
        %mul3A_287 = arith.constant 160 : i32
        %mul3A_288 = vector.broadcast %mul3A_287 : i32 to vector<16xi32>
        %mul3A_289 = arith.muli %sub3A_264, %mul3A_288 : vector<16xi32>
        %get3A_290 = arith.index_cast %mul3A_261 : i32 to index
        %get3A_291 = tpu.vector_load %arg22[%get3A_290] {strides = array<i32>} : memref<7168xi32, #tpu.memory_space<vmem>>, vector<16xi32>,
        %get3A_292 = vector.shape_cast %get3A_291 : vector<16xi32> to vector<16xi32>
        %add3A_293 = arith.addi %mul3A_289, %get3A_292 : vector<16xi32>
        %select_n3A_294 = arith.select %and3A_268, %add3A_293, %add3A_286 : vector<16xi1>, vector<16xi32>
        %swap3A = arith.index_cast %mul3A_261 : i32 to index
        %swap3A_295 = tpu.vector_load %arg21[%swap3A] {strides = array<i32>} : memref<7168xi32, #tpu.memory_space<vmem>>, vector<16xi32>,
        %swap3A_296 = vector.shape_cast %swap3A_295 : vector<16xi32> to vector<16xi32>
        %swap3A_297 = vector.shape_cast %select_n3A_294 : vector<16xi32> to vector<16xi32>
        tpu.vector_store %arg21[%swap3A], %swap3A_297 {strides = array<i32>} : memref<7168xi32, #tpu.memory_space<vmem>>, vector<16xi32>,
        %scan3A_298 = arith.constant 0 : i32
        scf.yield %scan3A_298 : i32
      }
      %scan3A_256 = arith.constant 448 : i32
      "tpu.region"() ({
        %run_scoped3A = tpu.sem_alloc : memref<!tpu.dma_semaphore, #tpu.memory_space<semaphore_mem>>
        %dma_start3A = arith.constant 0 : i32
        %dma_start3A_258 = tpu.memref_slice %arg16[%dma_start3A] : memref<1025024xf32, #tpu.memory_space<vmem_shared>> -> memref<1025024xf32, #tpu.memory_space<vmem_shared>>
        tpu.enqueue_indirect_dma source(%arg23 : memref<7168xf32, #tpu.memory_space<vmem>>) target(%dma_start3A_258 : memref<1025024xf32, #tpu.memory_space<vmem_shared>>) offsets(%arg21 : memref<7168xi32, #tpu.memory_space<vmem>>) semaphore(%run_scoped3A : memref<!tpu.dma_semaphore, #tpu.memory_space<semaphore_mem>>) {add = true}
        %dma_wait3A = arith.constant 0 : i32
        %dma_wait3A_259 = tpu.memref_slice %arg16[%dma_wait3A] : memref<1025024xf32, #tpu.memory_space<vmem_shared>> -> memref<1025024xf32, #tpu.memory_space<vmem_shared>>
        tpu.wait_indirect_dma semaphore(%run_scoped3A : memref<!tpu.dma_semaphore, #tpu.memory_space<semaphore_mem>>) src(%arg23 : memref<7168xf32, #tpu.memory_space<vmem>>) dst(%dma_wait3A_259 : memref<1025024xf32, #tpu.memory_space<vmem_shared>>)
        tpu.yield
      }) : () -> ()
      %scan3A_257 = arith.constant 0 : i32
      scf.yield %scan3A_257 : i32
    }
    %scan3A_221 = arith.constant 7 : i32
    "tpu.trace_stop"() : () -> ()
    %mul3A_222 = arith.constant 400 : i32
    %mul3A_223 = arith.muli %arg1, %mul3A_222 : i32
    %add3A_224 = arith.addi %mul3A_201, %mul3A_223 : i32
    %multiple_of3A_225 = tpu.assume_multiple %add3A_224, 8 : i32
    "tpu.region"() ({
      %run_scoped3A = tpu.sem_alloc : memref<!tpu.dma_semaphore, #tpu.memory_space<semaphore_mem>>
      %dma_start3A = tpu.memref_slice %arg13[%multiple_of3A_225] : memref<51200xf32, #tpu.memory_space<vmem_shared>> -> memref<400xf32, #tpu.memory_space<vmem_shared>>
      %dma_start3A_242 = tpu.memref_slice %arg13[%multiple_of3A_225] : memref<51200xf32, #tpu.memory_space<vmem_shared>> -> memref<400xf32, #tpu.memory_space<vmem_shared>>
      tpu.enqueue_dma source(%dma_start3A_242 : memref<400xf32, #tpu.memory_space<vmem_shared>>) target(%arg31 : memref<400xf32, #tpu.memory_space<vmem>>) target_semaphore(%run_scoped3A : memref<!tpu.dma_semaphore, #tpu.memory_space<semaphore_mem>>)
      %dma_wait3A = tpu.memref_slice %arg13[%multiple_of3A_225] : memref<51200xf32, #tpu.memory_space<vmem_shared>> -> memref<400xf32, #tpu.memory_space<vmem_shared>>
      %dma_wait3A_243 = tpu.memref_slice %arg13[%multiple_of3A_225] : memref<51200xf32, #tpu.memory_space<vmem_shared>> -> memref<400xf32, #tpu.memory_space<vmem_shared>>
      tpu.wait_dma2 semaphore(%run_scoped3A : memref<!tpu.dma_semaphore, #tpu.memory_space<semaphore_mem>>) src(%dma_wait3A_243 : memref<400xf32, #tpu.memory_space<vmem_shared>>) dst(%arg31 : memref<400xf32, #tpu.memory_space<vmem>>)
      tpu.yield
    }) : () -> ()
    "tpu.region"() ({
      %run_scoped3A = tpu.sem_alloc : memref<!tpu.dma_semaphore, #tpu.memory_space<semaphore_mem>>
      %dma_start3A = tpu.memref_slice %arg14[%multiple_of3A_225] : memref<51200xi32, #tpu.memory_space<vmem_shared>> -> memref<400xi32, #tpu.memory_space<vmem_shared>>
      %dma_start3A_242 = tpu.memref_slice %arg14[%multiple_of3A_225] : memref<51200xi32, #tpu.memory_space<vmem_shared>> -> memref<400xi32, #tpu.memory_space<vmem_shared>>
      tpu.enqueue_dma source(%dma_start3A_242 : memref<400xi32, #tpu.memory_space<vmem_shared>>) target(%arg30 : memref<400xi32, #tpu.memory_space<vmem>>) target_semaphore(%run_scoped3A : memref<!tpu.dma_semaphore, #tpu.memory_space<semaphore_mem>>)
      %dma_wait3A = tpu.memref_slice %arg14[%multiple_of3A_225] : memref<51200xi32, #tpu.memory_space<vmem_shared>> -> memref<400xi32, #tpu.memory_space<vmem_shared>>
      %dma_wait3A_243 = tpu.memref_slice %arg14[%multiple_of3A_225] : memref<51200xi32, #tpu.memory_space<vmem_shared>> -> memref<400xi32, #tpu.memory_space<vmem_shared>>
      tpu.wait_dma2 semaphore(%run_scoped3A : memref<!tpu.dma_semaphore, #tpu.memory_space<semaphore_mem>>) src(%dma_wait3A_243 : memref<400xi32, #tpu.memory_space<vmem_shared>>) dst(%arg30 : memref<400xi32, #tpu.memory_space<vmem>>)
      tpu.yield
    }) : () -> ()
    %scan3A_226 = arith.constant 0 : i32
    %scan3A_227 = arith.constant 0 : i32
    %scan3A_228 = arith.constant 25 : i32
    %scan3A_229 = arith.addi %scan3A_227, %scan3A_228 : i32
    %scan3A_230 = arith.constant 1 : i32
    %scan3A_231 = scf.for %scan3A_242 = %scan3A_227 to %scan3A_229 step %scan3A_230 iter_args(%scan3A_243 = %scan3A_226) -> (i32)  : i32 {
      %mul3A_244 = arith.constant 16 : i32
      %mul3A_245 = arith.muli %scan3A_242, %mul3A_244 : i32
      %get3A = arith.index_cast %mul3A_245 : i32 to index
      %get3A_246 = tpu.vector_load %arg31[%get3A] {strides = array<i32>} : memref<400xf32, #tpu.memory_space<vmem>>, vector<16xf32>,
      %get3A_247 = vector.shape_cast %get3A_246 : vector<16xf32> to vector<16xf32>
      %get3A_248 = arith.index_cast %mul3A_245 : i32 to index
      %get3A_249 = tpu.vector_load %arg31[%get3A_248] {strides = array<i32>} : memref<400xf32, #tpu.memory_space<vmem>>, vector<16xf32>,
      %get3A_250 = vector.shape_cast %get3A_249 : vector<16xf32> to vector<16xf32>
      %mul3A_251 = arith.mulf %get3A_247, %get3A_250 : vector<16xf32>
      %swap3A = arith.index_cast %mul3A_245 : i32 to index
      %swap3A_252 = tpu.vector_load %arg31[%swap3A] {strides = array<i32>} : memref<400xf32, #tpu.memory_space<vmem>>, vector<16xf32>,
      %swap3A_253 = vector.shape_cast %swap3A_252 : vector<16xf32> to vector<16xf32>
      %swap3A_254 = vector.shape_cast %mul3A_251 : vector<16xf32> to vector<16xf32>
      tpu.vector_store %arg31[%swap3A], %swap3A_254 {strides = array<i32>} : memref<400xf32, #tpu.memory_space<vmem>>, vector<16xf32>,
      %mul3A_255 = arith.constant 400 : i32
      %mul3A_256 = arith.muli %arg1, %mul3A_255 : i32
      %mul3A_257 = arith.constant 16 : i32
      %mul3A_258 = arith.muli %scan3A_242, %mul3A_257 : i32
      %add3A_259 = arith.addi %mul3A_256, %mul3A_258 : i32
      %iota3A = tpu.iota {dimensions = array<i32: 0>} : vector<16xi32>
      %add3A_260 = vector.broadcast %add3A_259 : i32 to vector<16xi32>
      %add3A_261 = arith.addi %add3A_260, %iota3A : vector<16xi32>
      %mul3A_262 = arith.constant 160 : i32
      %mul3A_263 = vector.broadcast %mul3A_262 : i32 to vector<16xi32>
      %mul3A_264 = arith.muli %add3A_261, %mul3A_263 : vector<16xi32>
      %get3A_265 = arith.index_cast %mul3A_245 : i32 to index
      %get3A_266 = tpu.vector_load %arg30[%get3A_265] {strides = array<i32>} : memref<400xi32, #tpu.memory_space<vmem>>, vector<16xi32>,
      %get3A_267 = vector.shape_cast %get3A_266 : vector<16xi32> to vector<16xi32>
      %add3A_268 = arith.addi %mul3A_264, %get3A_267 : vector<16xi32>
      %swap3A_269 = arith.index_cast %mul3A_245 : i32 to index
      %swap3A_270 = tpu.vector_load %arg30[%swap3A_269] {strides = array<i32>} : memref<400xi32, #tpu.memory_space<vmem>>, vector<16xi32>,
      %swap3A_271 = vector.shape_cast %swap3A_270 : vector<16xi32> to vector<16xi32>
      %swap3A_272 = vector.shape_cast %add3A_268 : vector<16xi32> to vector<16xi32>
      tpu.vector_store %arg30[%swap3A_269], %swap3A_272 {strides = array<i32>} : memref<400xi32, #tpu.memory_space<vmem>>, vector<16xi32>,
      %scan3A_273 = arith.constant 0 : i32
      scf.yield %scan3A_273 : i32
    }
    %scan3A_232 = arith.constant 25 : i32
    "tpu.region"() ({
      %run_scoped3A = tpu.sem_alloc : memref<!tpu.dma_semaphore, #tpu.memory_space<semaphore_mem>>
      %dma_start3A = arith.constant 0 : i32
      %dma_start3A_242 = tpu.memref_slice %arg16[%dma_start3A] : memref<1025024xf32, #tpu.memory_space<vmem_shared>> -> memref<1025024xf32, #tpu.memory_space<vmem_shared>>
      tpu.enqueue_indirect_dma source(%arg31 : memref<400xf32, #tpu.memory_space<vmem>>) target(%dma_start3A_242 : memref<1025024xf32, #tpu.memory_space<vmem_shared>>) offsets(%arg30 : memref<400xi32, #tpu.memory_space<vmem>>) semaphore(%run_scoped3A : memref<!tpu.dma_semaphore, #tpu.memory_space<semaphore_mem>>) {add = true}
      %dma_wait3A = arith.constant 0 : i32
      %dma_wait3A_243 = tpu.memref_slice %arg16[%dma_wait3A] : memref<1025024xf32, #tpu.memory_space<vmem_shared>> -> memref<1025024xf32, #tpu.memory_space<vmem_shared>>
      tpu.wait_indirect_dma semaphore(%run_scoped3A : memref<!tpu.dma_semaphore, #tpu.memory_space<semaphore_mem>>) src(%arg31 : memref<400xf32, #tpu.memory_space<vmem>>) dst(%dma_wait3A_243 : memref<1025024xf32, #tpu.memory_space<vmem_shared>>)
      tpu.yield
    }) : () -> ()
    %barrier3A_233 = arith.constant 0 : index
    tpu.barrier barrier_id(%barrier3A_233)
    "tpu.trace_start"() <{level = 10 : i32, message = "P5_flush"}> : () -> ()
    %mul3A_234 = arith.constant 64000 : i32
    %mul3A_235 = arith.muli %arg1, %mul3A_234 : i32
    %mul3A_236 = arith.constant 1024000 : i32
    %mul3A_237 = arith.muli %add3A_199, %mul3A_236 : i32
    %mul3A_238 = arith.constant 64000 : i32
    %mul3A_239 = arith.muli %arg1, %mul3A_238 : i32
    %add3A_240 = arith.addi %mul3A_237, %mul3A_239 : i32
    "tpu.region"() ({
      %run_scoped3A = tpu.sem_alloc : memref<!tpu.dma_semaphore, #tpu.memory_space<semaphore_mem>>
      %dma_start3A = tpu.memref_slice %arg8[%add3A_240] : memref<8192000xf32, #tpu.memory_space<hbm>> -> memref<64000xf32, #tpu.memory_space<hbm>>
      %dma_start3A_242 = tpu.memref_slice %arg16[%mul3A_235] : memref<1025024xf32, #tpu.memory_space<vmem_shared>> -> memref<64000xf32, #tpu.memory_space<vmem_shared>>
      tpu.enqueue_dma source(%dma_start3A_242 : memref<64000xf32, #tpu.memory_space<vmem_shared>>) target(%dma_start3A : memref<64000xf32, #tpu.memory_space<hbm>>) target_semaphore(%run_scoped3A : memref<!tpu.dma_semaphore, #tpu.memory_space<semaphore_mem>>)
      %dma_wait3A = tpu.memref_slice %arg8[%add3A_240] : memref<8192000xf32, #tpu.memory_space<hbm>> -> memref<64000xf32, #tpu.memory_space<hbm>>
      %dma_wait3A_243 = tpu.memref_slice %arg16[%mul3A_235] : memref<1025024xf32, #tpu.memory_space<vmem_shared>> -> memref<64000xf32, #tpu.memory_space<vmem_shared>>
      tpu.wait_dma2 semaphore(%run_scoped3A : memref<!tpu.dma_semaphore, #tpu.memory_space<semaphore_mem>>) src(%dma_wait3A_243 : memref<64000xf32, #tpu.memory_space<vmem_shared>>) dst(%dma_wait3A : memref<64000xf32, #tpu.memory_space<hbm>>)
      tpu.yield
    }) : () -> ()
    "tpu.trace_stop"() : () -> ()
    %barrier3A_241 = arith.constant 0 : index
    tpu.barrier barrier_id(%barrier3A_241)
    return
  }
}

module attributes {stable_mosaic.version = 14 : i64} {
  func.func @_tc_body(%arg0: i32, %arg1: memref<6400x1xf32, #tpu.memory_space<vmem>>, %arg2: memref<6400x160xf32, #tpu.memory_space<vmem>>, %arg3: memref<1x256xf32, #tpu.memory_space<vmem>>, %arg4: memref<1x100xf32, #tpu.memory_space<vmem>>, %arg5: memref<100x100xf32, #tpu.memory_space<vmem>>, %arg6: memref<1x100xf32, #tpu.memory_space<vmem>>, %arg7: memref<1x100xf32, #tpu.memory_space<vmem>>, %arg8: memref<400x100xf32, #tpu.memory_space<vmem>>, %arg9: memref<400x100xf32, #tpu.memory_space<vmem>>, %arg10: memref<1x400xf32, #tpu.memory_space<vmem>>, %arg11: memref<1x400xf32, #tpu.memory_space<vmem>>, %arg12: memref<100x1xf32, #tpu.memory_space<vmem>>, %arg13: memref<1x1xf32, #tpu.memory_space<vmem>>, %arg14: memref<32x1xf32, #tpu.memory_space<vmem>>, %arg15: memref<160x100xf32, #tpu.memory_space<vmem>>) attributes {dimension_semantics = [#tpu.dimension_semantics<arbitrary>], iteration_bounds = array<i64: 8>, scalar_prefetch = 0 : i64, scratch_operands = 1 : i64, tpu.core_type = #tpu.core_type<tc>, window_params = [{transform_indices = @transform_0, window_bounds = array<i64: 6400, 1>}, {transform_indices = @transform_1, window_bounds = array<i64: 6400, 160>}, {pipeline_mode = #tpu.pipeline_mode<synchronous>, transform_indices = @transform_2, window_bounds = array<i64: 1, 256>}, {pipeline_mode = #tpu.pipeline_mode<synchronous>, transform_indices = @transform_3, window_bounds = array<i64: 1, 100>}, {pipeline_mode = #tpu.pipeline_mode<synchronous>, transform_indices = @transform_4, window_bounds = array<i64: 100, 100>}, {pipeline_mode = #tpu.pipeline_mode<synchronous>, transform_indices = @transform_5, window_bounds = array<i64: 1, 100>}, {pipeline_mode = #tpu.pipeline_mode<synchronous>, transform_indices = @transform_6, window_bounds = array<i64: 1, 100>}, {pipeline_mode = #tpu.pipeline_mode<synchronous>, transform_indices = @transform_7, window_bounds = array<i64: 400, 100>}, {pipeline_mode = #tpu.pipeline_mode<synchronous>, transform_indices = @transform_8, window_bounds = array<i64: 400, 100>}, {pipeline_mode = #tpu.pipeline_mode<synchronous>, transform_indices = @transform_9, window_bounds = array<i64: 1, 400>}, {pipeline_mode = #tpu.pipeline_mode<synchronous>, transform_indices = @transform_10, window_bounds = array<i64: 1, 400>}, {pipeline_mode = #tpu.pipeline_mode<synchronous>, transform_indices = @transform_11, window_bounds = array<i64: 100, 1>}, {pipeline_mode = #tpu.pipeline_mode<synchronous>, transform_indices = @transform_12, window_bounds = array<i64: 1, 1>}, {pipeline_mode = #tpu.pipeline_mode<synchronous>, transform_indices = @transform_13, window_bounds = array<i64: 32, 1>}]} {
    %eq3A = arith.constant 0 : i32
    %eq3A_0 = arith.cmpi eq, %arg0, %eq3A : i32
    %convert_element_type3A = arith.extui %eq3A_0 : i1 to i32
    %cond3A = arith.constant 0 : i32
    %cond3A_1 = arith.cmpi ne, %convert_element_type3A, %cond3A : i32
    scf.if %cond3A_1 {
      %broadcast_in_dim3A = arith.constant 0.000000e+00 : f32
      %broadcast_in_dim3A_35 = vector.broadcast %broadcast_in_dim3A : f32 to vector<160x100xf32>
      %swap3A_36 = arith.constant 0 : index
      %swap3A_37 = arith.constant 0 : index
      %swap3A_38 = vector.load %arg15[%swap3A_36, %swap3A_37] : memref<160x100xf32, #tpu.memory_space<vmem>>, vector<160x100xf32>
      tpu.vector_store %arg15[%swap3A_36, %swap3A_37], %broadcast_in_dim3A_35 {strides = array<i32>} : memref<160x100xf32, #tpu.memory_space<vmem>>, vector<160x100xf32>,
    } else {
    }
    %get3A = arith.constant 0 : index
    %get3A_2 = arith.constant 0 : index
    %get3A_3 = vector.load %arg1[%get3A, %get3A_2] : memref<6400x1xf32, #tpu.memory_space<vmem>>, vector<6400x1xf32>
    %get3A_4 = arith.constant 0 : index
    %get3A_5 = arith.constant 0 : index
    %get3A_6 = vector.load %arg4[%get3A_4, %get3A_5] : memref<1x100xf32, #tpu.memory_space<vmem>>, vector<1x100xf32>
    %mul3A = vector.broadcast %get3A_3 : vector<6400x1xf32> to vector<6400x100xf32>
    %mul3A_7 = vector.broadcast %get3A_6 : vector<1x100xf32> to vector<6400x100xf32>
    %mul3A_8 = arith.mulf %mul3A, %mul3A_7 : vector<6400x100xf32>
    %get3A_9 = arith.constant 0 : index
    %get3A_10 = arith.constant 0 : index
    %get3A_11 = vector.load %arg6[%get3A_9, %get3A_10] : memref<1x100xf32, #tpu.memory_space<vmem>>, vector<1x100xf32>
    %add3A = vector.broadcast %get3A_11 : vector<1x100xf32> to vector<6400x100xf32>
    %add3A_12 = arith.addf %mul3A_8, %add3A : vector<6400x100xf32>
    %convert_element_type3A_13 = arith.truncf %add3A_12 : vector<6400x100xf32> to vector<6400x100xbf16>
    %get3A_14 = arith.constant 0 : index
    %get3A_15 = arith.constant 0 : index
    %get3A_16 = vector.load %arg5[%get3A_14, %get3A_15] : memref<100x100xf32, #tpu.memory_space<vmem>>, vector<100x100xf32>
    %convert_element_type3A_17 = arith.truncf %get3A_16 : vector<100x100xf32> to vector<100x100xbf16>
    %dot_general3A = arith.constant dense<0.000000e+00> : vector<6400x100xf32>
    %dot_general3A_18 = tpu.matmul %convert_element_type3A_13, %convert_element_type3A_17, %dot_general3A {dimension_numbers = #tpu.dot_dimension_numbers<[1], [0], [0], [1], [0, 0, 1, 1], [], []>, transpose_lhs_hint = false} : vector<6400x100xbf16>, vector<100x100xbf16>, vector<6400x100xf32> -> vector<6400x100xf32>
    %get3A_19 = arith.constant 0 : index
    %get3A_20 = arith.constant 0 : index
    %get3A_21 = vector.load %arg15[%get3A_19, %get3A_20] : memref<160x100xf32, #tpu.memory_space<vmem>>, vector<160x100xf32>
    %get3A_22 = arith.constant 0 : index
    %get3A_23 = arith.constant 0 : index
    %get3A_24 = vector.load %arg2[%get3A_22, %get3A_23] : memref<6400x160xf32, #tpu.memory_space<vmem>>, vector<6400x160xf32>
    %dot_general3A_25 = arith.constant dense<0.000000e+00> : vector<160x100xf32>
    %dot_general3A_26 = tpu.matmul %get3A_24, %dot_general3A_18, %dot_general3A_25 {dimension_numbers = #tpu.dot_dimension_numbers<[0], [0], [1], [1], [0, 1, 1, 1], [], []>, precision = #tpu.contract_precision<fp32>, transpose_lhs_hint = false} : vector<6400x160xf32>, vector<6400x100xf32>, vector<160x100xf32> -> vector<160x100xf32>
    %add3A_27 = arith.addf %get3A_21, %dot_general3A_26 : vector<160x100xf32>
    %swap3A = arith.constant 0 : index
    %swap3A_28 = arith.constant 0 : index
    %swap3A_29 = vector.load %arg15[%swap3A, %swap3A_28] : memref<160x100xf32, #tpu.memory_space<vmem>>, vector<160x100xf32>
    tpu.vector_store %arg15[%swap3A, %swap3A_28], %add3A_27 {strides = array<i32>} : memref<160x100xf32, #tpu.memory_space<vmem>>, vector<160x100xf32>,
    %eq3A_30 = arith.constant 7 : i32
    %eq3A_31 = arith.cmpi eq, %arg0, %eq3A_30 : i32
    %convert_element_type3A_32 = arith.extui %eq3A_31 : i1 to i32
    %cond3A_33 = arith.constant 0 : i32
    %cond3A_34 = arith.cmpi ne, %convert_element_type3A_32, %cond3A_33 : i32
    scf.if %cond3A_34 {
      %get3A_35 = arith.constant 0 : index
      %get3A_36 = arith.constant 0 : index
      %get3A_37 = vector.load %arg3[%get3A_35, %get3A_36] : memref<1x256xf32, #tpu.memory_space<vmem>>, vector<1x256xf32>
      %slice3A = vector.extract_strided_slice %get3A_37 {offsets = [0, 0], sizes = [1, 160], strides = [1, 1]} : vector<1x256xf32> to vector<1x160xf32>
      %squeeze3A = vector.shape_cast %slice3A : vector<1x160xf32> to vector<160xf32>
      %max3A = arith.constant 1.000000e+00 : f32
      %max3A_38 = vector.broadcast %max3A : f32 to vector<160xf32>
      %max3A_39 = arith.maximumf %squeeze3A, %max3A_38 : vector<160xf32>
      %get3A_40 = arith.constant 0 : index
      %get3A_41 = arith.constant 0 : index
      %get3A_42 = vector.load %arg15[%get3A_40, %get3A_41] : memref<160x100xf32, #tpu.memory_space<vmem>>, vector<160x100xf32>
      %broadcast_in_dim3A = vector.shape_cast %max3A_39 : vector<160xf32> to vector<160x1xf32>
      %div3A = vector.broadcast %broadcast_in_dim3A : vector<160x1xf32> to vector<160x100xf32>
      %div3A_43 = arith.divf %get3A_42, %div3A : vector<160x100xf32>
      %get3A_44 = arith.constant 0 : index
      %get3A_45 = arith.constant 0 : index
      %get3A_46 = vector.load %arg7[%get3A_44, %get3A_45] : memref<1x100xf32, #tpu.memory_space<vmem>>, vector<1x100xf32>
      %add3A_47 = vector.broadcast %get3A_46 : vector<1x100xf32> to vector<160x100xf32>
      %add3A_48 = arith.addf %div3A_43, %add3A_47 : vector<160x100xf32>
      %get3A_49 = arith.constant 0 : index
      %get3A_50 = arith.constant 0 : index
      %get3A_51 = vector.load %arg8[%get3A_49, %get3A_50] : memref<400x100xf32, #tpu.memory_space<vmem>>, vector<400x100xf32>
      %convert_element_type3A_52 = arith.truncf %get3A_51 : vector<400x100xf32> to vector<400x100xbf16>
      %get3A_53 = arith.constant 0 : index
      %get3A_54 = arith.constant 0 : index
      %get3A_55 = vector.load %arg9[%get3A_53, %get3A_54] : memref<400x100xf32, #tpu.memory_space<vmem>>, vector<400x100xf32>
      %convert_element_type3A_56 = arith.truncf %get3A_55 : vector<400x100xf32> to vector<400x100xbf16>
      %get3A_57 = arith.constant 0 : index
      %get3A_58 = arith.constant 0 : index
      %get3A_59 = vector.load %arg10[%get3A_57, %get3A_58] : memref<1x400xf32, #tpu.memory_space<vmem>>, vector<1x400xf32>
      %get3A_60 = arith.constant 0 : index
      %get3A_61 = arith.constant 0 : index
      %get3A_62 = vector.load %arg11[%get3A_60, %get3A_61] : memref<1x400xf32, #tpu.memory_space<vmem>>, vector<1x400xf32>
      %add3A_63 = arith.addf %get3A_59, %get3A_62 : vector<1x400xf32>
      %broadcast_in_dim3A_64 = arith.constant 0.000000e+00 : f32
      %broadcast_in_dim3A_65 = vector.broadcast %broadcast_in_dim3A_64 : f32 to vector<32x100xf32>
      %broadcast_in_dim3A_66 = arith.constant 0.000000e+00 : f32
      %broadcast_in_dim3A_67 = vector.broadcast %broadcast_in_dim3A_66 : f32 to vector<32x100xf32>
      %slice3A_68 = vector.extract_strided_slice %add3A_48 {offsets = [0, 0], sizes = [32, 100], strides = [1, 1]} : vector<160x100xf32> to vector<32x100xf32>
      %convert_element_type3A_69 = arith.truncf %slice3A_68 : vector<32x100xf32> to vector<32x100xbf16>
      %dot_general3A_70 = arith.constant dense<0.000000e+00> : vector<32x400xf32>
      %dot_general3A_71 = tpu.matmul %convert_element_type3A_69, %convert_element_type3A_52, %dot_general3A_70 {dimension_numbers = #tpu.dot_dimension_numbers<[1], [1], [0], [0], [0, 0, 1, 0], [], []>, transpose_lhs_hint = false} : vector<32x100xbf16>, vector<400x100xbf16>, vector<32x400xf32> -> vector<32x400xf32>
      %convert_element_type3A_72 = arith.truncf %broadcast_in_dim3A_65 : vector<32x100xf32> to vector<32x100xbf16>
      %dot_general3A_73 = arith.constant dense<0.000000e+00> : vector<32x400xf32>
      %dot_general3A_74 = tpu.matmul %convert_element_type3A_72, %convert_element_type3A_56, %dot_general3A_73 {dimension_numbers = #tpu.dot_dimension_numbers<[1], [1], [0], [0], [0, 0, 1, 0], [], []>, transpose_lhs_hint = false} : vector<32x100xbf16>, vector<400x100xbf16>, vector<32x400xf32> -> vector<32x400xf32>
      %add3A_75 = arith.addf %dot_general3A_71, %dot_general3A_74 : vector<32x400xf32>
      %add3A_76 = vector.broadcast %add3A_63 : vector<1x400xf32> to vector<32x400xf32>
      %add3A_77 = arith.addf %add3A_75, %add3A_76 : vector<32x400xf32>
      %slice3A_78 = vector.extract_strided_slice %add3A_77 {offsets = [0, 0], sizes = [32, 100], strides = [1, 1]} : vector<32x400xf32> to vector<32x100xf32>
      %logistic3A = arith.negf %slice3A_78 : vector<32x100xf32>
      %logistic3A_79 = math.exp %logistic3A : vector<32x100xf32>
      %logistic3A_80 = arith.constant 1.000000e+00 : f32
      %logistic3A_81 = vector.broadcast %logistic3A_80 : f32 to vector<32x100xf32>
      %logistic3A_82 = arith.addf %logistic3A_81, %logistic3A_79 : vector<32x100xf32>
      %logistic3A_83 = arith.divf %logistic3A_81, %logistic3A_82 : vector<32x100xf32>
      %slice3A_84 = vector.extract_strided_slice %add3A_77 {offsets = [0, 100], sizes = [32, 100], strides = [1, 1]} : vector<32x400xf32> to vector<32x100xf32>
      %logistic3A_85 = arith.negf %slice3A_84 : vector<32x100xf32>
      %logistic3A_86 = math.exp %logistic3A_85 : vector<32x100xf32>
      %logistic3A_87 = arith.constant 1.000000e+00 : f32
      %logistic3A_88 = vector.broadcast %logistic3A_87 : f32 to vector<32x100xf32>
      %logistic3A_89 = arith.addf %logistic3A_88, %logistic3A_86 : vector<32x100xf32>
      %logistic3A_90 = arith.divf %logistic3A_88, %logistic3A_89 : vector<32x100xf32>
      %slice3A_91 = vector.extract_strided_slice %add3A_77 {offsets = [0, 200], sizes = [32, 100], strides = [1, 1]} : vector<32x400xf32> to vector<32x100xf32>
      %tanh3A = math.tanh %slice3A_91 : vector<32x100xf32>
      %slice3A_92 = vector.extract_strided_slice %add3A_77 {offsets = [0, 300], sizes = [32, 100], strides = [1, 1]} : vector<32x400xf32> to vector<32x100xf32>
      %logistic3A_93 = arith.negf %slice3A_92 : vector<32x100xf32>
      %logistic3A_94 = math.exp %logistic3A_93 : vector<32x100xf32>
      %logistic3A_95 = arith.constant 1.000000e+00 : f32
      %logistic3A_96 = vector.broadcast %logistic3A_95 : f32 to vector<32x100xf32>
      %logistic3A_97 = arith.addf %logistic3A_96, %logistic3A_94 : vector<32x100xf32>
      %logistic3A_98 = arith.divf %logistic3A_96, %logistic3A_97 : vector<32x100xf32>
      %mul3A_99 = arith.mulf %logistic3A_90, %broadcast_in_dim3A_67 : vector<32x100xf32>
      %mul3A_100 = arith.mulf %logistic3A_83, %tanh3A : vector<32x100xf32>
      %add3A_101 = arith.addf %mul3A_99, %mul3A_100 : vector<32x100xf32>
      %tanh3A_102 = math.tanh %add3A_101 : vector<32x100xf32>
      %mul3A_103 = arith.mulf %logistic3A_98, %tanh3A_102 : vector<32x100xf32>
      %slice3A_104 = vector.extract_strided_slice %add3A_48 {offsets = [32, 0], sizes = [32, 100], strides = [1, 1]} : vector<160x100xf32> to vector<32x100xf32>
      %convert_element_type3A_105 = arith.truncf %slice3A_104 : vector<32x100xf32> to vector<32x100xbf16>
      %dot_general3A_106 = arith.constant dense<0.000000e+00> : vector<32x400xf32>
      %dot_general3A_107 = tpu.matmul %convert_element_type3A_105, %convert_element_type3A_52, %dot_general3A_106 {dimension_numbers = #tpu.dot_dimension_numbers<[1], [1], [0], [0], [0, 0, 1, 0], [], []>, transpose_lhs_hint = false} : vector<32x100xbf16>, vector<400x100xbf16>, vector<32x400xf32> -> vector<32x400xf32>
      %convert_element_type3A_108 = arith.truncf %mul3A_103 : vector<32x100xf32> to vector<32x100xbf16>
      %dot_general3A_109 = arith.constant dense<0.000000e+00> : vector<32x400xf32>
      %dot_general3A_110 = tpu.matmul %convert_element_type3A_108, %convert_element_type3A_56, %dot_general3A_109 {dimension_numbers = #tpu.dot_dimension_numbers<[1], [1], [0], [0], [0, 0, 1, 0], [], []>, transpose_lhs_hint = false} : vector<32x100xbf16>, vector<400x100xbf16>, vector<32x400xf32> -> vector<32x400xf32>
      %add3A_111 = arith.addf %dot_general3A_107, %dot_general3A_110 : vector<32x400xf32>
      %add3A_112 = vector.broadcast %add3A_63 : vector<1x400xf32> to vector<32x400xf32>
      %add3A_113 = arith.addf %add3A_111, %add3A_112 : vector<32x400xf32>
      %slice3A_114 = vector.extract_strided_slice %add3A_113 {offsets = [0, 0], sizes = [32, 100], strides = [1, 1]} : vector<32x400xf32> to vector<32x100xf32>
      %logistic3A_115 = arith.negf %slice3A_114 : vector<32x100xf32>
      %logistic3A_116 = math.exp %logistic3A_115 : vector<32x100xf32>
      %logistic3A_117 = arith.constant 1.000000e+00 : f32
      %logistic3A_118 = vector.broadcast %logistic3A_117 : f32 to vector<32x100xf32>
      %logistic3A_119 = arith.addf %logistic3A_118, %logistic3A_116 : vector<32x100xf32>
      %logistic3A_120 = arith.divf %logistic3A_118, %logistic3A_119 : vector<32x100xf32>
      %slice3A_121 = vector.extract_strided_slice %add3A_113 {offsets = [0, 100], sizes = [32, 100], strides = [1, 1]} : vector<32x400xf32> to vector<32x100xf32>
      %logistic3A_122 = arith.negf %slice3A_121 : vector<32x100xf32>
      %logistic3A_123 = math.exp %logistic3A_122 : vector<32x100xf32>
      %logistic3A_124 = arith.constant 1.000000e+00 : f32
      %logistic3A_125 = vector.broadcast %logistic3A_124 : f32 to vector<32x100xf32>
      %logistic3A_126 = arith.addf %logistic3A_125, %logistic3A_123 : vector<32x100xf32>
      %logistic3A_127 = arith.divf %logistic3A_125, %logistic3A_126 : vector<32x100xf32>
      %slice3A_128 = vector.extract_strided_slice %add3A_113 {offsets = [0, 200], sizes = [32, 100], strides = [1, 1]} : vector<32x400xf32> to vector<32x100xf32>
      %tanh3A_129 = math.tanh %slice3A_128 : vector<32x100xf32>
      %slice3A_130 = vector.extract_strided_slice %add3A_113 {offsets = [0, 300], sizes = [32, 100], strides = [1, 1]} : vector<32x400xf32> to vector<32x100xf32>
      %logistic3A_131 = arith.negf %slice3A_130 : vector<32x100xf32>
      %logistic3A_132 = math.exp %logistic3A_131 : vector<32x100xf32>
      %logistic3A_133 = arith.constant 1.000000e+00 : f32
      %logistic3A_134 = vector.broadcast %logistic3A_133 : f32 to vector<32x100xf32>
      %logistic3A_135 = arith.addf %logistic3A_134, %logistic3A_132 : vector<32x100xf32>
      %logistic3A_136 = arith.divf %logistic3A_134, %logistic3A_135 : vector<32x100xf32>
      %mul3A_137 = arith.mulf %logistic3A_127, %add3A_101 : vector<32x100xf32>
      %mul3A_138 = arith.mulf %logistic3A_120, %tanh3A_129 : vector<32x100xf32>
      %add3A_139 = arith.addf %mul3A_137, %mul3A_138 : vector<32x100xf32>
      %tanh3A_140 = math.tanh %add3A_139 : vector<32x100xf32>
      %mul3A_141 = arith.mulf %logistic3A_136, %tanh3A_140 : vector<32x100xf32>
      %slice3A_142 = vector.extract_strided_slice %add3A_48 {offsets = [64, 0], sizes = [32, 100], strides = [1, 1]} : vector<160x100xf32> to vector<32x100xf32>
      %convert_element_type3A_143 = arith.truncf %slice3A_142 : vector<32x100xf32> to vector<32x100xbf16>
      %dot_general3A_144 = arith.constant dense<0.000000e+00> : vector<32x400xf32>
      %dot_general3A_145 = tpu.matmul %convert_element_type3A_143, %convert_element_type3A_52, %dot_general3A_144 {dimension_numbers = #tpu.dot_dimension_numbers<[1], [1], [0], [0], [0, 0, 1, 0], [], []>, transpose_lhs_hint = false} : vector<32x100xbf16>, vector<400x100xbf16>, vector<32x400xf32> -> vector<32x400xf32>
      %convert_element_type3A_146 = arith.truncf %mul3A_141 : vector<32x100xf32> to vector<32x100xbf16>
      %dot_general3A_147 = arith.constant dense<0.000000e+00> : vector<32x400xf32>
      %dot_general3A_148 = tpu.matmul %convert_element_type3A_146, %convert_element_type3A_56, %dot_general3A_147 {dimension_numbers = #tpu.dot_dimension_numbers<[1], [1], [0], [0], [0, 0, 1, 0], [], []>, transpose_lhs_hint = false} : vector<32x100xbf16>, vector<400x100xbf16>, vector<32x400xf32> -> vector<32x400xf32>
      %add3A_149 = arith.addf %dot_general3A_145, %dot_general3A_148 : vector<32x400xf32>
      %add3A_150 = vector.broadcast %add3A_63 : vector<1x400xf32> to vector<32x400xf32>
      %add3A_151 = arith.addf %add3A_149, %add3A_150 : vector<32x400xf32>
      %slice3A_152 = vector.extract_strided_slice %add3A_151 {offsets = [0, 0], sizes = [32, 100], strides = [1, 1]} : vector<32x400xf32> to vector<32x100xf32>
      %logistic3A_153 = arith.negf %slice3A_152 : vector<32x100xf32>
      %logistic3A_154 = math.exp %logistic3A_153 : vector<32x100xf32>
      %logistic3A_155 = arith.constant 1.000000e+00 : f32
      %logistic3A_156 = vector.broadcast %logistic3A_155 : f32 to vector<32x100xf32>
      %logistic3A_157 = arith.addf %logistic3A_156, %logistic3A_154 : vector<32x100xf32>
      %logistic3A_158 = arith.divf %logistic3A_156, %logistic3A_157 : vector<32x100xf32>
      %slice3A_159 = vector.extract_strided_slice %add3A_151 {offsets = [0, 100], sizes = [32, 100], strides = [1, 1]} : vector<32x400xf32> to vector<32x100xf32>
      %logistic3A_160 = arith.negf %slice3A_159 : vector<32x100xf32>
      %logistic3A_161 = math.exp %logistic3A_160 : vector<32x100xf32>
      %logistic3A_162 = arith.constant 1.000000e+00 : f32
      %logistic3A_163 = vector.broadcast %logistic3A_162 : f32 to vector<32x100xf32>
      %logistic3A_164 = arith.addf %logistic3A_163, %logistic3A_161 : vector<32x100xf32>
      %logistic3A_165 = arith.divf %logistic3A_163, %logistic3A_164 : vector<32x100xf32>
      %slice3A_166 = vector.extract_strided_slice %add3A_151 {offsets = [0, 200], sizes = [32, 100], strides = [1, 1]} : vector<32x400xf32> to vector<32x100xf32>
      %tanh3A_167 = math.tanh %slice3A_166 : vector<32x100xf32>
      %slice3A_168 = vector.extract_strided_slice %add3A_151 {offsets = [0, 300], sizes = [32, 100], strides = [1, 1]} : vector<32x400xf32> to vector<32x100xf32>
      %logistic3A_169 = arith.negf %slice3A_168 : vector<32x100xf32>
      %logistic3A_170 = math.exp %logistic3A_169 : vector<32x100xf32>
      %logistic3A_171 = arith.constant 1.000000e+00 : f32
      %logistic3A_172 = vector.broadcast %logistic3A_171 : f32 to vector<32x100xf32>
      %logistic3A_173 = arith.addf %logistic3A_172, %logistic3A_170 : vector<32x100xf32>
      %logistic3A_174 = arith.divf %logistic3A_172, %logistic3A_173 : vector<32x100xf32>
      %mul3A_175 = arith.mulf %logistic3A_165, %add3A_139 : vector<32x100xf32>
      %mul3A_176 = arith.mulf %logistic3A_158, %tanh3A_167 : vector<32x100xf32>
      %add3A_177 = arith.addf %mul3A_175, %mul3A_176 : vector<32x100xf32>
      %tanh3A_178 = math.tanh %add3A_177 : vector<32x100xf32>
      %mul3A_179 = arith.mulf %logistic3A_174, %tanh3A_178 : vector<32x100xf32>
      %slice3A_180 = vector.extract_strided_slice %add3A_48 {offsets = [96, 0], sizes = [32, 100], strides = [1, 1]} : vector<160x100xf32> to vector<32x100xf32>
      %convert_element_type3A_181 = arith.truncf %slice3A_180 : vector<32x100xf32> to vector<32x100xbf16>
      %dot_general3A_182 = arith.constant dense<0.000000e+00> : vector<32x400xf32>
      %dot_general3A_183 = tpu.matmul %convert_element_type3A_181, %convert_element_type3A_52, %dot_general3A_182 {dimension_numbers = #tpu.dot_dimension_numbers<[1], [1], [0], [0], [0, 0, 1, 0], [], []>, transpose_lhs_hint = false} : vector<32x100xbf16>, vector<400x100xbf16>, vector<32x400xf32> -> vector<32x400xf32>
      %convert_element_type3A_184 = arith.truncf %mul3A_179 : vector<32x100xf32> to vector<32x100xbf16>
      %dot_general3A_185 = arith.constant dense<0.000000e+00> : vector<32x400xf32>
      %dot_general3A_186 = tpu.matmul %convert_element_type3A_184, %convert_element_type3A_56, %dot_general3A_185 {dimension_numbers = #tpu.dot_dimension_numbers<[1], [1], [0], [0], [0, 0, 1, 0], [], []>, transpose_lhs_hint = false} : vector<32x100xbf16>, vector<400x100xbf16>, vector<32x400xf32> -> vector<32x400xf32>
      %add3A_187 = arith.addf %dot_general3A_183, %dot_general3A_186 : vector<32x400xf32>
      %add3A_188 = vector.broadcast %add3A_63 : vector<1x400xf32> to vector<32x400xf32>
      %add3A_189 = arith.addf %add3A_187, %add3A_188 : vector<32x400xf32>
      %slice3A_190 = vector.extract_strided_slice %add3A_189 {offsets = [0, 0], sizes = [32, 100], strides = [1, 1]} : vector<32x400xf32> to vector<32x100xf32>
      %logistic3A_191 = arith.negf %slice3A_190 : vector<32x100xf32>
      %logistic3A_192 = math.exp %logistic3A_191 : vector<32x100xf32>
      %logistic3A_193 = arith.constant 1.000000e+00 : f32
      %logistic3A_194 = vector.broadcast %logistic3A_193 : f32 to vector<32x100xf32>
      %logistic3A_195 = arith.addf %logistic3A_194, %logistic3A_192 : vector<32x100xf32>
      %logistic3A_196 = arith.divf %logistic3A_194, %logistic3A_195 : vector<32x100xf32>
      %slice3A_197 = vector.extract_strided_slice %add3A_189 {offsets = [0, 100], sizes = [32, 100], strides = [1, 1]} : vector<32x400xf32> to vector<32x100xf32>
      %logistic3A_198 = arith.negf %slice3A_197 : vector<32x100xf32>
      %logistic3A_199 = math.exp %logistic3A_198 : vector<32x100xf32>
      %logistic3A_200 = arith.constant 1.000000e+00 : f32
      %logistic3A_201 = vector.broadcast %logistic3A_200 : f32 to vector<32x100xf32>
      %logistic3A_202 = arith.addf %logistic3A_201, %logistic3A_199 : vector<32x100xf32>
      %logistic3A_203 = arith.divf %logistic3A_201, %logistic3A_202 : vector<32x100xf32>
      %slice3A_204 = vector.extract_strided_slice %add3A_189 {offsets = [0, 200], sizes = [32, 100], strides = [1, 1]} : vector<32x400xf32> to vector<32x100xf32>
      %tanh3A_205 = math.tanh %slice3A_204 : vector<32x100xf32>
      %slice3A_206 = vector.extract_strided_slice %add3A_189 {offsets = [0, 300], sizes = [32, 100], strides = [1, 1]} : vector<32x400xf32> to vector<32x100xf32>
      %logistic3A_207 = arith.negf %slice3A_206 : vector<32x100xf32>
      %logistic3A_208 = math.exp %logistic3A_207 : vector<32x100xf32>
      %logistic3A_209 = arith.constant 1.000000e+00 : f32
      %logistic3A_210 = vector.broadcast %logistic3A_209 : f32 to vector<32x100xf32>
      %logistic3A_211 = arith.addf %logistic3A_210, %logistic3A_208 : vector<32x100xf32>
      %logistic3A_212 = arith.divf %logistic3A_210, %logistic3A_211 : vector<32x100xf32>
      %mul3A_213 = arith.mulf %logistic3A_203, %add3A_177 : vector<32x100xf32>
      %mul3A_214 = arith.mulf %logistic3A_196, %tanh3A_205 : vector<32x100xf32>
      %add3A_215 = arith.addf %mul3A_213, %mul3A_214 : vector<32x100xf32>
      %tanh3A_216 = math.tanh %add3A_215 : vector<32x100xf32>
      %mul3A_217 = arith.mulf %logistic3A_212, %tanh3A_216 : vector<32x100xf32>
      %slice3A_218 = vector.extract_strided_slice %add3A_48 {offsets = [128, 0], sizes = [32, 100], strides = [1, 1]} : vector<160x100xf32> to vector<32x100xf32>
      %convert_element_type3A_219 = arith.truncf %slice3A_218 : vector<32x100xf32> to vector<32x100xbf16>
      %dot_general3A_220 = arith.constant dense<0.000000e+00> : vector<32x400xf32>
      %dot_general3A_221 = tpu.matmul %convert_element_type3A_219, %convert_element_type3A_52, %dot_general3A_220 {dimension_numbers = #tpu.dot_dimension_numbers<[1], [1], [0], [0], [0, 0, 1, 0], [], []>, transpose_lhs_hint = false} : vector<32x100xbf16>, vector<400x100xbf16>, vector<32x400xf32> -> vector<32x400xf32>
      %convert_element_type3A_222 = arith.truncf %mul3A_217 : vector<32x100xf32> to vector<32x100xbf16>
      %dot_general3A_223 = arith.constant dense<0.000000e+00> : vector<32x400xf32>
      %dot_general3A_224 = tpu.matmul %convert_element_type3A_222, %convert_element_type3A_56, %dot_general3A_223 {dimension_numbers = #tpu.dot_dimension_numbers<[1], [1], [0], [0], [0, 0, 1, 0], [], []>, transpose_lhs_hint = false} : vector<32x100xbf16>, vector<400x100xbf16>, vector<32x400xf32> -> vector<32x400xf32>
      %add3A_225 = arith.addf %dot_general3A_221, %dot_general3A_224 : vector<32x400xf32>
      %add3A_226 = vector.broadcast %add3A_63 : vector<1x400xf32> to vector<32x400xf32>
      %add3A_227 = arith.addf %add3A_225, %add3A_226 : vector<32x400xf32>
      %slice3A_228 = vector.extract_strided_slice %add3A_227 {offsets = [0, 0], sizes = [32, 100], strides = [1, 1]} : vector<32x400xf32> to vector<32x100xf32>
      %logistic3A_229 = arith.negf %slice3A_228 : vector<32x100xf32>
      %logistic3A_230 = math.exp %logistic3A_229 : vector<32x100xf32>
      %logistic3A_231 = arith.constant 1.000000e+00 : f32
      %logistic3A_232 = vector.broadcast %logistic3A_231 : f32 to vector<32x100xf32>
      %logistic3A_233 = arith.addf %logistic3A_232, %logistic3A_230 : vector<32x100xf32>
      %logistic3A_234 = arith.divf %logistic3A_232, %logistic3A_233 : vector<32x100xf32>
      %slice3A_235 = vector.extract_strided_slice %add3A_227 {offsets = [0, 100], sizes = [32, 100], strides = [1, 1]} : vector<32x400xf32> to vector<32x100xf32>
      %logistic3A_236 = arith.negf %slice3A_235 : vector<32x100xf32>
      %logistic3A_237 = math.exp %logistic3A_236 : vector<32x100xf32>
      %logistic3A_238 = arith.constant 1.000000e+00 : f32
      %logistic3A_239 = vector.broadcast %logistic3A_238 : f32 to vector<32x100xf32>
      %logistic3A_240 = arith.addf %logistic3A_239, %logistic3A_237 : vector<32x100xf32>
      %logistic3A_241 = arith.divf %logistic3A_239, %logistic3A_240 : vector<32x100xf32>
      %slice3A_242 = vector.extract_strided_slice %add3A_227 {offsets = [0, 200], sizes = [32, 100], strides = [1, 1]} : vector<32x400xf32> to vector<32x100xf32>
      %tanh3A_243 = math.tanh %slice3A_242 : vector<32x100xf32>
      %slice3A_244 = vector.extract_strided_slice %add3A_227 {offsets = [0, 300], sizes = [32, 100], strides = [1, 1]} : vector<32x400xf32> to vector<32x100xf32>
      %logistic3A_245 = arith.negf %slice3A_244 : vector<32x100xf32>
      %logistic3A_246 = math.exp %logistic3A_245 : vector<32x100xf32>
      %logistic3A_247 = arith.constant 1.000000e+00 : f32
      %logistic3A_248 = vector.broadcast %logistic3A_247 : f32 to vector<32x100xf32>
      %logistic3A_249 = arith.addf %logistic3A_248, %logistic3A_246 : vector<32x100xf32>
      %logistic3A_250 = arith.divf %logistic3A_248, %logistic3A_249 : vector<32x100xf32>
      %mul3A_251 = arith.mulf %logistic3A_241, %add3A_215 : vector<32x100xf32>
      %mul3A_252 = arith.mulf %logistic3A_234, %tanh3A_243 : vector<32x100xf32>
      %add3A_253 = arith.addf %mul3A_251, %mul3A_252 : vector<32x100xf32>
      %tanh3A_254 = math.tanh %add3A_253 : vector<32x100xf32>
      %mul3A_255 = arith.mulf %logistic3A_250, %tanh3A_254 : vector<32x100xf32>
      %convert_element_type3A_256 = arith.truncf %mul3A_255 : vector<32x100xf32> to vector<32x100xbf16>
      %get3A_257 = arith.constant 0 : index
      %get3A_258 = arith.constant 0 : index
      %get3A_259 = vector.load %arg12[%get3A_257, %get3A_258] : memref<100x1xf32, #tpu.memory_space<vmem>>, vector<100x1xf32>
      %convert_element_type3A_260 = arith.truncf %get3A_259 : vector<100x1xf32> to vector<100x1xbf16>
      %dot_general3A_261 = arith.constant dense<0.000000e+00> : vector<32x1xf32>
      %dot_general3A_262 = tpu.matmul %convert_element_type3A_256, %convert_element_type3A_260, %dot_general3A_261 {dimension_numbers = #tpu.dot_dimension_numbers<[1], [0], [0], [1], [0, 0, 1, 1], [], []>, transpose_lhs_hint = false} : vector<32x100xbf16>, vector<100x1xbf16>, vector<32x1xf32> -> vector<32x1xf32>
      %get3A_263 = arith.constant 0 : index
      %get3A_264 = arith.constant 0 : index
      %get3A_265 = vector.load %arg13[%get3A_263, %get3A_264] : memref<1x1xf32, #tpu.memory_space<vmem>>, vector<1x1xf32>
      %add3A_266 = vector.broadcast %get3A_265 : vector<1x1xf32> to vector<32x1xf32>
      %add3A_267 = arith.addf %dot_general3A_262, %add3A_266 : vector<32x1xf32>
      %swap3A_268 = arith.constant 0 : index
      %swap3A_269 = arith.constant 0 : index
      %swap3A_270 = vector.load %arg14[%swap3A_268, %swap3A_269] : memref<32x1xf32, #tpu.memory_space<vmem>>, vector<32x1xf32>
      tpu.vector_store %arg14[%swap3A_268, %swap3A_269], %add3A_267 {strides = array<i32>} : memref<32x1xf32, #tpu.memory_space<vmem>>, vector<32x1xf32>,
    } else {
    }
    return
  }
  func.func @transform_0(%arg0: i32) -> (i32, i32) {
    %c0_i32 = arith.constant 0 : i32
    %c0_i32_0 = arith.constant 0 : i32
    return %arg0, %c0_i32 : i32, i32
  }
  func.func @transform_1(%arg0: i32) -> (i32, i32) {
    %c0_i32 = arith.constant 0 : i32
    %c0_i32_0 = arith.constant 0 : i32
    return %arg0, %c0_i32 : i32, i32
  }
  func.func @transform_2(%arg0: i32) -> (i32, i32) {
    %c0_i32 = arith.constant 0 : i32
    %c0_i32_0 = arith.constant 0 : i32
    %c0_i32_1 = arith.constant 0 : i32
    return %c0_i32, %c0_i32_0 : i32, i32
  }
  func.func @transform_3(%arg0: i32) -> (i32, i32) {
    %c0_i32 = arith.constant 0 : i32
    %c0_i32_0 = arith.constant 0 : i32
    %c0_i32_1 = arith.constant 0 : i32
    return %c0_i32, %c0_i32_0 : i32, i32
  }
  func.func @transform_4(%arg0: i32) -> (i32, i32) {
    %c0_i32 = arith.constant 0 : i32
    %c0_i32_0 = arith.constant 0 : i32
    %c0_i32_1 = arith.constant 0 : i32
    return %c0_i32, %c0_i32_0 : i32, i32
  }
  func.func @transform_5(%arg0: i32) -> (i32, i32) {
    %c0_i32 = arith.constant 0 : i32
    %c0_i32_0 = arith.constant 0 : i32
    %c0_i32_1 = arith.constant 0 : i32
    return %c0_i32, %c0_i32_0 : i32, i32
  }
  func.func @transform_6(%arg0: i32) -> (i32, i32) {
    %c0_i32 = arith.constant 0 : i32
    %c0_i32_0 = arith.constant 0 : i32
    %c0_i32_1 = arith.constant 0 : i32
    return %c0_i32, %c0_i32_0 : i32, i32
  }
  func.func @transform_7(%arg0: i32) -> (i32, i32) {
    %c0_i32 = arith.constant 0 : i32
    %c0_i32_0 = arith.constant 0 : i32
    %c0_i32_1 = arith.constant 0 : i32
    return %c0_i32, %c0_i32_0 : i32, i32
  }
  func.func @transform_8(%arg0: i32) -> (i32, i32) {
    %c0_i32 = arith.constant 0 : i32
    %c0_i32_0 = arith.constant 0 : i32
    %c0_i32_1 = arith.constant 0 : i32
    return %c0_i32, %c0_i32_0 : i32, i32
  }
  func.func @transform_9(%arg0: i32) -> (i32, i32) {
    %c0_i32 = arith.constant 0 : i32
    %c0_i32_0 = arith.constant 0 : i32
    %c0_i32_1 = arith.constant 0 : i32
    return %c0_i32, %c0_i32_0 : i32, i32
  }
  func.func @transform_10(%arg0: i32) -> (i32, i32) {
    %c0_i32 = arith.constant 0 : i32
    %c0_i32_0 = arith.constant 0 : i32
    %c0_i32_1 = arith.constant 0 : i32
    return %c0_i32, %c0_i32_0 : i32, i32
  }
  func.func @transform_11(%arg0: i32) -> (i32, i32) {
    %c0_i32 = arith.constant 0 : i32
    %c0_i32_0 = arith.constant 0 : i32
    %c0_i32_1 = arith.constant 0 : i32
    return %c0_i32, %c0_i32_0 : i32, i32
  }
  func.func @transform_12(%arg0: i32) -> (i32, i32) {
    %c0_i32 = arith.constant 0 : i32
    %c0_i32_0 = arith.constant 0 : i32
    %c0_i32_1 = arith.constant 0 : i32
    return %c0_i32, %c0_i32_0 : i32, i32
  }
  func.func @transform_13(%arg0: i32) -> (i32, i32) {
    %c0_i32 = arith.constant 0 : i32
    %c0_i32_0 = arith.constant 0 : i32
    %c0_i32_1 = arith.constant 0 : i32
    return %c0_i32, %c0_i32_0 : i32, i32
  }
}

</mosaic_0001>

<sc_bundles>
// kernel: kernel.4.cloned.1.call-start
scs
__scs_entry_jumppad:
0x0: {  	(pc) =	sbr.rel $0x88, $3  }
0x1: {  	(tag) =	ssettag $0x0;
	lr =	simm.s32 $0x1  }
0x2: {  	[smem:$0x3F94] =	sst lr;
	_ =	strace $0xD0000000  }
0x3: {  	_ = 	snop  }
0x4: {  	_ = 	snop  }
0x5: {  	_ = 	snop  }
0x6: {  	_ = 	snop  }
0x7: {  	_ = 	snop  }
__scs_overlays_trampoline_lowered:
0x8: {  	[smem:$0x3FA3] =	sst s0  }
0x9: {  	[smem:$0x3FA4] =	sst s1  }
0xa: {  	[smem:$0x3FA5] =	sst s2  }
0xb: {  	[smem:$0x3FA6] =	sst s3  }
0xc: {  	[smem:$0x3FA7] =	sst s4  }
0xd: {  	[smem:$0x3FA8] =	sst s5  }
0xe: {  	[smem:$0x3FA9] =	sst s6  }
0xf: {  	[smem:$0x3FAA] =	sst s7  }
0x10: {  	[smem:$0x3FAB] =	sst s8  }
0x11: {  	[smem:$0x3FAC] =	sst s9;
	s0 =	simm.s32 @!p0 $0x0  }
0x12: {  	s1 =	sld [smem:$0x3F92];
	s0 =	simm.s32 @p0 $0x1  }
0x13: {  	[smem:$0x3FAD] =	sst s0;
	s0 =	simm.s32 @!p1 $0x0  }
0x14: {  	s2 =	sld [smem:$0x3F91];
	s0 =	simm.s32 @p1 $0x1  }
0x15: {  	[smem:$0x3FAE] =	sst s0;
	s0 =	simm.s32 @!p2 $0x0  }
0x16: {  	s3 =	sld [smem:$0x3FDB];
	s0 =	simm.s32 @p2 $0x1  }
0x17: {  	s4 =	simm.s32 $0x1BF5;
	[smem:$0x3FB0] =	sst s0  }
0x18: {  	s0 =	sld [smem:$0x3F93];
	_ =	swait.ge [sflag:s4], $0x0  }
0x19: {  	s7 =	sld [smem:$0x3F94]  }
0x1a: {  	s8 =	sadd.s32 $0xFFFFE003, lr  }
0x1b: {  	s9 =	sadd.s32 $0xFFFFFEF7, lr;
	s5 =	simm.s32 $0xFFFFFFFF;
	p2 =	slt.u32 s8, $0xFFFFF086  }
0x1c: {  	p1 =	slt.u32 s9, $0xF7A;
	s5 =	simm.s32 @!p2 $0x0  }
0x1d: {  	s5 =	simm.s32 @p1 $0x1;
	p0 =	seq.s32 s7, s2  }
0x1e: {  	s7 =	smul.u32 @!p0 $0xF7A, s2;
	p2 =	seq.s32 @!p0 s5, $0x0  }
0x1f: {  	s9 =	smul.u32 $0xF7A, s1;
	s8 =	simm.s32 @!p0 $0x1BF5;
	p2 =	por !p2, p0  }
0x20: {  	[sflag:s8] =	ssyncset.s32 @!p0 $0xFFFFF086;
	s6 =	sadd.s32 @!p0 s3, s7;
	s7 =	simm.s32 @!p0 $0x108  }
0x21: {  	s3 =	sadd.s32 s3, s9;
	s6 =	sadd.s32 @!p0 $0x88, s6;
	s7 =	simm.s32 @p2 $0x1082  }
0x22: {  	[simem:s7], [sflag:s8] =	dma.local @!p0 [hbm:s6], $0xF7A  }
0x23: {  	s9 =	sor.u32 $0xD0000000, s2;
	s6 =	simm.s32 $0x108;
	_ =	swait.ge @!p0 [sflag:s8], $0x0  }
0x24: {  	s3 =	sadd.s32 $0x88, s3;
	s6 =	simm.s32 @!p1 $0x1082;
	[sflag:s4] =	ssyncset.s32 $0xFFFFF086  }
0x25: {  	[simem:s6], [sflag:s4] =	dma.local [hbm:s3], $0xF7A  }
0x26: {  	[smem:$0x3F94] =	sst s1;
	(tag) =	ssettag s2;
	_ =	strace s9  }
0x27: {  	s1 =	sld [smem:$0x3FA4]  }
0x28: {  	s2 =	sld [smem:$0x3FA5]  }
0x29: {  	s4 =	sld [smem:$0x3FA7]  }
0x2a: {  	p0 =	seq.s32 s5, $0x0;
	s5 =	sld [smem:$0x3FA8]  }
0x2b: {  	s6 =	sld [smem:$0x3FA9]  }
0x2c: {  	s7 =	sld [smem:$0x3FAA]  }
0x2d: {  	s3 =	simm.s32 $0x108;
	s8 =	sld [smem:$0x3FAB]  }
0x2e: {  	s3 =	simm.s32 @!p0 $0x1082;
	s9 =	sld [smem:$0x3FAC]  }
0x2f: {  	lr =	sadd.s32 s0, s3;
	s0 =	sld [smem:$0x3FA3]  }
0x30: {  	s3 =	sld [smem:$0x3FA6]  }
0x31: {  	[smem:$0x3FAF] =	sst s10  }
0x32: {  	s10 =	sld [smem:$0x3FAD];
	_ =	sdelay $0x3  }
0x33: {  	p0 =	seq.s32 s10, $0x1;
	s10 =	sld [smem:$0x3FAF];
	_ =	sdelay $0x3  }
0x34: {  	[smem:$0x3FAF] =	sst s10  }
0x35: {  	s10 =	sld [smem:$0x3FAE];
	_ =	sdelay $0x3  }
0x36: {  	p1 =	seq.s32 s10, $0x1;
	s10 =	sld [smem:$0x3FAF];
	_ =	sdelay $0x3  }
0x37: {  	[smem:$0x3FAF] =	sst s10  }
0x38: {  	s10 =	sld [smem:$0x3FB0]  }
0x39: {  	_ = 	snop;
	(pc) =	sbr.ind lr, $3  }
0x3a: {  	_ = 	snop  }
0x3b: {  	_ = 	snop  }
0x3c: {  	p2 =	seq.s32 s10, $0x1;
	s10 =	sld [smem:$0x3FAF]  }
0x3d: {  	_ =	shalt  }
0x3e: {  	_ =	shalt  }
0x3f: {  	_ =	shalt  }
0x40: {  	_ =	shalt  }
0x41: {  	_ =	shalt  }
0x42: {  	_ =	shalt  }
0x43: {  	_ =	shalt  }
0x44: {  	_ =	shalt  }
0x45: {  	_ =	shalt  }
0x46: {  	_ =	shalt  }
0x47: {  	_ =	shalt  }
0x48: {  	_ =	shalt  }
0x49: {  	_ =	shalt  }
0x4a: {  	_ =	shalt  }
0x4b: {  	_ =	shalt  }
0x4c: {  	_ =	shalt  }
0x4d: {  	_ =	shalt  }
0x4e: {  	_ =	shalt  }
0x4f: {  	_ =	shalt  }
0x50: {  	_ =	shalt  }
0x51: {  	_ =	shalt  }
0x52: {  	_ =	shalt  }
0x53: {  	_ =	shalt  }
0x54: {  	_ =	shalt  }
0x55: {  	_ =	shalt  }
0x56: {  	_ =	shalt  }
0x57: {  	_ =	shalt  }
0x58: {  	_ =	shalt  }
0x59: {  	_ =	shalt  }
0x5a: {  	_ =	shalt  }
0x5b: {  	_ =	shalt  }
0x5c: {  	_ =	shalt  }
0x5d: {  	_ =	shalt  }
0x5e: {  	_ =	shalt  }
0x5f: {  	_ =	shalt  }
0x60: {  	_ =	shalt  }
0x61: {  	_ =	shalt  }
0x62: {  	_ =	shalt  }
0x63: {  	_ =	shalt  }
0x64: {  	_ =	shalt  }
0x65: {  	_ =	shalt  }
0x66: {  	_ =	shalt  }
0x67: {  	_ =	shalt  }
0x68: {  	_ =	shalt  }
0x69: {  	_ =	shalt  }
0x6a: {  	_ =	shalt  }
0x6b: {  	_ =	shalt  }
0x6c: {  	_ =	shalt  }
0x6d: {  	_ =	shalt  }
0x6e: {  	_ =	shalt  }
0x6f: {  	_ =	shalt  }
0x70: {  	_ =	shalt  }
0x71: {  	_ =	shalt  }
0x72: {  	_ =	shalt  }
0x73: {  	_ =	shalt  }
0x74: {  	_ =	shalt  }
0x75: {  	_ =	shalt  }
0x76: {  	_ =	shalt  }
0x77: {  	_ =	shalt  }
0x78: {  	_ =	shalt  }
0x79: {  	_ =	shalt  }
0x7a: {  	_ =	shalt  }
0x7b: {  	_ =	shalt  }
0x7c: {  	_ =	shalt  }
0x7d: {  	_ =	shalt  }
0x7e: {  	_ =	shalt  }
0x7f: {  	_ =	shalt  }
0x80: {  	_ =	shalt  }
0x81: {  	_ =	shalt  }
0x82: {  	_ =	shalt  }
0x83: {  	_ =	shalt  }
0x84: {  	_ =	shalt  }
0x85: {  	_ =	shalt  }
0x86: {  	_ =	shalt  }
0x87: {  	_ =	shalt  }
.Lfunc_end0:
.L_simem_size_0:
called_computation_lowered:
.L_overlay_start_0:
0x88: {  	s2 =	sld [smem:$0x3FD9]  }
0x89: {  	s3 =	sld [smem:$0x3FFE];
	_ =	sdelay $0x1  }
0x8a: {  	s1 =	srdreg.scid  }
0x8b: {  	s0 =	sand.u32 $0x1, s1  }
0x8c: {  	s16 =	sshll.u32 s0, $0xA;
	s2 =	sadd.s32 s3, s2  }
0x8d: {  	s2 =	sadd.s32 s2, s16  }
0x8e: {  	[smem:$0x3FBB] =	sst s2  }
0x8f: {  	_ = 	snop  }
0x90: {  	(tm) =	ssettm $0x1  }
0x91: {  	s17 =	sld [smem:$0x3FFB];
	_ =	sdelay $0x3  }
0x92: {  	_ =	strace s17  }
0x93: {  	s2 =	sld [smem:$0x3FFC];
	_ =	sdelay $0x3  }
0x94: {  	_ =	strace s2  }
0x95: {  	s2 =	sld [smem:$0x3FFD];
	_ =	sdelay $0x3  }
0x96: {  	_ =	strace s2  }
0x97: {  	_ =	strace $0x8FFFFFFF  }
0x98: {  	s18 =	sld [smem:$0x3FDB];
	_ =	sdelay $0x1  }
0x99: {  	s19 =	simm.s32 $_scs_section_size  }
0x9a: {  	s4 =	simm.s32 $_size__tile_overlayer_lowered;
	s5 =	simm.s32 $_tile_overlayer_lowered  }
0x9b: {  	s22 =	simm.s32 $0x1BFF;
	s21 =	sshll.u32 s5, $0x1;
	s2 =	sadd.s32 s19, s18  }
0x9c: {  	s6 =	simm.s32 $0x0;
	s20 =	sshll.u32 s4, $0x1;
	s4 =	sadd.s32 s21, s2  }
0x9d: {  	[timem:s6], [sflag:s22] =	dma.local [hbm:s4], s20  }
0x9e: {  	_ =	swait.ge [sflag:s22], s20  }
0x9f: {  	s3 =	ssub.s32 $0x0, s20;
	[sflag:s22] =	ssyncset.done $0x0  }
0xa0: {  	[sflag:s22] =	ssyncadd.s32 s3;
	_ =	sdelay $0x1  }
0xa1: {  	s23 =	simm.s32 $0x1B8B  }
0xa2: {  	_ =	swait.ge [sflag:s23], $0x1  }
0xa3: {  	[sflag:s23] =	ssyncset.done $0x0  }
0xa4: {  	s25 =	simm.s32 $0x1B8E;
	s24 =	sld [smem:$0x3FFE];
	[sflag:s23] =	ssyncadd.s32 $0xFFFFFFFF  }
0xa5: {  	s26 =	simm.s32 $execute0_lowered;
	[smem:$0x3FD2] =	sst s25  }
0xa6: {  	s4 =	sshll.u32 s26, $0x1;
	_ =	strace $0x80000046;
	[dreg:$0x1] =	wrdreg $0xFFFFFFFF  }
0xa7: {  	s28 =	simm.s32 $_size_execute0_lowered;
	s2 =	sadd.s32 s2, s4;
	[dreg:$0x0] =	wrdreg $0x0  }
0xa8: {  	s4 =	sshll.u32 s28, $0x1;
	[dreg:$0x2] =	wrdreg s2  }
0xa9: {  	[dreg:$0x3] =	wrdreg s4  }
0xaa: {  	[dreg:$0x4] =	wrdreg $0xC0  }
0xab: {  	_ =	task [dreg:s6], $0x5FFFF  }
0xac: {  	[dreg:$0x1] =	wrdreg $0xFFFFFFFF  }
0xad: {  	[dreg:$0x0] =	wrdreg $0x60  }
0xae: {  	[dreg:$0x2] =	wrdreg s24  }
0xaf: {  	[dreg:$0x3] =	wrdreg $0x0  }
0xb0: {  	[dreg:$0x4] =	wrdreg $0xC800  }
0xb1: {  	[dreg:$0x5] =	wrdreg $0x25800  }
0xb2: {  	[dreg:$0x6] =	wrdreg $0x32000  }
0xb3: {  	[dreg:$0x7] =	wrdreg $0x19000  }
0xb4: {  	[dreg:$0x8] =	wrdreg $0x32100  }
0xb5: {  	[dreg:$0x9] =	wrdreg $0x9  }
0xb6: {  	_ =	task.clear_ibuf [dreg:s6], $0xAFFFF;
	_ =	strace $0x90000046  }
0xb7: {  	s29 =	simm.s32 $0x9;
	_ =	strace $0x80000058  }
0xb8: {  	_ =	swait.ge [sflag:s29], $0x1  }
0xb9: {  	[sflag:s29] =	ssyncadd.s32 $0xFFFFFFFF  }
0xba: {  	_ =	strace $0x90000058  }
0xbb: {  	_ =	sfence  }
0xbc: {  	s30 =	sld [smem:$0x0];
	_ =	sdelay $0x2  }
0xbd: {  	s31 =	sshll.u32 s1, $0xD;
	s1 =	sshrl.u32 s1, $0x2  }
0xbe: {  	s3 =	sand.u32 $0x4000, s31;
	s1 =	sadd.s32 s1, s30  }
0xbf: {  	s0 =	sor.u32 s3, s0;
	s1 =	sshll.u32 s1, $0x11  }
0xc0: {  	s0 =	sor.u32 s1, s0  }
0xc1: {  	s0 =	sadd.s32 $0x8F2B, s0  }
0xc2: {  	[sflag:s0] =	ssyncadd.remote.s32 $0x1  }
0xc3: {  	_ =	sfence.sel $0xFFFF  }
0xc4: {  	[dreg:$0x0] =	wrdreg $0xFFFFFFFF;
	(pc) =	sbr.abs _section_cstart, $3  }
0xc5: {  	[dreg:$0x1] =	wrdreg $0xFFFFFFFF  }
0xc6: {  	_ =	task.clear_ibuf [dreg:s6], $0x2FFFF;
	_ =	strace $0x9FFFFFFF  }
0xc7: {  	(tm) =	ssettm $0x7FFFFFFF  }
tec
execute0_lowered:
.L_overlay_start_1:
0x0: {  	(tag) =	ssettag $0x1  }
0x1: {  	s2 =	rddreg [dreg:$0x0]  }
0x2: {  	s13 =	rddreg [dreg:$0x1]  }
0x3: {  	s14 =	rddreg [dreg:$0x2]  }
0x4: {  	s15 =	rddreg [dreg:$0x3]  }
0x5: {  	s16 =	rddreg [dreg:$0x5];
	s0 =	simm.s32 $0x0;
	s1 =	srdreg.scid  }
0x6: {  	s17 =	stileid.u32;
	[smem:$0x7FF] =	sst s0  }
0x7: {  	s26 =	sadd.s32 $0x3000, s2;
	s3 =	sadd.s32 $0x66A00, s2;
	s1 =	sand.u32 $0x1, s1  }
0x8: {  	s5 =	smul.u32 $0xFA00, s17;
	s4 =	ssub.s32 $0x2, s1;
	s6 =	sshll.u32 s1, $0x2  }
0x9: {  	s8 =	smul.u32 $0x3E8000, s1;
	s11 =	sshllo.u32 s1, $0x2;
	s21 =	sor.u32 s17, s1  }
0xa: {  	p0 =	sne.s32 s1, $0x0;
	s1 =	smul.u32 $0x6400, s1;
	s7 =	sshrl.u32 s4, $0x1  }
0xb: {  	s9 =	sor.u32 $0x1, s6;
	s6 =	sor.u32 $0x2, s6;
	s12 =	smul.u32 $0xFA000, s11  }
0xc: {  	s4 =	ssub.s32 s4, s7;
	s8 =	sadd.s32 s5, s8;
	s10 =	smul.u32 $0xFA000, s6  }
0xd: {  	s28 =	smul.u32 $0xFA000, s9;
	s8 =	sshrl.u32 s8, $0x3;
	s31 =	sadd.s32 s5, s12  }
0xe: {  	s8 =	sadd.s32 s3, s8;
	s29 =	sadd.s32 s5, s10;
	s10 =	sshll.u32 s17, $0x7  }
0xf: {  	s7 =	sadd.s32 s5, s28;
	[dreg:$0xd] =	wrdreg s8;
	s12 =	sadd.s32 s26, s10  }
0x10: {  	s7 =	sshrl.u32 s7, $0x3;
	s30 =	sshrl.u32 s29, $0x3;
	[dreg:$0x11] =	wrdreg s12  }
0x11: {  	s10 =	sor.u32 $0x30, s17;
	s7 =	sadd.s32 s3, s7;
	s12 =	rddreg [dreg:$0x6]  }
0x12: {  	s8 =	sshrl.u32 s31, $0x3;
	s20 =	sshll.u32 s10, $0x7;
	[dreg:$0xe] =	wrdreg s7  }
0x13: {  	s7 =	sadd.s32 s3, s30;
	s3 =	sadd.s32 s3, s8;
	s8 =	sor.u32 $0x20, s17  }
0x14: {  	s0 =	sadd.s32 s26, s20;
	[dreg:$0x10] =	wrdreg s3;
	s3 =	sor.u32 $0x10, s17  }
0x15: {  	[dreg:$0xf] =	wrdreg s7;
	s19 =	sshll.u32 s8, $0x7;
	s18 =	sshll.u32 s3, $0x7  }
0x16: {  	[dreg:$0x14] =	wrdreg s0;
	s0 =	smul.u32 $0x1900, s9;
	s7 =	sadd.s32 s26, s18  }
0x17: {  	s9 =	smul.u32 $0x190, s17;
	[dreg:$0x12] =	wrdreg s7;
	s7 =	sadd.s32 s26, s19  }
0x18: {  	s22 =	sadd.s32 $0x160A00, s2;
	s23 =	sadd.s32 $0x162400, s2;
	[dreg:$0x13] =	wrdreg s7  }
0x19: {  	s24 =	sadd.s32 s9, s1;
	_ =	strace $0x80000047;
	[dreg:$0x19] =	wrdreg s22  }
0x1a: {  	s25 =	sadd.s32 s24, s16;
	[dreg:$0x1a] =	wrdreg s23  }
0x1b: {  	s6 =	smul.u32 $0x1900, s6;
	s26 =	sadd.s32 s24, s15;
	[dreg:$0x1d] =	wrdreg s25  }
0x1c: {  	s5 =	sadd.s32 s5, s12;
	s28 =	sadd.s32 s9, s0;
	[dreg:$0x1e] =	wrdreg s26  }
0x1d: {  	s29 =	sadd.s32 s28, s16;
	[dreg:$0x1f] =	wrdreg s5  }
0x1e: {  	s30 =	sadd.s32 s9, s6;
	s7 =	sadd.s32 s28, s15;
	[smem:$0x7D9] =	sst s29  }
0x1f: {  	s31 =	sadd.s32 s30, s16;
	[smem:$0x7DA] =	sst s7  }
0x20: {  	[smem:$0x7DB] =	sst s31  }
0x21: {  	s4 =	smax.u32 s4, $0x1;
	[dreg:$0x16] =	wrdreg s9  }
0x22: {  	s20 =	sadd.s32 $0x4A00, s2;
	[smem:$0x7DF] =	sst s4  }
0x23: {  	s18 =	sadd.s32 $0x1600, s2;
	[dreg:$0x18] =	wrdreg s20  }
0x24: {  	s19 =	sadd.s32 $0x1D200, s2;
	[dreg:$0x15] =	wrdreg s18  }
0x25: {  	p1 =	sne.s32 s21, $0x0;
	s21 =	sadd.s32 $0x35A00, s2;
	[dreg:$0x17] =	wrdreg s19  }
0x26: {  	s5 =	sadd.s32 s30, s15;
	[dreg:$0x1b] =	wrdreg s21  }
0x27: {  	s22 =	sadd.s32 $0x4E200, s2;
	s26 =	sshll.u32 s3, $0xA;
	[smem:$0x7DC] =	sst s5  }
0x28: {  	s28 =	sadd.s32 s26, s13;
	[dreg:$0x1c] =	wrdreg s22  }
0x29: {  	s2 =	smul.u32 $0x1900, s11;
	s29 =	sadd.s32 s26, s14;
	[smem:$0x7E3] =	sst s28  }
0x2a: {  	s30 =	sshll.u32 s8, $0xA;
	s4 =	sadd.s32 s26, s15;
	[smem:$0x7E4] =	sst s29  }
0x2b: {  	s31 =	sadd.s32 s30, s13;
	s9 =	sadd.s32 s9, s2;
	[smem:$0x7E5] =	sst s4  }
0x2c: {  	s3 =	smul.u32 $0x7000, s3;
	[smem:$0x7E6] =	sst s31;
	s11 =	sadd.s32 s9, s16  }
0x2d: {  	s7 =	sadd.s32 s9, s15;
	[smem:$0x7DD] =	sst s11  }
0x2e: {  	s3 =	sshrl.u32 s3, $0x2;
	s9 =	sadd.s32 s30, s15;
	[smem:$0x7DE] =	sst s7  }
0x2f: {  	s16 =	sshll.u32 s17, $0xA;
	s3 =	sadd.s32 s3, s12;
	[smem:$0x7E8] =	sst s9  }
0x30: {  	p2 =	sgt.u32 s10, $0x31;
	s23 =	sadd.s32 s16, s13;
	[smem:$0x7EC] =	sst s3  }
0x31: {  	s29 =	smul.u32 $0x7000, s8;
	s24 =	sadd.s32 s16, s14;
	[smem:$0x7E0] =	sst s23  }
0x32: {  	s31 =	sor.u32 $0x80, s17;
	s25 =	sadd.s32 s16, s15;
	[smem:$0x7E1] =	sst s24  }
0x33: {  	s7 =	sadd.s32 s30, s14;
	s11 =	sshll.u32 s10, $0xA;
	[smem:$0x7E2] =	sst s25  }
0x34: {  	s16 =	smul.u32 $0x7000, s17;
	[smem:$0x7E7] =	sst s7;
	s23 =	sadd.s32 s11, s13  }
0x35: {  	s30 =	smul.u32 $0x7000, s10;
	s24 =	sadd.s32 s11, s14;
	[smem:$0x7E9] =	sst s23  }
0x36: {  	s8 =	sshrl.u32 s29, $0x2;
	s4 =	sadd.s32 s11, s15;
	[smem:$0x7EA] =	sst s24  }
0x37: {  	s25 =	smul.u32 $0x1880, s17;
	s3 =	sadd.s32 s8, s12;
	[smem:$0x7EB] =	sst s4  }
0x38: {  	s15 =	sadd.s32 $0xF8800, s12;
	s10 =	sshrl.u32 s30, $0x2;
	[smem:$0x7ED] =	sst s3  }
0x39: {  	s7 =	smul.u32 $0x7000, s31;
	[smem:$0x7F0] =	sst s15;
	s13 =	sadd.s32 s10, s12  }
0x3a: {  	s26 =	sshrl.u32 s16, $0x2;
	s28 =	sadd.s32 s20, s25;
	[smem:$0x7EE] =	sst s13  }
0x3b: {  	s11 =	sadd.s32 s26, s12;
	s14 =	sshrl.u32 s7, $0x2;
	[smem:$0x7F6] =	sst s28  }
0x3c: {  	s3 =	sadd.s32 s14, s12;
	[smem:$0x7FB] =	sst s11  }
0x3d: {  	s16 =	sadd.s32 $0x380, s28;
	[smem:$0x7EF] =	sst s3  }
0x3e: {  	p4 =	sne.s32 @!p2 s17, $0x0;
	s20 =	sadd.s32 $0x700, s28;
	[smem:$0x7F1] =	sst s16  }
0x3f: {  	p4 =	por p4, p2;
	s23 =	sadd.s32 $0xA80, s28;
	[smem:$0x7F2] =	sst s20  }
0x40: {  	v0 =	vmov s1;
	s1 =	simm.s32 $0x0;
	s24 =	sadd.s32 $0xE00, s28;
	[smem:$0x7F3] =	sst s23  }
0x41: {  	p3 =	sgt.u32 s31, $0x8D;
	s25 =	sadd.s32 $0x1180, s28;
	[smem:$0x7F4] =	sst s24  }
0x42: {  	p5 =	sne.s32 @!p3 s17, $0x0;
	s26 =	sadd.s32 $0x1500, s28;
	[smem:$0x7F5] =	sst s25  }
0x43: {  	v5 =	vimm.s32 $0xECA86420;
	v4 =	vimm.f32 $0.0e+00;
	p5 =	por p5, p3;
	s28 =	sadd.s32 $0x70000, s11;
	[smem:$0x7F7] =	sst s26  }
0x44: {  	vm1 =	vcmask $0x1310;
	vm3 =	vcmask $0x2320;
	vm6 =	vcmask $0x2B28;
	s15 =	simm.s32 $0x1C00;
	s29 =	sadd.s32 $0x8C000, s11;
	[smem:$0x7F8] =	sst s28  }
0x45: {  	v7 =	vlaneseq.u32;
	vm7 =	vcmask $0x3330;
	v6 =	vunpack.c.l.s4.s8 v5;
	s13 =	smul.u32 $0x7, s17;
	s30 =	sadd.s32 $0xA8000, s11;
	[smem:$0x7F9] =	sst s29  }
0x46: {  	vm8 =	vmmov $0xff;
	vm9 =	vcmask $0xF0C;
	v5 =	vimm.f32 $1.000000000e+00;
	s31 =	sadd.s32 $0xC4000, s11;
	s11 =	simm.s32 $0x2;
	[smem:$0x7FA] =	sst s30  }
0x47: {  	v8 =	vmul.u32 $0x2, v7;
	v9 =	vmul.u32 $0xA0, v7;
	v6 =	vunpack.c.0.s8.s32 v6;
	s12 =	simm.s32 $0x1;
	s14 =	simm.s32 $0x18450;
	[smem:$0x7FC] =	sst s31  }
0x48: {  	v2 =	vmov s6;
	v1 =	vmov s0;
	v3 =	vmov s2;
	s16 =	simm.s32 $0x1E450;
	s20 =	simm.s32 $0x1BC50;
	[smem:$0x7FD] =	sst s13  }
.LBB2_1:
0x49: {  	[smem:$0x7D8] =	sst s1;
	s0 =	simm.s32 $0x0  }
.LBB2_2:
0x4a: {  	p6 =	sne.s32 s0, $0x6FC0  }
.Ltmp0:
0x4b: {  	_ = 	snop;
	(pc) =	sbr.rel @p6 .LBB2_2-.Ltmp0, $4  }
0x4c: {  	_ = 	snop  }
0x4d: {  	s1 =	sshra.s32 s0, $0x2  }
0x4e: {  	[tilespmem:s1+$0x12C50] =	vst v4  }
0x4f: {  	s0 =	sadd.s32 $0x40, s0;
	[tilespmem:s1+$0x14850] =	vst v5  }
0x50: {  	s0 =	simm.s32 $0x40;
	s1 =	simm.s32 $0x0  }
.LBB2_4:
0x51: {  	p6 =	sne.s32 s0, $0xFC0;
	[tilespmem:s1+$0x16450] =	vst v5;
	s1 =	smov.u32 s0;
	s0 =	sadd.s32 $0x40, s0  }
.Ltmp1:
0x52: {  	(pc) =	sbr.rel @p6 .LBB2_4-.Ltmp1, $2  }
0x53: {  	_ =	sdelay $0x2  }
0x54: {  	s1 =	sshra.s32 s1, $0x2  }
0x55: {  	s0 =	sld [smem:$0x7E0];
	_ =	sdelay $0x1  }
0x56: {  	[tilespmem:s1+$0x16450] =	vst v5;
	s2 =	simm.s32 $0x12C50  }
0x57: {  	[spmem:s0] =	stream.linear.scatter [tilespmem:s2], [sflag:$0x2], $0x400, $0x38;
	[tilespmem:$0x1F450] =	vst v63  }
0x58: {  	_ =	swait.ge [sflag:s11], $0x400  }
0x59: {  	s28 =	sld [smem:$0x7E1]  }
0x5a: {  	[sflag:s11] =	ssyncset.done $0x0  }
0x5b: {  	[sflag:s11] =	ssyncadd.s32 $0xFFFFFC00  }
0x5c: {  	[spmem:s28] =	stream.linear.scatter [tilespmem:s2], [sflag:$0x2], $0x400, $0x38;
	[tilespmem:$0x1F450] =	vst v63  }
0x5d: {  	_ =	swait.ge [sflag:s11], $0x400  }
0x5e: {  	s29 =	simm.s32 $0x0;
	[sflag:s11] =	ssyncset.done $0x0  }
0x5f: {  	s3 =	simm.s32 $0x1E850;
	s30 =	rddreg [dreg:$0x11];
	[sflag:s11] =	ssyncadd.s32 $0xFFFFFC00  }
0x60: {  	[tilespmem:s3], [sflag:$0x2] =	stream.linear.gather [hbm4b:s30+s29], $0x400, $0x38;
	[tilespmem:$0x1F450] =	vst v63  }
0x61: {  	_ =	swait.ge [sflag:s11], $0x400  }
0x62: {  	s31 =	sld [smem:$0x7E2]  }
0x63: {  	[sflag:s11] =	ssyncset.done $0x0  }
0x64: {  	[sflag:s11] =	ssyncadd.s32 $0xFFFFFC00  }
0x65: {  	[spmem:s31] =	stream.linear.scatter [tilespmem:s3], [sflag:$0x1], $0x400, $0x38;
	[tilespmem:$0x1F450] =	vst v63  }
0x66: {  	_ =	swait.ge [sflag:s12], $0x400  }
0x67: {  	s4 =	sld [smem:$0x7E3]  }
0x68: {  	[sflag:s12] =	ssyncset.done $0x0  }
0x69: {  	[sflag:s12] =	ssyncadd.s32 $0xFFFFFC00  }
0x6a: {  	[spmem:s4] =	stream.linear.scatter [tilespmem:s2], [sflag:$0x2], $0x400, $0x38;
	[tilespmem:$0x1F450] =	vst v63  }
0x6b: {  	_ =	swait.ge [sflag:s11], $0x400  }
0x6c: {  	s5 =	sld [smem:$0x7E4]  }
0x6d: {  	[sflag:s11] =	ssyncset.done $0x0  }
0x6e: {  	[sflag:s11] =	ssyncadd.s32 $0xFFFFFC00  }
0x6f: {  	[spmem:s5] =	stream.linear.scatter [tilespmem:s2], [sflag:$0x2], $0x400, $0x38;
	[tilespmem:$0x1F450] =	vst v63  }
0x70: {  	_ =	swait.ge [sflag:s11], $0x400  }
0x71: {  	[sflag:s11] =	ssyncset.done $0x0  }
0x72: {  	s6 =	rddreg [dreg:$0x12];
	[sflag:s11] =	ssyncadd.s32 $0xFFFFFC00  }
0x73: {  	[tilespmem:s3], [sflag:$0x2] =	stream.linear.gather [hbm4b:s6+s29], $0x400, $0x38;
	[tilespmem:$0x1F450] =	vst v63  }
0x74: {  	_ =	swait.ge [sflag:s11], $0x400  }
0x75: {  	s7 =	sld [smem:$0x7E5]  }
0x76: {  	[sflag:s11] =	ssyncset.done $0x0  }
0x77: {  	[sflag:s11] =	ssyncadd.s32 $0xFFFFFC00  }
0x78: {  	[spmem:s7] =	stream.linear.scatter [tilespmem:s3], [sflag:$0x1], $0x400, $0x38;
	[tilespmem:$0x1F450] =	vst v63  }
0x79: {  	_ =	swait.ge [sflag:s12], $0x400  }
0x7a: {  	s8 =	sld [smem:$0x7E6]  }
0x7b: {  	[sflag:s12] =	ssyncset.done $0x0  }
0x7c: {  	[sflag:s12] =	ssyncadd.s32 $0xFFFFFC00  }
0x7d: {  	[spmem:s8] =	stream.linear.scatter [tilespmem:s2], [sflag:$0x2], $0x400, $0x38;
	[tilespmem:$0x1F450] =	vst v63  }
0x7e: {  	_ =	swait.ge [sflag:s11], $0x400  }
0x7f: {  	s9 =	sld [smem:$0x7E7]  }
0x80: {  	[sflag:s11] =	ssyncset.done $0x0  }
0x81: {  	[sflag:s11] =	ssyncadd.s32 $0xFFFFFC00  }
0x82: {  	[spmem:s9] =	stream.linear.scatter [tilespmem:s2], [sflag:$0x2], $0x400, $0x38;
	[tilespmem:$0x1F450] =	vst v63  }
0x83: {  	_ =	swait.ge [sflag:s11], $0x400  }
0x84: {  	[sflag:s11] =	ssyncset.done $0x0  }
0x85: {  	s10 =	rddreg [dreg:$0x13];
	[sflag:s11] =	ssyncadd.s32 $0xFFFFFC00  }
0x86: {  	[tilespmem:s3], [sflag:$0x2] =	stream.linear.gather [hbm4b:s10+s29], $0x400, $0x38;
	[tilespmem:$0x1F450] =	vst v63  }
0x87: {  	_ =	swait.ge [sflag:s11], $0x400  }
0x88: {  	s21 =	sld [smem:$0x7E8]  }
0x89: {  	[sflag:s11] =	ssyncset.done $0x0  }
0x8a: {  	[sflag:s11] =	ssyncadd.s32 $0xFFFFFC00  }
0x8b: {  	[spmem:s21] =	stream.linear.scatter [tilespmem:s3], [sflag:$0x1], $0x400, $0x38;
	[tilespmem:$0x1F450] =	vst v63  }
0x8c: {  	_ =	swait.ge [sflag:s12], $0x400  }
0x8d: {  	s1 =	sld [smem:$0x7E9]  }
0x8e: {  	[sflag:s12] =	ssyncset.done $0x0  }
0x8f: {  	s0 =	simm.s32 @!p2 $0x12C50;
	[sflag:s12] =	ssyncadd.s32 $0xFFFFFC00  }
0x90: {  	[spmem:s1] =	stream.linear.scatter @!p2 [tilespmem:s0], [sflag:$0x2], $0x400, $0x38;
	[tilespmem:$0x1F450] =	vst v63  }
0x91: {  	s1 =	simm.s32 @!p2 $0x2  }
0x92: {  	_ =	swait.ge @!p2 [sflag:s1], $0x400  }
0x93: {  	s2 =	sld [smem:$0x7EA]  }
0x94: {  	[sflag:s1] =	ssyncset.done @!p2 $0x0  }
0x95: {  	[sflag:s1] =	ssyncadd.s32 @!p2 $0xFFFFFC00  }
0x96: {  	[spmem:s2] =	stream.linear.scatter @!p2 [tilespmem:s0], [sflag:$0x2], $0x400, $0x38;
	[tilespmem:$0x1F450] =	vst v63  }
0x97: {  	_ =	swait.ge @!p2 [sflag:s1], $0x400  }
0x98: {  	s0 =	simm.s32 @!p2 $0x0;
	[sflag:s1] =	ssyncset.done @!p2 $0x0  }
0x99: {  	s2 =	simm.s32 @!p2 $0x1E850;
	s3 =	rddreg [dreg:$0x14];
	[sflag:s1] =	ssyncadd.s32 @!p2 $0xFFFFFC00  }
0x9a: {  	[tilespmem:s2], [sflag:$0x2] =	stream.linear.gather @!p2 [hbm4b:s3+s0], $0x400, $0x38;
	[tilespmem:$0x1F450] =	vst v63  }
0x9b: {  	_ =	swait.ge @!p2 [sflag:s1], $0x400  }
0x9c: {  	s0 =	sld [smem:$0x7EB]  }
0x9d: {  	[sflag:s1] =	ssyncset.done @!p2 $0x0  }
0x9e: {  	[sflag:s1] =	ssyncadd.s32 @!p2 $0xFFFFFC00  }
0x9f: {  	[spmem:s0] =	stream.linear.scatter @!p2 [tilespmem:s2], [sflag:$0x1], $0x400, $0x38;
	[tilespmem:$0x1F450] =	vst v63  }
0xa0: {  	s0 =	simm.s32 @!p2 $0x1  }
0xa1: {  	_ =	swait.ge @!p2 [sflag:s0], $0x400  }
0xa2: {  	[sflag:s0] =	ssyncset.done @!p2 $0x0  }
0xa3: {  	[sflag:s0] =	ssyncadd.s32 @!p2 $0xFFFFFC00  }
0xa4: {  	s0 =	simm.s32 @!p4 $0x12C50;
	s1 =	rddreg [dreg:$0x4]  }
0xa5: {  	[spmem:s1] =	stream.linear.scatter @!p4 [tilespmem:s0], [sflag:$0x1], $0x100, $0x38;
	[tilespmem:$0x1F450] =	vst v63  }
0xa6: {  	s0 =	simm.s32 @!p4 $0x1  }
0xa7: {  	_ =	swait.ge @!p4 [sflag:s0], $0x100  }
0xa8: {  	[sflag:s0] =	ssyncset.done @!p4 $0x0  }
0xa9: {  	[sflag:s0] =	ssyncadd.s32 @!p4 $0xFFFFFF00  }
0xaa: {  	[bflag:$0x0] =	sbarrier.arrive $0xFFFF  }
0xab: {  	_ =	strace $0x80000048  }
0xac: {  	s22 =	sld [smem:$0x7F6];
	_ =	sdelay $0x1  }
0xad: {  	s3 =	simm.s32 $0x0  }
0xae: {  	[tilespmem:s14], [sflag:$0x1] =	stream.linear.gather [hbm4b:s22+s3], $0x1C00, $0x200038;
	[tilespmem:$0x1F450] =	vst v63  }
0xaf: {  	_ =	swait.ge [sflag:s12], $0x1C00  }
0xb0: {  	[sflag:s12] =	ssyncset.done $0x0  }
0xb1: {  	[sflag:s12] =	ssyncadd.s32 $0xFFFFE400  }
0xb2: {  	s24 =	simm.s32 $0x14850;
	s23 =	rddreg [dreg:$0x1]  }
0xb3: {  	[spmem:s23] =	stream.indirect.scatter.add.f32 [tilespmem:s24], [sflag:$0x1], $0x1, s14, s15, $0x2000b8;
	[tilespmem:$0x1F450] =	vst v63  }
0xb4: {  	_ =	swait.ge [sflag:s12], $0x1C00  }
0xb5: {  	s25 =	sld [smem:$0x7F1]  }
0xb6: {  	[sflag:s12] =	ssyncset.done $0x0  }
0xb7: {  	[sflag:s12] =	ssyncadd.s32 $0xFFFFE400  }
0xb8: {  	[tilespmem:s14], [sflag:$0x1] =	stream.linear.gather [hbm4b:s25+s3], $0x1C00, $0x200038;
	[tilespmem:$0x1F450] =	vst v63  }
0xb9: {  	_ =	swait.ge [sflag:s12], $0x1C00  }
0xba: {  	[sflag:s12] =	ssyncset.done $0x0  }
0xbb: {  	[sflag:s12] =	ssyncadd.s32 $0xFFFFE400  }
0xbc: {  	[spmem:s23] =	stream.indirect.scatter.add.f32 [tilespmem:s24], [sflag:$0x1], $0x1, s14, s15, $0x2000b8;
	[tilespmem:$0x1F450] =	vst v63  }
0xbd: {  	_ =	swait.ge [sflag:s12], $0x1C00  }
0xbe: {  	s26 =	sld [smem:$0x7F2]  }
0xbf: {  	[sflag:s12] =	ssyncset.done $0x0  }
0xc0: {  	[sflag:s12] =	ssyncadd.s32 $0xFFFFE400  }
0xc1: {  	[tilespmem:s14], [sflag:$0x1] =	stream.linear.gather [hbm4b:s26+s3], $0x1C00, $0x200038;
	[tilespmem:$0x1F450] =	vst v63  }
0xc2: {  	_ =	swait.ge [sflag:s12], $0x1C00  }
0xc3: {  	[sflag:s12] =	ssyncset.done $0x0  }
0xc4: {  	[sflag:s12] =	ssyncadd.s32 $0xFFFFE400  }
0xc5: {  	[spmem:s23] =	stream.indirect.scatter.add.f32 [tilespmem:s24], [sflag:$0x1], $0x1, s14, s15, $0x2000b8;
	[tilespmem:$0x1F450] =	vst v63  }
0xc6: {  	_ =	swait.ge [sflag:s12], $0x1C00  }
0xc7: {  	s28 =	sld [smem:$0x7F3]  }
0xc8: {  	[sflag:s12] =	ssyncset.done $0x0  }
0xc9: {  	[sflag:s12] =	ssyncadd.s32 $0xFFFFE400  }
0xca: {  	[tilespmem:s14], [sflag:$0x1] =	stream.linear.gather [hbm4b:s28+s3], $0x1C00, $0x200038;
	[tilespmem:$0x1F450] =	vst v63  }
0xcb: {  	_ =	swait.ge [sflag:s12], $0x1C00  }
0xcc: {  	[sflag:s12] =	ssyncset.done $0x0  }
0xcd: {  	[sflag:s12] =	ssyncadd.s32 $0xFFFFE400  }
0xce: {  	[spmem:s23] =	stream.indirect.scatter.add.f32 [tilespmem:s24], [sflag:$0x1], $0x1, s14, s15, $0x2000b8;
	[tilespmem:$0x1F450] =	vst v63  }
0xcf: {  	_ =	swait.ge [sflag:s12], $0x1C00  }
0xd0: {  	s29 =	sld [smem:$0x7F4]  }
0xd1: {  	[sflag:s12] =	ssyncset.done $0x0  }
0xd2: {  	[sflag:s12] =	ssyncadd.s32 $0xFFFFE400  }
0xd3: {  	[tilespmem:s14], [sflag:$0x1] =	stream.linear.gather [hbm4b:s29+s3], $0x1C00, $0x200038;
	[tilespmem:$0x1F450] =	vst v63  }
0xd4: {  	_ =	swait.ge [sflag:s12], $0x1C00  }
0xd5: {  	[sflag:s12] =	ssyncset.done $0x0  }
0xd6: {  	[sflag:s12] =	ssyncadd.s32 $0xFFFFE400  }
0xd7: {  	[spmem:s23] =	stream.indirect.scatter.add.f32 [tilespmem:s24], [sflag:$0x1], $0x1, s14, s15, $0x2000b8;
	[tilespmem:$0x1F450] =	vst v63  }
0xd8: {  	_ =	swait.ge [sflag:s12], $0x1C00  }
0xd9: {  	s30 =	sld [smem:$0x7F5]  }
0xda: {  	[sflag:s12] =	ssyncset.done $0x0  }
0xdb: {  	[sflag:s12] =	ssyncadd.s32 $0xFFFFE400  }
0xdc: {  	[tilespmem:s14], [sflag:$0x1] =	stream.linear.gather [hbm4b:s30+s3], $0x1C00, $0x200038;
	[tilespmem:$0x1F450] =	vst v63  }
0xdd: {  	_ =	swait.ge [sflag:s12], $0x1C00  }
0xde: {  	[sflag:s12] =	ssyncset.done $0x0  }
0xdf: {  	[sflag:s12] =	ssyncadd.s32 $0xFFFFE400  }
0xe0: {  	[spmem:s23] =	stream.indirect.scatter.add.f32 [tilespmem:s24], [sflag:$0x1], $0x1, s14, s15, $0x2000b8;
	[tilespmem:$0x1F450] =	vst v63  }
0xe1: {  	_ =	swait.ge [sflag:s12], $0x1C00  }
0xe2: {  	s31 =	sld [smem:$0x7F7]  }
0xe3: {  	[sflag:s12] =	ssyncset.done $0x0  }
0xe4: {  	[sflag:s12] =	ssyncadd.s32 $0xFFFFE400  }
0xe5: {  	[tilespmem:s14], [sflag:$0x1] =	stream.linear.gather [hbm4b:s31+s3], $0x1C00, $0x200038;
	[tilespmem:$0x1F450] =	vst v63  }
0xe6: {  	_ =	swait.ge [sflag:s12], $0x1C00  }
0xe7: {  	[sflag:s12] =	ssyncset.done $0x0  }
0xe8: {  	[sflag:s12] =	ssyncadd.s32 $0xFFFFE400  }
0xe9: {  	[spmem:s23] =	stream.indirect.scatter.add.f32 [tilespmem:s24], [sflag:$0x1], $0x1, s14, s15, $0x2000b8;
	[tilespmem:$0x1F450] =	vst v63  }
0xea: {  	_ =	swait.ge [sflag:s12], $0x1C00  }
.Ltmp2:
0xeb: {  	[sflag:s12] =	ssyncset.done $0x0;
	(pc) =	sbr.rel .LBB2_6-.Ltmp2, $4  }
0xec: {  	[sflag:s12] =	ssyncadd.s32 $0xFFFFE400  }
0xed: {  	_ =	strace $0x90000048  }
0xee: {  	[bflag:$0x0] =	sbarrier.arrive $0xFFFF  }
0xef: {  	_ =	strace $0x80000049  }
.LBB2_10:
0xf0: {  	s3 =	sadd.s32 $0x1, s3  }
0xf1: {  	p6 =	sne.s32 s3, $0x4  }
.Ltmp3:
0xf2: {  	_ = 	snop;
	(pc) =	sbr.rel @!p6 .LBB2_11-.Ltmp3, $1  }
0xf3: {  	_ =	sdelay $0x3  }
.LBB2_6:
0xf4: {  	s0 =	sshll.u32 s3, $0x4  }
0xf5: {  	s0 =	sor.u32 s17, s0  }
0xf6: {  	p6 =	sgt.u32 s0, $0x31  }
.Ltmp4:
0xf7: {  	_ = 	snop;
	(pc) =	sbr.rel @p6 .LBB2_10-.Ltmp4, $1  }
0xf8: {  	_ =	sdelay $0x3  }
0xf9: {  	s2 =	sshll.u32 s0, $0xA;
	s1 =	rddreg [dreg:$0x1]  }
0xfa: {  	s4 =	simm.s32 $0x1D850;
	s1 =	sadd.s32 s2, s1  }
0xfb: {  	[tilespmem:s4], [sflag:$0x2] =	stream.linear.gather [spmem:s1], $0x400, $0x200038;
	[tilespmem:$0x1F450] =	vst v63  }
0xfc: {  	_ =	swait.ge [sflag:s11], $0x400  }
0xfd: {  	s30 =	sshll.u32 s0, $0x7;
	s31 =	simm.s32 $0x0;
	[sflag:s11] =	ssyncset.done $0x0  }
0xfe: {  	s5 =	simm.s32 $0x1DC50;
	s0 =	sadd.s32 s18, s30;
	[sflag:s11] =	ssyncadd.s32 $0xFFFFFC00  }
0xff: {  	[tilespmem:s5], [sflag:$0x2] =	stream.linear.gather [hbm4b:s0+s31], $0x400, $0x200038;
	[tilespmem:$0x1F450] =	vst v63  }
0x100: {  	_ =	swait.ge [sflag:s11], $0x400  }
0x101: {  	[sflag:s11] =	ssyncset.done $0x0  }
0x102: {  	s7 =	simm.s32 $0x0;
	[sflag:s11] =	ssyncadd.s32 $0xFFFFFC00  }
0x103: {  	v10 =	vld [tilespmem:s7+$0x1D850];
	_ =	sdelay $0x3  }
0x104: {  	s4 =	simm.s32 $0x10  }
0x105: {  	v11 =	vld [tilespmem:s4+$0x1D850];
	v10 =	vadd.f32 $1.000000000e+00, v10;
	_ =	sdelay $0x1  }
0x106: {  	v12 =	vshrl.u32 v10, $0x1;
	v13 =	vmul.f32 $5.000000000e-01, v10  }
0x107: {  	v10 =	vsub.s32 $0x5F3759DF, v12  }
0x108: {  	v12 =	vmul.f32 v10, v13  }
0x109: {  	s0 =	simm.s32 $0x20;
	v11 =	vadd.f32 $1.000000000e+00, v11  }
0x10a: {  	v14 =	vld [tilespmem:s0+$0x1D850];
	v12 =	vmul.f32 v10, v12  }
0x10b: {  	v15 =	vshrl.u32 v11, $0x1;
	v18 =	vmul.f32 $5.000000000e-01, v11  }
0x10c: {  	v11 =	vsub.f32 $1.500000000e+00, v12;
	v12 =	vsub.s32 $0x5F3759DF, v15  }
0x10d: {  	v15 =	vmul.f32 v12, v18  }
0x10e: {  	s5 =	simm.s32 $0x30;
	v10 =	vmul.f32 v10, v11  }
0x10f: {  	v11 =	vadd.f32 $1.000000000e+00, v14;
	v14 =	vld [tilespmem:s5+$0x1D850];
	v15 =	vmul.f32 v12, v15  }
0x110: {  	v16 =	vmul.f32 v10, v13  }
0x111: {  	v17 =	vshrl.u32 v11, $0x1;
	v11 =	vmul.f32 $5.000000000e-01, v11;
	v15 =	vsub.f32 $1.500000000e+00, v15  }
0x112: {  	v17 =	vsub.s32 $0x5F3759DF, v17;
	v16 =	vmul.f32 v16, v10  }
0x113: {  	v19 =	vmul.f32 v17, v11;
	v12 =	vmul.f32 v12, v15  }
0x114: {  	v14 =	vadd.f32 $1.000000000e+00, v14;
	v15 =	vsub.f32 $1.500000000e+00, v16  }
0x115: {  	v16 =	vmul.f32 v17, v19;
	v19 =	vmul.f32 v12, v18  }
0x116: {  	s6 =	simm.s32 $0x40;
	v23 =	vmul.f32 v15, v10;
	v15 =	vshrl.u32 v14, $0x1;
	v10 =	vmul.f32 $5.000000000e-01, v14  }
0x117: {  	v20 =	vld [tilespmem:s6+$0x1D850];
	v14 =	vsub.f32 $1.500000000e+00, v16;
	v19 =	vmul.f32 v19, v12;
	v16 =	vsub.s32 $0x5F3759DF, v15  }
0x118: {  	v15 =	vmul.f32 v16, v10  }
0x119: {  	v13 =	vmul.f32 v23, v13;
	v14 =	vmul.f32 v17, v14;
	v17 =	vsub.f32 $1.500000000e+00, v19  }
0x11a: {  	s8 =	simm.s32 $0x50;
	v15 =	vmul.f32 v16, v15  }
0x11b: {  	v13 =	vmul.f32 v13, v23;
	v12 =	vmul.f32 v17, v12;
	v17 =	vld [tilespmem:s8+$0x1D850]  }
0x11c: {  	v20 =	vadd.f32 $1.000000000e+00, v20;
	v19 =	vmul.f32 v14, v11;
	v21 =	vsub.f32 $1.500000000e+00, v15;
	v15 =	vld [tilespmem:s7+$0x1DC50]  }
0x11d: {  	v24 =	vsub.f32 $1.500000000e+00, v13  }
0x11e: {  	v22 =	vshrl.u32 v20, $0x1;
	v13 =	vmul.f32 $5.000000000e-01, v20;
	v20 =	vmul.f32 v19, v14  }
0x11f: {  	s9 =	simm.s32 $0x180;
	v19 =	vsub.s32 $0x5F3759DF, v22;
	v22 =	vmul.f32 v12, v18;
	v18 =	vmul.f32 v24, v23  }
.LBB2_8:
0x120: {  	s10 =	sshra.s32 s9, $0x2;
	v23 =	vadd.f32 $1.000000000e+00, v17;
	v24 =	vmul.f32 v19, v13;
	v21 =	vmul.f32 v16, v21;
	v25 =	vmovc v10;
	v10 =	vmovc v13;
	p6 =	sne.s32 s9, $0xFC0  }
.Ltmp5:
0x121: {  	v13 =	vsub.f32 $1.500000000e+00, v20;
	v16 =	vmovc v19;
	v17 =	vld [tilespmem:s10+$0x1D850];
	v20 =	vmul.f32 v22, v12;
	[tilespmem:s7+$0x1E050] =	vst v18;
	v18 =	vmul.f32 v18, v15;
	(pc) =	sbr.rel @p6 .LBB2_8-.Ltmp5, $4  }
0x122: {  	v19 =	vmul.f32 v16, v24;
	v22 =	vmul.f32 v21, v25;
	v15 =	vld [tilespmem:s4+$0x1DC50]  }
0x123: {  	s9 =	sadd.s32 $0x40, s9;
	v24 =	vshrl.u32 v23, $0x1;
	v26 =	vmul.f32 v13, v14;
	v14 =	vmovc v21;
	v27 =	vsub.f32 $1.500000000e+00, v20;
	[tilespmem:s7+$0x1E450] =	vst v18;
	s7 =	smov.u32 s4  }
0x124: {  	v13 =	vmul.f32 $5.000000000e-01, v23;
	s4 =	smov.u32 s0;
	s0 =	smov.u32 s5;
	s5 =	smov.u32 s6;
	v21 =	vsub.f32 $1.500000000e+00, v19;
	v20 =	vmul.f32 v22, v14  }
0x125: {  	s6 =	smov.u32 s8;
	s8 =	smov.u32 s10;
	v19 =	vsub.s32 $0x5F3759DF, v24;
	v22 =	vmul.f32 v26, v11;
	v11 =	vmovc v25;
	v18 =	vmul.f32 v27, v12;
	v12 =	vmovc v26  }
0x126: {  	v23 =	vmul.f32 v19, v13;
	_ =	sdelay $0x1  }
0x127: {  	v17 =	vadd.f32 $1.000000000e+00, v17;
	v23 =	vmul.f32 v19, v23  }
0x128: {  	v16 =	vmul.f32 v16, v21;
	v20 =	vsub.f32 $1.500000000e+00, v20;
	v43 =	vmul.f32 v22, v12  }
0x129: {  	v44 =	vshrl.u32 v17, $0x1;
	v17 =	vmul.f32 $5.000000000e-01, v17;
	v23 =	vsub.f32 $1.500000000e+00, v23  }
0x12a: {  	v24 =	vmul.f32 v16, v10;
	v14 =	vmul.f32 v20, v14;
	v45 =	vsub.s32 $0x5F3759DF, v44  }
0x12b: {  	[tilespmem:s7+$0x1E050] =	vst v18;
	v22 =	vmul.f32 v45, v17;
	v46 =	vmul.f32 v19, v23  }
0x12c: {  	v47 =	vld [tilespmem:s4+$0x1DC50];
	v24 =	vmul.f32 v24, v16;
	v11 =	vmul.f32 v14, v11  }
0x12d: {  	v21 =	vsub.f32 $1.500000000e+00, v43;
	v22 =	vmul.f32 v45, v22;
	v25 =	vmul.f32 v46, v13  }
0x12e: {  	v15 =	vmul.f32 v18, v15;
	v48 =	vsub.f32 $1.500000000e+00, v24;
	v11 =	vmul.f32 v11, v14  }
0x12f: {  	v49 =	vmul.f32 v21, v12;
	v50 =	vsub.f32 $1.500000000e+00, v22;
	v51 =	vmul.f32 v25, v46  }
0x130: {  	[tilespmem:s7+$0x1E450] =	vst v15;
	v52 =	vmul.f32 v48, v16;
	v11 =	vsub.f32 $1.500000000e+00, v11  }
0x131: {  	[tilespmem:s4+$0x1E050] =	vst v49;
	v12 =	vmul.f32 v49, v47;
	v53 =	vmul.f32 v45, v50;
	v54 =	vsub.f32 $1.500000000e+00, v51  }
0x132: {  	v55 =	vld [tilespmem:s0+$0x1DC50];
	v10 =	vmul.f32 v52, v10;
	v11 =	vmul.f32 v11, v14  }
0x133: {  	[tilespmem:s4+$0x1E450] =	vst v12;
	v56 =	vmul.f32 v53, v17;
	v57 =	vmul.f32 v54, v46  }
0x134: {  	v10 =	vmul.f32 v10, v52;
	[tilespmem:s0+$0x1E050] =	vst v11  }
0x135: {  	v58 =	vld [tilespmem:s5+$0x1DC50];
	v12 =	vmul.f32 v56, v53;
	v59 =	vmul.f32 v57, v13  }
0x136: {  	v10 =	vsub.f32 $1.500000000e+00, v10  }
0x137: {  	v11 =	vmul.f32 v11, v55;
	v12 =	vsub.f32 $1.500000000e+00, v12;
	v13 =	vmul.f32 v59, v57  }
0x138: {  	v10 =	vmul.f32 v10, v52  }
0x139: {  	[tilespmem:s0+$0x1E450] =	vst v11;
	v11 =	vmul.f32 v12, v53;
	v60 =	vsub.f32 $1.500000000e+00, v13  }
0x13a: {  	[tilespmem:s5+$0x1E050] =	vst v10;
	v10 =	vmul.f32 v10, v58  }
0x13b: {  	v62 =	vmul.f32 v11, v17;
	v12 =	vmul.f32 v60, v57  }
0x13c: {  	v61 =	vld [tilespmem:s6+$0x1DC50];
	[tilespmem:s5+$0x1E450] =	vst v10  }
0x13d: {  	v10 =	vmul.f32 v62, v11;
	[tilespmem:s6+$0x1E050] =	vst v12  }
0x13e: {  	v63 =	vld [tilespmem:s8+$0x1DC50]  }
0x13f: {  	v10 =	vsub.f32 $1.500000000e+00, v10;
	_ =	sdelay $0x1  }
0x140: {  	v12 =	vmul.f32 v12, v61;
	v10 =	vmul.f32 v10, v11;
	_ =	sdelay $0x1  }
0x141: {  	[tilespmem:s6+$0x1E450] =	vst v12;
	v11 =	vmul.f32 v10, v63  }
0x142: {  	s30 =	rddreg [dreg:$0x5];
	[tilespmem:s8+$0x1E050] =	vst v10  }
0x143: {  	s31 =	simm.s32 $0x1E050;
	s0 =	sadd.s32 s2, s30;
	[tilespmem:s8+$0x1E450] =	vst v11  }
0x144: {  	[spmem:s0] =	stream.linear.scatter [tilespmem:s31], [sflag:$0x2], $0x400, $0x200038;
	[tilespmem:$0x1F450] =	vst v63  }
0x145: {  	_ =	swait.ge [sflag:s11], $0x400  }
0x146: {  	[sflag:s11] =	ssyncset.done $0x0  }
.Ltmp6:
0x147: {  	[sflag:s11] =	ssyncadd.s32 $0xFFFFFC00;
	(pc) =	sbr.rel .LBB2_10-.Ltmp6, $4  }
0x148: {  	[spmem:s1] =	stream.linear.scatter [tilespmem:s16], [sflag:$0x1], $0x400, $0x200038;
	[tilespmem:$0x1F450] =	vst v63  }
0x149: {  	_ =	swait.ge [sflag:s12], $0x400  }
0x14a: {  	[sflag:s12] =	ssyncset.done $0x0  }
0x14b: {  	[sflag:s12] =	ssyncadd.s32 $0xFFFFFC00  }
.LBB2_11:
0x14c: {  	_ =	strace $0x90000049  }
0x14d: {  	s0 =	simm.s32 $0x0;
	[bflag:$0x0] =	sbarrier.arrive $0xFFFF  }
0x14e: {  	s2 =	simm.s32 $0x14850;
	s3 =	simm.s32 $0x1A050;
	_ =	strace $0x8000004A  }
.LBB2_12:
0x14f: {  	s6 =	sadd.s32 s13, s0  }
0x150: {  	s5 =	smul.u32 $0x380, s6  }
0x151: {  	[smem:$0x7D6] =	sst s0  }
0x152: {  	s1 =	simm.s32 $0x16850;
	s4 =	simm.s32 $0x0;
	s0 =	sadd.s32 s19, s5  }
0x153: {  	[tilespmem:s1], [sflag:$0x1] =	stream.linear.gather [hbm4b:s0+s4], $0x1C00, $0x200038;
	[tilespmem:$0x1F450] =	vst v63  }
0x154: {  	_ =	swait.ge [sflag:s12], $0x1C00  }
0x155: {  	[sflag:s12] =	ssyncset.done $0x0;
	s7 =	rddreg [dreg:$0x18]  }
0x156: {  	[smem:$0x7D7] =	sst s5;
	[sflag:s12] =	ssyncadd.s32 $0xFFFFE400;
	s0 =	sadd.s32 s7, s5  }
0x157: {  	[tilespmem:s14], [sflag:$0x1] =	stream.linear.gather [hbm4b:s0+s4], $0x1C00, $0x200038;
	[tilespmem:$0x1F450] =	vst v63  }
0x158: {  	_ =	swait.ge [sflag:s12], $0x1C00  }
0x159: {  	[sflag:s12] =	ssyncset.done $0x0  }
0x15a: {  	[sflag:s12] =	ssyncadd.s32 $0xFFFFE400  }
0x15b: {  	s8 =	rddreg [dreg:$0x1]  }
0x15c: {  	[tilespmem:s20], [sflag:$0x1] =	stream.indirect.gather [spmem:s8], $0x1, s1, s15, $0x2000b8;
	[tilespmem:$0x1F450] =	vst v63  }
0x15d: {  	_ =	swait.ge [sflag:s12], $0x1C00  }
0x15e: {  	[sflag:s12] =	ssyncset.done $0x0  }
0x15f: {  	[sflag:s12] =	ssyncadd.s32 $0xFFFFE400  }
0x160: {  	s9 =	rddreg [dreg:$0x2]  }
0x161: {  	[spmem:s9] =	stream.indirect.scatter.add.f32 [tilespmem:s20], [sflag:$0x1], $0x1, s14, s15, $0x2000b8;
	[tilespmem:$0x1F450] =	vst v63  }
0x162: {  	_ =	swait.ge [sflag:s12], $0x1C00  }
0x163: {  	[sflag:s12] =	ssyncset.done $0x0  }
0x164: {  	[sflag:s12] =	ssyncadd.s32 $0xFFFFE400  }
0x165: {  	s10 =	rddreg [dreg:$0x5]  }
0x166: {  	[tilespmem:s20], [sflag:$0x1] =	stream.indirect.gather [spmem:s10], $0x1, s1, s15, $0x2000b8;
	[tilespmem:$0x1F450] =	vst v63  }
0x167: {  	_ =	swait.ge [sflag:s12], $0x1C00  }
0x168: {  	[sflag:s12] =	ssyncset.done $0x0  }
0x169: {  	[sflag:s12] =	ssyncadd.s32 $0xFFFFE400  }
0x16a: {  	[tilespmem:s2], [sflag:$0x1] =	stream.indirect.gather [spmem:s10], $0x1, s14, s15, $0x2000b8;
	[tilespmem:$0x1F450] =	vst v63  }
0x16b: {  	_ =	swait.ge [sflag:s12], $0x1C00  }
0x16c: {  	[sflag:s12] =	ssyncset.done $0x0  }
0x16d: {  	[sflag:s12] =	ssyncadd.s32 $0xFFFFE400  }
0x16e: {  	s11 =	rddreg [dreg:$0x3]  }
0x16f: {  	[tilespmem:s3], [sflag:$0x1] =	stream.indirect.gather [spmem:s11], $0x1, s14, s15, $0x2000b8;
	[tilespmem:$0x1F450] =	vst v63  }
0x170: {  	_ =	swait.ge [sflag:s12], $0x1C00  }
0x171: {  	[sflag:s12] =	ssyncset.done $0x0  }
0x172: {  	s30 =	simm.s32 $0x0;
	[sflag:s12] =	ssyncadd.s32 $0xFFFFE400  }
0x173: {  	v10 =	vld [tilespmem:s30+$0x1A050];
	_ =	sdelay $0x4  }
0x174: {  	(v2sf) =	vpush v10, $0x9  }
0x175: {  	(v2sf) =	vpush v10, $0xF;
	_ =	sdelay $0x2  }
0x176: {  	(v2sf) =	vpush v10, $0x0;
	_ =	sdelay $0x1  }
0x177: {  	(v2sf) =	vpush v10, $0x7;
	_ =	sdelay $0x1  }
0x178: {  	(v2sf) =	vpush v10, $0xE  }
0x179: {  	(v2sf) =	vpush v10, $0x1  }
0x17a: {  	(v2sf) =	vpush v10, $0xA  }
0x17b: {  	(v2sf) =	vpush v10, $0xB  }
0x17c: {  	(v2sf) =	vpush v10, $0x5  }
0x17d: {  	(v2sf) =	vpush v10, $0x6  }
0x17e: {  	(v2sf) =	vpush v10, $0xC  }
0x17f: {  	(v2sf) =	vpush v10, $0x2;
	s13 =	spop (v2sf)  }
0x180: {  	(v2sf) =	vpush v10, $0x8;
	s17 =	spop (v2sf)  }
0x181: {  	s8 =	sshra.s32 s13, $0x1F;
	s25 =	smulhi.u32 $0x66666667, s17  }
0x182: {  	s5 =	smul.u32 $0x66666667, s8  }
0x183: {  	s26 =	spop (v2sf);
	s8 =	smulhi.u32 $0x66666667, s13  }
0x184: {  	(v2sf) =	vpush v10, $0x3;
	s1 =	smulhi.u32 $0x66666667, s26;
	s3 =	sshra.s32 s26, $0x1F  }
0x185: {  	s6 =	spop (v2sf);
	s3 =	smul.u32 $0x66666667, s3  }
0x186: {  	[dreg:$0x9] =	wrdreg s25;
	s22 =	sshra.s32 s6, $0x1F;
	s12 =	smulhi.u32 $0x66666667, s6  }
0x187: {  	(v2sf) =	vpush v10, $0xD;
	s7 =	spop (v2sf);
	s10 =	smul.u32 $0x66666667, s22  }
0x188: {  	(v2sf) =	vpush v10, $0x4;
	s11 =	spop (v2sf);
	s19 =	smulhi.u32 $0x66666667, s7;
	s24 =	sshra.s32 s7, $0x1F  }
0x189: {  	s9 =	spop (v2sf);
	s14 =	smulhi.u32 $0x66666667, s11;
	s23 =	sshra.s32 s11, $0x1F  }
0x18a: {  	s21 =	smul.u32 $0x66666667, s24;
	s11 =	sshra.s32 s17, $0x1F;
	s15 =	spop (v2sf)  }
0x18b: {  	v11 =	vld [tilespmem:s30+$0x1BC50];
	s6 =	sadd.s32 s3, s1;
	s18 =	smul.u32 $0x66666667, s23;
	s20 =	spop (v2sf)  }
0x18c: {  	v12 =	vld [tilespmem:s30+$0x14850];
	s23 =	sshra.s32 s15, $0x1F;
	s19 =	sadd.s32 s21, s19;
	s16 =	spop (v2sf)  }
0x18d: {  	s24 =	sshra.s32 s20, $0x1F;
	s29 =	smul.u32 $0x66666667, s23;
	s13 =	spop (v2sf)  }
0x18e: {  	s21 =	simm.s32 $0x40;
	s3 =	smul.u32 $0x66666667, s24;
	s25 =	spop (v2sf)  }
0x18f: {  	s4 =	sadd.s32 s18, s14;
	s7 =	smulhi.u32 $0x66666667, s25;
	s26 =	spop (v2sf)  }
0x190: {  	s23 =	sshrl.u32 s6, $0x1F;
	s0 =	sshra.s32 s25, $0x1F;
	s2 =	smulhi.u32 $0x66666667, s26  }
0x191: {  	v12 =	vmul.f32 v12, v11;
	v11 =	vmov s23;
	s23 =	sshra.s32 s4, $0x1;
	s17 =	sshra.s32 s26, $0x1F;
	s0 =	smul.u32 $0x66666667, s0  }
0x192: {  	s18 =	sshra.s32 s13, $0x1F;
	s26 =	sshra.s32 s16, $0x1F;
	s22 =	smul.u32 $0x66666667, s17  }
0x193: {  	s17 =	sadd.s32 s10, s12;
	s26 =	smul.u32 $0x66666667, s26;
	s1 =	spop (v2sf)  }
0x194: {  	s28 =	sshra.s32 s17, $0x1F;
	s12 =	smulhi.u32 $0x66666667, s1;
	s25 =	sshra.s32 s1, $0x1F  }
0x195: {  	vm5 =	vmmov vm3;
	s22 =	sadd.s32 s22, s2;
	s2 =	sadd.s32 s0, s7;
	s7 =	smulhi.u32 $0x66666667, s15  }
0x196: {  	vm12 =	vcmask $0x1714;
	vm13 =	vcmask $0x1F1C;
	vm14 =	vcmask $0x2724;
	s1 =	spop (v2sf);
	s15 =	sshra.s32 s4, $0x1F;
	s14 =	smul.u32 $0x66666667, s25  }
0x197: {  	vm15 =	vcmask $0x2F2C;
	vm3 =	vcmask $0x3734;
	vm4 =	vcmask $0x300;
	s24 =	spop (v2sf);
	s31 =	sshrl.u32 s22, $0x1F;
	s22 =	sshra.s32 s22, $0x1  }
0x198: {  	vm10 =	vcmask $0x3B38;
	vm0 =	vmmov vm8;
	vm8 =	vcmask $0x704;
	s0 =	smulhi.u32 $0x66666667, s24;
	s25 =	sshra.s32 s24, $0x1F;
	s24 =	sshra.s32 s9, $0x1F  }
0x199: {  	vm2 =	vmmov vm1;
	vm1 =	vcmask $0xB08;
	vm11 =	vcmask $0x1B18;
	[tilespmem:s30+$0x14850] =	vst v12;
	s10 =	sadd.s32 s14, s12;
	s14 =	sshra.s32 s1, $0x1F;
	s12 =	smulhi.u32 $0x66666667, s1  }
.LBB2_13:
0x19a: {  	[dreg:$0xa] =	wrdreg s30;
	s30 =	smulhi.u32 $0x66666667, s16  }
0x19b: {  	s1 =	smulhi.u32 $0x66666667, s9  }
0x19c: {  	s9 =	sshrl.u32 s4, $0x1F;
	s4 =	smulhi.u32 $0x66666667, s20  }
0x19d: {  	s18 =	smul.u32 $0x66666667, s18  }
0x19e: {  	s24 =	smul.u32 $0x66666667, s24;
	v15 =	vmov s22;
	s22 =	sshra.s32 s6, $0x1;
	s7 =	sadd.s32 s29, s7  }
0x19f: {  	s20 =	sadd.s32 s5, s8;
	s29 =	smul.u32 $0x66666667, s11;
	s11 =	sshrl.u32 s19, $0x1F  }
0x1a0: {  	s4 =	sadd.s32 s3, s4;
	s26 =	sadd.s32 s26, s30;
	s3 =	smulhi.u32 $0x66666667, s13  }
0x1a1: {  	v12 =	vmov s31;
	s8 =	sshrl.u32 s20, $0x1F;
	s1 =	sadd.s32 s24, s1;
	s5 =	sshrl.u32 s26, $0x1F  }
0x1a2: {  	v13 =	vmov s28;
	v12 =	vsel vm1, s8, v12;
	s8 =	sshrl.u32 s1, $0x1F;
	s18 =	sadd.s32 s18, s3;
	s3 =	sshra.s32 s26, $0x1  }
0x1a3: {  	v13 =	vsel vm4, s22, v13;
	v12 =	vsel vm2, s8, v12;
	s8 =	sshra.s32 s26, $0x1F;
	s26 =	sshra.s32 s20, $0x1;
	s20 =	sshra.s32 s6, $0x1F  }
0x1a4: {  	s30 =	sshra.s32 s19, $0x1;
	s13 =	smul.u32 $0x66666667, s14;
	s14 =	sshra.s32 s7, $0x1;
	v13 =	vsel vm8, s20, v13  }
0x1a5: {  	v11 =	vnsel vm4, $0x0, v11;
	s19 =	smul.u32 $0x66666667, s25;
	s25 =	rddreg [dreg:$0x9];
	s7 =	sshrl.u32 s7, $0x1F;
	v13 =	vsel vm1, s23, v13  }
0x1a6: {  	v11 =	vsel vm1, s9, v11;
	s12 =	sadd.s32 s13, s12;
	s24 =	sshra.s32 s18, $0x1;
	v13 =	vsel vm9, s15, v13;
	s15 =	sshra.s32 s2, $0x1  }
0x1a7: {  	s1 =	sshra.s32 s1, $0x1;
	s6 =	sshra.s32 s2, $0x1F;
	s13 =	sshra.s32 s12, $0x1;
	v15 =	vsel vm1, s26, v15;
	v14 =	vmov s24;
	v13 =	vsel vm2, s15, v13  }
0x1a8: {  	s0 =	sadd.s32 s19, s0;
	s26 =	sshra.s32 s10, $0x1;
	v12 =	vsel vm11, s7, v12;
	s24 =	sadd.s32 s29, s25;
	v14 =	vsel vm1, s13, v14;
	v13 =	vsel vm12, s6, v13  }
0x1a9: {  	s22 =	sshrl.u32 s18, $0x1F;
	s18 =	sshra.s32 s10, $0x1F;
	v15 =	vsel vm2, s1, v15;
	s25 =	sshra.s32 s24, $0x1;
	v14 =	vsel vm2, s30, v14;
	v13 =	vsel vm11, s26, v13  }
0x1aa: {  	s12 =	sshrl.u32 s12, $0x1F;
	v16 =	vmov s22;
	s22 =	sshrl.u32 s2, $0x1F;
	v14 =	vsel vm11, s25, v14;
	s25 =	sshra.s32 s0, $0x1;
	v13 =	vsel vm13, s18, v13  }
0x1ab: {  	v15 =	vsel vm11, s14, v15;
	s20 =	sshrl.u32 s24, $0x1F;
	v16 =	vsel vm1, s12, v16;
	s24 =	sshrl.u32 s0, $0x1F;
	s0 =	sshra.s32 s0, $0x1F;
	v13 =	vsel vm5, s25, v13  }
0x1ac: {  	s23 =	sshrl.u32 s10, $0x1F;
	v11 =	vsel vm2, s22, v11;
	s2 =	sshra.s32 s4, $0x1;
	v16 =	vsel vm2, s11, v16;
	v13 =	vsel vm14, s0, v13  }
0x1ad: {  	v11 =	vsel vm11, s23, v11;
	v16 =	vsel vm11, s20, v16;
	s6 =	sshra.s32 s4, $0x1F;
	v13 =	vsel vm6, s2, v13  }
0x1ae: {  	v11 =	vsel vm5, s24, v11;
	s26 =	sshrl.u32 s4, $0x1F;
	v14 =	vcombine.low v15, v14;
	v13 =	vsel vm15, s6, v13  }
0x1af: {  	v12 =	vcombine.low v12, v16;
	v11 =	vsel vm6, s26, v11;
	v13 =	vsel vm7, s3, v13  }
0x1b0: {  	s7 =	sshra.s32 s17, $0x1;
	v11 =	vsel vm7, s5, v11;
	s5 =	sshrl.u32 s17, $0x1F;
	v14 =	vperm.xlane v14, v6;
	v13 =	vsel vm3, s8, v13  }
0x1b1: {  	v12 =	vperm.xlane v12, v6;
	v11 =	vsel vm10, s5, v11;
	v13 =	vsel vm10, s7, v13  }
0x1b2: {  	v11 =	vperm.xlane v11, v8;
	v13 =	vperm.xlane v13, v8;
	_ =	sdelay $0x1  }
0x1b3: {  	v11 =	vsel vm0, v11, v12;
	v60 =	vsel vm0, v13, v14  }
0x1b4: {  	v11 =	vadd.s32 v11, v60  }
0x1b5: {  	v62 =	vmul.u32 $0x7FFFFFB, v11;
	_ =	sdelay $0x1  }
0x1b6: {  	v13 =	vadd.s32 v10, v62  }
0x1b7: {  	s16 =	smov.u32 s21;
	v13 =	vshll.u32 v13, $0x5  }
0x1b8: {  	vm9 =	vlt.s32 v10, $0x96;
	s8 =	sshra.s32 s16, $0x2;
	v10 =	vadd.s32 v11, v13  }
0x1b9: {  	s9 =	rddreg [dreg:$0xa];
	v61 =	vld [tilespmem:s8+$0x1BC50];
	v10 =	vnsel vm9, $0x9E, v10  }
0x1ba: {  	v63 =	vld [tilespmem:s8+$0x14850];
	s30 =	smov.u32 s8;
	[tilespmem:s9+$0x1A050] =	vst v10  }
0x1bb: {  	v10 =	vld [tilespmem:s30+$0x1A050];
	_ =	sdelay $0x4  }
0x1bc: {  	(v2sf) =	vpush v10, $0x9  }
0x1bd: {  	(v2sf) =	vpush v10, $0xF;
	_ =	sdelay $0x1  }
0x1be: {  	(v2sf) =	vpush v10, $0x0  }
0x1bf: {  	(v2sf) =	vpush v10, $0x7;
	_ =	sdelay $0x1  }
0x1c0: {  	(v2sf) =	vpush v10, $0xE  }
0x1c1: {  	(v2sf) =	vpush v10, $0x1  }
0x1c2: {  	(v2sf) =	vpush v10, $0xA  }
0x1c3: {  	(v2sf) =	vpush v10, $0xB  }
0x1c4: {  	(v2sf) =	vpush v10, $0x5  }
0x1c5: {  	(v2sf) =	vpush v10, $0x6  }
0x1c6: {  	(v2sf) =	vpush v10, $0xC  }
0x1c7: {  	(v2sf) =	vpush v10, $0x2  }
0x1c8: {  	(v2sf) =	vpush v10, $0x8  }
0x1c9: {  	s10 =	spop (v2sf)  }
0x1ca: {  	s16 =	spop (v2sf)  }
0x1cb: {  	s24 =	sshra.s32 s10, $0x1F;
	s17 =	smulhi.u32 $0x66666667, s16  }
0x1cc: {  	(v2sf) =	vpush v10, $0x3;
	s18 =	spop (v2sf);
	s5 =	smul.u32 $0x66666667, s24  }
0x1cd: {  	s19 =	smulhi.u32 $0x66666667, s18;
	s1 =	sshra.s32 s18, $0x1F;
	s20 =	spop (v2sf)  }
0x1ce: {  	p6 =	sne.s32 s21, $0x6FC0;
	[dreg:$0x9] =	wrdreg s17;
	s1 =	smul.u32 $0x66666667, s1  }
0x1cf: {  	(v2sf) =	vpush v10, $0xD;
	s22 =	sshra.s32 s20, $0x1F;
	s23 =	spop (v2sf);
	s13 =	smulhi.u32 $0x66666667, s20  }
0x1d0: {  	s11 =	sshra.s32 s16, $0x1F;
	s4 =	smul.u32 $0x66666667, s22;
	s25 =	spop (v2sf)  }
0x1d1: {  	s26 =	sshra.s32 s23, $0x1F;
	s9 =	spop (v2sf);
	s14 =	smulhi.u32 $0x66666667, s25  }
0x1d2: {  	(v2sf) =	vpush v10, $0x4;
	s6 =	sadd.s32 s1, s19;
	s19 =	smulhi.u32 $0x66666667, s23;
	s12 =	spop (v2sf)  }
0x1d3: {  	s8 =	sshra.s32 s25, $0x1F;
	s1 =	smul.u32 $0x66666667, s26;
	s20 =	spop (v2sf)  }
0x1d4: {  	s15 =	smul.u32 $0x66666667, s8;
	s17 =	sadd.s32 s4, s13;
	s16 =	spop (v2sf)  }
0x1d5: {  	s8 =	smulhi.u32 $0x66666667, s10;
	s29 =	sshra.s32 s12, $0x1F;
	s13 =	spop (v2sf)  }
0x1d6: {  	s21 =	sadd.s32 $0x40, s21;
	s29 =	smul.u32 $0x66666667, s29;
	s18 =	spop (v2sf)  }
0x1d7: {  	s24 =	sshra.s32 s9, $0x1F;
	s3 =	smulhi.u32 $0x66666667, s18;
	s22 =	spop (v2sf)  }
0x1d8: {  	s28 =	sshra.s32 s17, $0x1F;
	s2 =	sshra.s32 s18, $0x1F;
	s23 =	smulhi.u32 $0x66666667, s22  }
0x1d9: {  	s19 =	sadd.s32 s1, s19;
	s7 =	sshra.s32 s22, $0x1F;
	s2 =	smul.u32 $0x66666667, s2  }
0x1da: {  	s4 =	sadd.s32 s15, s14;
	s0 =	sshra.s32 s20, $0x1F;
	s7 =	smul.u32 $0x66666667, s7  }
0x1db: {  	s25 =	spop (v2sf);
	s2 =	sadd.s32 s2, s3;
	s3 =	smul.u32 $0x66666667, s0  }
0x1dc: {  	s15 =	sshra.s32 s16, $0x1F;
	s26 =	sshra.s32 s25, $0x1F;
	s10 =	smulhi.u32 $0x66666667, s25  }
0x1dd: {  	s18 =	sshra.s32 s13, $0x1F;
	s7 =	sadd.s32 s7, s23;
	s0 =	smul.u32 $0x66666667, s26  }
.Ltmp7:
0x1de: {  	v11 =	vmul.f32 v63, v61;
	s23 =	spop (v2sf);
	s31 =	sshrl.u32 s7, $0x1F;
	(pc) =	sbr.rel @p6 .LBB2_13-.Ltmp7, $4  }
0x1df: {  	s22 =	sshra.s32 s7, $0x1;
	s7 =	sshrl.u32 s6, $0x1F;
	s26 =	smul.u32 $0x66666667, s15  }
0x1e0: {  	[tilespmem:s30+$0x14850] =	vst v11;
	s14 =	sshra.s32 s23, $0x1F;
	s15 =	sshra.s32 s4, $0x1F;
	v11 =	vmov s7;
	s7 =	smulhi.u32 $0x66666667, s12  }
0x1e1: {  	s12 =	smulhi.u32 $0x66666667, s23;
	s23 =	sshra.s32 s4, $0x1;
	s25 =	spop (v2sf)  }
0x1e2: {  	vm9 =	vcmask $0xF0C;
	s10 =	sadd.s32 s0, s10;
	s0 =	smulhi.u32 $0x66666667, s25;
	s25 =	sshra.s32 s25, $0x1F  }
0x1e3: {  	s1 =	smulhi.u32 $0x66666667, s16  }
0x1e4: {  	s9 =	smulhi.u32 $0x66666667, s9  }
0x1e5: {  	s20 =	smulhi.u32 $0x66666667, s20  }
0x1e6: {  	s18 =	smul.u32 $0x66666667, s18  }
0x1e7: {  	s21 =	smul.u32 $0x66666667, s24  }
0x1e8: {  	s13 =	smulhi.u32 $0x66666667, s13  }
0x1e9: {  	s7 =	sadd.s32 s29, s7;
	s8 =	sadd.s32 s5, s8;
	s24 =	smul.u32 $0x66666667, s14  }
0x1ea: {  	s11 =	smul.u32 $0x66666667, s11;
	s29 =	sshra.s32 s6, $0x1F;
	s16 =	rddreg [dreg:$0x9]  }
0x1eb: {  	v12 =	vmov s28;
	s5 =	sadd.s32 s3, s20;
	s3 =	sadd.s32 s26, s1;
	s26 =	sshra.s32 s6, $0x1  }
0x1ec: {  	v15 =	vmov s22;
	s22 =	sshra.s32 s2, $0x1;
	s28 =	sshrl.u32 s8, $0x1F;
	s8 =	sshra.s32 s8, $0x1;
	v12 =	vsel vm4, s26, v12  }
0x1ed: {  	v13 =	vmov s31;
	s1 =	sadd.s32 s21, s9;
	s9 =	sadd.s32 s18, s13;
	s12 =	sadd.s32 s24, s12;
	v12 =	vsel vm8, s29, v12  }
0x1ee: {  	v11 =	vnsel vm4, $0x0, v11;
	v13 =	vsel vm1, s28, v13;
	s6 =	sadd.s32 s11, s16;
	s21 =	smul.u32 $0x66666667, s25;
	s28 =	sshrl.u32 s4, $0x1F;
	v12 =	vsel vm1, s23, v12  }
0x1ef: {  	v15 =	vsel vm1, s8, v15;
	s25 =	sshra.s32 s7, $0x1;
	s31 =	sshrl.u32 s1, $0x1F;
	s14 =	sshra.s32 s9, $0x1;
	v11 =	vsel vm1, s28, v11;
	v12 =	vsel vm9, s15, v12  }
0x1f0: {  	s20 =	sshra.s32 s12, $0x1;
	s1 =	sshra.s32 s1, $0x1;
	v13 =	vsel vm2, s31, v13;
	v14 =	vmov s14;
	s23 =	sshra.s32 s2, $0x1F;
	v12 =	vsel vm2, s22, v12  }
0x1f1: {  	s7 =	sshrl.u32 s7, $0x1F;
	s26 =	sshra.s32 s10, $0x1;
	v15 =	vsel vm2, s1, v15;
	s29 =	sshrl.u32 s9, $0x1F;
	v14 =	vsel vm1, s20, v14;
	v12 =	vsel vm12, s23, v12  }
0x1f2: {  	s0 =	sadd.s32 s21, s0;
	s31 =	sshra.s32 s10, $0x1F;
	s9 =	sshrl.u32 s2, $0x1F;
	v15 =	vsel vm11, s25, v15;
	v16 =	vmov s29;
	v12 =	vsel vm11, s26, v12  }
0x1f3: {  	s18 =	sshra.s32 s19, $0x1;
	s12 =	sshrl.u32 s12, $0x1F;
	s11 =	sshra.s32 s0, $0x1;
	v13 =	vsel vm11, s7, v13;
	v11 =	vsel vm2, s9, v11;
	v12 =	vsel vm13, s31, v12  }
0x1f4: {  	s13 =	sshrl.u32 s10, $0x1F;
	s24 =	sshra.s32 s6, $0x1;
	s14 =	sshra.s32 s0, $0x1F;
	v14 =	vsel vm2, s18, v14;
	v16 =	vsel vm1, s12, v16;
	v12 =	vsel vm5, s11, v12  }
0x1f5: {  	s16 =	sshra.s32 s5, $0x1;
	s0 =	sshrl.u32 s0, $0x1F;
	v11 =	vsel vm11, s13, v11;
	s15 =	sshrl.u32 s19, $0x1F;
	v14 =	vsel vm11, s24, v14;
	v12 =	vsel vm14, s14, v12  }
0x1f6: {  	s20 =	sshra.s32 s5, $0x1F;
	s18 =	sshrl.u32 s6, $0x1F;
	s19 =	sshrl.u32 s5, $0x1F;
	v16 =	vsel vm2, s15, v16;
	v11 =	vsel vm5, s0, v11;
	v12 =	vsel vm6, s16, v12  }
0x1f7: {  	s21 =	sshrl.u32 s3, $0x1F;
	s22 =	sshra.s32 s3, $0x1;
	v16 =	vsel vm11, s18, v16;
	v11 =	vsel vm6, s19, v11;
	v12 =	vsel vm15, s20, v12  }
0x1f8: {  	s24 =	sshrl.u32 s17, $0x1F;
	s23 =	sshra.s32 s3, $0x1F;
	v14 =	vcombine.low v15, v14;
	v11 =	vsel vm7, s21, v11;
	v12 =	vsel vm7, s22, v12  }
0x1f9: {  	s25 =	sshra.s32 s17, $0x1;
	v13 =	vcombine.low v13, v16;
	v11 =	vsel vm10, s24, v11;
	v12 =	vsel vm3, s23, v12  }
0x1fa: {  	v14 =	vperm.xlane v14, v6;
	v11 =	vperm.xlane v11, v8;
	v12 =	vsel vm10, s25, v12  }
0x1fb: {  	v13 =	vperm.xlane v13, v6;
	v12 =	vperm.xlane v12, v8;
	_ =	sdelay $0x1  }
0x1fc: {  	v11 =	vsel vm0, v11, v13;
	v12 =	vsel vm0, v12, v14  }
0x1fd: {  	v11 =	vadd.s32 v11, v12  }
0x1fe: {  	v12 =	vmul.u32 $0x7FFFFFB, v11;
	_ =	sdelay $0x1  }
0x1ff: {  	v12 =	vadd.s32 v10, v12  }
0x200: {  	s26 =	sld [smem:$0x7D7];
	v12 =	vshll.u32 v12, $0x5  }
0x201: {  	vm9 =	vlt.s32 v10, $0x96;
	v10 =	vadd.s32 v11, v12  }
0x202: {  	s29 =	simm.s32 $0x0;
	s21 =	rddreg [dreg:$0x1b];
	v10 =	vnsel vm9, $0x9E, v10  }
0x203: {  	s2 =	simm.s32 $0x14850;
	s12 =	simm.s32 $0x1;
	s28 =	sadd.s32 s21, s26;
	[tilespmem:s30+$0x1A050] =	vst v10  }
0x204: {  	[hbm4b:s28+s29] =	stream.linear.scatter [tilespmem:s2], [sflag:$0x1], $0x1C00, $0x200038;
	[tilespmem:$0x1F450] =	vst v63  }
0x205: {  	_ =	swait.ge [sflag:s12], $0x1C00  }
0x206: {  	[sflag:s12] =	ssyncset.done $0x0;
	s22 =	rddreg [dreg:$0x1c]  }
0x207: {  	s3 =	simm.s32 $0x1A050;
	[sflag:s12] =	ssyncadd.s32 $0xFFFFE400;
	s30 =	sadd.s32 s22, s26  }
0x208: {  	[hbm4b:s30+s29] =	stream.linear.scatter [tilespmem:s3], [sflag:$0x1], $0x1C00, $0x200038;
	[tilespmem:$0x1F450] =	vst v63  }
0x209: {  	_ =	swait.ge [sflag:s12], $0x1C00  }
0x20a: {  	s31 =	sld [smem:$0x7D6];
	_ =	sdelay $0x2  }
0x20b: {  	s0 =	sadd.s32 $0x1, s31  }
0x20c: {  	p6 =	sne.s32 s0, $0x7  }
.Ltmp8:
0x20d: {  	_ = 	snop;
	(pc) =	sbr.rel @p6 .LBB2_12-.Ltmp8, $4  }
0x20e: {  	_ = 	snop  }
0x20f: {  	s13 =	sld [smem:$0x7FD]  }
0x210: {  	vm8 =	vmmov vm0;
	s15 =	simm.s32 $0x1C00;
	s14 =	simm.s32 $0x18450;
	[sflag:s12] =	ssyncset.done $0x0  }
0x211: {  	vm1 =	vmmov vm2;
	s20 =	simm.s32 $0x1BC50;
	vm3 =	vmmov vm5;
	vm9 =	vcmask $0xF0C;
	s19 =	rddreg [dreg:$0x17];
	[sflag:s12] =	ssyncadd.s32 $0xFFFFE400  }
.Ltmp9:
0x212: {  	(pc) =	sbr.rel .LBB2_16-.Ltmp9, $4  }
0x213: {  	_ =	strace $0x9000004A  }
0x214: {  	[bflag:$0x0] =	sbarrier.arrive $0xFFFF  }
0x215: {  	s1 =	simm.s32 $0x0;
	_ =	strace $0x8000004B  }
0x216: {  	s17 =	stileid.u32;
	s11 =	simm.s32 $0x2;
	vm4 =	vcmask $0x300;
	vm0 =	vcmask $0xB08;
	vm2 =	vcmask $0x1B18;
	s10 =	rddreg [dreg:$0x6]  }
.LBB2_20:
0x217: {  	s1 =	sadd.s32 $0x1, s1  }
0x218: {  	p6 =	sne.s32 s1, $0x4  }
.Ltmp10:
0x219: {  	_ = 	snop;
	(pc) =	sbr.rel @!p6 .LBB2_21-.Ltmp10, $1  }
0x21a: {  	_ =	sdelay $0x3  }
.LBB2_16:
0x21b: {  	s0 =	sshll.u32 s1, $0x4  }
0x21c: {  	s0 =	sor.u32 s17, s0  }
0x21d: {  	p6 =	sgt.u32 s0, $0x31  }
.Ltmp11:
0x21e: {  	_ = 	snop;
	(pc) =	sbr.rel @p6 .LBB2_20-.Ltmp11, $1  }
0x21f: {  	_ =	sdelay $0x3  }
0x220: {  	[smem:$0x7D3] =	sst s1  }
0x221: {  	s10 =	sshll.u32 s0, $0xA;
	s12 =	rddreg [dreg:$0x5]  }
0x222: {  	[smem:$0x7D4] =	sst s0;
	s2 =	simm.s32 $0x1D850;
	s1 =	sadd.s32 s10, s12  }
0x223: {  	[tilespmem:s2], [sflag:$0x2] =	stream.linear.gather [spmem:s1], $0x400, $0x200038;
	[tilespmem:$0x1F450] =	vst v63  }
0x224: {  	_ =	swait.ge [sflag:s11], $0x400  }
0x225: {  	[sflag:s11] =	ssyncset.done $0x0  }
0x226: {  	[sflag:s11] =	ssyncadd.s32 $0xFFFFFC00  }
0x227: {  	s13 =	rddreg [dreg:$0x2]  }
0x228: {  	s14 =	simm.s32 $0x1DC50;
	s1 =	sadd.s32 s10, s13  }
0x229: {  	[tilespmem:s14], [sflag:$0x2] =	stream.linear.gather [spmem:s1], $0x400, $0x200038;
	[tilespmem:$0x1F450] =	vst v63  }
0x22a: {  	_ =	swait.ge [sflag:s11], $0x400  }
0x22b: {  	[sflag:s11] =	ssyncset.done $0x0  }
0x22c: {  	[sflag:s11] =	ssyncadd.s32 $0xFFFFFC00  }
0x22d: {  	s15 =	rddreg [dreg:$0x1]  }
0x22e: {  	s16 =	simm.s32 $0x1E050;
	s1 =	sadd.s32 s10, s15  }
0x22f: {  	[tilespmem:s16], [sflag:$0x2] =	stream.linear.gather [spmem:s1], $0x400, $0x200038;
	[tilespmem:$0x1F450] =	vst v63  }
0x230: {  	_ =	swait.ge [sflag:s11], $0x400  }
0x231: {  	[sflag:s11] =	ssyncset.done $0x0  }
0x232: {  	[sflag:s11] =	ssyncadd.s32 $0xFFFFFC00  }
0x233: {  	s17 =	rddreg [dreg:$0x3]  }
0x234: {  	s1 =	sadd.s32 s10, s17  }
0x235: {  	s18 =	simm.s32 $0x1E850;
	[smem:$0x7D5] =	sst s1  }
0x236: {  	[tilespmem:s18], [sflag:$0x2] =	stream.linear.gather [spmem:s1], $0x400, $0x200038;
	[tilespmem:$0x1F450] =	vst v63  }
0x237: {  	_ =	swait.ge [sflag:s11], $0x400  }
0x238: {  	[sflag:s11] =	ssyncset.done $0x0  }
0x239: {  	s3 =	simm.s32 $0x0;
	[sflag:s11] =	ssyncadd.s32 $0xFFFFFC00  }
0x23a: {  	v10 =	vld [tilespmem:s3+$0x1E850];
	_ =	sdelay $0x4  }
0x23b: {  	(v2sf) =	vpush v10, $0x0  }
0x23c: {  	(v2sf) =	vpush v10, $0x7;
	_ =	sdelay $0x2  }
0x23d: {  	(v2sf) =	vpush v10, $0x1  }
0x23e: {  	(v2sf) =	vpush v10, $0x2;
	_ =	sdelay $0x1  }
0x23f: {  	(v2sf) =	vpush v10, $0x6;
	_ =	sdelay $0x1  }
0x240: {  	(v2sf) =	vpush v10, $0x3  }
0x241: {  	(v2sf) =	vpush v10, $0x4;
	_ =	sdelay $0x1  }
0x242: {  	(v2sf) =	vpush v10, $0xC;
	_ =	sdelay $0x1  }
0x243: {  	(v2sf) =	vpush v10, $0x8  }
0x244: {  	s19 =	spop (v2sf)  }
0x245: {  	s20 =	spop (v2sf);
	s2 =	smulhi.u32 $0x66666667, s19  }
0x246: {  	(v2sf) =	vpush v10, $0x5;
	s21 =	sshra.s32 s19, $0x1F;
	s1 =	smulhi.u32 $0x66666667, s20  }
0x247: {  	v11 =	vld [tilespmem:s3+$0x1DC50];
	s5 =	sshra.s32 s20, $0x1F;
	s11 =	smul.u32 $0x66666667, s21  }
0x248: {  	v12 =	vld [tilespmem:s3+$0x1E050];
	s4 =	spop (v2sf);
	s5 =	smul.u32 $0x66666667, s5  }
0x249: {  	s6 =	spop (v2sf);
	s10 =	smulhi.u32 $0x66666667, s4  }
0x24a: {  	s28 =	simm.s32 $0x10;
	v13 =	vld [tilespmem:s3+$0x1D850];
	s4 =	sshra.s32 s4, $0x1F;
	s12 =	smulhi.u32 $0x66666667, s6  }
0x24b: {  	(v2sf) =	vpush v10, $0xD;
	s8 =	spop (v2sf);
	s6 =	sshra.s32 s6, $0x1F;
	s4 =	smul.u32 $0x66666667, s4  }
0x24c: {  	(v2sf) =	vpush v10, $0xE;
	s11 =	sadd.s32 s11, s2;
	s9 =	smulhi.u32 $0x66666667, s8;
	s8 =	sshra.s32 s8, $0x1F  }
0x24d: {  	v11 =	vadd.f32 v12, v11;
	(v2sf) =	vpush v10, $0x9;
	s26 =	spop (v2sf);
	s6 =	smul.u32 $0x66666667, s6;
	s30 =	sadd.s32 s5, s1  }
0x24e: {  	s25 =	smul.u32 $0x66666667, s8;
	s14 =	spop (v2sf);
	s13 =	sshra.s32 s26, $0x1F  }
0x24f: {  	v11 =	vmul.f32 v11, v13;
	s8 =	smulhi.u32 $0x66666667, s26;
	s4 =	sadd.s32 s4, s10;
	s15 =	sshra.s32 s14, $0x1F  }
0x250: {  	(v2sf) =	vpush v10, $0xA;
	s29 =	spop (v2sf);
	s19 =	smul.u32 $0x66666667, s13;
	s13 =	simm.s32 $0x80  }
0x251: {  	[tilespmem:s3+$0x1E450] =	vst v11;
	s6 =	sadd.s32 s6, s12;
	s14 =	smulhi.u32 $0x66666667, s14;
	s3 =	sshra.s32 s4, $0x1  }
0x252: {  	s5 =	smul.u32 $0x66666667, s15;
	s15 =	sshra.s32 s30, $0x1F;
	s16 =	spop (v2sf)  }
0x253: {  	(v2sf) =	vpush v10, $0xB;
	s17 =	sadd.s32 s25, s9;
	s23 =	sshra.s32 s29, $0x1F;
	s1 =	smulhi.u32 $0x66666667, s29  }
0x254: {  	(v2sf) =	vpush v10, $0xF;
	s12 =	sshra.s32 s6, $0x1;
	s26 =	sshrl.u32 s6, $0x1F;
	s23 =	smul.u32 $0x66666667, s23  }
0x255: {  	s31 =	sshra.s32 s6, $0x1F;
	s7 =	spop (v2sf);
	v12 =	vmov s15;
	s15 =	smulhi.u32 $0x66666667, s16  }
0x256: {  	s18 =	sshra.s32 s16, $0x1F;
	s10 =	sadd.s32 s19, s8;
	s22 =	smulhi.u32 $0x66666667, s7  }
0x257: {  	s16 =	sshra.s32 s11, $0x1;
	s0 =	smul.u32 $0x66666667, s18;
	s9 =	sshra.s32 s7, $0x1F  }
0x258: {  	vm11 =	vcmask $0x704;
	s7 =	simm.s32 $0x0;
	s2 =	sadd.s32 s5, s14;
	v12 =	vsel vm4, s16, v12;
	s18 =	sshra.s32 s11, $0x1F  }
0x259: {  	s5 =	sshrl.u32 s4, $0x1F;
	s4 =	sshra.s32 s4, $0x1F;
	s1 =	sadd.s32 s23, s1;
	v12 =	vsel vm11, s18, v12  }
0x25a: {  	[dreg:$0x8] =	wrdreg s7;
	s7 =	sshrl.u32 s11, $0x1F;
	v12 =	vsel vm0, s3, v12;
	s20 =	spop (v2sf)  }
0x25b: {  	v11 =	vld [tilespmem:s28+$0x1E850];
	s9 =	smul.u32 $0x66666667, s9;
	s23 =	sshrl.u32 s10, $0x1F;
	v13 =	vmov s7;
	v14 =	vsel vm9, s4, v12;
	s24 =	spop (v2sf)  }
0x25c: {  	vm12 =	vcmask $0x1714;
	s11 =	sshrl.u32 s30, $0x1F;
	s7 =	sshrl.u32 s2, $0x1F;
	v13 =	vnsel vm4, $0x0, v13;
	v14 =	vsel vm1, s12, v14;
	s25 =	spop (v2sf)  }
0x25d: {  	v13 =	vsel vm0, s5, v13;
	v16 =	vsel vm12, s31, v14;
	s31 =	sshrl.u32 s1, $0x1F;
	s21 =	smulhi.u32 $0x66666667, s25;
	s25 =	sshra.s32 s25, $0x1F  }
0x25e: {  	v13 =	vsel vm1, s26, v13;
	s26 =	smov.u32 s1;
	s19 =	sshra.s32 s20, $0x1F;
	s29 =	smul.u32 $0x66666667, s25  }
0x25f: {  	s16 =	spop (v2sf);
	s25 =	sadd.s32 s9, s22;
	s9 =	smul.u32 $0x66666667, s19  }
0x260: {  	vm5 =	vmmov vm3;
	(v2sf) =	vpush v11, $0x0;
	s22 =	sshra.s32 s24, $0x1F;
	s8 =	sshra.s32 s16, $0x1F;
	s16 =	smulhi.u32 $0x66666667, s16  }
0x261: {  	vm13 =	vcmask $0x1F1C;
	(v2sf) =	vpush v11, $0x7;
	v13 =	vsel vm2, s23, v13;
	s23 =	sadd.s32 s0, s15;
	s22 =	smul.u32 $0x66666667, s22;
	s18 =	sshrl.u32 s25, $0x1F  }
0x262: {  	vm14 =	vcmask $0x2724;
	vm15 =	vcmask $0x2F2C;
	(v2sf) =	vpush v11, $0x1;
	s14 =	sadd.s32 s29, s21;
	s21 =	smulhi.u32 $0x66666667, s24;
	s24 =	spop (v2sf)  }
0x263: {  	vm10 =	vcmask $0x3B38;
	v12 =	vld [tilespmem:s28+$0x1DC50];
	v13 =	vsel vm3, s7, v13;
	(v2sf) =	vpush v11, $0x2;
	s29 =	sshra.s32 s10, $0x1;
	s3 =	sshra.s32 s24, $0x1F;
	s5 =	spop (v2sf)  }
0x264: {  	v14 =	vld [tilespmem:s28+$0x1D850];
	vm3 =	vcmask $0x3734;
	v15 =	vsel vm6, s18, v13;
	(v2sf) =	vpush v11, $0x6;
	s15 =	smulhi.u32 $0x66666667, s24;
	s4 =	sadd.s32 s22, s21;
	s21 =	sshrl.u32 s17, $0x1F  }
0x265: {  	v13 =	vld [tilespmem:s28+$0x1E050];
	s6 =	sshra.s32 s14, $0x1;
	v16 =	vsel vm2, s29, v16;
	s22 =	sshrl.u32 s14, $0x1F;
	(v2sf) =	vpush v11, $0x3;
	s24 =	smul.u32 $0x66666667, s3;
	v15 =	vsel vm7, s21, v15  }
.LBB2_18:
0x266: {  	s14 =	smulhi.u32 $0x66666667, s5;
	s19 =	sshra.s32 s5, $0x1F;
	s12 =	sshrl.u32 s23, $0x1F  }
0x267: {  	s5 =	smov.u32 s13;
	s3 =	rddreg [dreg:$0x8];
	s7 =	smov.u32 s28  }
0x268: {  	s20 =	smulhi.u32 $0x66666667, s20;
	s18 =	sshra.s32 s23, $0x1;
	s21 =	sshrl.u32 s4, $0x1F  }
0x269: {  	s1 =	sshra.s32 s26, $0x1;
	s8 =	smul.u32 $0x66666667, s8;
	s4 =	sshra.s32 s4, $0x1  }
0x26a: {  	p6 =	sne.s32 s13, $0xFC0;
	s0 =	smov.u32 s3;
	s19 =	smul.u32 $0x66666667, s19  }
0x26b: {  	(v2sf) =	vpush v11, $0x4;
	[dreg:$0x8] =	wrdreg s7;
	s23 =	sadd.s32 s24, s15;
	s24 =	sshra.s32 s2, $0x1F;
	v12 =	vadd.f32 v13, v12  }
0x26c: {  	s3 =	sshra.s32 s25, $0x1;
	s28 =	sshra.s32 s5, $0x2;
	s9 =	sadd.s32 s9, s20  }
0x26d: {  	(v2sf) =	vpush v11, $0xC;
	s8 =	sadd.s32 s8, s16;
	s29 =	sshrl.u32 s23, $0x1F;
	s16 =	sshra.s32 s17, $0x1F;
	v12 =	vmul.f32 v12, v14  }
0x26e: {  	v17 =	vmov s31;
	(v2sf) =	vpush v11, $0x8;
	s20 =	sshrl.u32 s9, $0x1F;
	s14 =	sadd.s32 s19, s14;
	s19 =	sshra.s32 s10, $0x1F  }
0x26f: {  	s15 =	sshra.s32 s8, $0x1;
	s26 =	sshrl.u32 s8, $0x1F;
	v13 =	vmov s12;
	s12 =	sshra.s32 s30, $0x1;
	v16 =	vsel vm13, s19, v16;
	[tilespmem:s7+$0x1E450] =	vst v12;
	v12 =	vsel vm0, s20, v17  }
0x270: {  	v13 =	vsel vm0, s22, v13;
	s22 =	sshra.s32 s2, $0x1;
	v14 =	vmov s18;
	s20 =	sshrl.u32 s14, $0x1F;
	v12 =	vsel vm1, s21, v12;
	s18 =	spop (v2sf)  }
0x271: {  	v16 =	vsel vm5, s22, v16;
	s7 =	sshra.s32 s9, $0x1;
	v12 =	vsel vm2, s20, v12;
	s2 =	smulhi.u32 $0x66666667, s18;
	s20 =	spop (v2sf)  }
0x272: {  	(v2sf) =	vpush v11, $0x5;
	v16 =	vsel vm14, s24, v16;
	s9 =	sshra.s32 s25, $0x1F;
	s22 =	sshra.s32 s20, $0x1F;
	s25 =	smulhi.u32 $0x66666667, s20  }
0x273: {  	v18 =	vmov s1;
	(v2sf) =	vpush v11, $0xD;
	v16 =	vsel vm6, s3, v16;
	s21 =	sshra.s32 s23, $0x1;
	s23 =	spop (v2sf);
	s1 =	smul.u32 $0x66666667, s22  }
0x274: {  	s19 =	sshra.s32 s17, $0x1;
	v13 =	vsel vm1, s26, v13;
	v17 =	vsel vm0, s7, v18;
	v16 =	vsel vm15, s9, v16;
	s26 =	spop (v2sf);
	s10 =	smulhi.u32 $0x66666667, s23  }
0x275: {  	(v2sf) =	vpush v11, $0xE;
	s14 =	sshra.s32 s14, $0x1;
	v17 =	vsel vm1, s4, v17;
	v16 =	vsel vm7, s19, v16;
	s24 =	sshra.s32 s23, $0x1F;
	s19 =	smulhi.u32 $0x66666667, s26  }
0x276: {  	s17 =	sshra.s32 s18, $0x1F;
	v17 =	vsel vm2, s14, v17;
	s3 =	spop (v2sf);
	s14 =	smul.u32 $0x66666667, s24  }
0x277: {  	v13 =	vsel vm2, s29, v13;
	v16 =	vsel vm3, s16, v16;
	s29 =	sshra.s32 s26, $0x1F;
	s24 =	sadd.s32 $0x40, s13;
	s7 =	smulhi.u32 $0x66666667, s3  }
0x278: {  	v14 =	vsel vm0, s6, v14;
	v16 =	vsel vm10, s12, v16;
	s12 =	sshra.s32 s3, $0x1F;
	s20 =	spop (v2sf);
	s1 =	sadd.s32 s1, s25  }
0x279: {  	v14 =	vsel vm1, s15, v14;
	[dreg:$0xb] =	wrdreg s24;
	s4 =	smul.u32 $0x66666667, s29;
	s22 =	sshra.s32 s20, $0x1F  }
0x27a: {  	v15 =	vsel vm10, s11, v15;
	(v2sf) =	vpush v11, $0x9;
	v14 =	vsel vm2, s21, v14;
	s6 =	spop (v2sf);
	s11 =	smul.u32 $0x66666667, s12;
	s8 =	sshra.s32 s1, $0x1F  }
0x27b: {  	v12 =	vcombine.low v13, v12;
	v14 =	vcombine.low v14, v17;
	s26 =	sadd.s32 s14, s10;
	s29 =	sadd.s32 s4, s19;
	s19 =	smulhi.u32 $0x66666667, s20  }
0x27c: {  	v13 =	vperm.xlane v15, v8;
	v16 =	vperm.xlane v16, v8;
	s18 =	sshra.s32 s6, $0x1F;
	s16 =	spop (v2sf);
	s6 =	smulhi.u32 $0x66666667, s6  }
0x27d: {  	v12 =	vperm.xlane v12, v6;
	v14 =	vperm.xlane v14, v6;
	(v2sf) =	vpush v11, $0xA;
	s24 =	sshrl.u32 s26, $0x1F;
	s21 =	sadd.s32 s11, s7;
	s9 =	smul.u32 $0x66666667, s18  }
0x27e: {  	s12 =	spop (v2sf);
	(v2sf) =	vpush v11, $0xB;
	s3 =	sshra.s32 s16, $0x1F;
	s18 =	smul.u32 $0x66666667, s22  }
0x27f: {  	v12 =	vsel vm8, v13, v12;
	v14 =	vsel vm8, v16, v14;
	s4 =	sshra.s32 s29, $0x1;
	s11 =	sshrl.u32 s29, $0x1F;
	s16 =	smulhi.u32 $0x66666667, s16  }
0x280: {  	v12 =	vadd.s32 v12, v14;
	s29 =	sshra.s32 s29, $0x1F;
	[dreg:$0xc] =	wrdreg s21;
	s21 =	smul.u32 $0x66666667, s17  }
0x281: {  	s25 =	sshra.s32 s12, $0x1F;
	s7 =	spop (v2sf);
	v13 =	vmul.u32 $0x7FFFFFB, v12;
	s12 =	smulhi.u32 $0x66666667, s12  }
0x282: {  	s17 =	sshra.s32 s26, $0x1;
	s20 =	spop (v2sf);
	s15 =	smulhi.u32 $0x66666667, s7;
	(v2sf) =	vpush v11, $0xF  }
0x283: {  	s22 =	sshra.s32 s7, $0x1F;
	s10 =	sadd.s32 s18, s19;
	s23 =	smul.u32 $0x66666667, s25;
	v13 =	vadd.s32 v10, v13  }
0x284: {  	s25 =	smul.u32 $0x66666667, s3;
	s31 =	spop (v2sf);
	s18 =	sshra.s32 s20, $0x1F;
	v13 =	vshll.u32 v13, $0x5  }
0x285: {  	vm9 =	vlt.s32 v10, $0x96;
	v10 =	vmov v11;
	s14 =	sshrl.u32 s10, $0x1F;
	s13 =	sadd.s32 s21, s2;
	s3 =	sshra.s32 s31, $0x1F;
	v11 =	vadd.s32 v12, v13  }
0x286: {  	s19 =	sshra.s32 s10, $0x1;
	s2 =	sshra.s32 s13, $0x1;
	v13 =	vmov s8;
	s3 =	smul.u32 $0x66666667, s3;
	v11 =	vnsel vm9, $0x9E, v11  }
0x287: {  	s21 =	sshrl.u32 s13, $0x1F;
	v13 =	vsel vm4, s2, v13;
	s2 =	sadd.s32 s9, s6;
	s9 =	smul.u32 $0x66666667, s18;
	[tilespmem:s0+$0x1EC50] =	vst v11  }
0x288: {  	s23 =	sadd.s32 s23, s12;
	s6 =	sshra.s32 s13, $0x1F;
	s18 =	smulhi.u32 $0x66666667, s31;
	v11 =	vld [tilespmem:s28+$0x1E850]  }
0x289: {  	v14 =	vmov s21;
	s30 =	spop (v2sf);
	s0 =	sadd.s32 s25, s16;
	s16 =	smul.u32 $0x66666667, s22  }
0x28a: {  	v14 =	vnsel vm4, $0x0, v14;
	s22 =	sshra.s32 s26, $0x1F;
	s13 =	sshrl.u32 s2, $0x1F;
	v15 =	vsel vm11, s6, v13;
	s7 =	sshra.s32 s30, $0x1F  }
0x28b: {  	v14 =	vsel vm0, s24, v14;
	s5 =	smulhi.u32 $0x66666667, s30;
	v15 =	vsel vm0, s17, v15;
	s17 =	rddreg [dreg:$0xc];
	s31 =	sshrl.u32 s0, $0x1F  }
0x28c: {  	v14 =	vsel vm1, s11, v14;
	s11 =	sshrl.u32 s1, $0x1F;
	s7 =	smul.u32 $0x66666667, s7;
	s26 =	spop (v2sf)  }
0x28d: {  	vm9 =	vcmask $0xF0C;
	s25 =	sadd.s32 s16, s15;
	v14 =	vsel vm2, s14, v14;
	s14 =	sshrl.u32 s17, $0x1F;
	s30 =	spop (v2sf);
	(v2sf) =	vpush v11, $0x0  }
.Ltmp12:
0x28e: {  	v15 =	vsel vm9, s22, v15;
	s24 =	sshrl.u32 s25, $0x1F;
	s5 =	sadd.s32 s7, s5;
	(v2sf) =	vpush v11, $0x7;
	(pc) =	sbr.rel @p6 .LBB2_18-.Ltmp12, $4  }
0x28f: {  	v16 =	vsel vm5, s13, v14;
	v15 =	vsel vm1, s4, v15;
	s4 =	sadd.s32 s3, s18;
	s13 =	rddreg [dreg:$0xb];
	s6 =	sshra.s32 s5, $0x1;
	(v2sf) =	vpush v11, $0x1  }
0x290: {  	v12 =	vld [tilespmem:s28+$0x1DC50];
	s22 =	sshrl.u32 s5, $0x1F;
	s8 =	sshra.s32 s26, $0x1F;
	s16 =	smulhi.u32 $0x66666667, s26;
	(v2sf) =	vpush v11, $0x2  }
0x291: {  	v13 =	vld [tilespmem:s28+$0x1E050];
	v16 =	vsel vm6, s24, v16;
	v17 =	vsel vm12, s29, v15;
	s21 =	sshra.s32 s30, $0x1F;
	s15 =	smulhi.u32 $0x66666667, s30;
	s5 =	spop (v2sf);
	(v2sf) =	vpush v11, $0x6  }
0x292: {  	v14 =	vld [tilespmem:s28+$0x1D850];
	v15 =	vsel vm7, s14, v16;
	v16 =	vsel vm2, s19, v17;
	s26 =	smov.u32 s0;
	s30 =	smov.u32 s1;
	s24 =	smul.u32 $0x66666667, s21;
	(v2sf) =	vpush v11, $0x3  }
0x293: {  	_ =	sdelay $0x4  }
0x294: {  	(v2sf) =	vpush v11, $0x4;
	s0 =	smulhi.u32 $0x66666667, s5;
	[smem:$0x7CE] =	sst s30  }
0x295: {  	s3 =	sshra.s32 s5, $0x1F;
	s17 =	smulhi.u32 $0x66666667, s20;
	[smem:$0x7D2] =	sst s28  }
0x296: {  	(v2sf) =	vpush v11, $0xC;
	s18 =	smul.u32 $0x66666667, s3;
	[smem:$0x7C0] =	sst s0  }
0x297: {  	s19 =	smul.u32 $0x66666667, s8;
	[smem:$0x7BF] =	sst s17  }
0x298: {  	[smem:$0x7C1] =	sst s18;
	s7 =	spop (v2sf)  }
0x299: {  	s28 =	smov.u32 s26;
	(v2sf) =	vpush v11, $0x8;
	s12 =	spop (v2sf);
	s26 =	smulhi.u32 $0x66666667, s7  }
0x29a: {  	s13 =	spop (v2sf);
	s14 =	sshra.s32 s12, $0x1F;
	s8 =	smulhi.u32 $0x66666667, s12  }
0x29b: {  	s17 =	spop (v2sf);
	s20 =	smul.u32 $0x66666667, s14  }
0x29c: {  	s18 =	spop (v2sf);
	s1 =	smulhi.u32 $0x66666667, s17  }
0x29d: {  	[smem:$0x7C2] =	sst s19;
	(v2sf) =	vpush v11, $0x5;
	s17 =	sshra.s32 s17, $0x1F;
	s21 =	smulhi.u32 $0x66666667, s18  }
0x29e: {  	[smem:$0x7C3] =	sst s20;
	s18 =	sshra.s32 s18, $0x1F;
	s5 =	smul.u32 $0x66666667, s17  }
0x29f: {  	s29 =	smul.u32 $0x66666667, s18;
	[smem:$0x7C7] =	sst s1  }
0x2a0: {  	(v2sf) =	vpush v11, $0xD;
	s18 =	smulhi.u32 $0x66666667, s13;
	[smem:$0x7C4] =	sst s21  }
0x2a1: {  	(v2sf) =	vpush v11, $0xE;
	s13 =	sshra.s32 s13, $0x1F;
	s21 =	spop (v2sf);
	[smem:$0x7C8] =	sst s5  }
0x2a2: {  	s3 =	smul.u32 $0x66666667, s13;
	[smem:$0x7C5] =	sst s29  }
0x2a3: {  	(v2sf) =	vpush v11, $0x9;
	s29 =	spop (v2sf);
	s14 =	sshra.s32 s21, $0x1F;
	s19 =	smulhi.u32 $0x66666667, s21  }
0x2a4: {  	[smem:$0x7C6] =	sst s3;
	s0 =	smul.u32 $0x66666667, s14  }
0x2a5: {  	s12 =	sshra.s32 s29, $0x1F;
	s17 =	spop (v2sf);
	s14 =	sld [smem:$0x7C0]  }
0x2a6: {  	s13 =	smul.u32 $0x66666667, s12;
	[smem:$0x7CA] =	sst s19  }
0x2a7: {  	s1 =	smulhi.u32 $0x66666667, s17;
	[smem:$0x7C9] =	sst s0  }
0x2a8: {  	s20 =	spop (v2sf);
	[smem:$0x7CC] =	sst s13  }
0x2a9: {  	s7 =	sshra.s32 s7, $0x1F;
	s30 =	sshra.s32 s20, $0x1F;
	[smem:$0x7CB] =	sst s1  }
0x2aa: {  	s0 =	sshra.s32 s17, $0x1F;
	s17 =	smul.u32 $0x66666667, s7;
	s1 =	sld [smem:$0x7C1]  }
0x2ab: {  	s5 =	smul.u32 $0x66666667, s30;
	s13 =	sld [smem:$0x7BF]  }
0x2ac: {  	s30 =	smul.u32 $0x66666667, s0;
	s12 =	spop (v2sf)  }
0x2ad: {  	s14 =	sadd.s32 s1, s14;
	s1 =	sld [smem:$0x7C3];
	s21 =	smulhi.u32 $0x66666667, s12  }
0x2ae: {  	s0 =	sshra.s32 s12, $0x1F;
	s12 =	sadd.s32 s9, s13;
	s9 =	sld [smem:$0x7C2]  }
0x2af: {  	[smem:$0x7CD] =	sst s5;
	s7 =	spop (v2sf)  }
0x2b0: {  	s5 =	spop (v2sf);
	s3 =	sadd.s32 s1, s8;
	s1 =	sld [smem:$0x7C5]  }
0x2b1: {  	s16 =	sadd.s32 s9, s16;
	s9 =	smulhi.u32 $0x66666667, s29;
	s29 =	sld [smem:$0x7C4]  }
0x2b2: {  	s19 =	smul.u32 $0x66666667, s0;
	s0 =	spop (v2sf)  }
0x2b3: {  	s15 =	sadd.s32 s24, s15;
	s13 =	smulhi.u32 $0x66666667, s0;
	[smem:$0x7CF] =	sst s3  }
0x2b4: {  	s0 =	sshra.s32 s0, $0x1F;
	s3 =	sadd.s32 s1, s29;
	s29 =	sld [smem:$0x7C6]  }
0x2b5: {  	s24 =	smul.u32 $0x66666667, s0;
	s0 =	sshra.s32 s7, $0x1F;
	s1 =	sld [smem:$0x7C8]  }
0x2b6: {  	s8 =	smul.u32 $0x66666667, s0;
	[smem:$0x7D0] =	sst s3  }
0x2b7: {  	s0 =	sshra.s32 s5, $0x1F;
	s3 =	smulhi.u32 $0x66666667, s5;
	s5 =	sld [smem:$0x7C7]  }
0x2b8: {  	_ = 	snop  }
0x2b9: {  	s18 =	sadd.s32 s29, s18;
	s29 =	sld [smem:$0x7C9]  }
0x2ba: {  	s5 =	sadd.s32 s1, s5;
	s1 =	sld [smem:$0x7CA]  }
0x2bb: {  	s10 =	sshra.s32 s10, $0x1F;
	v18 =	vmov s31;
	s31 =	rddreg [dreg:$0xc]  }
0x2bc: {  	s20 =	smulhi.u32 $0x66666667, s20;
	(v2sf) =	vpush v11, $0xA;
	s24 =	sadd.s32 s24, s13;
	s13 =	sld [smem:$0x7CD]  }
0x2bd: {  	(v2sf) =	vpush v11, $0xB;
	s0 =	smul.u32 $0x66666667, s0;
	s29 =	sadd.s32 s29, s1;
	s1 =	sld [smem:$0x7CB]  }
0x2be: {  	v16 =	vsel vm13, s10, v16;
	s26 =	sadd.s32 s17, s26;
	s10 =	sshra.s32 s14, $0x1;
	(v2sf) =	vpush v11, $0xF;
	s19 =	sadd.s32 s19, s21  }
0x2bf: {  	s21 =	sadd.s32 s0, s3;
	s20 =	sadd.s32 s13, s20;
	s3 =	sshrl.u32 s23, $0x1F  }
0x2c0: {  	s13 =	sshra.s32 s2, $0x1;
	s30 =	sadd.s32 s30, s1;
	s1 =	sld [smem:$0x7CC]  }
0x2c1: {  	s7 =	smulhi.u32 $0x66666667, s7;
	s2 =	sshra.s32 s2, $0x1F;
	v17 =	vmov s3;
	s3 =	sshra.s32 s12, $0x1;
	v16 =	vsel vm5, s13, v16  }
0x2c2: {  	s13 =	sshra.s32 s15, $0x1;
	v17 =	vsel vm0, s22, v17;
	v16 =	vsel vm14, s2, v16;
	s2 =	sshra.s32 s5, $0x1;
	s22 =	sld [smem:$0x7CF]  }
0x2c3: {  	s17 =	sadd.s32 s1, s9;
	s9 =	sadd.s32 s8, s7;
	s7 =	sshra.s32 s23, $0x1  }
0x2c4: {  	s23 =	sld [smem:$0x7CE];
	s1 =	sshra.s32 s28, $0x1;
	s8 =	sshrl.u32 s4, $0x1F  }
0x2c5: {  	s4 =	sshra.s32 s4, $0x1;
	s28 =	sshrl.u32 s14, $0x1F;
	s14 =	sshra.s32 s31, $0x1F  }
0x2c6: {  	v15 =	vsel vm10, s11, v15;
	v19 =	vmov s7;
	v20 =	vmov s1;
	s1 =	sshrl.u32 s15, $0x1F;
	s15 =	sshrl.u32 s26, $0x1F;
	s11 =	sshra.s32 s17, $0x1F  }
0x2c7: {  	v19 =	vsel vm0, s6, v19;
	s6 =	sshrl.u32 s5, $0x1F;
	v20 =	vsel vm0, s3, v20;
	s3 =	sshra.s32 s5, $0x1F;
	s0 =	sshra.s32 s23, $0x1  }
0x2c8: {  	s23 =	sshra.s32 s16, $0x1;
	s16 =	sshrl.u32 s16, $0x1F;
	[smem:$0x7D1] =	sst s0  }
0x2c9: {  	v15 =	vperm.xlane v15, v8;
	v20 =	vsel vm1, s4, v20;
	s0 =	sshrl.u32 s12, $0x1F;
	s12 =	sshra.s32 s25, $0x1;
	s25 =	sshra.s32 s25, $0x1F  }
0x2ca: {  	v20 =	vsel vm2, s10, v20;
	v19 =	vsel vm1, s23, v19;
	s23 =	sshrl.u32 s29, $0x1F;
	s10 =	sshrl.u32 s9, $0x1F;
	v18 =	vsel vm0, s0, v18;
	s0 =	sshra.s32 s31, $0x1  }
0x2cb: {  	v16 =	vsel vm6, s12, v16;
	s31 =	sshra.s32 s26, $0x1;
	v19 =	vsel vm2, s13, v19;
	s13 =	sld [smem:$0x7D0];
	v18 =	vsel vm1, s8, v18;
	s8 =	spop (v2sf)  }
0x2cc: {  	v22 =	vmov s15;
	v16 =	vsel vm15, s25, v16;
	s25 =	sshra.s32 s26, $0x1F;
	v18 =	vsel vm2, s28, v18;
	s28 =	sshra.s32 s22, $0x1F;
	s7 =	spop (v2sf)  }
0x2cd: {  	v22 =	vnsel vm4, $0x0, v22;
	v17 =	vsel vm1, s16, v17;
	v16 =	vsel vm7, s0, v16;
	s15 =	smulhi.u32 $0x66666667, s8;
	s0 =	sshrl.u32 s24, $0x1F;
	s16 =	spop (v2sf)  }
0x2ce: {  	v17 =	vsel vm2, s1, v17;
	v19 =	vcombine.low v19, v20;
	v21 =	vmov s28;
	s28 =	sshrl.u32 s18, $0x1F;
	s12 =	sshra.s32 s7, $0x1F;
	s5 =	smulhi.u32 $0x66666667, s16  }
0x2cf: {  	v16 =	vsel vm3, s14, v16;
	s26 =	sshra.s32 s16, $0x1F;
	v21 =	vsel vm4, s31, v21;
	s31 =	sshra.s32 s18, $0x1;
	v22 =	vsel vm0, s28, v22;
	s16 =	sshra.s32 s18, $0x1F  }
0x2d0: {  	v17 =	vcombine.low v17, v18;
	s18 =	sshra.s32 s8, $0x1F;
	s28 =	sshrl.u32 s19, $0x1F;
	v21 =	vsel vm11, s25, v21;
	s8 =	smul.u32 $0x66666667, s26;
	v22 =	vsel vm1, s6, v22  }
0x2d1: {  	v19 =	vperm.xlane v19, v6;
	s25 =	sshra.s32 s29, $0x1;
	s26 =	sshrl.u32 s17, $0x1F;
	v21 =	vsel vm0, s31, v21;
	v22 =	vsel vm2, s23, v22;
	s31 =	smul.u32 $0x66666667, s18  }
0x2d2: {  	v17 =	vperm.xlane v17, v6;
	s18 =	sld [smem:$0x7D1];
	s23 =	sshrl.u32 s30, $0x1F;
	v21 =	vsel vm9, s16, v21;
	v22 =	vsel vm5, s26, v22;
	s1 =	sadd.s32 s8, s5  }
0x2d3: {  	s26 =	sshra.s32 s29, $0x1F;
	v24 =	vmov s23;
	s29 =	sshra.s32 s20, $0x1;
	s8 =	sshra.s32 s30, $0x1;
	v21 =	vsel vm1, s2, v21;
	v22 =	vsel vm6, s28, v22  }
0x2d4: {  	s6 =	sshra.s32 s24, $0x1;
	s24 =	smulhi.u32 $0x66666667, s7;
	s16 =	sshrl.u32 s13, $0x1F;
	v25 =	vmov s29;
	v26 =	vmov s8;
	v24 =	vsel vm0, s10, v24  }
0x2d5: {  	s14 =	sshrl.u32 s21, $0x1F;
	s2 =	sadd.s32 s31, s15;
	s28 =	smul.u32 $0x66666667, s12;
	v16 =	vsel vm10, s18, v16;
	v21 =	vsel vm12, s3, v21;
	v22 =	vsel vm7, s16, v22  }
0x2d6: {  	s31 =	sshra.s32 s17, $0x1;
	s17 =	sshra.s32 s9, $0x1;
	v25 =	vsel vm0, s6, v25;
	v24 =	vsel vm1, s14, v24;
	s16 =	sshrl.u32 s1, $0x1F;
	v21 =	vsel vm2, s25, v21  }
0x2d7: {  	s15 =	sshra.s32 s19, $0x1;
	s18 =	sshra.s32 s19, $0x1F;
	s19 =	sshra.s32 s21, $0x1;
	v26 =	vsel vm0, s17, v26;
	v24 =	vsel vm2, s16, v24;
	v21 =	vsel vm13, s26, v21  }
0x2d8: {  	s1 =	sshra.s32 s1, $0x1;
	s25 =	sshrl.u32 s20, $0x1F;
	v26 =	vsel vm1, s19, v26;
	v16 =	vperm.xlane v16, v8;
	v21 =	vsel vm5, s31, v21  }
0x2d9: {  	s12 =	sadd.s32 s28, s24;
	s20 =	sshrl.u32 s2, $0x1F;
	s2 =	sshra.s32 s2, $0x1;
	v23 =	vmov s25;
	v26 =	vsel vm2, s1, v26;
	v21 =	vsel vm14, s11, v21  }
0x2da: {  	v25 =	vsel vm1, s2, v25;
	v23 =	vsel vm0, s0, v23;
	s0 =	sshra.s32 s12, $0x1;
	v21 =	vsel vm6, s15, v21  }
0x2db: {  	s21 =	sshra.s32 s13, $0x1;
	s23 =	sshrl.u32 s12, $0x1F;
	v23 =	vsel vm1, s20, v23;
	v25 =	vsel vm2, s0, v25;
	v21 =	vsel vm15, s18, v21  }
0x2dc: {  	s24 =	sshra.s32 s13, $0x1F;
	s26 =	sshrl.u32 s22, $0x1F;
	v23 =	vsel vm2, s23, v23;
	v56 =	vcombine.low v25, v26;
	v21 =	vsel vm7, s21, v21  }
0x2dd: {  	s25 =	sshra.s32 s22, $0x1;
	v22 =	vsel vm10, s26, v22;
	v57 =	vcombine.low v23, v24;
	v21 =	vsel vm3, s24, v21  }
0x2de: {  	v22 =	vperm.xlane v22, v8;
	v18 =	vperm.xlane v56, v6;
	v21 =	vsel vm10, s25, v21  }
0x2df: {  	v20 =	vperm.xlane v57, v6;
	v21 =	vperm.xlane v21, v8  }
0x2e0: {  	v15 =	vsel vm8, v15, v17;
	v16 =	vsel vm8, v16, v19  }
0x2e1: {  	v15 =	vadd.s32 v15, v16;
	v59 =	vsel vm8, v22, v20;
	v58 =	vsel vm8, v21, v18  }
0x2e2: {  	v60 =	vmul.u32 $0x7FFFFFB, v15;
	v16 =	vadd.s32 v59, v58  }
0x2e3: {  	v12 =	vadd.f32 v13, v12;
	v61 =	vmul.u32 $0x7FFFFFB, v16  }
0x2e4: {  	s28 =	sld [smem:$0x7D2];
	v62 =	vadd.s32 v10, v60  }
0x2e5: {  	v12 =	vmul.f32 v12, v14;
	v63 =	vshll.u32 v62, $0x5;
	v13 =	vadd.s32 v11, v61  }
0x2e6: {  	vm9 =	vlt.s32 v10, $0x96;
	s29 =	rddreg [dreg:$0x8];
	v10 =	vadd.s32 v15, v63;
	v13 =	vshll.u32 v13, $0x5  }
0x2e7: {  	s31 =	sld [smem:$0x7D5];
	[tilespmem:s28+$0x1E450] =	vst v12;
	v10 =	vnsel vm9, $0x9E, v10;
	vm9 =	vlt.s32 v11, $0x96;
	v11 =	vadd.s32 v16, v13  }
0x2e8: {  	[tilespmem:s29+$0x1EC50] =	vst v10;
	v10 =	vnsel vm9, $0x9E, v11  }
0x2e9: {  	s30 =	simm.s32 $0x1EC50;
	s11 =	simm.s32 $0x2;
	[tilespmem:s28+$0x1EC50] =	vst v10  }
0x2ea: {  	[spmem:s31] =	stream.linear.scatter [tilespmem:s30], [sflag:$0x2], $0x400, $0x200038;
	[tilespmem:$0x1F450] =	vst v63  }
0x2eb: {  	_ =	swait.ge [sflag:s11], $0x400  }
0x2ec: {  	s0 =	sld [smem:$0x7D4];
	_ =	sdelay $0x1  }
0x2ed: {  	s2 =	simm.s32 @!p0 $0x1E450  }
0x2ee: {  	[sflag:s11] =	ssyncset.done $0x0;
	s1 =	rddreg [dreg:$0x19];
	s0 =	sshll.u32 @!p0 s0, $0x7  }
0x2ef: {  	[sflag:s11] =	ssyncadd.s32 $0xFFFFFC00;
	s0 =	sadd.s32 @!p0 s1, s0;
	s1 =	simm.s32 @!p0 $0x0  }
0x2f0: {  	[hbm4b:s0+s1] =	stream.linear.scatter @!p0 [tilespmem:s2], [sflag:$0x2], $0x400, $0x200038;
	[tilespmem:$0x1F450] =	vst v63  }
0x2f1: {  	s0 =	simm.s32 @!p0 $0x2  }
0x2f2: {  	_ =	swait.ge @!p0 [sflag:s0], $0x400  }
0x2f3: {  	[sflag:s0] =	ssyncset.done @!p0 $0x0  }
0x2f4: {  	s1 =	simm.s32 @!p0 $0x1EC50;
	[sflag:s0] =	ssyncadd.s32 @!p0 $0xFFFFFC00  }
0x2f5: {  	s2 =	simm.s32 @!p0 $0x16450;
	s0 =	simm.s32 @!p0 $0x400;
	s3 =	rddreg [dreg:$0x4]  }
0x2f6: {  	[spmem:s3] =	stream.indirect.scatter.add.f32 @!p0 [tilespmem:s2], [sflag:$0x1], $0x1, s1, s0, $0x2000b8;
	[tilespmem:$0x1F450] =	vst v63  }
0x2f7: {  	s0 =	simm.s32 @!p0 $0x1  }
0x2f8: {  	_ =	swait.ge @!p0 [sflag:s0], $0x400  }
0x2f9: {  	s19 =	rddreg [dreg:$0x17]  }
.Ltmp13:
0x2fa: {  	s21 =	rddreg [dreg:$0x1b];
	(pc) =	sbr.rel .LBB2_20-.Ltmp13, $4  }
0x2fb: {  	s17 =	stileid.u32;
	s22 =	rddreg [dreg:$0x1c]  }
0x2fc: {  	s14 =	simm.s32 $0x18450;
	[sflag:s0] =	ssyncset.done @!p0 $0x0;
	s1 =	sld [smem:$0x7D3]  }
0x2fd: {  	s12 =	simm.s32 $0x1;
	s13 =	sld [smem:$0x7FD];
	[sflag:s0] =	ssyncadd.s32 @!p0 $0xFFFFFC00  }
0x2fe: {  	s20 =	simm.s32 $0x1BC50;
	s15 =	simm.s32 $0x1C00;
	vm3 =	vmmov vm5;
	vm9 =	vcmask $0xF0C;
	s10 =	rddreg [dreg:$0x6]  }
.LBB2_21:
0x2ff: {  	_ =	strace $0x9000004B  }
0x300: {  	[bflag:$0x0] =	sbarrier.arrive $0xFFFF  }
0x301: {  	s0 =	sshll.u32 @!p1 s17, $0x6;
	s1 =	rddreg [dreg:$0x4]  }
0x302: {  	s0 =	sor.u32 @!p1 $0x1C01, s0;
	s2 =	rddreg [dreg:$0x1a];
	s1 =	sshrl.u32 @!p1 s1, $0x3  }
0x303: {  	[hbm:s2], [sflag:s0] =	dma.local @!p1 [spmem:s1], $0x20  }
0x304: {  	s0 =	simm.s32 @!p1 $0x1  }
0x305: {  	_ =	swait.ge @!p1 [sflag:s0], $0x20  }
0x306: {  	[sflag:s0] =	ssyncset.done @!p1 $0x0  }
0x307: {  	[sflag:s0] =	ssyncadd.s32 @!p1 $0xFFFFFFE0  }
0x308: {  	_ =	strace $0x8000004C  }
0x309: {  	s18 =	sld [smem:$0x7FB];
	_ =	sdelay $0x1  }
0x30a: {  	s23 =	simm.s32 $0x12C50  }
0x30b: {  	[spmem:s18] =	stream.linear.scatter [tilespmem:s23], [sflag:$0x1], $0x1C00, $0x200038;
	[tilespmem:$0x1F450] =	vst v63  }
0x30c: {  	_ =	swait.ge [sflag:s12], $0x1C00  }
0x30d: {  	s24 =	sld [smem:$0x7EC]  }
0x30e: {  	[sflag:s12] =	ssyncset.done $0x0  }
0x30f: {  	[sflag:s12] =	ssyncadd.s32 $0xFFFFE400  }
0x310: {  	[spmem:s24] =	stream.linear.scatter [tilespmem:s23], [sflag:$0x1], $0x1C00, $0x200038;
	[tilespmem:$0x1F450] =	vst v63  }
0x311: {  	_ =	swait.ge [sflag:s12], $0x1C00  }
0x312: {  	s25 =	sld [smem:$0x7ED]  }
0x313: {  	[sflag:s12] =	ssyncset.done $0x0  }
0x314: {  	[sflag:s12] =	ssyncadd.s32 $0xFFFFE400  }
0x315: {  	[spmem:s25] =	stream.linear.scatter [tilespmem:s23], [sflag:$0x1], $0x1C00, $0x200038;
	[tilespmem:$0x1F450] =	vst v63  }
0x316: {  	_ =	swait.ge [sflag:s12], $0x1C00  }
0x317: {  	s26 =	sld [smem:$0x7EE]  }
0x318: {  	[sflag:s12] =	ssyncset.done $0x0  }
0x319: {  	[sflag:s12] =	ssyncadd.s32 $0xFFFFE400  }
0x31a: {  	[spmem:s26] =	stream.linear.scatter [tilespmem:s23], [sflag:$0x1], $0x1C00, $0x200038;
	[tilespmem:$0x1F450] =	vst v63  }
0x31b: {  	_ =	swait.ge [sflag:s12], $0x1C00  }
0x31c: {  	s28 =	sld [smem:$0x7F8]  }
0x31d: {  	[sflag:s12] =	ssyncset.done $0x0  }
0x31e: {  	[sflag:s12] =	ssyncadd.s32 $0xFFFFE400  }
0x31f: {  	[spmem:s28] =	stream.linear.scatter [tilespmem:s23], [sflag:$0x1], $0x1C00, $0x200038;
	[tilespmem:$0x1F450] =	vst v63  }
0x320: {  	_ =	swait.ge [sflag:s12], $0x1C00  }
0x321: {  	s29 =	sld [smem:$0x7F9]  }
0x322: {  	[sflag:s12] =	ssyncset.done $0x0  }
0x323: {  	[sflag:s12] =	ssyncadd.s32 $0xFFFFE400  }
0x324: {  	[spmem:s29] =	stream.linear.scatter [tilespmem:s23], [sflag:$0x1], $0x1C00, $0x200038;
	[tilespmem:$0x1F450] =	vst v63  }
0x325: {  	_ =	swait.ge [sflag:s12], $0x1C00  }
0x326: {  	s30 =	sld [smem:$0x7FA]  }
0x327: {  	[sflag:s12] =	ssyncset.done $0x0  }
0x328: {  	[sflag:s12] =	ssyncadd.s32 $0xFFFFE400  }
0x329: {  	[spmem:s30] =	stream.linear.scatter [tilespmem:s23], [sflag:$0x1], $0x1C00, $0x200038;
	[tilespmem:$0x1F450] =	vst v63  }
0x32a: {  	_ =	swait.ge [sflag:s12], $0x1C00  }
0x32b: {  	s31 =	sld [smem:$0x7FC]  }
0x32c: {  	[sflag:s12] =	ssyncset.done $0x0  }
0x32d: {  	[sflag:s12] =	ssyncadd.s32 $0xFFFFE400  }
0x32e: {  	[spmem:s31] =	stream.linear.scatter [tilespmem:s23], [sflag:$0x1], $0x1C00, $0x200038;
	[tilespmem:$0x1F450] =	vst v63  }
0x32f: {  	_ =	swait.ge [sflag:s12], $0x1C00  }
0x330: {  	s1 =	sld [smem:$0x7EF]  }
0x331: {  	[sflag:s12] =	ssyncset.done $0x0  }
0x332: {  	s0 =	simm.s32 @!p3 $0x12C50;
	[sflag:s12] =	ssyncadd.s32 $0xFFFFE400  }
0x333: {  	[spmem:s1] =	stream.linear.scatter @!p3 [tilespmem:s0], [sflag:$0x1], $0x1C00, $0x200038;
	[tilespmem:$0x1F450] =	vst v63  }
0x334: {  	s0 =	simm.s32 @!p3 $0x1  }
0x335: {  	_ =	swait.ge @!p3 [sflag:s0], $0x1C00  }
0x336: {  	s1 =	sld [smem:$0x7F0]  }
0x337: {  	[sflag:s0] =	ssyncset.done @!p3 $0x0  }
0x338: {  	[sflag:s0] =	ssyncadd.s32 @!p3 $0xFFFFE400;
	s0 =	simm.s32 @!p5 $0x12C50  }
0x339: {  	[spmem:s1] =	stream.linear.scatter @!p5 [tilespmem:s0], [sflag:$0x1], $0x1800, $0x200038;
	[tilespmem:$0x1F450] =	vst v63  }
0x33a: {  	s0 =	simm.s32 @!p5 $0x1  }
0x33b: {  	_ =	swait.ge @!p5 [sflag:s0], $0x1800  }
0x33c: {  	[sflag:s0] =	ssyncset.done @!p5 $0x0  }
0x33d: {  	[sflag:s0] =	ssyncadd.s32 @!p5 $0xFFFFE800  }
0x33e: {  	_ =	strace $0x9000004C  }
0x33f: {  	[bflag:$0x0] =	sbarrier.arrive $0xFFFF  }
0x340: {  	s1 =	simm.s32 $0x0;
	s0 =	simm.s32 $0x0;
	_ =	strace $0x8000004D  }
.LBB2_22:
0x341: {  	s2 =	sadd.s32 s13, s1  }
0x342: {  	s2 =	smul.u32 $0x380, s2;
	_ =	sdelay $0x1  }
0x343: {  	s4 =	simm.s32 $0x16850;
	s3 =	sadd.s32 s19, s2  }
0x344: {  	[tilespmem:s4], [sflag:$0x1] =	stream.linear.gather [hbm4b:s3+s0], $0x1C00, $0x200038;
	[tilespmem:$0x1F450] =	vst v63  }
0x345: {  	_ =	swait.ge [sflag:s12], $0x1C00  }
0x346: {  	[sflag:s12] =	ssyncset.done $0x0  }
0x347: {  	s29 =	sadd.s32 s21, s2;
	[sflag:s12] =	ssyncadd.s32 $0xFFFFE400  }
0x348: {  	[tilespmem:s20], [sflag:$0x1] =	stream.linear.gather [hbm4b:s29+s0], $0x1C00, $0x200038;
	[tilespmem:$0x1F450] =	vst v63  }
0x349: {  	_ =	swait.ge [sflag:s12], $0x1C00  }
0x34a: {  	[sflag:s12] =	ssyncset.done $0x0  }
0x34b: {  	s30 =	sadd.s32 s22, s2;
	s2 =	simm.s32 $0x1A050;
	[sflag:s12] =	ssyncadd.s32 $0xFFFFE400  }
0x34c: {  	[tilespmem:s2], [sflag:$0x1] =	stream.linear.gather [hbm4b:s30+s0], $0x1C00, $0x200038;
	[tilespmem:$0x1F450] =	vst v63  }
0x34d: {  	_ =	swait.ge [sflag:s12], $0x1C00  }
0x34e: {  	[sflag:s12] =	ssyncset.done $0x0  }
0x34f: {  	[sflag:s12] =	ssyncadd.s32 $0xFFFFE400  }
0x350: {  	v10 =	vld [tilespmem:s4+$0x0];
	_ =	sdelay $0x2  }
0x351: {  	v11 =	vld [tilespmem:s2+$0x0];
	_ =	sdelay $0x1  }
0x352: {  	v12 =	vsub.s32 v10, v0  }
0x353: {  	s31 =	sand.u32 $0x3F0, s0;
	v13 =	vmul.u32 $0xA0, v12  }
0x354: {  	s3 =	sor.u32 $0xFA000, s31;
	vm0 =	vge.s32 v10, v0;
	vm9 =	vlt.s32 v12, $0x1900  }
0x355: {  	v10 =	vor.u32 s3, v7;
	vm9 =	vmand vm0, vm9;
	v11 =	vadd.s32 v11, v13  }
0x356: {  	s3 =	simm.s32 $0x18450;
	v10 =	vsel vm9, v11, v10  }
0x357: {  	s5 =	simm.s32 $0x16860;
	[tilespmem:s3+$0x0] =	vst v10  }
0x358: {  	s6 =	simm.s32 $0x20;
	s4 =	simm.s32 $0x10;
	v10 =	vld [tilespmem:s5+$0x0]  }
.LBB2_23:
0x359: {  	p6 =	sne.s32 s6, $0x1BF0  }
0x35a: {  	s2 =	sadd.s32 $0x10, s2  }
0x35b: {  	v11 =	vld [tilespmem:s2+$0x0];
	_ =	sdelay $0x1  }
0x35c: {  	v12 =	vsub.s32 v10, v0  }
0x35d: {  	s7 =	sand.u32 $0x3F0, s4;
	s4 =	smov.u32 s6;
	v13 =	vmul.u32 $0xA0, v12  }
.Ltmp14:
0x35e: {  	s7 =	sor.u32 $0xFA000, s7;
	vm9 =	vge.s32 v10, v0;
	vm10 =	vlt.s32 v12, $0x1900;
	(pc) =	sbr.rel @p6 .LBB2_23-.Ltmp14, $4  }
0x35f: {  	v10 =	vor.u32 s7, v7;
	vm9 =	vmand vm9, vm10;
	v11 =	vadd.s32 v11, v13  }
0x360: {  	s3 =	sadd.s32 $0x10, s3;
	v10 =	vsel vm9, v11, v10  }
0x361: {  	s5 =	sadd.s32 $0x10, s5;
	[tilespmem:s3+$0x0] =	vst v10  }
0x362: {  	s6 =	sadd.s32 $0x10, s6;
	v10 =	vld [tilespmem:s5+$0x0]  }
0x363: {  	_ = 	snop  }
0x364: {  	s2 =	sadd.s32 $0x10, s2  }
0x365: {  	v11 =	vld [tilespmem:s2+$0x0];
	_ =	sdelay $0x1  }
0x366: {  	v12 =	vsub.s32 v10, v0  }
0x367: {  	s30 =	sand.u32 $0x3F0, s4;
	v13 =	vmul.u32 $0xA0, v12  }
0x368: {  	s2 =	sor.u32 $0xFA000, s30;
	vm9 =	vge.s32 v10, v0;
	vm10 =	vlt.s32 v12, $0x1900  }
0x369: {  	s1 =	sadd.s32 $0x1, s1;
	v10 =	vor.u32 s2, v7;
	vm9 =	vmand vm9, vm10;
	v11 =	vadd.s32 v11, v13  }
0x36a: {  	s31 =	sadd.s32 $0x10, s3;
	p6 =	sne.s32 s1, $0x7;
	v10 =	vsel vm9, v11, v10  }
.Ltmp15:
0x36b: {  	[tilespmem:s31+$0x0] =	vst v10;
	(pc) =	sbr.rel @p6 .LBB2_22-.Ltmp15, $4  }
0x36c: {  	[spmem:s10] =	stream.indirect.scatter.add.f32 [tilespmem:s20], [sflag:$0x1], $0x1, s14, s15, $0x2000b8;
	[tilespmem:$0x1F450] =	vst v63  }
0x36d: {  	_ =	swait.ge [sflag:s12], $0x1C00  }
0x36e: {  	[sflag:s12] =	ssyncset.done $0x0  }
0x36f: {  	[sflag:s12] =	ssyncadd.s32 $0xFFFFE400  }
0x370: {  	_ =	strace $0x9000004D  }
0x371: {  	s1 =	simm.s32 $0x1F250;
	s0 =	rddreg [dreg:$0x1d]  }
0x372: {  	[tilespmem:s1], [sflag:$0x1] =	stream.linear.gather [spmem:s0], $0x190, $0x38;
	[tilespmem:$0x1F450] =	vst v63  }
0x373: {  	_ =	swait.ge [sflag:s12], $0x190  }
0x374: {  	[sflag:s12] =	ssyncset.done $0x0  }
0x375: {  	s31 =	simm.s32 $0x1F050;
	s30 =	rddreg [dreg:$0x1e];
	[sflag:s12] =	ssyncadd.s32 $0xFFFFFE70  }
0x376: {  	[tilespmem:s31], [sflag:$0x1] =	stream.linear.gather [spmem:s30], $0x190, $0x38;
	[tilespmem:$0x1F450] =	vst v63  }
0x377: {  	_ =	swait.ge [sflag:s12], $0x190  }
0x378: {  	[sflag:s12] =	ssyncset.done $0x0  }
0x379: {  	s0 =	simm.s32 $0x0;
	[sflag:s12] =	ssyncadd.s32 $0xFFFFFE70  }
0x37a: {  	s2 =	simm.s32 $0x40;
	s1 =	rddreg [dreg:$0x16];
	v10 =	vld [tilespmem:s0+$0x1F250]  }
.LBB2_26:
0x37b: {  	p6 =	sne.s32 s2, $0x600;
	v11 =	vmov s1;
	v12 =	vld [tilespmem:s0+$0x1F050]  }
0x37c: {  	v11 =	vmul.u32 $0xA0, v11;
	_ =	sdelay $0x1  }
.Ltmp16:
0x37d: {  	v11 =	vbroadcast v11, $0x0;
	(pc) =	sbr.rel @p6 .LBB2_26-.Ltmp16, $4  }
0x37e: {  	v10 =	vmul.f32 v10, v10  }
0x37f: {  	v11 =	vadd.s32 v12, v11  }
0x380: {  	s3 =	sshra.s32 s2, $0x2;
	[tilespmem:s0+$0x1F250] =	vst v10;
	v11 =	vadd.s32 v9, v11  }
0x381: {  	s2 =	sadd.s32 $0x40, s2;
	s1 =	sadd.s32 $0x10, s1;
	v10 =	vld [tilespmem:s3+$0x1F250];
	[tilespmem:s0+$0x1F050] =	vst v11;
	s0 =	smov.u32 s3  }
0x382: {  	v11 =	vmov s1;
	v12 =	vld [tilespmem:s0+$0x1F050]  }
0x383: {  	v11 =	vmul.u32 $0xA0, v11;
	_ =	sdelay $0x1  }
0x384: {  	v11 =	vbroadcast v11, $0x0  }
0x385: {  	v10 =	vmul.f32 v10, v10  }
0x386: {  	v11 =	vadd.s32 v12, v11  }
0x387: {  	[tilespmem:s0+$0x1F250] =	vst v10;
	v10 =	vadd.s32 v9, v11  }
0x388: {  	s6 =	simm.s32 $0x1F250;
	s7 =	simm.s32 $0x1F050;
	s2 =	simm.s32 $0x190;
	[tilespmem:s0+$0x1F050] =	vst v10  }
0x389: {  	[spmem:s10] =	stream.indirect.scatter.add.f32 [tilespmem:s6], [sflag:$0x1], $0x1, s7, s2, $0xb8;
	[tilespmem:$0x1F450] =	vst v63  }
0x38a: {  	_ =	swait.ge [sflag:s12], $0x190  }
0x38b: {  	[sflag:s12] =	ssyncset.done $0x0  }
0x38c: {  	[sflag:s12] =	ssyncadd.s32 $0xFFFFFE70  }
0x38d: {  	[bflag:$0x0] =	sbarrier.arrive $0xFFFF  }
0x38e: {  	_ =	strace $0x8000004E  }
0x38f: {  	s8 =	sshll.u32 s17, $0x6;
	s9 =	rddreg [dreg:$0x1f]  }
0x390: {  	s3 =	sor.u32 $0x1C01, s8;
	s16 =	rddreg [dreg:$0xd];
	s7 =	sshrl.u32 s9, $0x3  }
0x391: {  	[hbm:s16], [sflag:s3] =	dma.local [spmem:s7], $0x1F40  }
0x392: {  	_ =	swait.ge [sflag:s12], $0x1F40  }
0x393: {  	[sflag:s12] =	ssyncset.done $0x0  }
0x394: {  	[sflag:s12] =	ssyncadd.s32 $0xFFFFE0C0  }
0x395: {  	_ =	strace $0x9000004E  }
0x396: {  	[bflag:$0x0] =	sbarrier.arrive $0xFFFF  }
0x397: {  	_ =	strace $0x8000004F  }
0x398: {  	s18 =	sld [smem:$0x7FB];
	_ =	sdelay $0x1  }
0x399: {  	s23 =	simm.s32 $0x12C50  }
0x39a: {  	[spmem:s18] =	stream.linear.scatter [tilespmem:s23], [sflag:$0x1], $0x1C00, $0x200038;
	[tilespmem:$0x1F450] =	vst v63  }
0x39b: {  	_ =	swait.ge [sflag:s12], $0x1C00  }
0x39c: {  	s24 =	sld [smem:$0x7EC]  }
0x39d: {  	[sflag:s12] =	ssyncset.done $0x0  }
0x39e: {  	[sflag:s12] =	ssyncadd.s32 $0xFFFFE400  }
0x39f: {  	[spmem:s24] =	stream.linear.scatter [tilespmem:s23], [sflag:$0x1], $0x1C00, $0x200038;
	[tilespmem:$0x1F450] =	vst v63  }
0x3a0: {  	_ =	swait.ge [sflag:s12], $0x1C00  }
0x3a1: {  	s25 =	sld [smem:$0x7ED]  }
0x3a2: {  	[sflag:s12] =	ssyncset.done $0x0  }
0x3a3: {  	[sflag:s12] =	ssyncadd.s32 $0xFFFFE400  }
0x3a4: {  	[spmem:s25] =	stream.linear.scatter [tilespmem:s23], [sflag:$0x1], $0x1C00, $0x200038;
	[tilespmem:$0x1F450] =	vst v63  }
0x3a5: {  	_ =	swait.ge [sflag:s12], $0x1C00  }
0x3a6: {  	s26 =	sld [smem:$0x7EE]  }
0x3a7: {  	[sflag:s12] =	ssyncset.done $0x0  }
0x3a8: {  	[sflag:s12] =	ssyncadd.s32 $0xFFFFE400  }
0x3a9: {  	[spmem:s26] =	stream.linear.scatter [tilespmem:s23], [sflag:$0x1], $0x1C00, $0x200038;
	[tilespmem:$0x1F450] =	vst v63  }
0x3aa: {  	_ =	swait.ge [sflag:s12], $0x1C00  }
0x3ab: {  	s28 =	sld [smem:$0x7F8]  }
0x3ac: {  	[sflag:s12] =	ssyncset.done $0x0  }
0x3ad: {  	[sflag:s12] =	ssyncadd.s32 $0xFFFFE400  }
0x3ae: {  	[spmem:s28] =	stream.linear.scatter [tilespmem:s23], [sflag:$0x1], $0x1C00, $0x200038;
	[tilespmem:$0x1F450] =	vst v63  }
0x3af: {  	_ =	swait.ge [sflag:s12], $0x1C00  }
0x3b0: {  	s29 =	sld [smem:$0x7F9]  }
0x3b1: {  	[sflag:s12] =	ssyncset.done $0x0  }
0x3b2: {  	[sflag:s12] =	ssyncadd.s32 $0xFFFFE400  }
0x3b3: {  	[spmem:s29] =	stream.linear.scatter [tilespmem:s23], [sflag:$0x1], $0x1C00, $0x200038;
	[tilespmem:$0x1F450] =	vst v63  }
0x3b4: {  	_ =	swait.ge [sflag:s12], $0x1C00  }
0x3b5: {  	s30 =	sld [smem:$0x7FA]  }
0x3b6: {  	[sflag:s12] =	ssyncset.done $0x0  }
0x3b7: {  	[sflag:s12] =	ssyncadd.s32 $0xFFFFE400  }
0x3b8: {  	[spmem:s30] =	stream.linear.scatter [tilespmem:s23], [sflag:$0x1], $0x1C00, $0x200038;
	[tilespmem:$0x1F450] =	vst v63  }
0x3b9: {  	_ =	swait.ge [sflag:s12], $0x1C00  }
0x3ba: {  	s31 =	sld [smem:$0x7FC]  }
0x3bb: {  	[sflag:s12] =	ssyncset.done $0x0  }
0x3bc: {  	[sflag:s12] =	ssyncadd.s32 $0xFFFFE400  }
0x3bd: {  	[spmem:s31] =	stream.linear.scatter [tilespmem:s23], [sflag:$0x1], $0x1C00, $0x200038;
	[tilespmem:$0x1F450] =	vst v63  }
0x3be: {  	_ =	swait.ge [sflag:s12], $0x1C00  }
0x3bf: {  	s1 =	sld [smem:$0x7EF]  }
0x3c0: {  	[sflag:s12] =	ssyncset.done $0x0  }
0x3c1: {  	s0 =	simm.s32 @!p3 $0x12C50;
	[sflag:s12] =	ssyncadd.s32 $0xFFFFE400  }
0x3c2: {  	[spmem:s1] =	stream.linear.scatter @!p3 [tilespmem:s0], [sflag:$0x1], $0x1C00, $0x200038;
	[tilespmem:$0x1F450] =	vst v63  }
0x3c3: {  	s0 =	simm.s32 @!p3 $0x1  }
0x3c4: {  	_ =	swait.ge @!p3 [sflag:s0], $0x1C00  }
0x3c5: {  	s1 =	sld [smem:$0x7F0]  }
0x3c6: {  	[sflag:s0] =	ssyncset.done @!p3 $0x0  }
0x3c7: {  	[sflag:s0] =	ssyncadd.s32 @!p3 $0xFFFFE400;
	s0 =	simm.s32 @!p5 $0x12C50  }
0x3c8: {  	[spmem:s1] =	stream.linear.scatter @!p5 [tilespmem:s0], [sflag:$0x1], $0x1800, $0x200038;
	[tilespmem:$0x1F450] =	vst v63  }
0x3c9: {  	s0 =	simm.s32 @!p5 $0x1  }
0x3ca: {  	_ =	swait.ge @!p5 [sflag:s0], $0x1800  }
0x3cb: {  	[sflag:s0] =	ssyncset.done @!p5 $0x0  }
0x3cc: {  	[sflag:s0] =	ssyncadd.s32 @!p5 $0xFFFFE800  }
0x3cd: {  	_ =	strace $0x9000004F  }
0x3ce: {  	[bflag:$0x0] =	sbarrier.arrive $0xFFFF  }
0x3cf: {  	s16 =	simm.s32 $0x1E450;
	_ =	strace $0x80000050  }
0x3d0: {  	s1 =	simm.s32 $0x0;
	s0 =	simm.s32 $0x0;
	s18 =	rddreg [dreg:$0x15]  }
.LBB2_28:
0x3d1: {  	s2 =	sadd.s32 s13, s1  }
0x3d2: {  	s2 =	smul.u32 $0x380, s2;
	_ =	sdelay $0x1  }
0x3d3: {  	s5 =	simm.s32 $0x16850;
	s4 =	sadd.s32 s19, s2  }
0x3d4: {  	[tilespmem:s5], [sflag:$0x1] =	stream.linear.gather [hbm4b:s4+s0], $0x1C00, $0x200038;
	[tilespmem:$0x1F450] =	vst v63  }
0x3d5: {  	_ =	swait.ge [sflag:s12], $0x1C00  }
0x3d6: {  	[sflag:s12] =	ssyncset.done $0x0  }
0x3d7: {  	s29 =	sadd.s32 s21, s2;
	[sflag:s12] =	ssyncadd.s32 $0xFFFFE400  }
0x3d8: {  	[tilespmem:s20], [sflag:$0x1] =	stream.linear.gather [hbm4b:s29+s0], $0x1C00, $0x200038;
	[tilespmem:$0x1F450] =	vst v63  }
0x3d9: {  	_ =	swait.ge [sflag:s12], $0x1C00  }
0x3da: {  	[sflag:s12] =	ssyncset.done $0x0  }
0x3db: {  	s30 =	sadd.s32 s22, s2;
	s2 =	simm.s32 $0x1A050;
	[sflag:s12] =	ssyncadd.s32 $0xFFFFE400  }
0x3dc: {  	[tilespmem:s2], [sflag:$0x1] =	stream.linear.gather [hbm4b:s30+s0], $0x1C00, $0x200038;
	[tilespmem:$0x1F450] =	vst v63  }
0x3dd: {  	_ =	swait.ge [sflag:s12], $0x1C00  }
0x3de: {  	[sflag:s12] =	ssyncset.done $0x0  }
0x3df: {  	[sflag:s12] =	ssyncadd.s32 $0xFFFFE400  }
0x3e0: {  	v10 =	vld [tilespmem:s5+$0x0];
	_ =	sdelay $0x2  }
0x3e1: {  	v11 =	vld [tilespmem:s2+$0x0];
	_ =	sdelay $0x1  }
0x3e2: {  	v12 =	vsub.s32 v10, v1  }
0x3e3: {  	s31 =	sand.u32 $0x3F0, s0;
	v13 =	vmul.u32 $0xA0, v12  }
0x3e4: {  	s4 =	sor.u32 $0xFA000, s31;
	vm9 =	vge.s32 v10, v1;
	vm10 =	vlt.s32 v12, $0x1900  }
0x3e5: {  	v10 =	vor.u32 s4, v7;
	vm9 =	vmand vm9, vm10;
	v11 =	vadd.s32 v11, v13  }
0x3e6: {  	s4 =	simm.s32 $0x18450;
	v10 =	vsel vm9, v11, v10  }
0x3e7: {  	s6 =	simm.s32 $0x16860;
	[tilespmem:s4+$0x0] =	vst v10  }
0x3e8: {  	s8 =	simm.s32 $0x20;
	s5 =	simm.s32 $0x10;
	v10 =	vld [tilespmem:s6+$0x0]  }
.LBB2_29:
0x3e9: {  	p6 =	sne.s32 s8, $0x1BF0  }
0x3ea: {  	s2 =	sadd.s32 $0x10, s2  }
0x3eb: {  	v11 =	vld [tilespmem:s2+$0x0];
	_ =	sdelay $0x1  }
0x3ec: {  	v12 =	vsub.s32 v10, v1  }
0x3ed: {  	s9 =	sand.u32 $0x3F0, s5;
	s5 =	smov.u32 s8;
	v13 =	vmul.u32 $0xA0, v12  }
.Ltmp17:
0x3ee: {  	s9 =	sor.u32 $0xFA000, s9;
	vm9 =	vge.s32 v10, v1;
	vm10 =	vlt.s32 v12, $0x1900;
	(pc) =	sbr.rel @p6 .LBB2_29-.Ltmp17, $4  }
0x3ef: {  	v10 =	vor.u32 s9, v7;
	vm9 =	vmand vm9, vm10;
	v11 =	vadd.s32 v11, v13  }
0x3f0: {  	s4 =	sadd.s32 $0x10, s4;
	v10 =	vsel vm9, v11, v10  }
0x3f1: {  	s6 =	sadd.s32 $0x10, s6;
	[tilespmem:s4+$0x0] =	vst v10  }
0x3f2: {  	s8 =	sadd.s32 $0x10, s8;
	v10 =	vld [tilespmem:s6+$0x0]  }
0x3f3: {  	_ = 	snop  }
0x3f4: {  	s2 =	sadd.s32 $0x10, s2  }
0x3f5: {  	v11 =	vld [tilespmem:s2+$0x0];
	_ =	sdelay $0x1  }
0x3f6: {  	v12 =	vsub.s32 v10, v1  }
0x3f7: {  	s30 =	sand.u32 $0x3F0, s5;
	v13 =	vmul.u32 $0xA0, v12  }
0x3f8: {  	s2 =	sor.u32 $0xFA000, s30;
	vm9 =	vge.s32 v10, v1;
	vm10 =	vlt.s32 v12, $0x1900  }
0x3f9: {  	s1 =	sadd.s32 $0x1, s1;
	v10 =	vor.u32 s2, v7;
	vm9 =	vmand vm9, vm10;
	v11 =	vadd.s32 v11, v13  }
0x3fa: {  	s31 =	sadd.s32 $0x10, s4;
	p6 =	sne.s32 s1, $0x7;
	v10 =	vsel vm9, v11, v10  }
.Ltmp18:
0x3fb: {  	[tilespmem:s31+$0x0] =	vst v10;
	(pc) =	sbr.rel @p6 .LBB2_28-.Ltmp18, $4  }
0x3fc: {  	[spmem:s10] =	stream.indirect.scatter.add.f32 [tilespmem:s20], [sflag:$0x1], $0x1, s14, s15, $0x2000b8;
	[tilespmem:$0x1F450] =	vst v63  }
0x3fd: {  	_ =	swait.ge [sflag:s12], $0x1C00  }
0x3fe: {  	[sflag:s12] =	ssyncset.done $0x0  }
0x3ff: {  	[sflag:s12] =	ssyncadd.s32 $0xFFFFE400  }
0x400: {  	_ =	strace $0x90000050  }
0x401: {  	s0 =	sld [smem:$0x7D9];
	_ =	sdelay $0x1  }
0x402: {  	s1 =	simm.s32 $0x1F250  }
0x403: {  	[tilespmem:s1], [sflag:$0x1] =	stream.linear.gather [spmem:s0], $0x190, $0x38;
	[tilespmem:$0x1F450] =	vst v63  }
0x404: {  	_ =	swait.ge [sflag:s12], $0x190  }
0x405: {  	s30 =	sld [smem:$0x7DA]  }
0x406: {  	[sflag:s12] =	ssyncset.done $0x0  }
0x407: {  	s31 =	simm.s32 $0x1F050;
	[sflag:s12] =	ssyncadd.s32 $0xFFFFFE70  }
0x408: {  	[tilespmem:s31], [sflag:$0x1] =	stream.linear.gather [spmem:s30], $0x190, $0x38;
	[tilespmem:$0x1F450] =	vst v63  }
0x409: {  	_ =	swait.ge [sflag:s12], $0x190  }
0x40a: {  	[sflag:s12] =	ssyncset.done $0x0  }
0x40b: {  	s0 =	simm.s32 $0x0;
	[sflag:s12] =	ssyncadd.s32 $0xFFFFFE70  }
0x40c: {  	s2 =	simm.s32 $0x40;
	s1 =	rddreg [dreg:$0x16];
	v10 =	vld [tilespmem:s0+$0x1F250]  }
.LBB2_32:
0x40d: {  	p6 =	sne.s32 s2, $0x600;
	v11 =	vmov s1;
	v12 =	vld [tilespmem:s0+$0x1F050]  }
0x40e: {  	v11 =	vmul.u32 $0xA0, v11;
	_ =	sdelay $0x1  }
.Ltmp19:
0x40f: {  	v11 =	vbroadcast v11, $0x0;
	(pc) =	sbr.rel @p6 .LBB2_32-.Ltmp19, $4  }
0x410: {  	v10 =	vmul.f32 v10, v10  }
0x411: {  	v11 =	vadd.s32 v12, v11  }
0x412: {  	s4 =	sshra.s32 s2, $0x2;
	[tilespmem:s0+$0x1F250] =	vst v10;
	v11 =	vadd.s32 v9, v11  }
0x413: {  	s2 =	sadd.s32 $0x40, s2;
	s1 =	sadd.s32 $0x10, s1;
	v10 =	vld [tilespmem:s4+$0x1F250];
	[tilespmem:s0+$0x1F050] =	vst v11;
	s0 =	smov.u32 s4  }
0x414: {  	v11 =	vmov s1;
	v12 =	vld [tilespmem:s0+$0x1F050]  }
0x415: {  	v11 =	vmul.u32 $0xA0, v11;
	_ =	sdelay $0x1  }
0x416: {  	v11 =	vbroadcast v11, $0x0  }
0x417: {  	v10 =	vmul.f32 v10, v10  }
0x418: {  	v11 =	vadd.s32 v12, v11  }
0x419: {  	[tilespmem:s0+$0x1F250] =	vst v10;
	v10 =	vadd.s32 v9, v11  }
0x41a: {  	s5 =	simm.s32 $0x1F250;
	s6 =	simm.s32 $0x1F050;
	s2 =	simm.s32 $0x190;
	[tilespmem:s0+$0x1F050] =	vst v10  }
0x41b: {  	[spmem:s10] =	stream.indirect.scatter.add.f32 [tilespmem:s5], [sflag:$0x1], $0x1, s6, s2, $0xb8;
	[tilespmem:$0x1F450] =	vst v63  }
0x41c: {  	_ =	swait.ge [sflag:s12], $0x190  }
0x41d: {  	[sflag:s12] =	ssyncset.done $0x0  }
0x41e: {  	[sflag:s12] =	ssyncadd.s32 $0xFFFFFE70  }
0x41f: {  	[bflag:$0x0] =	sbarrier.arrive $0xFFFF  }
0x420: {  	_ =	strace $0x80000051  }
0x421: {  	s8 =	rddreg [dreg:$0xe]  }
0x422: {  	[hbm:s8], [sflag:s3] =	dma.local [spmem:s7], $0x1F40  }
0x423: {  	_ =	swait.ge [sflag:s12], $0x1F40  }
0x424: {  	[sflag:s12] =	ssyncset.done $0x0  }
0x425: {  	[sflag:s12] =	ssyncadd.s32 $0xFFFFE0C0  }
0x426: {  	_ =	strace $0x90000051  }
0x427: {  	[bflag:$0x0] =	sbarrier.arrive $0xFFFF  }
0x428: {  	_ =	strace $0x80000052  }
0x429: {  	s9 =	sld [smem:$0x7FB];
	_ =	sdelay $0x1  }
0x42a: {  	s23 =	simm.s32 $0x12C50  }
0x42b: {  	[spmem:s9] =	stream.linear.scatter [tilespmem:s23], [sflag:$0x1], $0x1C00, $0x200038;
	[tilespmem:$0x1F450] =	vst v63  }
0x42c: {  	_ =	swait.ge [sflag:s12], $0x1C00  }
0x42d: {  	s24 =	sld [smem:$0x7EC]  }
0x42e: {  	[sflag:s12] =	ssyncset.done $0x0  }
0x42f: {  	[sflag:s12] =	ssyncadd.s32 $0xFFFFE400  }
0x430: {  	[spmem:s24] =	stream.linear.scatter [tilespmem:s23], [sflag:$0x1], $0x1C00, $0x200038;
	[tilespmem:$0x1F450] =	vst v63  }
0x431: {  	_ =	swait.ge [sflag:s12], $0x1C00  }
0x432: {  	s25 =	sld [smem:$0x7ED]  }
0x433: {  	[sflag:s12] =	ssyncset.done $0x0  }
0x434: {  	[sflag:s12] =	ssyncadd.s32 $0xFFFFE400  }
0x435: {  	[spmem:s25] =	stream.linear.scatter [tilespmem:s23], [sflag:$0x1], $0x1C00, $0x200038;
	[tilespmem:$0x1F450] =	vst v63  }
0x436: {  	_ =	swait.ge [sflag:s12], $0x1C00  }
0x437: {  	s26 =	sld [smem:$0x7EE]  }
0x438: {  	[sflag:s12] =	ssyncset.done $0x0  }
0x439: {  	[sflag:s12] =	ssyncadd.s32 $0xFFFFE400  }
0x43a: {  	[spmem:s26] =	stream.linear.scatter [tilespmem:s23], [sflag:$0x1], $0x1C00, $0x200038;
	[tilespmem:$0x1F450] =	vst v63  }
0x43b: {  	_ =	swait.ge [sflag:s12], $0x1C00  }
0x43c: {  	s28 =	sld [smem:$0x7F8]  }
0x43d: {  	[sflag:s12] =	ssyncset.done $0x0  }
0x43e: {  	[sflag:s12] =	ssyncadd.s32 $0xFFFFE400  }
0x43f: {  	[spmem:s28] =	stream.linear.scatter [tilespmem:s23], [sflag:$0x1], $0x1C00, $0x200038;
	[tilespmem:$0x1F450] =	vst v63  }
0x440: {  	_ =	swait.ge [sflag:s12], $0x1C00  }
0x441: {  	s29 =	sld [smem:$0x7F9]  }
0x442: {  	[sflag:s12] =	ssyncset.done $0x0  }
0x443: {  	[sflag:s12] =	ssyncadd.s32 $0xFFFFE400  }
0x444: {  	[spmem:s29] =	stream.linear.scatter [tilespmem:s23], [sflag:$0x1], $0x1C00, $0x200038;
	[tilespmem:$0x1F450] =	vst v63  }
0x445: {  	_ =	swait.ge [sflag:s12], $0x1C00  }
0x446: {  	s30 =	sld [smem:$0x7FA]  }
0x447: {  	[sflag:s12] =	ssyncset.done $0x0  }
0x448: {  	[sflag:s12] =	ssyncadd.s32 $0xFFFFE400  }
0x449: {  	[spmem:s30] =	stream.linear.scatter [tilespmem:s23], [sflag:$0x1], $0x1C00, $0x200038;
	[tilespmem:$0x1F450] =	vst v63  }
0x44a: {  	_ =	swait.ge [sflag:s12], $0x1C00  }
0x44b: {  	s31 =	sld [smem:$0x7FC]  }
0x44c: {  	[sflag:s12] =	ssyncset.done $0x0  }
0x44d: {  	[sflag:s12] =	ssyncadd.s32 $0xFFFFE400  }
0x44e: {  	[spmem:s31] =	stream.linear.scatter [tilespmem:s23], [sflag:$0x1], $0x1C00, $0x200038;
	[tilespmem:$0x1F450] =	vst v63  }
0x44f: {  	_ =	swait.ge [sflag:s12], $0x1C00  }
0x450: {  	s1 =	sld [smem:$0x7EF]  }
0x451: {  	[sflag:s12] =	ssyncset.done $0x0  }
0x452: {  	s0 =	simm.s32 @!p3 $0x12C50;
	[sflag:s12] =	ssyncadd.s32 $0xFFFFE400  }
0x453: {  	[spmem:s1] =	stream.linear.scatter @!p3 [tilespmem:s0], [sflag:$0x1], $0x1C00, $0x200038;
	[tilespmem:$0x1F450] =	vst v63  }
0x454: {  	s0 =	simm.s32 @!p3 $0x1  }
0x455: {  	_ =	swait.ge @!p3 [sflag:s0], $0x1C00  }
0x456: {  	s1 =	sld [smem:$0x7F0]  }
0x457: {  	[sflag:s0] =	ssyncset.done @!p3 $0x0  }
0x458: {  	[sflag:s0] =	ssyncadd.s32 @!p3 $0xFFFFE400;
	s0 =	simm.s32 @!p5 $0x12C50  }
0x459: {  	[spmem:s1] =	stream.linear.scatter @!p5 [tilespmem:s0], [sflag:$0x1], $0x1800, $0x200038;
	[tilespmem:$0x1F450] =	vst v63  }
0x45a: {  	s0 =	simm.s32 @!p5 $0x1  }
0x45b: {  	_ =	swait.ge @!p5 [sflag:s0], $0x1800  }
0x45c: {  	[sflag:s0] =	ssyncset.done @!p5 $0x0  }
0x45d: {  	[sflag:s0] =	ssyncadd.s32 @!p5 $0xFFFFE800  }
0x45e: {  	_ =	strace $0x90000052  }
0x45f: {  	[bflag:$0x0] =	sbarrier.arrive $0xFFFF  }
0x460: {  	s1 =	simm.s32 $0x0;
	s0 =	simm.s32 $0x0;
	_ =	strace $0x80000053  }
.LBB2_34:
0x461: {  	s2 =	sadd.s32 s13, s1  }
0x462: {  	s2 =	smul.u32 $0x380, s2;
	_ =	sdelay $0x1  }
0x463: {  	s5 =	simm.s32 $0x16850;
	s4 =	sadd.s32 s19, s2  }
0x464: {  	[tilespmem:s5], [sflag:$0x1] =	stream.linear.gather [hbm4b:s4+s0], $0x1C00, $0x200038;
	[tilespmem:$0x1F450] =	vst v63  }
0x465: {  	_ =	swait.ge [sflag:s12], $0x1C00  }
0x466: {  	[sflag:s12] =	ssyncset.done $0x0  }
0x467: {  	s29 =	sadd.s32 s21, s2;
	[sflag:s12] =	ssyncadd.s32 $0xFFFFE400  }
0x468: {  	[tilespmem:s20], [sflag:$0x1] =	stream.linear.gather [hbm4b:s29+s0], $0x1C00, $0x200038;
	[tilespmem:$0x1F450] =	vst v63  }
0x469: {  	_ =	swait.ge [sflag:s12], $0x1C00  }
0x46a: {  	[sflag:s12] =	ssyncset.done $0x0  }
0x46b: {  	s30 =	sadd.s32 s22, s2;
	s2 =	simm.s32 $0x1A050;
	[sflag:s12] =	ssyncadd.s32 $0xFFFFE400  }
0x46c: {  	[tilespmem:s2], [sflag:$0x1] =	stream.linear.gather [hbm4b:s30+s0], $0x1C00, $0x200038;
	[tilespmem:$0x1F450] =	vst v63  }
0x46d: {  	_ =	swait.ge [sflag:s12], $0x1C00  }
0x46e: {  	[sflag:s12] =	ssyncset.done $0x0  }
0x46f: {  	[sflag:s12] =	ssyncadd.s32 $0xFFFFE400  }
0x470: {  	v10 =	vld [tilespmem:s5+$0x0];
	_ =	sdelay $0x2  }
0x471: {  	v11 =	vld [tilespmem:s2+$0x0];
	_ =	sdelay $0x1  }
0x472: {  	v12 =	vsub.s32 v10, v2  }
0x473: {  	s31 =	sand.u32 $0x3F0, s0;
	v13 =	vmul.u32 $0xA0, v12  }
0x474: {  	s4 =	sor.u32 $0xFA000, s31;
	vm9 =	vge.s32 v10, v2;
	vm10 =	vlt.s32 v12, $0x1900  }
0x475: {  	v10 =	vor.u32 s4, v7;
	vm9 =	vmand vm9, vm10;
	v11 =	vadd.s32 v11, v13  }
0x476: {  	s4 =	simm.s32 $0x18450;
	v10 =	vsel vm9, v11, v10  }
0x477: {  	s6 =	simm.s32 $0x16860;
	[tilespmem:s4+$0x0] =	vst v10  }
0x478: {  	s8 =	simm.s32 $0x20;
	s5 =	simm.s32 $0x10;
	v10 =	vld [tilespmem:s6+$0x0]  }
.LBB2_35:
0x479: {  	p6 =	sne.s32 s8, $0x1BF0  }
0x47a: {  	s2 =	sadd.s32 $0x10, s2  }
0x47b: {  	v11 =	vld [tilespmem:s2+$0x0];
	_ =	sdelay $0x1  }
0x47c: {  	v12 =	vsub.s32 v10, v2  }
0x47d: {  	s9 =	sand.u32 $0x3F0, s5;
	s5 =	smov.u32 s8;
	v13 =	vmul.u32 $0xA0, v12  }
.Ltmp20:
0x47e: {  	s9 =	sor.u32 $0xFA000, s9;
	vm9 =	vge.s32 v10, v2;
	vm10 =	vlt.s32 v12, $0x1900;
	(pc) =	sbr.rel @p6 .LBB2_35-.Ltmp20, $4  }
0x47f: {  	v10 =	vor.u32 s9, v7;
	vm9 =	vmand vm9, vm10;
	v11 =	vadd.s32 v11, v13  }
0x480: {  	s4 =	sadd.s32 $0x10, s4;
	v10 =	vsel vm9, v11, v10  }
0x481: {  	s6 =	sadd.s32 $0x10, s6;
	[tilespmem:s4+$0x0] =	vst v10  }
0x482: {  	s8 =	sadd.s32 $0x10, s8;
	v10 =	vld [tilespmem:s6+$0x0]  }
0x483: {  	_ = 	snop  }
0x484: {  	s2 =	sadd.s32 $0x10, s2  }
0x485: {  	v11 =	vld [tilespmem:s2+$0x0];
	_ =	sdelay $0x1  }
0x486: {  	v12 =	vsub.s32 v10, v2  }
0x487: {  	s30 =	sand.u32 $0x3F0, s5;
	v13 =	vmul.u32 $0xA0, v12  }
0x488: {  	s2 =	sor.u32 $0xFA000, s30;
	vm9 =	vge.s32 v10, v2;
	vm10 =	vlt.s32 v12, $0x1900  }
0x489: {  	s1 =	sadd.s32 $0x1, s1;
	v10 =	vor.u32 s2, v7;
	vm9 =	vmand vm9, vm10;
	v11 =	vadd.s32 v11, v13  }
0x48a: {  	s31 =	sadd.s32 $0x10, s4;
	p6 =	sne.s32 s1, $0x7;
	v10 =	vsel vm9, v11, v10  }
.Ltmp21:
0x48b: {  	[tilespmem:s31+$0x0] =	vst v10;
	(pc) =	sbr.rel @p6 .LBB2_34-.Ltmp21, $4  }
0x48c: {  	[spmem:s10] =	stream.indirect.scatter.add.f32 [tilespmem:s20], [sflag:$0x1], $0x1, s14, s15, $0x2000b8;
	[tilespmem:$0x1F450] =	vst v63  }
0x48d: {  	_ =	swait.ge [sflag:s12], $0x1C00  }
0x48e: {  	[sflag:s12] =	ssyncset.done $0x0  }
0x48f: {  	[sflag:s12] =	ssyncadd.s32 $0xFFFFE400  }
0x490: {  	_ =	strace $0x90000053  }
0x491: {  	s0 =	sld [smem:$0x7DB];
	_ =	sdelay $0x1  }
0x492: {  	s1 =	simm.s32 $0x1F250  }
0x493: {  	[tilespmem:s1], [sflag:$0x1] =	stream.linear.gather [spmem:s0], $0x190, $0x38;
	[tilespmem:$0x1F450] =	vst v63  }
0x494: {  	_ =	swait.ge [sflag:s12], $0x190  }
0x495: {  	s30 =	sld [smem:$0x7DC]  }
0x496: {  	[sflag:s12] =	ssyncset.done $0x0  }
0x497: {  	s31 =	simm.s32 $0x1F050;
	[sflag:s12] =	ssyncadd.s32 $0xFFFFFE70  }
0x498: {  	[tilespmem:s31], [sflag:$0x1] =	stream.linear.gather [spmem:s30], $0x190, $0x38;
	[tilespmem:$0x1F450] =	vst v63  }
0x499: {  	_ =	swait.ge [sflag:s12], $0x190  }
0x49a: {  	[sflag:s12] =	ssyncset.done $0x0  }
0x49b: {  	s0 =	simm.s32 $0x0;
	[sflag:s12] =	ssyncadd.s32 $0xFFFFFE70  }
0x49c: {  	s2 =	simm.s32 $0x40;
	s1 =	rddreg [dreg:$0x16];
	v10 =	vld [tilespmem:s0+$0x1F250]  }
.LBB2_38:
0x49d: {  	p6 =	sne.s32 s2, $0x600;
	v11 =	vmov s1;
	v12 =	vld [tilespmem:s0+$0x1F050]  }
0x49e: {  	v11 =	vmul.u32 $0xA0, v11;
	_ =	sdelay $0x1  }
.Ltmp22:
0x49f: {  	v11 =	vbroadcast v11, $0x0;
	(pc) =	sbr.rel @p6 .LBB2_38-.Ltmp22, $4  }
0x4a0: {  	v10 =	vmul.f32 v10, v10  }
0x4a1: {  	v11 =	vadd.s32 v12, v11  }
0x4a2: {  	s4 =	sshra.s32 s2, $0x2;
	[tilespmem:s0+$0x1F250] =	vst v10;
	v11 =	vadd.s32 v9, v11  }
0x4a3: {  	s2 =	sadd.s32 $0x40, s2;
	s1 =	sadd.s32 $0x10, s1;
	v10 =	vld [tilespmem:s4+$0x1F250];
	[tilespmem:s0+$0x1F050] =	vst v11;
	s0 =	smov.u32 s4  }
0x4a4: {  	v11 =	vmov s1;
	v12 =	vld [tilespmem:s0+$0x1F050]  }
0x4a5: {  	v11 =	vmul.u32 $0xA0, v11;
	_ =	sdelay $0x1  }
0x4a6: {  	v11 =	vbroadcast v11, $0x0  }
0x4a7: {  	v10 =	vmul.f32 v10, v10  }
0x4a8: {  	v11 =	vadd.s32 v12, v11  }
0x4a9: {  	[tilespmem:s0+$0x1F250] =	vst v10;
	v10 =	vadd.s32 v9, v11  }
0x4aa: {  	s5 =	simm.s32 $0x1F250;
	s6 =	simm.s32 $0x1F050;
	s2 =	simm.s32 $0x190;
	[tilespmem:s0+$0x1F050] =	vst v10  }
0x4ab: {  	[spmem:s10] =	stream.indirect.scatter.add.f32 [tilespmem:s5], [sflag:$0x1], $0x1, s6, s2, $0xb8;
	[tilespmem:$0x1F450] =	vst v63  }
0x4ac: {  	_ =	swait.ge [sflag:s12], $0x190  }
0x4ad: {  	[sflag:s12] =	ssyncset.done $0x0  }
0x4ae: {  	[sflag:s12] =	ssyncadd.s32 $0xFFFFFE70  }
0x4af: {  	[bflag:$0x0] =	sbarrier.arrive $0xFFFF  }
0x4b0: {  	_ =	strace $0x80000054  }
0x4b1: {  	s8 =	rddreg [dreg:$0xf]  }
0x4b2: {  	[hbm:s8], [sflag:s3] =	dma.local [spmem:s7], $0x1F40  }
0x4b3: {  	_ =	swait.ge [sflag:s12], $0x1F40  }
0x4b4: {  	[sflag:s12] =	ssyncset.done $0x0  }
0x4b5: {  	[sflag:s12] =	ssyncadd.s32 $0xFFFFE0C0  }
0x4b6: {  	_ =	strace $0x90000054  }
0x4b7: {  	[bflag:$0x0] =	sbarrier.arrive $0xFFFF  }
0x4b8: {  	_ =	strace $0x80000055  }
0x4b9: {  	s9 =	sld [smem:$0x7FB];
	_ =	sdelay $0x1  }
0x4ba: {  	s23 =	simm.s32 $0x12C50  }
0x4bb: {  	[spmem:s9] =	stream.linear.scatter [tilespmem:s23], [sflag:$0x1], $0x1C00, $0x200038;
	[tilespmem:$0x1F450] =	vst v63  }
0x4bc: {  	_ =	swait.ge [sflag:s12], $0x1C00  }
0x4bd: {  	s24 =	sld [smem:$0x7EC]  }
0x4be: {  	[sflag:s12] =	ssyncset.done $0x0  }
0x4bf: {  	[sflag:s12] =	ssyncadd.s32 $0xFFFFE400  }
0x4c0: {  	[spmem:s24] =	stream.linear.scatter [tilespmem:s23], [sflag:$0x1], $0x1C00, $0x200038;
	[tilespmem:$0x1F450] =	vst v63  }
0x4c1: {  	_ =	swait.ge [sflag:s12], $0x1C00  }
0x4c2: {  	s25 =	sld [smem:$0x7ED]  }
0x4c3: {  	[sflag:s12] =	ssyncset.done $0x0  }
0x4c4: {  	[sflag:s12] =	ssyncadd.s32 $0xFFFFE400  }
0x4c5: {  	[spmem:s25] =	stream.linear.scatter [tilespmem:s23], [sflag:$0x1], $0x1C00, $0x200038;
	[tilespmem:$0x1F450] =	vst v63  }
0x4c6: {  	_ =	swait.ge [sflag:s12], $0x1C00  }
0x4c7: {  	s26 =	sld [smem:$0x7EE]  }
0x4c8: {  	[sflag:s12] =	ssyncset.done $0x0  }
0x4c9: {  	[sflag:s12] =	ssyncadd.s32 $0xFFFFE400  }
0x4ca: {  	[spmem:s26] =	stream.linear.scatter [tilespmem:s23], [sflag:$0x1], $0x1C00, $0x200038;
	[tilespmem:$0x1F450] =	vst v63  }
0x4cb: {  	_ =	swait.ge [sflag:s12], $0x1C00  }
0x4cc: {  	s28 =	sld [smem:$0x7F8]  }
0x4cd: {  	[sflag:s12] =	ssyncset.done $0x0  }
0x4ce: {  	[sflag:s12] =	ssyncadd.s32 $0xFFFFE400  }
0x4cf: {  	[spmem:s28] =	stream.linear.scatter [tilespmem:s23], [sflag:$0x1], $0x1C00, $0x200038;
	[tilespmem:$0x1F450] =	vst v63  }
0x4d0: {  	_ =	swait.ge [sflag:s12], $0x1C00  }
0x4d1: {  	s29 =	sld [smem:$0x7F9]  }
0x4d2: {  	[sflag:s12] =	ssyncset.done $0x0  }
0x4d3: {  	[sflag:s12] =	ssyncadd.s32 $0xFFFFE400  }
0x4d4: {  	[spmem:s29] =	stream.linear.scatter [tilespmem:s23], [sflag:$0x1], $0x1C00, $0x200038;
	[tilespmem:$0x1F450] =	vst v63  }
0x4d5: {  	_ =	swait.ge [sflag:s12], $0x1C00  }
0x4d6: {  	s30 =	sld [smem:$0x7FA]  }
0x4d7: {  	[sflag:s12] =	ssyncset.done $0x0  }
0x4d8: {  	[sflag:s12] =	ssyncadd.s32 $0xFFFFE400  }
0x4d9: {  	[spmem:s30] =	stream.linear.scatter [tilespmem:s23], [sflag:$0x1], $0x1C00, $0x200038;
	[tilespmem:$0x1F450] =	vst v63  }
0x4da: {  	_ =	swait.ge [sflag:s12], $0x1C00  }
0x4db: {  	s31 =	sld [smem:$0x7FC]  }
0x4dc: {  	[sflag:s12] =	ssyncset.done $0x0  }
0x4dd: {  	[sflag:s12] =	ssyncadd.s32 $0xFFFFE400  }
0x4de: {  	[spmem:s31] =	stream.linear.scatter [tilespmem:s23], [sflag:$0x1], $0x1C00, $0x200038;
	[tilespmem:$0x1F450] =	vst v63  }
0x4df: {  	_ =	swait.ge [sflag:s12], $0x1C00  }
0x4e0: {  	s1 =	sld [smem:$0x7EF]  }
0x4e1: {  	[sflag:s12] =	ssyncset.done $0x0  }
0x4e2: {  	s0 =	simm.s32 @!p3 $0x12C50;
	[sflag:s12] =	ssyncadd.s32 $0xFFFFE400  }
0x4e3: {  	[spmem:s1] =	stream.linear.scatter @!p3 [tilespmem:s0], [sflag:$0x1], $0x1C00, $0x200038;
	[tilespmem:$0x1F450] =	vst v63  }
0x4e4: {  	s0 =	simm.s32 @!p3 $0x1  }
0x4e5: {  	_ =	swait.ge @!p3 [sflag:s0], $0x1C00  }
0x4e6: {  	s1 =	sld [smem:$0x7F0]  }
0x4e7: {  	[sflag:s0] =	ssyncset.done @!p3 $0x0  }
0x4e8: {  	[sflag:s0] =	ssyncadd.s32 @!p3 $0xFFFFE400;
	s0 =	simm.s32 @!p5 $0x12C50  }
0x4e9: {  	[spmem:s1] =	stream.linear.scatter @!p5 [tilespmem:s0], [sflag:$0x1], $0x1800, $0x200038;
	[tilespmem:$0x1F450] =	vst v63  }
0x4ea: {  	s0 =	simm.s32 @!p5 $0x1  }
0x4eb: {  	_ =	swait.ge @!p5 [sflag:s0], $0x1800  }
0x4ec: {  	[sflag:s0] =	ssyncset.done @!p5 $0x0  }
0x4ed: {  	[sflag:s0] =	ssyncadd.s32 @!p5 $0xFFFFE800  }
0x4ee: {  	_ =	strace $0x90000055  }
0x4ef: {  	[bflag:$0x0] =	sbarrier.arrive $0xFFFF  }
0x4f0: {  	s1 =	simm.s32 $0x0;
	s0 =	simm.s32 $0x0;
	_ =	strace $0x80000056  }
.LBB2_40:
0x4f1: {  	s2 =	sadd.s32 s13, s1  }
0x4f2: {  	s2 =	smul.u32 $0x380, s2;
	_ =	sdelay $0x1  }
0x4f3: {  	s5 =	simm.s32 $0x16850;
	s4 =	sadd.s32 s19, s2  }
0x4f4: {  	[tilespmem:s5], [sflag:$0x1] =	stream.linear.gather [hbm4b:s4+s0], $0x1C00, $0x200038;
	[tilespmem:$0x1F450] =	vst v63  }
0x4f5: {  	_ =	swait.ge [sflag:s12], $0x1C00  }
0x4f6: {  	[sflag:s12] =	ssyncset.done $0x0  }
0x4f7: {  	s29 =	sadd.s32 s21, s2;
	[sflag:s12] =	ssyncadd.s32 $0xFFFFE400  }
0x4f8: {  	[tilespmem:s20], [sflag:$0x1] =	stream.linear.gather [hbm4b:s29+s0], $0x1C00, $0x200038;
	[tilespmem:$0x1F450] =	vst v63  }
0x4f9: {  	_ =	swait.ge [sflag:s12], $0x1C00  }
0x4fa: {  	[sflag:s12] =	ssyncset.done $0x0  }
0x4fb: {  	s30 =	sadd.s32 s22, s2;
	s2 =	simm.s32 $0x1A050;
	[sflag:s12] =	ssyncadd.s32 $0xFFFFE400  }
0x4fc: {  	[tilespmem:s2], [sflag:$0x1] =	stream.linear.gather [hbm4b:s30+s0], $0x1C00, $0x200038;
	[tilespmem:$0x1F450] =	vst v63  }
0x4fd: {  	_ =	swait.ge [sflag:s12], $0x1C00  }
0x4fe: {  	[sflag:s12] =	ssyncset.done $0x0  }
0x4ff: {  	[sflag:s12] =	ssyncadd.s32 $0xFFFFE400  }
0x500: {  	v10 =	vld [tilespmem:s5+$0x0];
	_ =	sdelay $0x2  }
0x501: {  	v11 =	vld [tilespmem:s2+$0x0];
	_ =	sdelay $0x1  }
0x502: {  	v12 =	vsub.s32 v10, v3  }
0x503: {  	s31 =	sand.u32 $0x3F0, s0;
	v13 =	vmul.u32 $0xA0, v12  }
0x504: {  	s4 =	sor.u32 $0xFA000, s31;
	vm9 =	vge.s32 v10, v3;
	vm10 =	vlt.s32 v12, $0x1900  }
0x505: {  	v10 =	vor.u32 s4, v7;
	vm9 =	vmand vm9, vm10;
	v11 =	vadd.s32 v11, v13  }
0x506: {  	s4 =	simm.s32 $0x18450;
	v10 =	vsel vm9, v11, v10  }
0x507: {  	s6 =	simm.s32 $0x16860;
	[tilespmem:s4+$0x0] =	vst v10  }
0x508: {  	s8 =	simm.s32 $0x20;
	s5 =	simm.s32 $0x10;
	v10 =	vld [tilespmem:s6+$0x0]  }
.LBB2_41:
0x509: {  	p6 =	sne.s32 s8, $0x1BF0  }
0x50a: {  	s2 =	sadd.s32 $0x10, s2  }
0x50b: {  	v11 =	vld [tilespmem:s2+$0x0];
	_ =	sdelay $0x1  }
0x50c: {  	v12 =	vsub.s32 v10, v3  }
0x50d: {  	s9 =	sand.u32 $0x3F0, s5;
	s5 =	smov.u32 s8;
	v13 =	vmul.u32 $0xA0, v12  }
.Ltmp23:
0x50e: {  	s9 =	sor.u32 $0xFA000, s9;
	vm9 =	vge.s32 v10, v3;
	vm10 =	vlt.s32 v12, $0x1900;
	(pc) =	sbr.rel @p6 .LBB2_41-.Ltmp23, $4  }
0x50f: {  	v10 =	vor.u32 s9, v7;
	vm9 =	vmand vm9, vm10;
	v11 =	vadd.s32 v11, v13  }
0x510: {  	s4 =	sadd.s32 $0x10, s4;
	v10 =	vsel vm9, v11, v10  }
0x511: {  	s6 =	sadd.s32 $0x10, s6;
	[tilespmem:s4+$0x0] =	vst v10  }
0x512: {  	s8 =	sadd.s32 $0x10, s8;
	v10 =	vld [tilespmem:s6+$0x0]  }
0x513: {  	_ = 	snop  }
0x514: {  	s2 =	sadd.s32 $0x10, s2  }
0x515: {  	v11 =	vld [tilespmem:s2+$0x0];
	_ =	sdelay $0x1  }
0x516: {  	v12 =	vsub.s32 v10, v3  }
0x517: {  	s30 =	sand.u32 $0x3F0, s5;
	v13 =	vmul.u32 $0xA0, v12  }
0x518: {  	s2 =	sor.u32 $0xFA000, s30;
	vm9 =	vge.s32 v10, v3;
	vm10 =	vlt.s32 v12, $0x1900  }
0x519: {  	s1 =	sadd.s32 $0x1, s1;
	v10 =	vor.u32 s2, v7;
	vm9 =	vmand vm9, vm10;
	v11 =	vadd.s32 v11, v13  }
0x51a: {  	s31 =	sadd.s32 $0x10, s4;
	p6 =	sne.s32 s1, $0x7;
	v10 =	vsel vm9, v11, v10  }
.Ltmp24:
0x51b: {  	[tilespmem:s31+$0x0] =	vst v10;
	(pc) =	sbr.rel @p6 .LBB2_40-.Ltmp24, $4  }
0x51c: {  	[spmem:s10] =	stream.indirect.scatter.add.f32 [tilespmem:s20], [sflag:$0x1], $0x1, s14, s15, $0x2000b8;
	[tilespmem:$0x1F450] =	vst v63  }
0x51d: {  	_ =	swait.ge [sflag:s12], $0x1C00  }
0x51e: {  	[sflag:s12] =	ssyncset.done $0x0  }
0x51f: {  	[sflag:s12] =	ssyncadd.s32 $0xFFFFE400  }
0x520: {  	_ =	strace $0x90000056  }
0x521: {  	s0 =	sld [smem:$0x7DD];
	_ =	sdelay $0x1  }
0x522: {  	s1 =	simm.s32 $0x1F250  }
0x523: {  	[tilespmem:s1], [sflag:$0x1] =	stream.linear.gather [spmem:s0], $0x190, $0x38;
	[tilespmem:$0x1F450] =	vst v63  }
0x524: {  	_ =	swait.ge [sflag:s12], $0x190  }
0x525: {  	s30 =	sld [smem:$0x7DE]  }
0x526: {  	[sflag:s12] =	ssyncset.done $0x0  }
0x527: {  	s31 =	simm.s32 $0x1F050;
	[sflag:s12] =	ssyncadd.s32 $0xFFFFFE70  }
0x528: {  	[tilespmem:s31], [sflag:$0x1] =	stream.linear.gather [spmem:s30], $0x190, $0x38;
	[tilespmem:$0x1F450] =	vst v63  }
0x529: {  	_ =	swait.ge [sflag:s12], $0x190  }
0x52a: {  	[sflag:s12] =	ssyncset.done $0x0  }
0x52b: {  	s0 =	simm.s32 $0x0;
	[sflag:s12] =	ssyncadd.s32 $0xFFFFFE70  }
0x52c: {  	s2 =	simm.s32 $0x40;
	s1 =	rddreg [dreg:$0x16];
	v10 =	vld [tilespmem:s0+$0x1F250]  }
.LBB2_44:
0x52d: {  	p6 =	sne.s32 s2, $0x600;
	v11 =	vmov s1;
	v12 =	vld [tilespmem:s0+$0x1F050]  }
0x52e: {  	v11 =	vmul.u32 $0xA0, v11;
	_ =	sdelay $0x1  }
.Ltmp25:
0x52f: {  	v11 =	vbroadcast v11, $0x0;
	(pc) =	sbr.rel @p6 .LBB2_44-.Ltmp25, $4  }
0x530: {  	v10 =	vmul.f32 v10, v10  }
0x531: {  	v11 =	vadd.s32 v12, v11  }
0x532: {  	s4 =	sshra.s32 s2, $0x2;
	[tilespmem:s0+$0x1F250] =	vst v10;
	v11 =	vadd.s32 v9, v11  }
0x533: {  	s2 =	sadd.s32 $0x40, s2;
	s1 =	sadd.s32 $0x10, s1;
	v10 =	vld [tilespmem:s4+$0x1F250];
	[tilespmem:s0+$0x1F050] =	vst v11;
	s0 =	smov.u32 s4  }
0x534: {  	v11 =	vmov s1;
	v12 =	vld [tilespmem:s0+$0x1F050]  }
0x535: {  	v11 =	vmul.u32 $0xA0, v11;
	_ =	sdelay $0x1  }
0x536: {  	v11 =	vbroadcast v11, $0x0  }
0x537: {  	v10 =	vmul.f32 v10, v10  }
0x538: {  	v11 =	vadd.s32 v12, v11  }
0x539: {  	[tilespmem:s0+$0x1F250] =	vst v10;
	v10 =	vadd.s32 v9, v11  }
0x53a: {  	s26 =	simm.s32 $0x1F250;
	s28 =	simm.s32 $0x1F050;
	s2 =	simm.s32 $0x190;
	[tilespmem:s0+$0x1F050] =	vst v10  }
0x53b: {  	[spmem:s10] =	stream.indirect.scatter.add.f32 [tilespmem:s26], [sflag:$0x1], $0x1, s28, s2, $0xb8;
	[tilespmem:$0x1F450] =	vst v63  }
0x53c: {  	_ =	swait.ge [sflag:s12], $0x190  }
0x53d: {  	[sflag:s12] =	ssyncset.done $0x0  }
0x53e: {  	[sflag:s12] =	ssyncadd.s32 $0xFFFFFE70  }
0x53f: {  	[bflag:$0x0] =	sbarrier.arrive $0xFFFF  }
0x540: {  	_ =	strace $0x80000057  }
0x541: {  	s29 =	rddreg [dreg:$0x10]  }
0x542: {  	[hbm:s29], [sflag:s3] =	dma.local [spmem:s7], $0x1F40  }
0x543: {  	_ =	swait.ge [sflag:s12], $0x1F40  }
0x544: {  	[sflag:s12] =	ssyncset.done $0x0  }
0x545: {  	[sflag:s12] =	ssyncadd.s32 $0xFFFFE0C0  }
0x546: {  	s30 =	sld [smem:$0x7D8];
	_ =	strace $0x90000057  }
0x547: {  	s31 =	sld [smem:$0x7DF];
	_ =	sdelay $0x1  }
0x548: {  	s1 =	sadd.s32 $0x1, s30  }
0x549: {  	p6 =	sne.s32 s1, s31  }
.Ltmp26:
0x54a: {  	_ = 	snop;
	(pc) =	sbr.rel @p6 .LBB2_1-.Ltmp26, $3  }
0x54b: {  	_ =	sdelay $0x1  }
0x54c: {  	[bflag:$0x0] =	sbarrier.arrive $0xFFFF  }
0x54d: {  	vm9 =	vcmask $0xF0C  }
0x54e: {  	_ =	sfence.sel $0x180000  }
0x54f: {  	[bflag:$0x0] =	sbarrier.arrive $0xFFFF  }
0x550: {  	_ =	strace $0x90000047  }
0x551: {  	[bflag:$0x2] =	sbarrier.arrive $0xFFFF  }
0x552: {  	p0 =	sne.s32 s17, $0x0;
	s0 =	rddreg [dreg:$0x7]  }
0x553: {  	s0 =	sadd.s32 @!p0 $0x100000, s0  }
0x554: {  	[sflag:s0] =	ssyncadd.tile.s32 @!p0 $0x1;
	_ =	shalt  }
.Lfunc_end2:
_tile_overlayer_lowered:
.L_overlay_start_2:
0x555: {  	(tag) =	ssettag $0x2  }
0x556: {  	s0 =	rddreg [dreg:$0x0];
	s2 =	stileid.u32  }
0x557: {  	s1 =	rddreg [dreg:$0x1];
	p0 =	sne.s32 s2, $0x0  }
0x558: {  	s3 =	rddreg [dreg:$0x2];
	[bflag:$0x3] =	sbarrier.arrive $0xFFFF;
	s2 =	simm.s32 @!p0 $0x1C01  }
0x559: {  	[timem:s3], [sflag:s2] =	dma.local @!p0 [hbm:s0], s1  }
0x55a: {  	s0 =	simm.s32 @!p0 $0x1  }
0x55b: {  	_ =	swait.ge @!p0 [sflag:s0], s1  }
0x55c: {  	s1 =	ssub.s32 @!p0 $0x0, s1;
	[sflag:s0] =	ssyncset.done @!p0 $0x0  }
0x55d: {  	[sflag:s0] =	ssyncadd.s32 @!p0 s1  }
0x55e: {  	[bflag:$0x3] =	sbarrier.arrive $0xFFFF  }
0x55f: {  	_ =	shalt  }

</sc_bundles>
